<compile_context>
chip_gen: v7x
topology: tpu7x:2x2x1
jax: 0.10.2.dev20260603
libtpu: 0.0.44.dev20260713+nightly
codegen_flags: <defaults>
</compile_context>

<pallas_src>
import functools

import jax
import jax.numpy as jnp
from jax import lax
from jax.experimental import pallas as pl
from jax.experimental.pallas import tpu as pltpu
from jax.experimental.pallas import tpu_sc as plsc

B, S, H = 2, 2048, 1024
E = 8
K = 2
F = 2048
N = B * S
NK = N * K
T = 512
P = NK + E * T
NT = P // T
TS = 512
NW = 32



def _mlp_tile_kernel(tile_e_ref, tile_valid_ref, xs_ref, wg_ref, wu_ref,
                     wd_ref, ys_ref):
    i = pl.program_id(0)

    @pl.when(tile_valid_ref[i] == 1)
    def _():
        xs = xs_ref[...].astype(jnp.bfloat16)
        wg = wg_ref[0].astype(jnp.bfloat16)
        wu = wu_ref[0].astype(jnp.bfloat16)
        wd = wd_ref[0].astype(jnp.bfloat16)
        g = jnp.dot(xs, wg, preferred_element_type=jnp.float32)
        u = jnp.dot(xs, wu, preferred_element_type=jnp.float32)
        h = (g * jax.nn.sigmoid(g) * u).astype(jnp.bfloat16)
        ys_ref[...] = jnp.dot(h, wd, preferred_element_type=jnp.float32)


def _grouped_mlp(xs, wg, wu, wd, tile_e, tile_valid, tile_rows):
    n_tiles = xs.shape[0] // tile_rows
    grid_spec = pltpu.PrefetchScalarGridSpec(
        num_scalar_prefetch=2,
        grid=(n_tiles,),
        in_specs=[
            pl.BlockSpec((tile_rows, H), lambda i, te, tv: (i, 0)),
            pl.BlockSpec((1, H, F), lambda i, te, tv: (te[i], 0, 0)),
            pl.BlockSpec((1, H, F), lambda i, te, tv: (te[i], 0, 0)),
            pl.BlockSpec((1, F, H), lambda i, te, tv: (te[i], 0, 0)),
        ],
        out_specs=pl.BlockSpec((tile_rows, H), lambda i, te, tv: (i, 0)),
    )
    return pl.pallas_call(
        _mlp_tile_kernel,
        grid_spec=grid_spec,
        out_shape=jax.ShapeDtypeStruct((xs.shape[0], H), jnp.float32),
        compiler_params=pltpu.CompilerParams(
            vmem_limit_bytes=100 * 1024 * 1024),
    )(tile_e, tile_valid, xs, wg, wu, wd)



def _sc_mesh():
    return plsc.VectorSubcoreMesh(core_axis_name="c", subcore_axis_name="s")

_D_CH = 64
_D_PER_W = NK // NW


def _sc_dispatch(x, pos_flat, tok_flat):
    @functools.partial(
        pl.kernel,
        mesh=_sc_mesh(),
        out_type=jax.ShapeDtypeStruct((P, H), jnp.float32),
        scratch_types=[
            pltpu.VMEM((2, _D_CH), jnp.int32),
            pltpu.VMEM((_D_CH, H), jnp.float32),
            pltpu.SemaphoreType.DMA,
            pltpu.SemaphoreType.DMA,
        ],
    )
    def body(x_hbm, pos_hbm, tok_hbm, xs_hbm, idx_v, rows_v, sem_g, sem_s):
        wid = lax.axis_index("s") * 2 + lax.axis_index("c")
        for j in range(_D_PER_W // _D_CH):
            base = wid * _D_PER_W + j * _D_CH
            pltpu.sync_copy(tok_hbm.at[pl.ds(base, _D_CH)], idx_v.at[0])
            pltpu.sync_copy(pos_hbm.at[pl.ds(base, _D_CH)], idx_v.at[1])
            pltpu.async_copy(x_hbm.at[idx_v.at[0]], rows_v, sem_g).wait()
            pltpu.async_copy(rows_v, xs_hbm.at[idx_v.at[1]], sem_s).wait()

    return body(x, pos_flat, tok_flat)



_C_CH = 32
_C_PER_W = N // NW


def _sc_combine(ys, shared, p0, p1, w0, w1):
    @functools.partial(
        pl.kernel,
        mesh=_sc_mesh(),
        out_type=jax.ShapeDtypeStruct((N, H), jnp.float32),
        scratch_types=[
            pltpu.VMEM((2, _C_CH), jnp.int32),
            pltpu.VMEM((_C_CH, 16), jnp.float32),
            pltpu.VMEM((_C_CH, 16), jnp.float32),
            pltpu.VMEM((_C_CH, H), jnp.float32),
            pltpu.VMEM((_C_CH, H), jnp.float32),
            pltpu.VMEM((_C_CH, H), jnp.float32),
            pltpu.SemaphoreType.DMA,
            pltpu.SemaphoreType.DMA,
            pltpu.SemaphoreType.DMA,
        ],
    )
    def body(ys_hbm, sh_hbm, p0_hbm, p1_hbm, w0_hbm, w1_hbm, out_hbm,
             pidx_v, w0_v, w1_v, r0_v, r1_v, sh_v, sem0, sem1, sem2):
        wid = lax.axis_index("s") * 2 + lax.axis_index("c")
        for j in range(_C_PER_W // _C_CH):
            base = wid * _C_PER_W + j * _C_CH
            pltpu.sync_copy(p0_hbm.at[pl.ds(base, _C_CH)], pidx_v.at[0])
            pltpu.sync_copy(p1_hbm.at[pl.ds(base, _C_CH)], pidx_v.at[1])
            pltpu.sync_copy(w0_hbm.at[pl.ds(base, _C_CH)], w0_v)
            pltpu.sync_copy(w1_hbm.at[pl.ds(base, _C_CH)], w1_v)
            c0 = pltpu.async_copy(ys_hbm.at[pidx_v.at[0]], r0_v, sem0)
            c1 = pltpu.async_copy(ys_hbm.at[pidx_v.at[1]], r1_v, sem1)
            c2 = pltpu.async_copy(sh_hbm.at[pl.ds(base, _C_CH)], sh_v, sem2)
            c0.wait()
            c1.wait()
            c2.wait()

            def row_body(r, _):
                w0s = w0_v[r, pl.ds(0, 16)]
                w1s = w1_v[r, pl.ds(0, 16)]

                def col_body(c, _):
                    off = c * 16
                    v = (r0_v[r, pl.ds(off, 16)] * w0s
                         + r1_v[r, pl.ds(off, 16)] * w1s
                         + sh_v[r, pl.ds(off, 16)])
                    r0_v[r, pl.ds(off, 16)] = v
                    return 0

                lax.fori_loop(0, H // 16, col_body, 0)
                return 0

            lax.fori_loop(0, _C_CH, row_body, 0)
            pltpu.sync_copy(r0_v, out_hbm.at[pl.ds(base, _C_CH)])

    return body(ys, shared, p0, p1, w0, w1)



_GRP = 128
_NG = N // _GRP


def _gate_kernel(x_ref, wg_ref, route_ref, tiles_ref):
    x = x_ref[...]
    logits = jnp.dot(x, wg_ref[...], preferred_element_type=jnp.float32)

    m = jnp.max(logits, axis=1, keepdims=True)
    ex = jnp.exp(logits - m)
    probs = ex / jnp.sum(ex, axis=1, keepdims=True)

    iota8 = lax.broadcasted_iota(jnp.int32, (N, E), 1)
    m1 = jnp.max(probs, axis=1, keepdims=True)
    i1 = jnp.min(jnp.where(probs == m1, iota8, E), axis=1, keepdims=True)
    oh0 = (iota8 == i1)
    probs2 = jnp.where(oh0, -1.0, probs)
    m2 = jnp.max(probs2, axis=1, keepdims=True)
    i2 = jnp.min(jnp.where(probs2 == m2, iota8, E), axis=1, keepdims=True)
    oh1 = (iota8 == i2)
    wsum = m1 + m2
    w0 = m1 / wsum
    w1 = m2 / wsum

    ohc = (oh0 | oh1).astype(jnp.float32)
    ig = lax.broadcasted_iota(jnp.int32, (_NG, N), 0)
    it = lax.broadcasted_iota(jnp.int32, (_NG, N), 1)
    wseg = (it // _GRP == ig).astype(jnp.float32)
    igt = lax.broadcasted_iota(jnp.int32, (N, _NG), 1)
    itt = lax.broadcasted_iota(jnp.int32, (N, _NG), 0)
    wseg_t = (itt // _GRP == igt).astype(jnp.float32)
    ra = lax.broadcasted_iota(jnp.int32, (_NG, _NG), 0)
    ca = lax.broadcasted_iota(jnp.int32, (_NG, _NG), 1)
    sl_g = (ca < ra).astype(jnp.float32)
    rb = lax.broadcasted_iota(jnp.int32, (_GRP, _GRP), 0)
    cb = lax.broadcasted_iota(jnp.int32, (_GRP, _GRP), 1)
    sl_t = (cb < rb).astype(jnp.float32)

    hi = lax.Precision.HIGHEST
    gs = jnp.dot(wseg, ohc, precision=hi,
                 preferred_element_type=jnp.float32)
    pg = jnp.dot(sl_g, gs, precision=hi,
                 preferred_element_type=jnp.float32)
    pgb = jnp.dot(wseg_t, pg, precision=hi,
                  preferred_element_type=jnp.float32)
    intra = jnp.concatenate(
        [jnp.dot(sl_t, ohc[g * _GRP:(g + 1) * _GRP, :], precision=hi,
                 preferred_element_type=jnp.float32) for g in range(_NG)],
        axis=0)
    cum = pgb + intra

    rank0 = jnp.sum(cum * oh0, axis=1, keepdims=True)
    rank1 = jnp.sum(cum * oh1, axis=1, keepdims=True)

    counts = jnp.sum(ohc, axis=0, keepdims=True)
    padded = jnp.floor((counts + (T - 1)) * (1.0 / T)) * T
    re = lax.broadcasted_iota(jnp.int32, (E, E), 0)
    ce = lax.broadcasted_iota(jnp.int32, (E, E), 1)
    ut_incl = (re <= ce).astype(jnp.float32)
    ends = jnp.dot(padded, ut_incl, precision=hi,
                   preferred_element_type=jnp.float32)
    offs = ends - padded

    pos0 = jnp.sum(offs * oh0, axis=1, keepdims=True) + rank0
    pos1 = jnp.sum(offs * oh1, axis=1, keepdims=True) + rank1

    route_ref[...] = jnp.concatenate(
        [pos0, pos1, w0, w1, jnp.zeros((N, 4), jnp.float32)], axis=1)

    starts = (lax.broadcasted_iota(jnp.int32, (NT, E), 0) * T).astype(
        jnp.float32)
    endsb = jnp.broadcast_to(ends, (NT, E))
    tile_e = jnp.minimum(
        jnp.sum((starts >= endsb).astype(jnp.float32), axis=1, keepdims=True),
        float(E - 1))
    tile_valid = (starts[:, 0:1] < endsb[:, E - 1:E]).astype(jnp.float32)
    tiles_ref[...] = jnp.concatenate(
        [tile_e, tile_valid, jnp.zeros((NT, 6), jnp.float32)], axis=1)


def _gate_route(x, Wg):
    return pl.pallas_call(
        _gate_kernel,
        out_shape=[jax.ShapeDtypeStruct((N, E), jnp.float32),
                   jax.ShapeDtypeStruct((NT, E), jnp.float32)],
    )(x, Wg)



def kernel(hidden_states, Wg, We_gate, We_up, We_down, Ws_gate, Ws_up,
           Ws_down):
    x = hidden_states.reshape(N, H)

    route, tiles = _gate_route(x, Wg)
    p0 = route[:, 0].astype(jnp.int32)
    p1 = route[:, 1].astype(jnp.int32)
    w0 = route[:, 2]
    w1 = route[:, 3]
    tile_e = tiles[:, 0].astype(jnp.int32)
    tile_valid = tiles[:, 1].astype(jnp.int32)
    ar = jnp.arange(N, dtype=jnp.int32)
    pos_flat = jnp.concatenate([p0, p1])
    tok_flat = jnp.concatenate([ar, ar])
    xs = _sc_dispatch(x, pos_flat, tok_flat)

    ys = _grouped_mlp(xs, We_gate, We_up, We_down, tile_e, tile_valid, T)

    shared = _grouped_mlp(
        x, Ws_gate[None], Ws_up[None], Ws_down[None],
        jnp.zeros((N // TS,), jnp.int32), jnp.ones((N // TS,), jnp.int32), TS)

    w0b = jnp.broadcast_to(w0[:, None], (N, 16))
    w1b = jnp.broadcast_to(w1[:, None], (N, 16))
    out = _sc_combine(ys, shared, p0, p1, w0b, w1b)
    return out.reshape(B, S, H)

# --- scband reference (transcript-rebuilt; emitter-appended) ---
"""Pipeline reference for scband-moe-80942953660597 (READ-ONLY COPY).

The authoritative reference and input builder live on the scoring server;
editing this copy changes nothing except your own understanding.
"""

import jax, jax.numpy as jnp
import numpy as np

B, S, H = 2, 2048, 1024
E = 8
K = 2
F = 2048


def setup_inputs(seed: int = 0) -> dict:
    key = jax.random.key(seed)
    ks = jax.random.split(key, 8)
    sH = 1.0 / np.sqrt(H)
    sF = 1.0 / np.sqrt(F)
    return {
        "hidden_states": jax.random.normal(ks[0], (B, S, H), jnp.float32),
        "Wg": jax.random.normal(ks[1], (H, E), jnp.float32) * sH,
        "We_gate": jax.random.normal(ks[2], (E, H, F), jnp.float32) * sH,
        "We_up": jax.random.normal(ks[3], (E, H, F), jnp.float32) * sH,
        "We_down": jax.random.normal(ks[4], (E, F, H), jnp.float32) * sF,
        "Ws_gate": jax.random.normal(ks[5], (H, F), jnp.float32) * sH,
        "Ws_up": jax.random.normal(ks[6], (H, F), jnp.float32) * sH,
        "Ws_down": jax.random.normal(ks[7], (F, H), jnp.float32) * sF,
    }


def _mlp(x, wg, wu, wd):
    return (jax.nn.silu(x @ wg) * (x @ wu)) @ wd


def reference(hidden_states, Wg, We_gate, We_up, We_down, Ws_gate, Ws_up, Ws_down):
    b, s, h = hidden_states.shape
    x = hidden_states.reshape(-1, h)
    n = x.shape[0]
    # --- gate: softmax top-k routing with weight normalization ---
    logits = x @ Wg
    probs = jax.nn.softmax(logits, axis=-1)
    topk_w, topk_i = jax.lax.top_k(probs, K)
    topk_w = topk_w / jnp.sum(topk_w, axis=-1, keepdims=True)
    # --- token -> expert dispatch (flattened, scatter-add combine) ---
    flat_expert = topk_i.reshape(-1)
    flat_weight = topk_w.reshape(-1)
    token_idx = jnp.repeat(jnp.arange(n), K)
    out = jnp.zeros_like(x)
    for e in range(E):
        sel = (flat_expert == e).astype(x.dtype)
        w_tok = jnp.zeros((n,), x.dtype).at[token_idx].add(flat_weight * sel)
        h_e = _mlp(x, We_gate[e], We_up[e], We_down[e])
        out = out + h_e * w_tok[:, None]
    y = out.reshape(b, s, h)
    # --- shared experts ---
    shared = _mlp(hidden_states, Ws_gate, Ws_up, Ws_down)
    return y + shared

if __name__ == "__main__":
    import jax
    _d = setup_inputs()
    print(jax.jit(kernel)(*tuple(_d.values())))

</pallas_src>

<mosaic_0001>
#map = affine_map<(d0, d1) -> (0, 0)>
#map1 = affine_map<(d0, d1) -> (0)>
module attributes {stable_mosaic.version = 14 : i64} {
  func.func @body(%arg0: i32, %arg1: i32, %arg2: memref<12288x1024xf32, #tpu.memory_space<hbm>>, %arg3: memref<4096x1024xf32, #tpu.memory_space<hbm>>, %arg4: memref<4096xi32, #tpu.memory_space<hbm>>, %arg5: memref<4096xi32, #tpu.memory_space<hbm>>, %arg6: memref<4096x16xf32, #tpu.memory_space<hbm>>, %arg7: memref<4096x16xf32, #tpu.memory_space<hbm>>, %arg8: memref<4096x1024xf32, #tpu.memory_space<hbm>>, %arg9: memref<2x32xi32, #tpu.memory_space<vmem>>, %arg10: memref<32x16xf32, #tpu.memory_space<vmem>>, %arg11: memref<32x16xf32, #tpu.memory_space<vmem>>, %arg12: memref<32x1024xf32, #tpu.memory_space<vmem>>, %arg13: memref<32x1024xf32, #tpu.memory_space<vmem>>, %arg14: memref<32x1024xf32, #tpu.memory_space<vmem>>, %arg15: memref<!tpu.dma_semaphore, #tpu.memory_space<semaphore_mem>>, %arg16: memref<!tpu.dma_semaphore, #tpu.memory_space<semaphore_mem>>, %arg17: memref<!tpu.dma_semaphore, #tpu.memory_space<semaphore_mem>>) attributes {dimension_semantics = [#tpu.dimension_semantics<core_parallel>, #tpu.dimension_semantics<subcore_parallel>], iteration_bounds = array<i64: 2, 16>, scalar_prefetch = 0 : i64, scratch_operands = 9 : i64, tpu.core_type = #tpu.core_type<sc_vector_subcore>, window_params = [{transform_indices = #map}, {transform_indices = #map}, {transform_indices = #map1}, {transform_indices = #map1}, {transform_indices = #map}, {transform_indices = #map}, {transform_indices = #map}]} {
    %mul3A = arith.constant 2 : i32
    %mul3A_0 = arith.muli %arg1, %mul3A : i32
    %add3A = arith.addi %mul3A_0, %arg0 : i32
    %mul3A_1 = arith.constant 128 : i32
    %mul3A_2 = arith.muli %add3A, %mul3A_1 : i32
    %add3A_3 = arith.constant 0 : i32
    %add3A_4 = arith.addi %mul3A_2, %add3A_3 : i32
    %run_scoped3A = arith.constant 0 : i32
    "tpu.region"() ({
      %run_scoped3A_193 = tpu.sem_alloc : memref<!tpu.dma_semaphore, #tpu.memory_space<semaphore_mem>>
      %dma_start3A_194 = arith.constant 0 : i32
      %dma_start3A_195 = tpu.memref_slice %arg9[%run_scoped3A, %dma_start3A_194] : memref<2x32xi32, #tpu.memory_space<vmem>> -> memref<1x32xi32, #tpu.memory_space<vmem>>
      %dma_start3A_196 = tpu.memref_squeeze %dma_start3A_195 : memref<1x32xi32, #tpu.memory_space<vmem>> -> memref<32xi32, #tpu.memory_space<vmem>>
      %dma_start3A_197 = tpu.memref_slice %arg4[%add3A_4] : memref<4096xi32, #tpu.memory_space<hbm>> -> memref<32xi32, #tpu.memory_space<hbm>>
      %dma_start3A_198 = arith.constant 0 : i32
      %dma_start3A_199 = tpu.memref_slice %arg9[%run_scoped3A, %dma_start3A_198] : memref<2x32xi32, #tpu.memory_space<vmem>> -> memref<1x32xi32, #tpu.memory_space<vmem>>
      %dma_start3A_200 = tpu.memref_squeeze %dma_start3A_199 : memref<1x32xi32, #tpu.memory_space<vmem>> -> memref<32xi32, #tpu.memory_space<vmem>>
      %dma_start3A_201 = tpu.memref_slice %arg4[%add3A_4] : memref<4096xi32, #tpu.memory_space<hbm>> -> memref<32xi32, #tpu.memory_space<hbm>>
      tpu.enqueue_dma source(%dma_start3A_201 : memref<32xi32, #tpu.memory_space<hbm>>) target(%dma_start3A_200 : memref<32xi32, #tpu.memory_space<vmem>>) target_semaphore(%run_scoped3A_193 : memref<!tpu.dma_semaphore, #tpu.memory_space<semaphore_mem>>)
      %dma_wait3A_202 = arith.constant 0 : i32
      %dma_wait3A_203 = tpu.memref_slice %arg9[%run_scoped3A, %dma_wait3A_202] : memref<2x32xi32, #tpu.memory_space<vmem>> -> memref<1x32xi32, #tpu.memory_space<vmem>>
      %dma_wait3A_204 = tpu.memref_squeeze %dma_wait3A_203 : memref<1x32xi32, #tpu.memory_space<vmem>> -> memref<32xi32, #tpu.memory_space<vmem>>
      %dma_wait3A_205 = tpu.memref_slice %arg4[%add3A_4] : memref<4096xi32, #tpu.memory_space<hbm>> -> memref<32xi32, #tpu.memory_space<hbm>>
      %dma_wait3A_206 = arith.constant 0 : i32
      %dma_wait3A_207 = tpu.memref_slice %arg9[%run_scoped3A, %dma_wait3A_206] : memref<2x32xi32, #tpu.memory_space<vmem>> -> memref<1x32xi32, #tpu.memory_space<vmem>>
      %dma_wait3A_208 = tpu.memref_squeeze %dma_wait3A_207 : memref<1x32xi32, #tpu.memory_space<vmem>> -> memref<32xi32, #tpu.memory_space<vmem>>
      %dma_wait3A_209 = tpu.memref_slice %arg4[%add3A_4] : memref<4096xi32, #tpu.memory_space<hbm>> -> memref<32xi32, #tpu.memory_space<hbm>>
      tpu.wait_dma2 semaphore(%run_scoped3A_193 : memref<!tpu.dma_semaphore, #tpu.memory_space<semaphore_mem>>) src(%dma_wait3A_209 : memref<32xi32, #tpu.memory_space<hbm>>) dst(%dma_wait3A_208 : memref<32xi32, #tpu.memory_space<vmem>>)
      tpu.yield
    }) : () -> ()
    %run_scoped3A_5 = arith.constant 1 : i32
    "tpu.region"() ({
      %run_scoped3A_193 = tpu.sem_alloc : memref<!tpu.dma_semaphore, #tpu.memory_space<semaphore_mem>>
      %dma_start3A_194 = arith.constant 0 : i32
      %dma_start3A_195 = tpu.memref_slice %arg9[%run_scoped3A_5, %dma_start3A_194] : memref<2x32xi32, #tpu.memory_space<vmem>> -> memref<1x32xi32, #tpu.memory_space<vmem>>
      %dma_start3A_196 = tpu.memref_squeeze %dma_start3A_195 : memref<1x32xi32, #tpu.memory_space<vmem>> -> memref<32xi32, #tpu.memory_space<vmem>>
      %dma_start3A_197 = tpu.memref_slice %arg5[%add3A_4] : memref<4096xi32, #tpu.memory_space<hbm>> -> memref<32xi32, #tpu.memory_space<hbm>>
      %dma_start3A_198 = arith.constant 0 : i32
      %dma_start3A_199 = tpu.memref_slice %arg9[%run_scoped3A_5, %dma_start3A_198] : memref<2x32xi32, #tpu.memory_space<vmem>> -> memref<1x32xi32, #tpu.memory_space<vmem>>
      %dma_start3A_200 = tpu.memref_squeeze %dma_start3A_199 : memref<1x32xi32, #tpu.memory_space<vmem>> -> memref<32xi32, #tpu.memory_space<vmem>>
      %dma_start3A_201 = tpu.memref_slice %arg5[%add3A_4] : memref<4096xi32, #tpu.memory_space<hbm>> -> memref<32xi32, #tpu.memory_space<hbm>>
      tpu.enqueue_dma source(%dma_start3A_201 : memref<32xi32, #tpu.memory_space<hbm>>) target(%dma_start3A_200 : memref<32xi32, #tpu.memory_space<vmem>>) target_semaphore(%run_scoped3A_193 : memref<!tpu.dma_semaphore, #tpu.memory_space<semaphore_mem>>)
      %dma_wait3A_202 = arith.constant 0 : i32
      %dma_wait3A_203 = tpu.memref_slice %arg9[%run_scoped3A_5, %dma_wait3A_202] : memref<2x32xi32, #tpu.memory_space<vmem>> -> memref<1x32xi32, #tpu.memory_space<vmem>>
      %dma_wait3A_204 = tpu.memref_squeeze %dma_wait3A_203 : memref<1x32xi32, #tpu.memory_space<vmem>> -> memref<32xi32, #tpu.memory_space<vmem>>
      %dma_wait3A_205 = tpu.memref_slice %arg5[%add3A_4] : memref<4096xi32, #tpu.memory_space<hbm>> -> memref<32xi32, #tpu.memory_space<hbm>>
      %dma_wait3A_206 = arith.constant 0 : i32
      %dma_wait3A_207 = tpu.memref_slice %arg9[%run_scoped3A_5, %dma_wait3A_206] : memref<2x32xi32, #tpu.memory_space<vmem>> -> memref<1x32xi32, #tpu.memory_space<vmem>>
      %dma_wait3A_208 = tpu.memref_squeeze %dma_wait3A_207 : memref<1x32xi32, #tpu.memory_space<vmem>> -> memref<32xi32, #tpu.memory_space<vmem>>
      %dma_wait3A_209 = tpu.memref_slice %arg5[%add3A_4] : memref<4096xi32, #tpu.memory_space<hbm>> -> memref<32xi32, #tpu.memory_space<hbm>>
      tpu.wait_dma2 semaphore(%run_scoped3A_193 : memref<!tpu.dma_semaphore, #tpu.memory_space<semaphore_mem>>) src(%dma_wait3A_209 : memref<32xi32, #tpu.memory_space<hbm>>) dst(%dma_wait3A_208 : memref<32xi32, #tpu.memory_space<vmem>>)
      tpu.yield
    }) : () -> ()
    "tpu.region"() ({
      %run_scoped3A_193 = tpu.sem_alloc : memref<!tpu.dma_semaphore, #tpu.memory_space<semaphore_mem>>
      %dma_start3A_194 = arith.constant 0 : i32
      %dma_start3A_195 = tpu.memref_slice %arg6[%add3A_4, %dma_start3A_194] : memref<4096x16xf32, #tpu.memory_space<hbm>> -> memref<32x16xf32, #tpu.memory_space<hbm>>
      %dma_start3A_196 = arith.constant 0 : i32
      %dma_start3A_197 = tpu.memref_slice %arg6[%add3A_4, %dma_start3A_196] : memref<4096x16xf32, #tpu.memory_space<hbm>> -> memref<32x16xf32, #tpu.memory_space<hbm>>
      tpu.enqueue_dma source(%dma_start3A_197 : memref<32x16xf32, #tpu.memory_space<hbm>>) target(%arg10 : memref<32x16xf32, #tpu.memory_space<vmem>>) target_semaphore(%run_scoped3A_193 : memref<!tpu.dma_semaphore, #tpu.memory_space<semaphore_mem>>)
      %dma_wait3A_198 = arith.constant 0 : i32
      %dma_wait3A_199 = tpu.memref_slice %arg6[%add3A_4, %dma_wait3A_198] : memref<4096x16xf32, #tpu.memory_space<hbm>> -> memref<32x16xf32, #tpu.memory_space<hbm>>
      %dma_wait3A_200 = arith.constant 0 : i32
      %dma_wait3A_201 = tpu.memref_slice %arg6[%add3A_4, %dma_wait3A_200] : memref<4096x16xf32, #tpu.memory_space<hbm>> -> memref<32x16xf32, #tpu.memory_space<hbm>>
      tpu.wait_dma2 semaphore(%run_scoped3A_193 : memref<!tpu.dma_semaphore, #tpu.memory_space<semaphore_mem>>) src(%dma_wait3A_201 : memref<32x16xf32, #tpu.memory_space<hbm>>) dst(%arg10 : memref<32x16xf32, #tpu.memory_space<vmem>>)
      tpu.yield
    }) : () -> ()
    "tpu.region"() ({
      %run_scoped3A_193 = tpu.sem_alloc : memref<!tpu.dma_semaphore, #tpu.memory_space<semaphore_mem>>
      %dma_start3A_194 = arith.constant 0 : i32
      %dma_start3A_195 = tpu.memref_slice %arg7[%add3A_4, %dma_start3A_194] : memref<4096x16xf32, #tpu.memory_space<hbm>> -> memref<32x16xf32, #tpu.memory_space<hbm>>
      %dma_start3A_196 = arith.constant 0 : i32
      %dma_start3A_197 = tpu.memref_slice %arg7[%add3A_4, %dma_start3A_196] : memref<4096x16xf32, #tpu.memory_space<hbm>> -> memref<32x16xf32, #tpu.memory_space<hbm>>
      tpu.enqueue_dma source(%dma_start3A_197 : memref<32x16xf32, #tpu.memory_space<hbm>>) target(%arg11 : memref<32x16xf32, #tpu.memory_space<vmem>>) target_semaphore(%run_scoped3A_193 : memref<!tpu.dma_semaphore, #tpu.memory_space<semaphore_mem>>)
      %dma_wait3A_198 = arith.constant 0 : i32
      %dma_wait3A_199 = tpu.memref_slice %arg7[%add3A_4, %dma_wait3A_198] : memref<4096x16xf32, #tpu.memory_space<hbm>> -> memref<32x16xf32, #tpu.memory_space<hbm>>
      %dma_wait3A_200 = arith.constant 0 : i32
      %dma_wait3A_201 = tpu.memref_slice %arg7[%add3A_4, %dma_wait3A_200] : memref<4096x16xf32, #tpu.memory_space<hbm>> -> memref<32x16xf32, #tpu.memory_space<hbm>>
      tpu.wait_dma2 semaphore(%run_scoped3A_193 : memref<!tpu.dma_semaphore, #tpu.memory_space<semaphore_mem>>) src(%dma_wait3A_201 : memref<32x16xf32, #tpu.memory_space<hbm>>) dst(%arg11 : memref<32x16xf32, #tpu.memory_space<vmem>>)
      tpu.yield
    }) : () -> ()
    %dma_start3A = arith.constant 0 : i32
    %dma_start3A_6 = arith.constant 0 : i32
    %dma_start3A_7 = tpu.memref_slice %arg9[%dma_start3A, %dma_start3A_6] : memref<2x32xi32, #tpu.memory_space<vmem>> -> memref<1x32xi32, #tpu.memory_space<vmem>>
    %dma_start3A_8 = tpu.memref_squeeze %dma_start3A_7 : memref<1x32xi32, #tpu.memory_space<vmem>> -> memref<32xi32, #tpu.memory_space<vmem>>
    %dma_start3A_9 = arith.constant 0 : i32
    %dma_start3A_10 = arith.constant 0 : i32
    %dma_start3A_11 = tpu.memref_slice %arg2[%dma_start3A_9, %dma_start3A_10] : memref<12288x1024xf32, #tpu.memory_space<hbm>> -> memref<12288x1024xf32, #tpu.memory_space<hbm>>
    tpu.enqueue_indirect_dma source(%dma_start3A_11 : memref<12288x1024xf32, #tpu.memory_space<hbm>>) target(%arg12 : memref<32x1024xf32, #tpu.memory_space<vmem>>) offsets(%dma_start3A_8 : memref<32xi32, #tpu.memory_space<vmem>>) semaphore(%arg15 : memref<!tpu.dma_semaphore, #tpu.memory_space<semaphore_mem>>)
    %dma_start3A_12 = arith.constant 1 : i32
    %dma_start3A_13 = arith.constant 0 : i32
    %dma_start3A_14 = tpu.memref_slice %arg9[%dma_start3A_12, %dma_start3A_13] : memref<2x32xi32, #tpu.memory_space<vmem>> -> memref<1x32xi32, #tpu.memory_space<vmem>>
    %dma_start3A_15 = tpu.memref_squeeze %dma_start3A_14 : memref<1x32xi32, #tpu.memory_space<vmem>> -> memref<32xi32, #tpu.memory_space<vmem>>
    %dma_start3A_16 = arith.constant 0 : i32
    %dma_start3A_17 = arith.constant 0 : i32
    %dma_start3A_18 = tpu.memref_slice %arg2[%dma_start3A_16, %dma_start3A_17] : memref<12288x1024xf32, #tpu.memory_space<hbm>> -> memref<12288x1024xf32, #tpu.memory_space<hbm>>
    tpu.enqueue_indirect_dma source(%dma_start3A_18 : memref<12288x1024xf32, #tpu.memory_space<hbm>>) target(%arg13 : memref<32x1024xf32, #tpu.memory_space<vmem>>) offsets(%dma_start3A_15 : memref<32xi32, #tpu.memory_space<vmem>>) semaphore(%arg16 : memref<!tpu.dma_semaphore, #tpu.memory_space<semaphore_mem>>)
    %dma_start3A_19 = arith.constant 0 : i32
    %dma_start3A_20 = tpu.memref_slice %arg3[%add3A_4, %dma_start3A_19] : memref<4096x1024xf32, #tpu.memory_space<hbm>> -> memref<32x1024xf32, #tpu.memory_space<hbm>>
    %dma_start3A_21 = arith.constant 0 : i32
    %dma_start3A_22 = tpu.memref_slice %arg3[%add3A_4, %dma_start3A_21] : memref<4096x1024xf32, #tpu.memory_space<hbm>> -> memref<32x1024xf32, #tpu.memory_space<hbm>>
    tpu.enqueue_dma source(%dma_start3A_22 : memref<32x1024xf32, #tpu.memory_space<hbm>>) target(%arg14 : memref<32x1024xf32, #tpu.memory_space<vmem>>) target_semaphore(%arg17 : memref<!tpu.dma_semaphore, #tpu.memory_space<semaphore_mem>>)
    %dma_wait3A = arith.constant 0 : i32
    %dma_wait3A_23 = arith.constant 0 : i32
    %dma_wait3A_24 = tpu.memref_slice %arg9[%dma_wait3A, %dma_wait3A_23] : memref<2x32xi32, #tpu.memory_space<vmem>> -> memref<1x32xi32, #tpu.memory_space<vmem>>
    %dma_wait3A_25 = tpu.memref_squeeze %dma_wait3A_24 : memref<1x32xi32, #tpu.memory_space<vmem>> -> memref<32xi32, #tpu.memory_space<vmem>>
    %dma_wait3A_26 = arith.constant 0 : i32
    %dma_wait3A_27 = arith.constant 0 : i32
    %dma_wait3A_28 = tpu.memref_slice %arg2[%dma_wait3A_26, %dma_wait3A_27] : memref<12288x1024xf32, #tpu.memory_space<hbm>> -> memref<12288x1024xf32, #tpu.memory_space<hbm>>
    tpu.wait_indirect_dma semaphore(%arg15 : memref<!tpu.dma_semaphore, #tpu.memory_space<semaphore_mem>>) src(%dma_wait3A_28 : memref<12288x1024xf32, #tpu.memory_space<hbm>>) dst(%arg12 : memref<32x1024xf32, #tpu.memory_space<vmem>>)
    %dma_wait3A_29 = arith.constant 1 : i32
    %dma_wait3A_30 = arith.constant 0 : i32
    %dma_wait3A_31 = tpu.memref_slice %arg9[%dma_wait3A_29, %dma_wait3A_30] : memref<2x32xi32, #tpu.memory_space<vmem>> -> memref<1x32xi32, #tpu.memory_space<vmem>>
    %dma_wait3A_32 = tpu.memref_squeeze %dma_wait3A_31 : memref<1x32xi32, #tpu.memory_space<vmem>> -> memref<32xi32, #tpu.memory_space<vmem>>
    %dma_wait3A_33 = arith.constant 0 : i32
    %dma_wait3A_34 = arith.constant 0 : i32
    %dma_wait3A_35 = tpu.memref_slice %arg2[%dma_wait3A_33, %dma_wait3A_34] : memref<12288x1024xf32, #tpu.memory_space<hbm>> -> memref<12288x1024xf32, #tpu.memory_space<hbm>>
    tpu.wait_indirect_dma semaphore(%arg16 : memref<!tpu.dma_semaphore, #tpu.memory_space<semaphore_mem>>) src(%dma_wait3A_35 : memref<12288x1024xf32, #tpu.memory_space<hbm>>) dst(%arg13 : memref<32x1024xf32, #tpu.memory_space<vmem>>)
    %dma_wait3A_36 = arith.constant 0 : i32
    %dma_wait3A_37 = tpu.memref_slice %arg3[%add3A_4, %dma_wait3A_36] : memref<4096x1024xf32, #tpu.memory_space<hbm>> -> memref<32x1024xf32, #tpu.memory_space<hbm>>
    %dma_wait3A_38 = arith.constant 0 : i32
    %dma_wait3A_39 = tpu.memref_slice %arg3[%add3A_4, %dma_wait3A_38] : memref<4096x1024xf32, #tpu.memory_space<hbm>> -> memref<32x1024xf32, #tpu.memory_space<hbm>>
    tpu.wait_dma2 semaphore(%arg17 : memref<!tpu.dma_semaphore, #tpu.memory_space<semaphore_mem>>) src(%dma_wait3A_39 : memref<32x1024xf32, #tpu.memory_space<hbm>>) dst(%arg14 : memref<32x1024xf32, #tpu.memory_space<vmem>>)
    %scan3A = arith.constant 0 : i32
    %scan3A_40 = arith.constant 0 : i32
    %scan3A_41 = arith.constant 32 : i32
    %scan3A_42 = arith.addi %scan3A_40, %scan3A_41 : i32
    %scan3A_43 = arith.constant 1 : i32
    %scan3A_44 = scf.for %scan3A_193 = %scan3A_40 to %scan3A_42 step %scan3A_43 iter_args(%scan3A_194 = %scan3A) -> (i32)  : i32 {
      %get3A = arith.index_cast %scan3A_193 : i32 to index
      %get3A_195 = arith.constant 0 : index
      %get3A_196 = tpu.vector_load %arg10[%get3A, %get3A_195] {strides = array<i32>} : memref<32x16xf32, #tpu.memory_space<vmem>>, vector<1x16xf32>,
      %get3A_197 = vector.shape_cast %get3A_196 : vector<1x16xf32> to vector<16xf32>
      %get3A_198 = arith.index_cast %scan3A_193 : i32 to index
      %get3A_199 = arith.constant 0 : index
      %get3A_200 = tpu.vector_load %arg11[%get3A_198, %get3A_199] {strides = array<i32>} : memref<32x16xf32, #tpu.memory_space<vmem>>, vector<1x16xf32>,
      %get3A_201 = vector.shape_cast %get3A_200 : vector<1x16xf32> to vector<16xf32>
      %scan3A_202 = arith.constant 0 : i32
      %scan3A_203 = arith.constant 0 : i32
      %scan3A_204 = arith.constant 64 : i32
      %scan3A_205 = arith.addi %scan3A_203, %scan3A_204 : i32
      %scan3A_206 = arith.constant 1 : i32
      %scan3A_207 = scf.for %scan3A_210 = %scan3A_203 to %scan3A_205 step %scan3A_206 iter_args(%scan3A_211 = %scan3A_202) -> (i32)  : i32 {
        %mul3A_212 = arith.constant 16 : i32
        %mul3A_213 = arith.muli %scan3A_210, %mul3A_212 : i32
        %get3A_214 = arith.index_cast %scan3A_193 : i32 to index
        %get3A_215 = arith.index_cast %mul3A_213 : i32 to index
        %get3A_216 = tpu.vector_load %arg12[%get3A_214, %get3A_215] {strides = array<i32>} : memref<32x1024xf32, #tpu.memory_space<vmem>>, vector<1x16xf32>,
        %get3A_217 = vector.shape_cast %get3A_216 : vector<1x16xf32> to vector<16xf32>
        %mul3A_218 = arith.mulf %get3A_217, %get3A_197 : vector<16xf32>
        %get3A_219 = arith.index_cast %scan3A_193 : i32 to index
        %get3A_220 = arith.index_cast %mul3A_213 : i32 to index
        %get3A_221 = tpu.vector_load %arg13[%get3A_219, %get3A_220] {strides = array<i32>} : memref<32x1024xf32, #tpu.memory_space<vmem>>, vector<1x16xf32>,
        %get3A_222 = vector.shape_cast %get3A_221 : vector<1x16xf32> to vector<16xf32>
        %mul3A_223 = arith.mulf %get3A_222, %get3A_201 : vector<16xf32>
        %add3A_224 = arith.addf %mul3A_218, %mul3A_223 : vector<16xf32>
        %get3A_225 = arith.index_cast %scan3A_193 : i32 to index
        %get3A_226 = arith.index_cast %mul3A_213 : i32 to index
        %get3A_227 = tpu.vector_load %arg14[%get3A_225, %get3A_226] {strides = array<i32>} : memref<32x1024xf32, #tpu.memory_space<vmem>>, vector<1x16xf32>,
        %get3A_228 = vector.shape_cast %get3A_227 : vector<1x16xf32> to vector<16xf32>
        %add3A_229 = arith.addf %add3A_224, %get3A_228 : vector<16xf32>
        %swap3A = arith.index_cast %scan3A_193 : i32 to index
        %swap3A_230 = arith.index_cast %mul3A_213 : i32 to index
        %swap3A_231 = tpu.vector_load %arg12[%swap3A, %swap3A_230] {strides = array<i32>} : memref<32x1024xf32, #tpu.memory_space<vmem>>, vector<1x16xf32>,
        %swap3A_232 = vector.shape_cast %swap3A_231 : vector<1x16xf32> to vector<16xf32>
        %swap3A_233 = vector.shape_cast %add3A_229 : vector<16xf32> to vector<1x16xf32>
        tpu.vector_store %arg12[%swap3A, %swap3A_230], %swap3A_233 {strides = array<i32>} : memref<32x1024xf32, #tpu.memory_space<vmem>>, vector<1x16xf32>,
        %scan3A_234 = arith.constant 0 : i32
        scf.yield %scan3A_234 : i32
      }
      %scan3A_208 = arith.constant 64 : i32
      %scan3A_209 = arith.constant 0 : i32
      scf.yield %scan3A_209 : i32
    }
    %scan3A_45 = arith.constant 32 : i32
    "tpu.region"() ({
      %run_scoped3A_193 = tpu.sem_alloc : memref<!tpu.dma_semaphore, #tpu.memory_space<semaphore_mem>>
      %dma_start3A_194 = arith.constant 0 : i32
      %dma_start3A_195 = tpu.memref_slice %arg8[%add3A_4, %dma_start3A_194] : memref<4096x1024xf32, #tpu.memory_space<hbm>> -> memref<32x1024xf32, #tpu.memory_space<hbm>>
      %dma_start3A_196 = arith.constant 0 : i32
      %dma_start3A_197 = tpu.memref_slice %arg8[%add3A_4, %dma_start3A_196] : memref<4096x1024xf32, #tpu.memory_space<hbm>> -> memref<32x1024xf32, #tpu.memory_space<hbm>>
      tpu.enqueue_dma source(%arg12 : memref<32x1024xf32, #tpu.memory_space<vmem>>) target(%dma_start3A_197 : memref<32x1024xf32, #tpu.memory_space<hbm>>) target_semaphore(%run_scoped3A_193 : memref<!tpu.dma_semaphore, #tpu.memory_space<semaphore_mem>>)
      %dma_wait3A_198 = arith.constant 0 : i32
      %dma_wait3A_199 = tpu.memref_slice %arg8[%add3A_4, %dma_wait3A_198] : memref<4096x1024xf32, #tpu.memory_space<hbm>> -> memref<32x1024xf32, #tpu.memory_space<hbm>>
      %dma_wait3A_200 = arith.constant 0 : i32
      %dma_wait3A_201 = tpu.memref_slice %arg8[%add3A_4, %dma_wait3A_200] : memref<4096x1024xf32, #tpu.memory_space<hbm>> -> memref<32x1024xf32, #tpu.memory_space<hbm>>
      tpu.wait_dma2 semaphore(%run_scoped3A_193 : memref<!tpu.dma_semaphore, #tpu.memory_space<semaphore_mem>>) src(%arg12 : memref<32x1024xf32, #tpu.memory_space<vmem>>) dst(%dma_wait3A_201 : memref<32x1024xf32, #tpu.memory_space<hbm>>)
      tpu.yield
    }) : () -> ()
    %mul3A_46 = arith.constant 128 : i32
    %mul3A_47 = arith.muli %add3A, %mul3A_46 : i32
    %add3A_48 = arith.constant 32 : i32
    %add3A_49 = arith.addi %mul3A_47, %add3A_48 : i32
    %run_scoped3A_50 = arith.constant 0 : i32
    "tpu.region"() ({
      %run_scoped3A_193 = tpu.sem_alloc : memref<!tpu.dma_semaphore, #tpu.memory_space<semaphore_mem>>
      %dma_start3A_194 = arith.constant 0 : i32
      %dma_start3A_195 = tpu.memref_slice %arg9[%run_scoped3A_50, %dma_start3A_194] : memref<2x32xi32, #tpu.memory_space<vmem>> -> memref<1x32xi32, #tpu.memory_space<vmem>>
      %dma_start3A_196 = tpu.memref_squeeze %dma_start3A_195 : memref<1x32xi32, #tpu.memory_space<vmem>> -> memref<32xi32, #tpu.memory_space<vmem>>
      %dma_start3A_197 = tpu.memref_slice %arg4[%add3A_49] : memref<4096xi32, #tpu.memory_space<hbm>> -> memref<32xi32, #tpu.memory_space<hbm>>
      %dma_start3A_198 = arith.constant 0 : i32
      %dma_start3A_199 = tpu.memref_slice %arg9[%run_scoped3A_50, %dma_start3A_198] : memref<2x32xi32, #tpu.memory_space<vmem>> -> memref<1x32xi32, #tpu.memory_space<vmem>>
      %dma_start3A_200 = tpu.memref_squeeze %dma_start3A_199 : memref<1x32xi32, #tpu.memory_space<vmem>> -> memref<32xi32, #tpu.memory_space<vmem>>
      %dma_start3A_201 = tpu.memref_slice %arg4[%add3A_49] : memref<4096xi32, #tpu.memory_space<hbm>> -> memref<32xi32, #tpu.memory_space<hbm>>
      tpu.enqueue_dma source(%dma_start3A_201 : memref<32xi32, #tpu.memory_space<hbm>>) target(%dma_start3A_200 : memref<32xi32, #tpu.memory_space<vmem>>) target_semaphore(%run_scoped3A_193 : memref<!tpu.dma_semaphore, #tpu.memory_space<semaphore_mem>>)
      %dma_wait3A_202 = arith.constant 0 : i32
      %dma_wait3A_203 = tpu.memref_slice %arg9[%run_scoped3A_50, %dma_wait3A_202] : memref<2x32xi32, #tpu.memory_space<vmem>> -> memref<1x32xi32, #tpu.memory_space<vmem>>
      %dma_wait3A_204 = tpu.memref_squeeze %dma_wait3A_203 : memref<1x32xi32, #tpu.memory_space<vmem>> -> memref<32xi32, #tpu.memory_space<vmem>>
      %dma_wait3A_205 = tpu.memref_slice %arg4[%add3A_49] : memref<4096xi32, #tpu.memory_space<hbm>> -> memref<32xi32, #tpu.memory_space<hbm>>
      %dma_wait3A_206 = arith.constant 0 : i32
      %dma_wait3A_207 = tpu.memref_slice %arg9[%run_scoped3A_50, %dma_wait3A_206] : memref<2x32xi32, #tpu.memory_space<vmem>> -> memref<1x32xi32, #tpu.memory_space<vmem>>
      %dma_wait3A_208 = tpu.memref_squeeze %dma_wait3A_207 : memref<1x32xi32, #tpu.memory_space<vmem>> -> memref<32xi32, #tpu.memory_space<vmem>>
      %dma_wait3A_209 = tpu.memref_slice %arg4[%add3A_49] : memref<4096xi32, #tpu.memory_space<hbm>> -> memref<32xi32, #tpu.memory_space<hbm>>
      tpu.wait_dma2 semaphore(%run_scoped3A_193 : memref<!tpu.dma_semaphore, #tpu.memory_space<semaphore_mem>>) src(%dma_wait3A_209 : memref<32xi32, #tpu.memory_space<hbm>>) dst(%dma_wait3A_208 : memref<32xi32, #tpu.memory_space<vmem>>)
      tpu.yield
    }) : () -> ()
    %run_scoped3A_51 = arith.constant 1 : i32
    "tpu.region"() ({
      %run_scoped3A_193 = tpu.sem_alloc : memref<!tpu.dma_semaphore, #tpu.memory_space<semaphore_mem>>
      %dma_start3A_194 = arith.constant 0 : i32
      %dma_start3A_195 = tpu.memref_slice %arg9[%run_scoped3A_51, %dma_start3A_194] : memref<2x32xi32, #tpu.memory_space<vmem>> -> memref<1x32xi32, #tpu.memory_space<vmem>>
      %dma_start3A_196 = tpu.memref_squeeze %dma_start3A_195 : memref<1x32xi32, #tpu.memory_space<vmem>> -> memref<32xi32, #tpu.memory_space<vmem>>
      %dma_start3A_197 = tpu.memref_slice %arg5[%add3A_49] : memref<4096xi32, #tpu.memory_space<hbm>> -> memref<32xi32, #tpu.memory_space<hbm>>
      %dma_start3A_198 = arith.constant 0 : i32
      %dma_start3A_199 = tpu.memref_slice %arg9[%run_scoped3A_51, %dma_start3A_198] : memref<2x32xi32, #tpu.memory_space<vmem>> -> memref<1x32xi32, #tpu.memory_space<vmem>>
      %dma_start3A_200 = tpu.memref_squeeze %dma_start3A_199 : memref<1x32xi32, #tpu.memory_space<vmem>> -> memref<32xi32, #tpu.memory_space<vmem>>
      %dma_start3A_201 = tpu.memref_slice %arg5[%add3A_49] : memref<4096xi32, #tpu.memory_space<hbm>> -> memref<32xi32, #tpu.memory_space<hbm>>
      tpu.enqueue_dma source(%dma_start3A_201 : memref<32xi32, #tpu.memory_space<hbm>>) target(%dma_start3A_200 : memref<32xi32, #tpu.memory_space<vmem>>) target_semaphore(%run_scoped3A_193 : memref<!tpu.dma_semaphore, #tpu.memory_space<semaphore_mem>>)
      %dma_wait3A_202 = arith.constant 0 : i32
      %dma_wait3A_203 = tpu.memref_slice %arg9[%run_scoped3A_51, %dma_wait3A_202] : memref<2x32xi32, #tpu.memory_space<vmem>> -> memref<1x32xi32, #tpu.memory_space<vmem>>
      %dma_wait3A_204 = tpu.memref_squeeze %dma_wait3A_203 : memref<1x32xi32, #tpu.memory_space<vmem>> -> memref<32xi32, #tpu.memory_space<vmem>>
      %dma_wait3A_205 = tpu.memref_slice %arg5[%add3A_49] : memref<4096xi32, #tpu.memory_space<hbm>> -> memref<32xi32, #tpu.memory_space<hbm>>
      %dma_wait3A_206 = arith.constant 0 : i32
      %dma_wait3A_207 = tpu.memref_slice %arg9[%run_scoped3A_51, %dma_wait3A_206] : memref<2x32xi32, #tpu.memory_space<vmem>> -> memref<1x32xi32, #tpu.memory_space<vmem>>
      %dma_wait3A_208 = tpu.memref_squeeze %dma_wait3A_207 : memref<1x32xi32, #tpu.memory_space<vmem>> -> memref<32xi32, #tpu.memory_space<vmem>>
      %dma_wait3A_209 = tpu.memref_slice %arg5[%add3A_49] : memref<4096xi32, #tpu.memory_space<hbm>> -> memref<32xi32, #tpu.memory_space<hbm>>
      tpu.wait_dma2 semaphore(%run_scoped3A_193 : memref<!tpu.dma_semaphore, #tpu.memory_space<semaphore_mem>>) src(%dma_wait3A_209 : memref<32xi32, #tpu.memory_space<hbm>>) dst(%dma_wait3A_208 : memref<32xi32, #tpu.memory_space<vmem>>)
      tpu.yield
    }) : () -> ()
    "tpu.region"() ({
      %run_scoped3A_193 = tpu.sem_alloc : memref<!tpu.dma_semaphore, #tpu.memory_space<semaphore_mem>>
      %dma_start3A_194 = arith.constant 0 : i32
      %dma_start3A_195 = tpu.memref_slice %arg6[%add3A_49, %dma_start3A_194] : memref<4096x16xf32, #tpu.memory_space<hbm>> -> memref<32x16xf32, #tpu.memory_space<hbm>>
      %dma_start3A_196 = arith.constant 0 : i32
      %dma_start3A_197 = tpu.memref_slice %arg6[%add3A_49, %dma_start3A_196] : memref<4096x16xf32, #tpu.memory_space<hbm>> -> memref<32x16xf32, #tpu.memory_space<hbm>>
      tpu.enqueue_dma source(%dma_start3A_197 : memref<32x16xf32, #tpu.memory_space<hbm>>) target(%arg10 : memref<32x16xf32, #tpu.memory_space<vmem>>) target_semaphore(%run_scoped3A_193 : memref<!tpu.dma_semaphore, #tpu.memory_space<semaphore_mem>>)
      %dma_wait3A_198 = arith.constant 0 : i32
      %dma_wait3A_199 = tpu.memref_slice %arg6[%add3A_49, %dma_wait3A_198] : memref<4096x16xf32, #tpu.memory_space<hbm>> -> memref<32x16xf32, #tpu.memory_space<hbm>>
      %dma_wait3A_200 = arith.constant 0 : i32
      %dma_wait3A_201 = tpu.memref_slice %arg6[%add3A_49, %dma_wait3A_200] : memref<4096x16xf32, #tpu.memory_space<hbm>> -> memref<32x16xf32, #tpu.memory_space<hbm>>
      tpu.wait_dma2 semaphore(%run_scoped3A_193 : memref<!tpu.dma_semaphore, #tpu.memory_space<semaphore_mem>>) src(%dma_wait3A_201 : memref<32x16xf32, #tpu.memory_space<hbm>>) dst(%arg10 : memref<32x16xf32, #tpu.memory_space<vmem>>)
      tpu.yield
    }) : () -> ()
    "tpu.region"() ({
      %run_scoped3A_193 = tpu.sem_alloc : memref<!tpu.dma_semaphore, #tpu.memory_space<semaphore_mem>>
      %dma_start3A_194 = arith.constant 0 : i32
      %dma_start3A_195 = tpu.memref_slice %arg7[%add3A_49, %dma_start3A_194] : memref<4096x16xf32, #tpu.memory_space<hbm>> -> memref<32x16xf32, #tpu.memory_space<hbm>>
      %dma_start3A_196 = arith.constant 0 : i32
      %dma_start3A_197 = tpu.memref_slice %arg7[%add3A_49, %dma_start3A_196] : memref<4096x16xf32, #tpu.memory_space<hbm>> -> memref<32x16xf32, #tpu.memory_space<hbm>>
      tpu.enqueue_dma source(%dma_start3A_197 : memref<32x16xf32, #tpu.memory_space<hbm>>) target(%arg11 : memref<32x16xf32, #tpu.memory_space<vmem>>) target_semaphore(%run_scoped3A_193 : memref<!tpu.dma_semaphore, #tpu.memory_space<semaphore_mem>>)
      %dma_wait3A_198 = arith.constant 0 : i32
      %dma_wait3A_199 = tpu.memref_slice %arg7[%add3A_49, %dma_wait3A_198] : memref<4096x16xf32, #tpu.memory_space<hbm>> -> memref<32x16xf32, #tpu.memory_space<hbm>>
      %dma_wait3A_200 = arith.constant 0 : i32
      %dma_wait3A_201 = tpu.memref_slice %arg7[%add3A_49, %dma_wait3A_200] : memref<4096x16xf32, #tpu.memory_space<hbm>> -> memref<32x16xf32, #tpu.memory_space<hbm>>
      tpu.wait_dma2 semaphore(%run_scoped3A_193 : memref<!tpu.dma_semaphore, #tpu.memory_space<semaphore_mem>>) src(%dma_wait3A_201 : memref<32x16xf32, #tpu.memory_space<hbm>>) dst(%arg11 : memref<32x16xf32, #tpu.memory_space<vmem>>)
      tpu.yield
    }) : () -> ()
    %dma_start3A_52 = arith.constant 0 : i32
    %dma_start3A_53 = arith.constant 0 : i32
    %dma_start3A_54 = tpu.memref_slice %arg9[%dma_start3A_52, %dma_start3A_53] : memref<2x32xi32, #tpu.memory_space<vmem>> -> memref<1x32xi32, #tpu.memory_space<vmem>>
    %dma_start3A_55 = tpu.memref_squeeze %dma_start3A_54 : memref<1x32xi32, #tpu.memory_space<vmem>> -> memref<32xi32, #tpu.memory_space<vmem>>
    %dma_start3A_56 = arith.constant 0 : i32
    %dma_start3A_57 = arith.constant 0 : i32
    %dma_start3A_58 = tpu.memref_slice %arg2[%dma_start3A_56, %dma_start3A_57] : memref<12288x1024xf32, #tpu.memory_space<hbm>> -> memref<12288x1024xf32, #tpu.memory_space<hbm>>
    tpu.enqueue_indirect_dma source(%dma_start3A_58 : memref<12288x1024xf32, #tpu.memory_space<hbm>>) target(%arg12 : memref<32x1024xf32, #tpu.memory_space<vmem>>) offsets(%dma_start3A_55 : memref<32xi32, #tpu.memory_space<vmem>>) semaphore(%arg15 : memref<!tpu.dma_semaphore, #tpu.memory_space<semaphore_mem>>)
    %dma_start3A_59 = arith.constant 1 : i32
    %dma_start3A_60 = arith.constant 0 : i32
    %dma_start3A_61 = tpu.memref_slice %arg9[%dma_start3A_59, %dma_start3A_60] : memref<2x32xi32, #tpu.memory_space<vmem>> -> memref<1x32xi32, #tpu.memory_space<vmem>>
    %dma_start3A_62 = tpu.memref_squeeze %dma_start3A_61 : memref<1x32xi32, #tpu.memory_space<vmem>> -> memref<32xi32, #tpu.memory_space<vmem>>
    %dma_start3A_63 = arith.constant 0 : i32
    %dma_start3A_64 = arith.constant 0 : i32
    %dma_start3A_65 = tpu.memref_slice %arg2[%dma_start3A_63, %dma_start3A_64] : memref<12288x1024xf32, #tpu.memory_space<hbm>> -> memref<12288x1024xf32, #tpu.memory_space<hbm>>
    tpu.enqueue_indirect_dma source(%dma_start3A_65 : memref<12288x1024xf32, #tpu.memory_space<hbm>>) target(%arg13 : memref<32x1024xf32, #tpu.memory_space<vmem>>) offsets(%dma_start3A_62 : memref<32xi32, #tpu.memory_space<vmem>>) semaphore(%arg16 : memref<!tpu.dma_semaphore, #tpu.memory_space<semaphore_mem>>)
    %dma_start3A_66 = arith.constant 0 : i32
    %dma_start3A_67 = tpu.memref_slice %arg3[%add3A_49, %dma_start3A_66] : memref<4096x1024xf32, #tpu.memory_space<hbm>> -> memref<32x1024xf32, #tpu.memory_space<hbm>>
    %dma_start3A_68 = arith.constant 0 : i32
    %dma_start3A_69 = tpu.memref_slice %arg3[%add3A_49, %dma_start3A_68] : memref<4096x1024xf32, #tpu.memory_space<hbm>> -> memref<32x1024xf32, #tpu.memory_space<hbm>>
    tpu.enqueue_dma source(%dma_start3A_69 : memref<32x1024xf32, #tpu.memory_space<hbm>>) target(%arg14 : memref<32x1024xf32, #tpu.memory_space<vmem>>) target_semaphore(%arg17 : memref<!tpu.dma_semaphore, #tpu.memory_space<semaphore_mem>>)
    %dma_wait3A_70 = arith.constant 0 : i32
    %dma_wait3A_71 = arith.constant 0 : i32
    %dma_wait3A_72 = tpu.memref_slice %arg9[%dma_wait3A_70, %dma_wait3A_71] : memref<2x32xi32, #tpu.memory_space<vmem>> -> memref<1x32xi32, #tpu.memory_space<vmem>>
    %dma_wait3A_73 = tpu.memref_squeeze %dma_wait3A_72 : memref<1x32xi32, #tpu.memory_space<vmem>> -> memref<32xi32, #tpu.memory_space<vmem>>
    %dma_wait3A_74 = arith.constant 0 : i32
    %dma_wait3A_75 = arith.constant 0 : i32
    %dma_wait3A_76 = tpu.memref_slice %arg2[%dma_wait3A_74, %dma_wait3A_75] : memref<12288x1024xf32, #tpu.memory_space<hbm>> -> memref<12288x1024xf32, #tpu.memory_space<hbm>>
    tpu.wait_indirect_dma semaphore(%arg15 : memref<!tpu.dma_semaphore, #tpu.memory_space<semaphore_mem>>) src(%dma_wait3A_76 : memref<12288x1024xf32, #tpu.memory_space<hbm>>) dst(%arg12 : memref<32x1024xf32, #tpu.memory_space<vmem>>)
    %dma_wait3A_77 = arith.constant 1 : i32
    %dma_wait3A_78 = arith.constant 0 : i32
    %dma_wait3A_79 = tpu.memref_slice %arg9[%dma_wait3A_77, %dma_wait3A_78] : memref<2x32xi32, #tpu.memory_space<vmem>> -> memref<1x32xi32, #tpu.memory_space<vmem>>
    %dma_wait3A_80 = tpu.memref_squeeze %dma_wait3A_79 : memref<1x32xi32, #tpu.memory_space<vmem>> -> memref<32xi32, #tpu.memory_space<vmem>>
    %dma_wait3A_81 = arith.constant 0 : i32
    %dma_wait3A_82 = arith.constant 0 : i32
    %dma_wait3A_83 = tpu.memref_slice %arg2[%dma_wait3A_81, %dma_wait3A_82] : memref<12288x1024xf32, #tpu.memory_space<hbm>> -> memref<12288x1024xf32, #tpu.memory_space<hbm>>
    tpu.wait_indirect_dma semaphore(%arg16 : memref<!tpu.dma_semaphore, #tpu.memory_space<semaphore_mem>>) src(%dma_wait3A_83 : memref<12288x1024xf32, #tpu.memory_space<hbm>>) dst(%arg13 : memref<32x1024xf32, #tpu.memory_space<vmem>>)
    %dma_wait3A_84 = arith.constant 0 : i32
    %dma_wait3A_85 = tpu.memref_slice %arg3[%add3A_49, %dma_wait3A_84] : memref<4096x1024xf32, #tpu.memory_space<hbm>> -> memref<32x1024xf32, #tpu.memory_space<hbm>>
    %dma_wait3A_86 = arith.constant 0 : i32
    %dma_wait3A_87 = tpu.memref_slice %arg3[%add3A_49, %dma_wait3A_86] : memref<4096x1024xf32, #tpu.memory_space<hbm>> -> memref<32x1024xf32, #tpu.memory_space<hbm>>
    tpu.wait_dma2 semaphore(%arg17 : memref<!tpu.dma_semaphore, #tpu.memory_space<semaphore_mem>>) src(%dma_wait3A_87 : memref<32x1024xf32, #tpu.memory_space<hbm>>) dst(%arg14 : memref<32x1024xf32, #tpu.memory_space<vmem>>)
    %scan3A_88 = arith.constant 0 : i32
    %scan3A_89 = arith.constant 0 : i32
    %scan3A_90 = arith.constant 32 : i32
    %scan3A_91 = arith.addi %scan3A_89, %scan3A_90 : i32
    %scan3A_92 = arith.constant 1 : i32
    %scan3A_93 = scf.for %scan3A_193 = %scan3A_89 to %scan3A_91 step %scan3A_92 iter_args(%scan3A_194 = %scan3A_88) -> (i32)  : i32 {
      %get3A = arith.index_cast %scan3A_193 : i32 to index
      %get3A_195 = arith.constant 0 : index
      %get3A_196 = tpu.vector_load %arg10[%get3A, %get3A_195] {strides = array<i32>} : memref<32x16xf32, #tpu.memory_space<vmem>>, vector<1x16xf32>,
      %get3A_197 = vector.shape_cast %get3A_196 : vector<1x16xf32> to vector<16xf32>
      %get3A_198 = arith.index_cast %scan3A_193 : i32 to index
      %get3A_199 = arith.constant 0 : index
      %get3A_200 = tpu.vector_load %arg11[%get3A_198, %get3A_199] {strides = array<i32>} : memref<32x16xf32, #tpu.memory_space<vmem>>, vector<1x16xf32>,
      %get3A_201 = vector.shape_cast %get3A_200 : vector<1x16xf32> to vector<16xf32>
      %scan3A_202 = arith.constant 0 : i32
      %scan3A_203 = arith.constant 0 : i32
      %scan3A_204 = arith.constant 64 : i32
      %scan3A_205 = arith.addi %scan3A_203, %scan3A_204 : i32
      %scan3A_206 = arith.constant 1 : i32
      %scan3A_207 = scf.for %scan3A_210 = %scan3A_203 to %scan3A_205 step %scan3A_206 iter_args(%scan3A_211 = %scan3A_202) -> (i32)  : i32 {
        %mul3A_212 = arith.constant 16 : i32
        %mul3A_213 = arith.muli %scan3A_210, %mul3A_212 : i32
        %get3A_214 = arith.index_cast %scan3A_193 : i32 to index
        %get3A_215 = arith.index_cast %mul3A_213 : i32 to index
        %get3A_216 = tpu.vector_load %arg12[%get3A_214, %get3A_215] {strides = array<i32>} : memref<32x1024xf32, #tpu.memory_space<vmem>>, vector<1x16xf32>,
        %get3A_217 = vector.shape_cast %get3A_216 : vector<1x16xf32> to vector<16xf32>
        %mul3A_218 = arith.mulf %get3A_217, %get3A_197 : vector<16xf32>
        %get3A_219 = arith.index_cast %scan3A_193 : i32 to index
        %get3A_220 = arith.index_cast %mul3A_213 : i32 to index
        %get3A_221 = tpu.vector_load %arg13[%get3A_219, %get3A_220] {strides = array<i32>} : memref<32x1024xf32, #tpu.memory_space<vmem>>, vector<1x16xf32>,
        %get3A_222 = vector.shape_cast %get3A_221 : vector<1x16xf32> to vector<16xf32>
        %mul3A_223 = arith.mulf %get3A_222, %get3A_201 : vector<16xf32>
        %add3A_224 = arith.addf %mul3A_218, %mul3A_223 : vector<16xf32>
        %get3A_225 = arith.index_cast %scan3A_193 : i32 to index
        %get3A_226 = arith.index_cast %mul3A_213 : i32 to index
        %get3A_227 = tpu.vector_load %arg14[%get3A_225, %get3A_226] {strides = array<i32>} : memref<32x1024xf32, #tpu.memory_space<vmem>>, vector<1x16xf32>,
        %get3A_228 = vector.shape_cast %get3A_227 : vector<1x16xf32> to vector<16xf32>
        %add3A_229 = arith.addf %add3A_224, %get3A_228 : vector<16xf32>
        %swap3A = arith.index_cast %scan3A_193 : i32 to index
        %swap3A_230 = arith.index_cast %mul3A_213 : i32 to index
        %swap3A_231 = tpu.vector_load %arg12[%swap3A, %swap3A_230] {strides = array<i32>} : memref<32x1024xf32, #tpu.memory_space<vmem>>, vector<1x16xf32>,
        %swap3A_232 = vector.shape_cast %swap3A_231 : vector<1x16xf32> to vector<16xf32>
        %swap3A_233 = vector.shape_cast %add3A_229 : vector<16xf32> to vector<1x16xf32>
        tpu.vector_store %arg12[%swap3A, %swap3A_230], %swap3A_233 {strides = array<i32>} : memref<32x1024xf32, #tpu.memory_space<vmem>>, vector<1x16xf32>,
        %scan3A_234 = arith.constant 0 : i32
        scf.yield %scan3A_234 : i32
      }
      %scan3A_208 = arith.constant 64 : i32
      %scan3A_209 = arith.constant 0 : i32
      scf.yield %scan3A_209 : i32
    }
    %scan3A_94 = arith.constant 32 : i32
    "tpu.region"() ({
      %run_scoped3A_193 = tpu.sem_alloc : memref<!tpu.dma_semaphore, #tpu.memory_space<semaphore_mem>>
      %dma_start3A_194 = arith.constant 0 : i32
      %dma_start3A_195 = tpu.memref_slice %arg8[%add3A_49, %dma_start3A_194] : memref<4096x1024xf32, #tpu.memory_space<hbm>> -> memref<32x1024xf32, #tpu.memory_space<hbm>>
      %dma_start3A_196 = arith.constant 0 : i32
      %dma_start3A_197 = tpu.memref_slice %arg8[%add3A_49, %dma_start3A_196] : memref<4096x1024xf32, #tpu.memory_space<hbm>> -> memref<32x1024xf32, #tpu.memory_space<hbm>>
      tpu.enqueue_dma source(%arg12 : memref<32x1024xf32, #tpu.memory_space<vmem>>) target(%dma_start3A_197 : memref<32x1024xf32, #tpu.memory_space<hbm>>) target_semaphore(%run_scoped3A_193 : memref<!tpu.dma_semaphore, #tpu.memory_space<semaphore_mem>>)
      %dma_wait3A_198 = arith.constant 0 : i32
      %dma_wait3A_199 = tpu.memref_slice %arg8[%add3A_49, %dma_wait3A_198] : memref<4096x1024xf32, #tpu.memory_space<hbm>> -> memref<32x1024xf32, #tpu.memory_space<hbm>>
      %dma_wait3A_200 = arith.constant 0 : i32
      %dma_wait3A_201 = tpu.memref_slice %arg8[%add3A_49, %dma_wait3A_200] : memref<4096x1024xf32, #tpu.memory_space<hbm>> -> memref<32x1024xf32, #tpu.memory_space<hbm>>
      tpu.wait_dma2 semaphore(%run_scoped3A_193 : memref<!tpu.dma_semaphore, #tpu.memory_space<semaphore_mem>>) src(%arg12 : memref<32x1024xf32, #tpu.memory_space<vmem>>) dst(%dma_wait3A_201 : memref<32x1024xf32, #tpu.memory_space<hbm>>)
      tpu.yield
    }) : () -> ()
    %mul3A_95 = arith.constant 128 : i32
    %mul3A_96 = arith.muli %add3A, %mul3A_95 : i32
    %add3A_97 = arith.constant 64 : i32
    %add3A_98 = arith.addi %mul3A_96, %add3A_97 : i32
    %run_scoped3A_99 = arith.constant 0 : i32
    "tpu.region"() ({
      %run_scoped3A_193 = tpu.sem_alloc : memref<!tpu.dma_semaphore, #tpu.memory_space<semaphore_mem>>
      %dma_start3A_194 = arith.constant 0 : i32
      %dma_start3A_195 = tpu.memref_slice %arg9[%run_scoped3A_99, %dma_start3A_194] : memref<2x32xi32, #tpu.memory_space<vmem>> -> memref<1x32xi32, #tpu.memory_space<vmem>>
      %dma_start3A_196 = tpu.memref_squeeze %dma_start3A_195 : memref<1x32xi32, #tpu.memory_space<vmem>> -> memref<32xi32, #tpu.memory_space<vmem>>
      %dma_start3A_197 = tpu.memref_slice %arg4[%add3A_98] : memref<4096xi32, #tpu.memory_space<hbm>> -> memref<32xi32, #tpu.memory_space<hbm>>
      %dma_start3A_198 = arith.constant 0 : i32
      %dma_start3A_199 = tpu.memref_slice %arg9[%run_scoped3A_99, %dma_start3A_198] : memref<2x32xi32, #tpu.memory_space<vmem>> -> memref<1x32xi32, #tpu.memory_space<vmem>>
      %dma_start3A_200 = tpu.memref_squeeze %dma_start3A_199 : memref<1x32xi32, #tpu.memory_space<vmem>> -> memref<32xi32, #tpu.memory_space<vmem>>
      %dma_start3A_201 = tpu.memref_slice %arg4[%add3A_98] : memref<4096xi32, #tpu.memory_space<hbm>> -> memref<32xi32, #tpu.memory_space<hbm>>
      tpu.enqueue_dma source(%dma_start3A_201 : memref<32xi32, #tpu.memory_space<hbm>>) target(%dma_start3A_200 : memref<32xi32, #tpu.memory_space<vmem>>) target_semaphore(%run_scoped3A_193 : memref<!tpu.dma_semaphore, #tpu.memory_space<semaphore_mem>>)
      %dma_wait3A_202 = arith.constant 0 : i32
      %dma_wait3A_203 = tpu.memref_slice %arg9[%run_scoped3A_99, %dma_wait3A_202] : memref<2x32xi32, #tpu.memory_space<vmem>> -> memref<1x32xi32, #tpu.memory_space<vmem>>
      %dma_wait3A_204 = tpu.memref_squeeze %dma_wait3A_203 : memref<1x32xi32, #tpu.memory_space<vmem>> -> memref<32xi32, #tpu.memory_space<vmem>>
      %dma_wait3A_205 = tpu.memref_slice %arg4[%add3A_98] : memref<4096xi32, #tpu.memory_space<hbm>> -> memref<32xi32, #tpu.memory_space<hbm>>
      %dma_wait3A_206 = arith.constant 0 : i32
      %dma_wait3A_207 = tpu.memref_slice %arg9[%run_scoped3A_99, %dma_wait3A_206] : memref<2x32xi32, #tpu.memory_space<vmem>> -> memref<1x32xi32, #tpu.memory_space<vmem>>
      %dma_wait3A_208 = tpu.memref_squeeze %dma_wait3A_207 : memref<1x32xi32, #tpu.memory_space<vmem>> -> memref<32xi32, #tpu.memory_space<vmem>>
      %dma_wait3A_209 = tpu.memref_slice %arg4[%add3A_98] : memref<4096xi32, #tpu.memory_space<hbm>> -> memref<32xi32, #tpu.memory_space<hbm>>
      tpu.wait_dma2 semaphore(%run_scoped3A_193 : memref<!tpu.dma_semaphore, #tpu.memory_space<semaphore_mem>>) src(%dma_wait3A_209 : memref<32xi32, #tpu.memory_space<hbm>>) dst(%dma_wait3A_208 : memref<32xi32, #tpu.memory_space<vmem>>)
      tpu.yield
    }) : () -> ()
    %run_scoped3A_100 = arith.constant 1 : i32
    "tpu.region"() ({
      %run_scoped3A_193 = tpu.sem_alloc : memref<!tpu.dma_semaphore, #tpu.memory_space<semaphore_mem>>
      %dma_start3A_194 = arith.constant 0 : i32
      %dma_start3A_195 = tpu.memref_slice %arg9[%run_scoped3A_100, %dma_start3A_194] : memref<2x32xi32, #tpu.memory_space<vmem>> -> memref<1x32xi32, #tpu.memory_space<vmem>>
      %dma_start3A_196 = tpu.memref_squeeze %dma_start3A_195 : memref<1x32xi32, #tpu.memory_space<vmem>> -> memref<32xi32, #tpu.memory_space<vmem>>
      %dma_start3A_197 = tpu.memref_slice %arg5[%add3A_98] : memref<4096xi32, #tpu.memory_space<hbm>> -> memref<32xi32, #tpu.memory_space<hbm>>
      %dma_start3A_198 = arith.constant 0 : i32
      %dma_start3A_199 = tpu.memref_slice %arg9[%run_scoped3A_100, %dma_start3A_198] : memref<2x32xi32, #tpu.memory_space<vmem>> -> memref<1x32xi32, #tpu.memory_space<vmem>>
      %dma_start3A_200 = tpu.memref_squeeze %dma_start3A_199 : memref<1x32xi32, #tpu.memory_space<vmem>> -> memref<32xi32, #tpu.memory_space<vmem>>
      %dma_start3A_201 = tpu.memref_slice %arg5[%add3A_98] : memref<4096xi32, #tpu.memory_space<hbm>> -> memref<32xi32, #tpu.memory_space<hbm>>
      tpu.enqueue_dma source(%dma_start3A_201 : memref<32xi32, #tpu.memory_space<hbm>>) target(%dma_start3A_200 : memref<32xi32, #tpu.memory_space<vmem>>) target_semaphore(%run_scoped3A_193 : memref<!tpu.dma_semaphore, #tpu.memory_space<semaphore_mem>>)
      %dma_wait3A_202 = arith.constant 0 : i32
      %dma_wait3A_203 = tpu.memref_slice %arg9[%run_scoped3A_100, %dma_wait3A_202] : memref<2x32xi32, #tpu.memory_space<vmem>> -> memref<1x32xi32, #tpu.memory_space<vmem>>
      %dma_wait3A_204 = tpu.memref_squeeze %dma_wait3A_203 : memref<1x32xi32, #tpu.memory_space<vmem>> -> memref<32xi32, #tpu.memory_space<vmem>>
      %dma_wait3A_205 = tpu.memref_slice %arg5[%add3A_98] : memref<4096xi32, #tpu.memory_space<hbm>> -> memref<32xi32, #tpu.memory_space<hbm>>
      %dma_wait3A_206 = arith.constant 0 : i32
      %dma_wait3A_207 = tpu.memref_slice %arg9[%run_scoped3A_100, %dma_wait3A_206] : memref<2x32xi32, #tpu.memory_space<vmem>> -> memref<1x32xi32, #tpu.memory_space<vmem>>
      %dma_wait3A_208 = tpu.memref_squeeze %dma_wait3A_207 : memref<1x32xi32, #tpu.memory_space<vmem>> -> memref<32xi32, #tpu.memory_space<vmem>>
      %dma_wait3A_209 = tpu.memref_slice %arg5[%add3A_98] : memref<4096xi32, #tpu.memory_space<hbm>> -> memref<32xi32, #tpu.memory_space<hbm>>
      tpu.wait_dma2 semaphore(%run_scoped3A_193 : memref<!tpu.dma_semaphore, #tpu.memory_space<semaphore_mem>>) src(%dma_wait3A_209 : memref<32xi32, #tpu.memory_space<hbm>>) dst(%dma_wait3A_208 : memref<32xi32, #tpu.memory_space<vmem>>)
      tpu.yield
    }) : () -> ()
    "tpu.region"() ({
      %run_scoped3A_193 = tpu.sem_alloc : memref<!tpu.dma_semaphore, #tpu.memory_space<semaphore_mem>>
      %dma_start3A_194 = arith.constant 0 : i32
      %dma_start3A_195 = tpu.memref_slice %arg6[%add3A_98, %dma_start3A_194] : memref<4096x16xf32, #tpu.memory_space<hbm>> -> memref<32x16xf32, #tpu.memory_space<hbm>>
      %dma_start3A_196 = arith.constant 0 : i32
      %dma_start3A_197 = tpu.memref_slice %arg6[%add3A_98, %dma_start3A_196] : memref<4096x16xf32, #tpu.memory_space<hbm>> -> memref<32x16xf32, #tpu.memory_space<hbm>>
      tpu.enqueue_dma source(%dma_start3A_197 : memref<32x16xf32, #tpu.memory_space<hbm>>) target(%arg10 : memref<32x16xf32, #tpu.memory_space<vmem>>) target_semaphore(%run_scoped3A_193 : memref<!tpu.dma_semaphore, #tpu.memory_space<semaphore_mem>>)
      %dma_wait3A_198 = arith.constant 0 : i32
      %dma_wait3A_199 = tpu.memref_slice %arg6[%add3A_98, %dma_wait3A_198] : memref<4096x16xf32, #tpu.memory_space<hbm>> -> memref<32x16xf32, #tpu.memory_space<hbm>>
      %dma_wait3A_200 = arith.constant 0 : i32
      %dma_wait3A_201 = tpu.memref_slice %arg6[%add3A_98, %dma_wait3A_200] : memref<4096x16xf32, #tpu.memory_space<hbm>> -> memref<32x16xf32, #tpu.memory_space<hbm>>
      tpu.wait_dma2 semaphore(%run_scoped3A_193 : memref<!tpu.dma_semaphore, #tpu.memory_space<semaphore_mem>>) src(%dma_wait3A_201 : memref<32x16xf32, #tpu.memory_space<hbm>>) dst(%arg10 : memref<32x16xf32, #tpu.memory_space<vmem>>)
      tpu.yield
    }) : () -> ()
    "tpu.region"() ({
      %run_scoped3A_193 = tpu.sem_alloc : memref<!tpu.dma_semaphore, #tpu.memory_space<semaphore_mem>>
      %dma_start3A_194 = arith.constant 0 : i32
      %dma_start3A_195 = tpu.memref_slice %arg7[%add3A_98, %dma_start3A_194] : memref<4096x16xf32, #tpu.memory_space<hbm>> -> memref<32x16xf32, #tpu.memory_space<hbm>>
      %dma_start3A_196 = arith.constant 0 : i32
      %dma_start3A_197 = tpu.memref_slice %arg7[%add3A_98, %dma_start3A_196] : memref<4096x16xf32, #tpu.memory_space<hbm>> -> memref<32x16xf32, #tpu.memory_space<hbm>>
      tpu.enqueue_dma source(%dma_start3A_197 : memref<32x16xf32, #tpu.memory_space<hbm>>) target(%arg11 : memref<32x16xf32, #tpu.memory_space<vmem>>) target_semaphore(%run_scoped3A_193 : memref<!tpu.dma_semaphore, #tpu.memory_space<semaphore_mem>>)
      %dma_wait3A_198 = arith.constant 0 : i32
      %dma_wait3A_199 = tpu.memref_slice %arg7[%add3A_98, %dma_wait3A_198] : memref<4096x16xf32, #tpu.memory_space<hbm>> -> memref<32x16xf32, #tpu.memory_space<hbm>>
      %dma_wait3A_200 = arith.constant 0 : i32
      %dma_wait3A_201 = tpu.memref_slice %arg7[%add3A_98, %dma_wait3A_200] : memref<4096x16xf32, #tpu.memory_space<hbm>> -> memref<32x16xf32, #tpu.memory_space<hbm>>
      tpu.wait_dma2 semaphore(%run_scoped3A_193 : memref<!tpu.dma_semaphore, #tpu.memory_space<semaphore_mem>>) src(%dma_wait3A_201 : memref<32x16xf32, #tpu.memory_space<hbm>>) dst(%arg11 : memref<32x16xf32, #tpu.memory_space<vmem>>)
      tpu.yield
    }) : () -> ()
    %dma_start3A_101 = arith.constant 0 : i32
    %dma_start3A_102 = arith.constant 0 : i32
    %dma_start3A_103 = tpu.memref_slice %arg9[%dma_start3A_101, %dma_start3A_102] : memref<2x32xi32, #tpu.memory_space<vmem>> -> memref<1x32xi32, #tpu.memory_space<vmem>>
    %dma_start3A_104 = tpu.memref_squeeze %dma_start3A_103 : memref<1x32xi32, #tpu.memory_space<vmem>> -> memref<32xi32, #tpu.memory_space<vmem>>
    %dma_start3A_105 = arith.constant 0 : i32
    %dma_start3A_106 = arith.constant 0 : i32
    %dma_start3A_107 = tpu.memref_slice %arg2[%dma_start3A_105, %dma_start3A_106] : memref<12288x1024xf32, #tpu.memory_space<hbm>> -> memref<12288x1024xf32, #tpu.memory_space<hbm>>
    tpu.enqueue_indirect_dma source(%dma_start3A_107 : memref<12288x1024xf32, #tpu.memory_space<hbm>>) target(%arg12 : memref<32x1024xf32, #tpu.memory_space<vmem>>) offsets(%dma_start3A_104 : memref<32xi32, #tpu.memory_space<vmem>>) semaphore(%arg15 : memref<!tpu.dma_semaphore, #tpu.memory_space<semaphore_mem>>)
    %dma_start3A_108 = arith.constant 1 : i32
    %dma_start3A_109 = arith.constant 0 : i32
    %dma_start3A_110 = tpu.memref_slice %arg9[%dma_start3A_108, %dma_start3A_109] : memref<2x32xi32, #tpu.memory_space<vmem>> -> memref<1x32xi32, #tpu.memory_space<vmem>>
    %dma_start3A_111 = tpu.memref_squeeze %dma_start3A_110 : memref<1x32xi32, #tpu.memory_space<vmem>> -> memref<32xi32, #tpu.memory_space<vmem>>
    %dma_start3A_112 = arith.constant 0 : i32
    %dma_start3A_113 = arith.constant 0 : i32
    %dma_start3A_114 = tpu.memref_slice %arg2[%dma_start3A_112, %dma_start3A_113] : memref<12288x1024xf32, #tpu.memory_space<hbm>> -> memref<12288x1024xf32, #tpu.memory_space<hbm>>
    tpu.enqueue_indirect_dma source(%dma_start3A_114 : memref<12288x1024xf32, #tpu.memory_space<hbm>>) target(%arg13 : memref<32x1024xf32, #tpu.memory_space<vmem>>) offsets(%dma_start3A_111 : memref<32xi32, #tpu.memory_space<vmem>>) semaphore(%arg16 : memref<!tpu.dma_semaphore, #tpu.memory_space<semaphore_mem>>)
    %dma_start3A_115 = arith.constant 0 : i32
    %dma_start3A_116 = tpu.memref_slice %arg3[%add3A_98, %dma_start3A_115] : memref<4096x1024xf32, #tpu.memory_space<hbm>> -> memref<32x1024xf32, #tpu.memory_space<hbm>>
    %dma_start3A_117 = arith.constant 0 : i32
    %dma_start3A_118 = tpu.memref_slice %arg3[%add3A_98, %dma_start3A_117] : memref<4096x1024xf32, #tpu.memory_space<hbm>> -> memref<32x1024xf32, #tpu.memory_space<hbm>>
    tpu.enqueue_dma source(%dma_start3A_118 : memref<32x1024xf32, #tpu.memory_space<hbm>>) target(%arg14 : memref<32x1024xf32, #tpu.memory_space<vmem>>) target_semaphore(%arg17 : memref<!tpu.dma_semaphore, #tpu.memory_space<semaphore_mem>>)
    %dma_wait3A_119 = arith.constant 0 : i32
    %dma_wait3A_120 = arith.constant 0 : i32
    %dma_wait3A_121 = tpu.memref_slice %arg9[%dma_wait3A_119, %dma_wait3A_120] : memref<2x32xi32, #tpu.memory_space<vmem>> -> memref<1x32xi32, #tpu.memory_space<vmem>>
    %dma_wait3A_122 = tpu.memref_squeeze %dma_wait3A_121 : memref<1x32xi32, #tpu.memory_space<vmem>> -> memref<32xi32, #tpu.memory_space<vmem>>
    %dma_wait3A_123 = arith.constant 0 : i32
    %dma_wait3A_124 = arith.constant 0 : i32
    %dma_wait3A_125 = tpu.memref_slice %arg2[%dma_wait3A_123, %dma_wait3A_124] : memref<12288x1024xf32, #tpu.memory_space<hbm>> -> memref<12288x1024xf32, #tpu.memory_space<hbm>>
    tpu.wait_indirect_dma semaphore(%arg15 : memref<!tpu.dma_semaphore, #tpu.memory_space<semaphore_mem>>) src(%dma_wait3A_125 : memref<12288x1024xf32, #tpu.memory_space<hbm>>) dst(%arg12 : memref<32x1024xf32, #tpu.memory_space<vmem>>)
    %dma_wait3A_126 = arith.constant 1 : i32
    %dma_wait3A_127 = arith.constant 0 : i32
    %dma_wait3A_128 = tpu.memref_slice %arg9[%dma_wait3A_126, %dma_wait3A_127] : memref<2x32xi32, #tpu.memory_space<vmem>> -> memref<1x32xi32, #tpu.memory_space<vmem>>
    %dma_wait3A_129 = tpu.memref_squeeze %dma_wait3A_128 : memref<1x32xi32, #tpu.memory_space<vmem>> -> memref<32xi32, #tpu.memory_space<vmem>>
    %dma_wait3A_130 = arith.constant 0 : i32
    %dma_wait3A_131 = arith.constant 0 : i32
    %dma_wait3A_132 = tpu.memref_slice %arg2[%dma_wait3A_130, %dma_wait3A_131] : memref<12288x1024xf32, #tpu.memory_space<hbm>> -> memref<12288x1024xf32, #tpu.memory_space<hbm>>
    tpu.wait_indirect_dma semaphore(%arg16 : memref<!tpu.dma_semaphore, #tpu.memory_space<semaphore_mem>>) src(%dma_wait3A_132 : memref<12288x1024xf32, #tpu.memory_space<hbm>>) dst(%arg13 : memref<32x1024xf32, #tpu.memory_space<vmem>>)
    %dma_wait3A_133 = arith.constant 0 : i32
    %dma_wait3A_134 = tpu.memref_slice %arg3[%add3A_98, %dma_wait3A_133] : memref<4096x1024xf32, #tpu.memory_space<hbm>> -> memref<32x1024xf32, #tpu.memory_space<hbm>>
    %dma_wait3A_135 = arith.constant 0 : i32
    %dma_wait3A_136 = tpu.memref_slice %arg3[%add3A_98, %dma_wait3A_135] : memref<4096x1024xf32, #tpu.memory_space<hbm>> -> memref<32x1024xf32, #tpu.memory_space<hbm>>
    tpu.wait_dma2 semaphore(%arg17 : memref<!tpu.dma_semaphore, #tpu.memory_space<semaphore_mem>>) src(%dma_wait3A_136 : memref<32x1024xf32, #tpu.memory_space<hbm>>) dst(%arg14 : memref<32x1024xf32, #tpu.memory_space<vmem>>)
    %scan3A_137 = arith.constant 0 : i32
    %scan3A_138 = arith.constant 0 : i32
    %scan3A_139 = arith.constant 32 : i32
    %scan3A_140 = arith.addi %scan3A_138, %scan3A_139 : i32
    %scan3A_141 = arith.constant 1 : i32
    %scan3A_142 = scf.for %scan3A_193 = %scan3A_138 to %scan3A_140 step %scan3A_141 iter_args(%scan3A_194 = %scan3A_137) -> (i32)  : i32 {
      %get3A = arith.index_cast %scan3A_193 : i32 to index
      %get3A_195 = arith.constant 0 : index
      %get3A_196 = tpu.vector_load %arg10[%get3A, %get3A_195] {strides = array<i32>} : memref<32x16xf32, #tpu.memory_space<vmem>>, vector<1x16xf32>,
      %get3A_197 = vector.shape_cast %get3A_196 : vector<1x16xf32> to vector<16xf32>
      %get3A_198 = arith.index_cast %scan3A_193 : i32 to index
      %get3A_199 = arith.constant 0 : index
      %get3A_200 = tpu.vector_load %arg11[%get3A_198, %get3A_199] {strides = array<i32>} : memref<32x16xf32, #tpu.memory_space<vmem>>, vector<1x16xf32>,
      %get3A_201 = vector.shape_cast %get3A_200 : vector<1x16xf32> to vector<16xf32>
      %scan3A_202 = arith.constant 0 : i32
      %scan3A_203 = arith.constant 0 : i32
      %scan3A_204 = arith.constant 64 : i32
      %scan3A_205 = arith.addi %scan3A_203, %scan3A_204 : i32
      %scan3A_206 = arith.constant 1 : i32
      %scan3A_207 = scf.for %scan3A_210 = %scan3A_203 to %scan3A_205 step %scan3A_206 iter_args(%scan3A_211 = %scan3A_202) -> (i32)  : i32 {
        %mul3A_212 = arith.constant 16 : i32
        %mul3A_213 = arith.muli %scan3A_210, %mul3A_212 : i32
        %get3A_214 = arith.index_cast %scan3A_193 : i32 to index
        %get3A_215 = arith.index_cast %mul3A_213 : i32 to index
        %get3A_216 = tpu.vector_load %arg12[%get3A_214, %get3A_215] {strides = array<i32>} : memref<32x1024xf32, #tpu.memory_space<vmem>>, vector<1x16xf32>,
        %get3A_217 = vector.shape_cast %get3A_216 : vector<1x16xf32> to vector<16xf32>
        %mul3A_218 = arith.mulf %get3A_217, %get3A_197 : vector<16xf32>
        %get3A_219 = arith.index_cast %scan3A_193 : i32 to index
        %get3A_220 = arith.index_cast %mul3A_213 : i32 to index
        %get3A_221 = tpu.vector_load %arg13[%get3A_219, %get3A_220] {strides = array<i32>} : memref<32x1024xf32, #tpu.memory_space<vmem>>, vector<1x16xf32>,
        %get3A_222 = vector.shape_cast %get3A_221 : vector<1x16xf32> to vector<16xf32>
        %mul3A_223 = arith.mulf %get3A_222, %get3A_201 : vector<16xf32>
        %add3A_224 = arith.addf %mul3A_218, %mul3A_223 : vector<16xf32>
        %get3A_225 = arith.index_cast %scan3A_193 : i32 to index
        %get3A_226 = arith.index_cast %mul3A_213 : i32 to index
        %get3A_227 = tpu.vector_load %arg14[%get3A_225, %get3A_226] {strides = array<i32>} : memref<32x1024xf32, #tpu.memory_space<vmem>>, vector<1x16xf32>,
        %get3A_228 = vector.shape_cast %get3A_227 : vector<1x16xf32> to vector<16xf32>
        %add3A_229 = arith.addf %add3A_224, %get3A_228 : vector<16xf32>
        %swap3A = arith.index_cast %scan3A_193 : i32 to index
        %swap3A_230 = arith.index_cast %mul3A_213 : i32 to index
        %swap3A_231 = tpu.vector_load %arg12[%swap3A, %swap3A_230] {strides = array<i32>} : memref<32x1024xf32, #tpu.memory_space<vmem>>, vector<1x16xf32>,
        %swap3A_232 = vector.shape_cast %swap3A_231 : vector<1x16xf32> to vector<16xf32>
        %swap3A_233 = vector.shape_cast %add3A_229 : vector<16xf32> to vector<1x16xf32>
        tpu.vector_store %arg12[%swap3A, %swap3A_230], %swap3A_233 {strides = array<i32>} : memref<32x1024xf32, #tpu.memory_space<vmem>>, vector<1x16xf32>,
        %scan3A_234 = arith.constant 0 : i32
        scf.yield %scan3A_234 : i32
      }
      %scan3A_208 = arith.constant 64 : i32
      %scan3A_209 = arith.constant 0 : i32
      scf.yield %scan3A_209 : i32
    }
    %scan3A_143 = arith.constant 32 : i32
    "tpu.region"() ({
      %run_scoped3A_193 = tpu.sem_alloc : memref<!tpu.dma_semaphore, #tpu.memory_space<semaphore_mem>>
      %dma_start3A_194 = arith.constant 0 : i32
      %dma_start3A_195 = tpu.memref_slice %arg8[%add3A_98, %dma_start3A_194] : memref<4096x1024xf32, #tpu.memory_space<hbm>> -> memref<32x1024xf32, #tpu.memory_space<hbm>>
      %dma_start3A_196 = arith.constant 0 : i32
      %dma_start3A_197 = tpu.memref_slice %arg8[%add3A_98, %dma_start3A_196] : memref<4096x1024xf32, #tpu.memory_space<hbm>> -> memref<32x1024xf32, #tpu.memory_space<hbm>>
      tpu.enqueue_dma source(%arg12 : memref<32x1024xf32, #tpu.memory_space<vmem>>) target(%dma_start3A_197 : memref<32x1024xf32, #tpu.memory_space<hbm>>) target_semaphore(%run_scoped3A_193 : memref<!tpu.dma_semaphore, #tpu.memory_space<semaphore_mem>>)
      %dma_wait3A_198 = arith.constant 0 : i32
      %dma_wait3A_199 = tpu.memref_slice %arg8[%add3A_98, %dma_wait3A_198] : memref<4096x1024xf32, #tpu.memory_space<hbm>> -> memref<32x1024xf32, #tpu.memory_space<hbm>>
      %dma_wait3A_200 = arith.constant 0 : i32
      %dma_wait3A_201 = tpu.memref_slice %arg8[%add3A_98, %dma_wait3A_200] : memref<4096x1024xf32, #tpu.memory_space<hbm>> -> memref<32x1024xf32, #tpu.memory_space<hbm>>
      tpu.wait_dma2 semaphore(%run_scoped3A_193 : memref<!tpu.dma_semaphore, #tpu.memory_space<semaphore_mem>>) src(%arg12 : memref<32x1024xf32, #tpu.memory_space<vmem>>) dst(%dma_wait3A_201 : memref<32x1024xf32, #tpu.memory_space<hbm>>)
      tpu.yield
    }) : () -> ()
    %mul3A_144 = arith.constant 128 : i32
    %mul3A_145 = arith.muli %add3A, %mul3A_144 : i32
    %add3A_146 = arith.constant 96 : i32
    %add3A_147 = arith.addi %mul3A_145, %add3A_146 : i32
    %run_scoped3A_148 = arith.constant 0 : i32
    "tpu.region"() ({
      %run_scoped3A_193 = tpu.sem_alloc : memref<!tpu.dma_semaphore, #tpu.memory_space<semaphore_mem>>
      %dma_start3A_194 = arith.constant 0 : i32
      %dma_start3A_195 = tpu.memref_slice %arg9[%run_scoped3A_148, %dma_start3A_194] : memref<2x32xi32, #tpu.memory_space<vmem>> -> memref<1x32xi32, #tpu.memory_space<vmem>>
      %dma_start3A_196 = tpu.memref_squeeze %dma_start3A_195 : memref<1x32xi32, #tpu.memory_space<vmem>> -> memref<32xi32, #tpu.memory_space<vmem>>
      %dma_start3A_197 = tpu.memref_slice %arg4[%add3A_147] : memref<4096xi32, #tpu.memory_space<hbm>> -> memref<32xi32, #tpu.memory_space<hbm>>
      %dma_start3A_198 = arith.constant 0 : i32
      %dma_start3A_199 = tpu.memref_slice %arg9[%run_scoped3A_148, %dma_start3A_198] : memref<2x32xi32, #tpu.memory_space<vmem>> -> memref<1x32xi32, #tpu.memory_space<vmem>>
      %dma_start3A_200 = tpu.memref_squeeze %dma_start3A_199 : memref<1x32xi32, #tpu.memory_space<vmem>> -> memref<32xi32, #tpu.memory_space<vmem>>
      %dma_start3A_201 = tpu.memref_slice %arg4[%add3A_147] : memref<4096xi32, #tpu.memory_space<hbm>> -> memref<32xi32, #tpu.memory_space<hbm>>
      tpu.enqueue_dma source(%dma_start3A_201 : memref<32xi32, #tpu.memory_space<hbm>>) target(%dma_start3A_200 : memref<32xi32, #tpu.memory_space<vmem>>) target_semaphore(%run_scoped3A_193 : memref<!tpu.dma_semaphore, #tpu.memory_space<semaphore_mem>>)
      %dma_wait3A_202 = arith.constant 0 : i32
      %dma_wait3A_203 = tpu.memref_slice %arg9[%run_scoped3A_148, %dma_wait3A_202] : memref<2x32xi32, #tpu.memory_space<vmem>> -> memref<1x32xi32, #tpu.memory_space<vmem>>
      %dma_wait3A_204 = tpu.memref_squeeze %dma_wait3A_203 : memref<1x32xi32, #tpu.memory_space<vmem>> -> memref<32xi32, #tpu.memory_space<vmem>>
      %dma_wait3A_205 = tpu.memref_slice %arg4[%add3A_147] : memref<4096xi32, #tpu.memory_space<hbm>> -> memref<32xi32, #tpu.memory_space<hbm>>
      %dma_wait3A_206 = arith.constant 0 : i32
      %dma_wait3A_207 = tpu.memref_slice %arg9[%run_scoped3A_148, %dma_wait3A_206] : memref<2x32xi32, #tpu.memory_space<vmem>> -> memref<1x32xi32, #tpu.memory_space<vmem>>
      %dma_wait3A_208 = tpu.memref_squeeze %dma_wait3A_207 : memref<1x32xi32, #tpu.memory_space<vmem>> -> memref<32xi32, #tpu.memory_space<vmem>>
      %dma_wait3A_209 = tpu.memref_slice %arg4[%add3A_147] : memref<4096xi32, #tpu.memory_space<hbm>> -> memref<32xi32, #tpu.memory_space<hbm>>
      tpu.wait_dma2 semaphore(%run_scoped3A_193 : memref<!tpu.dma_semaphore, #tpu.memory_space<semaphore_mem>>) src(%dma_wait3A_209 : memref<32xi32, #tpu.memory_space<hbm>>) dst(%dma_wait3A_208 : memref<32xi32, #tpu.memory_space<vmem>>)
      tpu.yield
    }) : () -> ()
    %run_scoped3A_149 = arith.constant 1 : i32
    "tpu.region"() ({
      %run_scoped3A_193 = tpu.sem_alloc : memref<!tpu.dma_semaphore, #tpu.memory_space<semaphore_mem>>
      %dma_start3A_194 = arith.constant 0 : i32
      %dma_start3A_195 = tpu.memref_slice %arg9[%run_scoped3A_149, %dma_start3A_194] : memref<2x32xi32, #tpu.memory_space<vmem>> -> memref<1x32xi32, #tpu.memory_space<vmem>>
      %dma_start3A_196 = tpu.memref_squeeze %dma_start3A_195 : memref<1x32xi32, #tpu.memory_space<vmem>> -> memref<32xi32, #tpu.memory_space<vmem>>
      %dma_start3A_197 = tpu.memref_slice %arg5[%add3A_147] : memref<4096xi32, #tpu.memory_space<hbm>> -> memref<32xi32, #tpu.memory_space<hbm>>
      %dma_start3A_198 = arith.constant 0 : i32
      %dma_start3A_199 = tpu.memref_slice %arg9[%run_scoped3A_149, %dma_start3A_198] : memref<2x32xi32, #tpu.memory_space<vmem>> -> memref<1x32xi32, #tpu.memory_space<vmem>>
      %dma_start3A_200 = tpu.memref_squeeze %dma_start3A_199 : memref<1x32xi32, #tpu.memory_space<vmem>> -> memref<32xi32, #tpu.memory_space<vmem>>
      %dma_start3A_201 = tpu.memref_slice %arg5[%add3A_147] : memref<4096xi32, #tpu.memory_space<hbm>> -> memref<32xi32, #tpu.memory_space<hbm>>
      tpu.enqueue_dma source(%dma_start3A_201 : memref<32xi32, #tpu.memory_space<hbm>>) target(%dma_start3A_200 : memref<32xi32, #tpu.memory_space<vmem>>) target_semaphore(%run_scoped3A_193 : memref<!tpu.dma_semaphore, #tpu.memory_space<semaphore_mem>>)
      %dma_wait3A_202 = arith.constant 0 : i32
      %dma_wait3A_203 = tpu.memref_slice %arg9[%run_scoped3A_149, %dma_wait3A_202] : memref<2x32xi32, #tpu.memory_space<vmem>> -> memref<1x32xi32, #tpu.memory_space<vmem>>
      %dma_wait3A_204 = tpu.memref_squeeze %dma_wait3A_203 : memref<1x32xi32, #tpu.memory_space<vmem>> -> memref<32xi32, #tpu.memory_space<vmem>>
      %dma_wait3A_205 = tpu.memref_slice %arg5[%add3A_147] : memref<4096xi32, #tpu.memory_space<hbm>> -> memref<32xi32, #tpu.memory_space<hbm>>
      %dma_wait3A_206 = arith.constant 0 : i32
      %dma_wait3A_207 = tpu.memref_slice %arg9[%run_scoped3A_149, %dma_wait3A_206] : memref<2x32xi32, #tpu.memory_space<vmem>> -> memref<1x32xi32, #tpu.memory_space<vmem>>
      %dma_wait3A_208 = tpu.memref_squeeze %dma_wait3A_207 : memref<1x32xi32, #tpu.memory_space<vmem>> -> memref<32xi32, #tpu.memory_space<vmem>>
      %dma_wait3A_209 = tpu.memref_slice %arg5[%add3A_147] : memref<4096xi32, #tpu.memory_space<hbm>> -> memref<32xi32, #tpu.memory_space<hbm>>
      tpu.wait_dma2 semaphore(%run_scoped3A_193 : memref<!tpu.dma_semaphore, #tpu.memory_space<semaphore_mem>>) src(%dma_wait3A_209 : memref<32xi32, #tpu.memory_space<hbm>>) dst(%dma_wait3A_208 : memref<32xi32, #tpu.memory_space<vmem>>)
      tpu.yield
    }) : () -> ()
    "tpu.region"() ({
      %run_scoped3A_193 = tpu.sem_alloc : memref<!tpu.dma_semaphore, #tpu.memory_space<semaphore_mem>>
      %dma_start3A_194 = arith.constant 0 : i32
      %dma_start3A_195 = tpu.memref_slice %arg6[%add3A_147, %dma_start3A_194] : memref<4096x16xf32, #tpu.memory_space<hbm>> -> memref<32x16xf32, #tpu.memory_space<hbm>>
      %dma_start3A_196 = arith.constant 0 : i32
      %dma_start3A_197 = tpu.memref_slice %arg6[%add3A_147, %dma_start3A_196] : memref<4096x16xf32, #tpu.memory_space<hbm>> -> memref<32x16xf32, #tpu.memory_space<hbm>>
      tpu.enqueue_dma source(%dma_start3A_197 : memref<32x16xf32, #tpu.memory_space<hbm>>) target(%arg10 : memref<32x16xf32, #tpu.memory_space<vmem>>) target_semaphore(%run_scoped3A_193 : memref<!tpu.dma_semaphore, #tpu.memory_space<semaphore_mem>>)
      %dma_wait3A_198 = arith.constant 0 : i32
      %dma_wait3A_199 = tpu.memref_slice %arg6[%add3A_147, %dma_wait3A_198] : memref<4096x16xf32, #tpu.memory_space<hbm>> -> memref<32x16xf32, #tpu.memory_space<hbm>>
      %dma_wait3A_200 = arith.constant 0 : i32
      %dma_wait3A_201 = tpu.memref_slice %arg6[%add3A_147, %dma_wait3A_200] : memref<4096x16xf32, #tpu.memory_space<hbm>> -> memref<32x16xf32, #tpu.memory_space<hbm>>
      tpu.wait_dma2 semaphore(%run_scoped3A_193 : memref<!tpu.dma_semaphore, #tpu.memory_space<semaphore_mem>>) src(%dma_wait3A_201 : memref<32x16xf32, #tpu.memory_space<hbm>>) dst(%arg10 : memref<32x16xf32, #tpu.memory_space<vmem>>)
      tpu.yield
    }) : () -> ()
    "tpu.region"() ({
      %run_scoped3A_193 = tpu.sem_alloc : memref<!tpu.dma_semaphore, #tpu.memory_space<semaphore_mem>>
      %dma_start3A_194 = arith.constant 0 : i32
      %dma_start3A_195 = tpu.memref_slice %arg7[%add3A_147, %dma_start3A_194] : memref<4096x16xf32, #tpu.memory_space<hbm>> -> memref<32x16xf32, #tpu.memory_space<hbm>>
      %dma_start3A_196 = arith.constant 0 : i32
      %dma_start3A_197 = tpu.memref_slice %arg7[%add3A_147, %dma_start3A_196] : memref<4096x16xf32, #tpu.memory_space<hbm>> -> memref<32x16xf32, #tpu.memory_space<hbm>>
      tpu.enqueue_dma source(%dma_start3A_197 : memref<32x16xf32, #tpu.memory_space<hbm>>) target(%arg11 : memref<32x16xf32, #tpu.memory_space<vmem>>) target_semaphore(%run_scoped3A_193 : memref<!tpu.dma_semaphore, #tpu.memory_space<semaphore_mem>>)
      %dma_wait3A_198 = arith.constant 0 : i32
      %dma_wait3A_199 = tpu.memref_slice %arg7[%add3A_147, %dma_wait3A_198] : memref<4096x16xf32, #tpu.memory_space<hbm>> -> memref<32x16xf32, #tpu.memory_space<hbm>>
      %dma_wait3A_200 = arith.constant 0 : i32
      %dma_wait3A_201 = tpu.memref_slice %arg7[%add3A_147, %dma_wait3A_200] : memref<4096x16xf32, #tpu.memory_space<hbm>> -> memref<32x16xf32, #tpu.memory_space<hbm>>
      tpu.wait_dma2 semaphore(%run_scoped3A_193 : memref<!tpu.dma_semaphore, #tpu.memory_space<semaphore_mem>>) src(%dma_wait3A_201 : memref<32x16xf32, #tpu.memory_space<hbm>>) dst(%arg11 : memref<32x16xf32, #tpu.memory_space<vmem>>)
      tpu.yield
    }) : () -> ()
    %dma_start3A_150 = arith.constant 0 : i32
    %dma_start3A_151 = arith.constant 0 : i32
    %dma_start3A_152 = tpu.memref_slice %arg9[%dma_start3A_150, %dma_start3A_151] : memref<2x32xi32, #tpu.memory_space<vmem>> -> memref<1x32xi32, #tpu.memory_space<vmem>>
    %dma_start3A_153 = tpu.memref_squeeze %dma_start3A_152 : memref<1x32xi32, #tpu.memory_space<vmem>> -> memref<32xi32, #tpu.memory_space<vmem>>
    %dma_start3A_154 = arith.constant 0 : i32
    %dma_start3A_155 = arith.constant 0 : i32
    %dma_start3A_156 = tpu.memref_slice %arg2[%dma_start3A_154, %dma_start3A_155] : memref<12288x1024xf32, #tpu.memory_space<hbm>> -> memref<12288x1024xf32, #tpu.memory_space<hbm>>
    tpu.enqueue_indirect_dma source(%dma_start3A_156 : memref<12288x1024xf32, #tpu.memory_space<hbm>>) target(%arg12 : memref<32x1024xf32, #tpu.memory_space<vmem>>) offsets(%dma_start3A_153 : memref<32xi32, #tpu.memory_space<vmem>>) semaphore(%arg15 : memref<!tpu.dma_semaphore, #tpu.memory_space<semaphore_mem>>)
    %dma_start3A_157 = arith.constant 1 : i32
    %dma_start3A_158 = arith.constant 0 : i32
    %dma_start3A_159 = tpu.memref_slice %arg9[%dma_start3A_157, %dma_start3A_158] : memref<2x32xi32, #tpu.memory_space<vmem>> -> memref<1x32xi32, #tpu.memory_space<vmem>>
    %dma_start3A_160 = tpu.memref_squeeze %dma_start3A_159 : memref<1x32xi32, #tpu.memory_space<vmem>> -> memref<32xi32, #tpu.memory_space<vmem>>
    %dma_start3A_161 = arith.constant 0 : i32
    %dma_start3A_162 = arith.constant 0 : i32
    %dma_start3A_163 = tpu.memref_slice %arg2[%dma_start3A_161, %dma_start3A_162] : memref<12288x1024xf32, #tpu.memory_space<hbm>> -> memref<12288x1024xf32, #tpu.memory_space<hbm>>
    tpu.enqueue_indirect_dma source(%dma_start3A_163 : memref<12288x1024xf32, #tpu.memory_space<hbm>>) target(%arg13 : memref<32x1024xf32, #tpu.memory_space<vmem>>) offsets(%dma_start3A_160 : memref<32xi32, #tpu.memory_space<vmem>>) semaphore(%arg16 : memref<!tpu.dma_semaphore, #tpu.memory_space<semaphore_mem>>)
    %dma_start3A_164 = arith.constant 0 : i32
    %dma_start3A_165 = tpu.memref_slice %arg3[%add3A_147, %dma_start3A_164] : memref<4096x1024xf32, #tpu.memory_space<hbm>> -> memref<32x1024xf32, #tpu.memory_space<hbm>>
    %dma_start3A_166 = arith.constant 0 : i32
    %dma_start3A_167 = tpu.memref_slice %arg3[%add3A_147, %dma_start3A_166] : memref<4096x1024xf32, #tpu.memory_space<hbm>> -> memref<32x1024xf32, #tpu.memory_space<hbm>>
    tpu.enqueue_dma source(%dma_start3A_167 : memref<32x1024xf32, #tpu.memory_space<hbm>>) target(%arg14 : memref<32x1024xf32, #tpu.memory_space<vmem>>) target_semaphore(%arg17 : memref<!tpu.dma_semaphore, #tpu.memory_space<semaphore_mem>>)
    %dma_wait3A_168 = arith.constant 0 : i32
    %dma_wait3A_169 = arith.constant 0 : i32
    %dma_wait3A_170 = tpu.memref_slice %arg9[%dma_wait3A_168, %dma_wait3A_169] : memref<2x32xi32, #tpu.memory_space<vmem>> -> memref<1x32xi32, #tpu.memory_space<vmem>>
    %dma_wait3A_171 = tpu.memref_squeeze %dma_wait3A_170 : memref<1x32xi32, #tpu.memory_space<vmem>> -> memref<32xi32, #tpu.memory_space<vmem>>
    %dma_wait3A_172 = arith.constant 0 : i32
    %dma_wait3A_173 = arith.constant 0 : i32
    %dma_wait3A_174 = tpu.memref_slice %arg2[%dma_wait3A_172, %dma_wait3A_173] : memref<12288x1024xf32, #tpu.memory_space<hbm>> -> memref<12288x1024xf32, #tpu.memory_space<hbm>>
    tpu.wait_indirect_dma semaphore(%arg15 : memref<!tpu.dma_semaphore, #tpu.memory_space<semaphore_mem>>) src(%dma_wait3A_174 : memref<12288x1024xf32, #tpu.memory_space<hbm>>) dst(%arg12 : memref<32x1024xf32, #tpu.memory_space<vmem>>)
    %dma_wait3A_175 = arith.constant 1 : i32
    %dma_wait3A_176 = arith.constant 0 : i32
    %dma_wait3A_177 = tpu.memref_slice %arg9[%dma_wait3A_175, %dma_wait3A_176] : memref<2x32xi32, #tpu.memory_space<vmem>> -> memref<1x32xi32, #tpu.memory_space<vmem>>
    %dma_wait3A_178 = tpu.memref_squeeze %dma_wait3A_177 : memref<1x32xi32, #tpu.memory_space<vmem>> -> memref<32xi32, #tpu.memory_space<vmem>>
    %dma_wait3A_179 = arith.constant 0 : i32
    %dma_wait3A_180 = arith.constant 0 : i32
    %dma_wait3A_181 = tpu.memref_slice %arg2[%dma_wait3A_179, %dma_wait3A_180] : memref<12288x1024xf32, #tpu.memory_space<hbm>> -> memref<12288x1024xf32, #tpu.memory_space<hbm>>
    tpu.wait_indirect_dma semaphore(%arg16 : memref<!tpu.dma_semaphore, #tpu.memory_space<semaphore_mem>>) src(%dma_wait3A_181 : memref<12288x1024xf32, #tpu.memory_space<hbm>>) dst(%arg13 : memref<32x1024xf32, #tpu.memory_space<vmem>>)
    %dma_wait3A_182 = arith.constant 0 : i32
    %dma_wait3A_183 = tpu.memref_slice %arg3[%add3A_147, %dma_wait3A_182] : memref<4096x1024xf32, #tpu.memory_space<hbm>> -> memref<32x1024xf32, #tpu.memory_space<hbm>>
    %dma_wait3A_184 = arith.constant 0 : i32
    %dma_wait3A_185 = tpu.memref_slice %arg3[%add3A_147, %dma_wait3A_184] : memref<4096x1024xf32, #tpu.memory_space<hbm>> -> memref<32x1024xf32, #tpu.memory_space<hbm>>
    tpu.wait_dma2 semaphore(%arg17 : memref<!tpu.dma_semaphore, #tpu.memory_space<semaphore_mem>>) src(%dma_wait3A_185 : memref<32x1024xf32, #tpu.memory_space<hbm>>) dst(%arg14 : memref<32x1024xf32, #tpu.memory_space<vmem>>)
    %scan3A_186 = arith.constant 0 : i32
    %scan3A_187 = arith.constant 0 : i32
    %scan3A_188 = arith.constant 32 : i32
    %scan3A_189 = arith.addi %scan3A_187, %scan3A_188 : i32
    %scan3A_190 = arith.constant 1 : i32
    %scan3A_191 = scf.for %scan3A_193 = %scan3A_187 to %scan3A_189 step %scan3A_190 iter_args(%scan3A_194 = %scan3A_186) -> (i32)  : i32 {
      %get3A = arith.index_cast %scan3A_193 : i32 to index
      %get3A_195 = arith.constant 0 : index
      %get3A_196 = tpu.vector_load %arg10[%get3A, %get3A_195] {strides = array<i32>} : memref<32x16xf32, #tpu.memory_space<vmem>>, vector<1x16xf32>,
      %get3A_197 = vector.shape_cast %get3A_196 : vector<1x16xf32> to vector<16xf32>
      %get3A_198 = arith.index_cast %scan3A_193 : i32 to index
      %get3A_199 = arith.constant 0 : index
      %get3A_200 = tpu.vector_load %arg11[%get3A_198, %get3A_199] {strides = array<i32>} : memref<32x16xf32, #tpu.memory_space<vmem>>, vector<1x16xf32>,
      %get3A_201 = vector.shape_cast %get3A_200 : vector<1x16xf32> to vector<16xf32>
      %scan3A_202 = arith.constant 0 : i32
      %scan3A_203 = arith.constant 0 : i32
      %scan3A_204 = arith.constant 64 : i32
      %scan3A_205 = arith.addi %scan3A_203, %scan3A_204 : i32
      %scan3A_206 = arith.constant 1 : i32
      %scan3A_207 = scf.for %scan3A_210 = %scan3A_203 to %scan3A_205 step %scan3A_206 iter_args(%scan3A_211 = %scan3A_202) -> (i32)  : i32 {
        %mul3A_212 = arith.constant 16 : i32
        %mul3A_213 = arith.muli %scan3A_210, %mul3A_212 : i32
        %get3A_214 = arith.index_cast %scan3A_193 : i32 to index
        %get3A_215 = arith.index_cast %mul3A_213 : i32 to index
        %get3A_216 = tpu.vector_load %arg12[%get3A_214, %get3A_215] {strides = array<i32>} : memref<32x1024xf32, #tpu.memory_space<vmem>>, vector<1x16xf32>,
        %get3A_217 = vector.shape_cast %get3A_216 : vector<1x16xf32> to vector<16xf32>
        %mul3A_218 = arith.mulf %get3A_217, %get3A_197 : vector<16xf32>
        %get3A_219 = arith.index_cast %scan3A_193 : i32 to index
        %get3A_220 = arith.index_cast %mul3A_213 : i32 to index
        %get3A_221 = tpu.vector_load %arg13[%get3A_219, %get3A_220] {strides = array<i32>} : memref<32x1024xf32, #tpu.memory_space<vmem>>, vector<1x16xf32>,
        %get3A_222 = vector.shape_cast %get3A_221 : vector<1x16xf32> to vector<16xf32>
        %mul3A_223 = arith.mulf %get3A_222, %get3A_201 : vector<16xf32>
        %add3A_224 = arith.addf %mul3A_218, %mul3A_223 : vector<16xf32>
        %get3A_225 = arith.index_cast %scan3A_193 : i32 to index
        %get3A_226 = arith.index_cast %mul3A_213 : i32 to index
        %get3A_227 = tpu.vector_load %arg14[%get3A_225, %get3A_226] {strides = array<i32>} : memref<32x1024xf32, #tpu.memory_space<vmem>>, vector<1x16xf32>,
        %get3A_228 = vector.shape_cast %get3A_227 : vector<1x16xf32> to vector<16xf32>
        %add3A_229 = arith.addf %add3A_224, %get3A_228 : vector<16xf32>
        %swap3A = arith.index_cast %scan3A_193 : i32 to index
        %swap3A_230 = arith.index_cast %mul3A_213 : i32 to index
        %swap3A_231 = tpu.vector_load %arg12[%swap3A, %swap3A_230] {strides = array<i32>} : memref<32x1024xf32, #tpu.memory_space<vmem>>, vector<1x16xf32>,
        %swap3A_232 = vector.shape_cast %swap3A_231 : vector<1x16xf32> to vector<16xf32>
        %swap3A_233 = vector.shape_cast %add3A_229 : vector<16xf32> to vector<1x16xf32>
        tpu.vector_store %arg12[%swap3A, %swap3A_230], %swap3A_233 {strides = array<i32>} : memref<32x1024xf32, #tpu.memory_space<vmem>>, vector<1x16xf32>,
        %scan3A_234 = arith.constant 0 : i32
        scf.yield %scan3A_234 : i32
      }
      %scan3A_208 = arith.constant 64 : i32
      %scan3A_209 = arith.constant 0 : i32
      scf.yield %scan3A_209 : i32
    }
    %scan3A_192 = arith.constant 32 : i32
    "tpu.region"() ({
      %run_scoped3A_193 = tpu.sem_alloc : memref<!tpu.dma_semaphore, #tpu.memory_space<semaphore_mem>>
      %dma_start3A_194 = arith.constant 0 : i32
      %dma_start3A_195 = tpu.memref_slice %arg8[%add3A_147, %dma_start3A_194] : memref<4096x1024xf32, #tpu.memory_space<hbm>> -> memref<32x1024xf32, #tpu.memory_space<hbm>>
      %dma_start3A_196 = arith.constant 0 : i32
      %dma_start3A_197 = tpu.memref_slice %arg8[%add3A_147, %dma_start3A_196] : memref<4096x1024xf32, #tpu.memory_space<hbm>> -> memref<32x1024xf32, #tpu.memory_space<hbm>>
      tpu.enqueue_dma source(%arg12 : memref<32x1024xf32, #tpu.memory_space<vmem>>) target(%dma_start3A_197 : memref<32x1024xf32, #tpu.memory_space<hbm>>) target_semaphore(%run_scoped3A_193 : memref<!tpu.dma_semaphore, #tpu.memory_space<semaphore_mem>>)
      %dma_wait3A_198 = arith.constant 0 : i32
      %dma_wait3A_199 = tpu.memref_slice %arg8[%add3A_147, %dma_wait3A_198] : memref<4096x1024xf32, #tpu.memory_space<hbm>> -> memref<32x1024xf32, #tpu.memory_space<hbm>>
      %dma_wait3A_200 = arith.constant 0 : i32
      %dma_wait3A_201 = tpu.memref_slice %arg8[%add3A_147, %dma_wait3A_200] : memref<4096x1024xf32, #tpu.memory_space<hbm>> -> memref<32x1024xf32, #tpu.memory_space<hbm>>
      tpu.wait_dma2 semaphore(%run_scoped3A_193 : memref<!tpu.dma_semaphore, #tpu.memory_space<semaphore_mem>>) src(%arg12 : memref<32x1024xf32, #tpu.memory_space<vmem>>) dst(%dma_wait3A_201 : memref<32x1024xf32, #tpu.memory_space<hbm>>)
      tpu.yield
    }) : () -> ()
    return
  }
}

#map = affine_map<(d0, d1) -> (0, 0)>
#map1 = affine_map<(d0, d1) -> (0)>
module attributes {stable_mosaic.version = 14 : i64} {
  func.func @body(%arg0: i32, %arg1: i32, %arg2: memref<4096x1024xf32, #tpu.memory_space<hbm>>, %arg3: memref<8192xi32, #tpu.memory_space<hbm>>, %arg4: memref<8192xi32, #tpu.memory_space<hbm>>, %arg5: memref<12288x1024xf32, #tpu.memory_space<hbm>>, %arg6: memref<2x64xi32, #tpu.memory_space<vmem>>, %arg7: memref<64x1024xf32, #tpu.memory_space<vmem>>, %arg8: memref<!tpu.dma_semaphore, #tpu.memory_space<semaphore_mem>>, %arg9: memref<!tpu.dma_semaphore, #tpu.memory_space<semaphore_mem>>) attributes {dimension_semantics = [#tpu.dimension_semantics<core_parallel>, #tpu.dimension_semantics<subcore_parallel>], iteration_bounds = array<i64: 2, 16>, scalar_prefetch = 0 : i64, scratch_operands = 4 : i64, tpu.core_type = #tpu.core_type<sc_vector_subcore>, window_params = [{transform_indices = #map}, {transform_indices = #map1}, {transform_indices = #map1}, {transform_indices = #map}]} {
    %mul3A = arith.constant 2 : i32
    %mul3A_0 = arith.muli %arg1, %mul3A : i32
    %add3A = arith.addi %mul3A_0, %arg0 : i32
    %mul3A_1 = arith.constant 256 : i32
    %mul3A_2 = arith.muli %add3A, %mul3A_1 : i32
    %add3A_3 = arith.constant 0 : i32
    %add3A_4 = arith.addi %mul3A_2, %add3A_3 : i32
    %run_scoped3A = arith.constant 0 : i32
    "tpu.region"() ({
      %run_scoped3A_134 = tpu.sem_alloc : memref<!tpu.dma_semaphore, #tpu.memory_space<semaphore_mem>>
      %dma_start3A_135 = arith.constant 0 : i32
      %dma_start3A_136 = tpu.memref_slice %arg6[%run_scoped3A, %dma_start3A_135] : memref<2x64xi32, #tpu.memory_space<vmem>> -> memref<1x64xi32, #tpu.memory_space<vmem>>
      %dma_start3A_137 = tpu.memref_squeeze %dma_start3A_136 : memref<1x64xi32, #tpu.memory_space<vmem>> -> memref<64xi32, #tpu.memory_space<vmem>>
      %dma_start3A_138 = tpu.memref_slice %arg4[%add3A_4] : memref<8192xi32, #tpu.memory_space<hbm>> -> memref<64xi32, #tpu.memory_space<hbm>>
      %dma_start3A_139 = arith.constant 0 : i32
      %dma_start3A_140 = tpu.memref_slice %arg6[%run_scoped3A, %dma_start3A_139] : memref<2x64xi32, #tpu.memory_space<vmem>> -> memref<1x64xi32, #tpu.memory_space<vmem>>
      %dma_start3A_141 = tpu.memref_squeeze %dma_start3A_140 : memref<1x64xi32, #tpu.memory_space<vmem>> -> memref<64xi32, #tpu.memory_space<vmem>>
      %dma_start3A_142 = tpu.memref_slice %arg4[%add3A_4] : memref<8192xi32, #tpu.memory_space<hbm>> -> memref<64xi32, #tpu.memory_space<hbm>>
      tpu.enqueue_dma source(%dma_start3A_142 : memref<64xi32, #tpu.memory_space<hbm>>) target(%dma_start3A_141 : memref<64xi32, #tpu.memory_space<vmem>>) target_semaphore(%run_scoped3A_134 : memref<!tpu.dma_semaphore, #tpu.memory_space<semaphore_mem>>)
      %dma_wait3A_143 = arith.constant 0 : i32
      %dma_wait3A_144 = tpu.memref_slice %arg6[%run_scoped3A, %dma_wait3A_143] : memref<2x64xi32, #tpu.memory_space<vmem>> -> memref<1x64xi32, #tpu.memory_space<vmem>>
      %dma_wait3A_145 = tpu.memref_squeeze %dma_wait3A_144 : memref<1x64xi32, #tpu.memory_space<vmem>> -> memref<64xi32, #tpu.memory_space<vmem>>
      %dma_wait3A_146 = tpu.memref_slice %arg4[%add3A_4] : memref<8192xi32, #tpu.memory_space<hbm>> -> memref<64xi32, #tpu.memory_space<hbm>>
      %dma_wait3A_147 = arith.constant 0 : i32
      %dma_wait3A_148 = tpu.memref_slice %arg6[%run_scoped3A, %dma_wait3A_147] : memref<2x64xi32, #tpu.memory_space<vmem>> -> memref<1x64xi32, #tpu.memory_space<vmem>>
      %dma_wait3A_149 = tpu.memref_squeeze %dma_wait3A_148 : memref<1x64xi32, #tpu.memory_space<vmem>> -> memref<64xi32, #tpu.memory_space<vmem>>
      %dma_wait3A_150 = tpu.memref_slice %arg4[%add3A_4] : memref<8192xi32, #tpu.memory_space<hbm>> -> memref<64xi32, #tpu.memory_space<hbm>>
      tpu.wait_dma2 semaphore(%run_scoped3A_134 : memref<!tpu.dma_semaphore, #tpu.memory_space<semaphore_mem>>) src(%dma_wait3A_150 : memref<64xi32, #tpu.memory_space<hbm>>) dst(%dma_wait3A_149 : memref<64xi32, #tpu.memory_space<vmem>>)
      tpu.yield
    }) : () -> ()
    %run_scoped3A_5 = arith.constant 1 : i32
    "tpu.region"() ({
      %run_scoped3A_134 = tpu.sem_alloc : memref<!tpu.dma_semaphore, #tpu.memory_space<semaphore_mem>>
      %dma_start3A_135 = arith.constant 0 : i32
      %dma_start3A_136 = tpu.memref_slice %arg6[%run_scoped3A_5, %dma_start3A_135] : memref<2x64xi32, #tpu.memory_space<vmem>> -> memref<1x64xi32, #tpu.memory_space<vmem>>
      %dma_start3A_137 = tpu.memref_squeeze %dma_start3A_136 : memref<1x64xi32, #tpu.memory_space<vmem>> -> memref<64xi32, #tpu.memory_space<vmem>>
      %dma_start3A_138 = tpu.memref_slice %arg3[%add3A_4] : memref<8192xi32, #tpu.memory_space<hbm>> -> memref<64xi32, #tpu.memory_space<hbm>>
      %dma_start3A_139 = arith.constant 0 : i32
      %dma_start3A_140 = tpu.memref_slice %arg6[%run_scoped3A_5, %dma_start3A_139] : memref<2x64xi32, #tpu.memory_space<vmem>> -> memref<1x64xi32, #tpu.memory_space<vmem>>
      %dma_start3A_141 = tpu.memref_squeeze %dma_start3A_140 : memref<1x64xi32, #tpu.memory_space<vmem>> -> memref<64xi32, #tpu.memory_space<vmem>>
      %dma_start3A_142 = tpu.memref_slice %arg3[%add3A_4] : memref<8192xi32, #tpu.memory_space<hbm>> -> memref<64xi32, #tpu.memory_space<hbm>>
      tpu.enqueue_dma source(%dma_start3A_142 : memref<64xi32, #tpu.memory_space<hbm>>) target(%dma_start3A_141 : memref<64xi32, #tpu.memory_space<vmem>>) target_semaphore(%run_scoped3A_134 : memref<!tpu.dma_semaphore, #tpu.memory_space<semaphore_mem>>)
      %dma_wait3A_143 = arith.constant 0 : i32
      %dma_wait3A_144 = tpu.memref_slice %arg6[%run_scoped3A_5, %dma_wait3A_143] : memref<2x64xi32, #tpu.memory_space<vmem>> -> memref<1x64xi32, #tpu.memory_space<vmem>>
      %dma_wait3A_145 = tpu.memref_squeeze %dma_wait3A_144 : memref<1x64xi32, #tpu.memory_space<vmem>> -> memref<64xi32, #tpu.memory_space<vmem>>
      %dma_wait3A_146 = tpu.memref_slice %arg3[%add3A_4] : memref<8192xi32, #tpu.memory_space<hbm>> -> memref<64xi32, #tpu.memory_space<hbm>>
      %dma_wait3A_147 = arith.constant 0 : i32
      %dma_wait3A_148 = tpu.memref_slice %arg6[%run_scoped3A_5, %dma_wait3A_147] : memref<2x64xi32, #tpu.memory_space<vmem>> -> memref<1x64xi32, #tpu.memory_space<vmem>>
      %dma_wait3A_149 = tpu.memref_squeeze %dma_wait3A_148 : memref<1x64xi32, #tpu.memory_space<vmem>> -> memref<64xi32, #tpu.memory_space<vmem>>
      %dma_wait3A_150 = tpu.memref_slice %arg3[%add3A_4] : memref<8192xi32, #tpu.memory_space<hbm>> -> memref<64xi32, #tpu.memory_space<hbm>>
      tpu.wait_dma2 semaphore(%run_scoped3A_134 : memref<!tpu.dma_semaphore, #tpu.memory_space<semaphore_mem>>) src(%dma_wait3A_150 : memref<64xi32, #tpu.memory_space<hbm>>) dst(%dma_wait3A_149 : memref<64xi32, #tpu.memory_space<vmem>>)
      tpu.yield
    }) : () -> ()
    %dma_start3A = arith.constant 0 : i32
    %dma_start3A_6 = arith.constant 0 : i32
    %dma_start3A_7 = tpu.memref_slice %arg6[%dma_start3A, %dma_start3A_6] : memref<2x64xi32, #tpu.memory_space<vmem>> -> memref<1x64xi32, #tpu.memory_space<vmem>>
    %dma_start3A_8 = tpu.memref_squeeze %dma_start3A_7 : memref<1x64xi32, #tpu.memory_space<vmem>> -> memref<64xi32, #tpu.memory_space<vmem>>
    %dma_start3A_9 = arith.constant 0 : i32
    %dma_start3A_10 = arith.constant 0 : i32
    %dma_start3A_11 = tpu.memref_slice %arg2[%dma_start3A_9, %dma_start3A_10] : memref<4096x1024xf32, #tpu.memory_space<hbm>> -> memref<4096x1024xf32, #tpu.memory_space<hbm>>
    tpu.enqueue_indirect_dma source(%dma_start3A_11 : memref<4096x1024xf32, #tpu.memory_space<hbm>>) target(%arg7 : memref<64x1024xf32, #tpu.memory_space<vmem>>) offsets(%dma_start3A_8 : memref<64xi32, #tpu.memory_space<vmem>>) semaphore(%arg8 : memref<!tpu.dma_semaphore, #tpu.memory_space<semaphore_mem>>)
    %dma_wait3A = arith.constant 0 : i32
    %dma_wait3A_12 = arith.constant 0 : i32
    %dma_wait3A_13 = tpu.memref_slice %arg6[%dma_wait3A, %dma_wait3A_12] : memref<2x64xi32, #tpu.memory_space<vmem>> -> memref<1x64xi32, #tpu.memory_space<vmem>>
    %dma_wait3A_14 = tpu.memref_squeeze %dma_wait3A_13 : memref<1x64xi32, #tpu.memory_space<vmem>> -> memref<64xi32, #tpu.memory_space<vmem>>
    %dma_wait3A_15 = arith.constant 0 : i32
    %dma_wait3A_16 = arith.constant 0 : i32
    %dma_wait3A_17 = tpu.memref_slice %arg2[%dma_wait3A_15, %dma_wait3A_16] : memref<4096x1024xf32, #tpu.memory_space<hbm>> -> memref<4096x1024xf32, #tpu.memory_space<hbm>>
    tpu.wait_indirect_dma semaphore(%arg8 : memref<!tpu.dma_semaphore, #tpu.memory_space<semaphore_mem>>) src(%dma_wait3A_17 : memref<4096x1024xf32, #tpu.memory_space<hbm>>) dst(%arg7 : memref<64x1024xf32, #tpu.memory_space<vmem>>)
    %dma_start3A_18 = arith.constant 1 : i32
    %dma_start3A_19 = arith.constant 0 : i32
    %dma_start3A_20 = tpu.memref_slice %arg6[%dma_start3A_18, %dma_start3A_19] : memref<2x64xi32, #tpu.memory_space<vmem>> -> memref<1x64xi32, #tpu.memory_space<vmem>>
    %dma_start3A_21 = tpu.memref_squeeze %dma_start3A_20 : memref<1x64xi32, #tpu.memory_space<vmem>> -> memref<64xi32, #tpu.memory_space<vmem>>
    %dma_start3A_22 = arith.constant 0 : i32
    %dma_start3A_23 = arith.constant 0 : i32
    %dma_start3A_24 = tpu.memref_slice %arg5[%dma_start3A_22, %dma_start3A_23] : memref<12288x1024xf32, #tpu.memory_space<hbm>> -> memref<12288x1024xf32, #tpu.memory_space<hbm>>
    tpu.enqueue_indirect_dma source(%arg7 : memref<64x1024xf32, #tpu.memory_space<vmem>>) target(%dma_start3A_24 : memref<12288x1024xf32, #tpu.memory_space<hbm>>) offsets(%dma_start3A_21 : memref<64xi32, #tpu.memory_space<vmem>>) semaphore(%arg9 : memref<!tpu.dma_semaphore, #tpu.memory_space<semaphore_mem>>)
    %dma_wait3A_25 = arith.constant 1 : i32
    %dma_wait3A_26 = arith.constant 0 : i32
    %dma_wait3A_27 = tpu.memref_slice %arg6[%dma_wait3A_25, %dma_wait3A_26] : memref<2x64xi32, #tpu.memory_space<vmem>> -> memref<1x64xi32, #tpu.memory_space<vmem>>
    %dma_wait3A_28 = tpu.memref_squeeze %dma_wait3A_27 : memref<1x64xi32, #tpu.memory_space<vmem>> -> memref<64xi32, #tpu.memory_space<vmem>>
    %dma_wait3A_29 = arith.constant 0 : i32
    %dma_wait3A_30 = arith.constant 0 : i32
    %dma_wait3A_31 = tpu.memref_slice %arg5[%dma_wait3A_29, %dma_wait3A_30] : memref<12288x1024xf32, #tpu.memory_space<hbm>> -> memref<12288x1024xf32, #tpu.memory_space<hbm>>
    tpu.wait_indirect_dma semaphore(%arg9 : memref<!tpu.dma_semaphore, #tpu.memory_space<semaphore_mem>>) src(%arg7 : memref<64x1024xf32, #tpu.memory_space<vmem>>) dst(%dma_wait3A_31 : memref<12288x1024xf32, #tpu.memory_space<hbm>>)
    %mul3A_32 = arith.constant 256 : i32
    %mul3A_33 = arith.muli %add3A, %mul3A_32 : i32
    %add3A_34 = arith.constant 64 : i32
    %add3A_35 = arith.addi %mul3A_33, %add3A_34 : i32
    %run_scoped3A_36 = arith.constant 0 : i32
    "tpu.region"() ({
      %run_scoped3A_134 = tpu.sem_alloc : memref<!tpu.dma_semaphore, #tpu.memory_space<semaphore_mem>>
      %dma_start3A_135 = arith.constant 0 : i32
      %dma_start3A_136 = tpu.memref_slice %arg6[%run_scoped3A_36, %dma_start3A_135] : memref<2x64xi32, #tpu.memory_space<vmem>> -> memref<1x64xi32, #tpu.memory_space<vmem>>
      %dma_start3A_137 = tpu.memref_squeeze %dma_start3A_136 : memref<1x64xi32, #tpu.memory_space<vmem>> -> memref<64xi32, #tpu.memory_space<vmem>>
      %dma_start3A_138 = tpu.memref_slice %arg4[%add3A_35] : memref<8192xi32, #tpu.memory_space<hbm>> -> memref<64xi32, #tpu.memory_space<hbm>>
      %dma_start3A_139 = arith.constant 0 : i32
      %dma_start3A_140 = tpu.memref_slice %arg6[%run_scoped3A_36, %dma_start3A_139] : memref<2x64xi32, #tpu.memory_space<vmem>> -> memref<1x64xi32, #tpu.memory_space<vmem>>
      %dma_start3A_141 = tpu.memref_squeeze %dma_start3A_140 : memref<1x64xi32, #tpu.memory_space<vmem>> -> memref<64xi32, #tpu.memory_space<vmem>>
      %dma_start3A_142 = tpu.memref_slice %arg4[%add3A_35] : memref<8192xi32, #tpu.memory_space<hbm>> -> memref<64xi32, #tpu.memory_space<hbm>>
      tpu.enqueue_dma source(%dma_start3A_142 : memref<64xi32, #tpu.memory_space<hbm>>) target(%dma_start3A_141 : memref<64xi32, #tpu.memory_space<vmem>>) target_semaphore(%run_scoped3A_134 : memref<!tpu.dma_semaphore, #tpu.memory_space<semaphore_mem>>)
      %dma_wait3A_143 = arith.constant 0 : i32
      %dma_wait3A_144 = tpu.memref_slice %arg6[%run_scoped3A_36, %dma_wait3A_143] : memref<2x64xi32, #tpu.memory_space<vmem>> -> memref<1x64xi32, #tpu.memory_space<vmem>>
      %dma_wait3A_145 = tpu.memref_squeeze %dma_wait3A_144 : memref<1x64xi32, #tpu.memory_space<vmem>> -> memref<64xi32, #tpu.memory_space<vmem>>
      %dma_wait3A_146 = tpu.memref_slice %arg4[%add3A_35] : memref<8192xi32, #tpu.memory_space<hbm>> -> memref<64xi32, #tpu.memory_space<hbm>>
      %dma_wait3A_147 = arith.constant 0 : i32
      %dma_wait3A_148 = tpu.memref_slice %arg6[%run_scoped3A_36, %dma_wait3A_147] : memref<2x64xi32, #tpu.memory_space<vmem>> -> memref<1x64xi32, #tpu.memory_space<vmem>>
      %dma_wait3A_149 = tpu.memref_squeeze %dma_wait3A_148 : memref<1x64xi32, #tpu.memory_space<vmem>> -> memref<64xi32, #tpu.memory_space<vmem>>
      %dma_wait3A_150 = tpu.memref_slice %arg4[%add3A_35] : memref<8192xi32, #tpu.memory_space<hbm>> -> memref<64xi32, #tpu.memory_space<hbm>>
      tpu.wait_dma2 semaphore(%run_scoped3A_134 : memref<!tpu.dma_semaphore, #tpu.memory_space<semaphore_mem>>) src(%dma_wait3A_150 : memref<64xi32, #tpu.memory_space<hbm>>) dst(%dma_wait3A_149 : memref<64xi32, #tpu.memory_space<vmem>>)
      tpu.yield
    }) : () -> ()
    %run_scoped3A_37 = arith.constant 1 : i32
    "tpu.region"() ({
      %run_scoped3A_134 = tpu.sem_alloc : memref<!tpu.dma_semaphore, #tpu.memory_space<semaphore_mem>>
      %dma_start3A_135 = arith.constant 0 : i32
      %dma_start3A_136 = tpu.memref_slice %arg6[%run_scoped3A_37, %dma_start3A_135] : memref<2x64xi32, #tpu.memory_space<vmem>> -> memref<1x64xi32, #tpu.memory_space<vmem>>
      %dma_start3A_137 = tpu.memref_squeeze %dma_start3A_136 : memref<1x64xi32, #tpu.memory_space<vmem>> -> memref<64xi32, #tpu.memory_space<vmem>>
      %dma_start3A_138 = tpu.memref_slice %arg3[%add3A_35] : memref<8192xi32, #tpu.memory_space<hbm>> -> memref<64xi32, #tpu.memory_space<hbm>>
      %dma_start3A_139 = arith.constant 0 : i32
      %dma_start3A_140 = tpu.memref_slice %arg6[%run_scoped3A_37, %dma_start3A_139] : memref<2x64xi32, #tpu.memory_space<vmem>> -> memref<1x64xi32, #tpu.memory_space<vmem>>
      %dma_start3A_141 = tpu.memref_squeeze %dma_start3A_140 : memref<1x64xi32, #tpu.memory_space<vmem>> -> memref<64xi32, #tpu.memory_space<vmem>>
      %dma_start3A_142 = tpu.memref_slice %arg3[%add3A_35] : memref<8192xi32, #tpu.memory_space<hbm>> -> memref<64xi32, #tpu.memory_space<hbm>>
      tpu.enqueue_dma source(%dma_start3A_142 : memref<64xi32, #tpu.memory_space<hbm>>) target(%dma_start3A_141 : memref<64xi32, #tpu.memory_space<vmem>>) target_semaphore(%run_scoped3A_134 : memref<!tpu.dma_semaphore, #tpu.memory_space<semaphore_mem>>)
      %dma_wait3A_143 = arith.constant 0 : i32
      %dma_wait3A_144 = tpu.memref_slice %arg6[%run_scoped3A_37, %dma_wait3A_143] : memref<2x64xi32, #tpu.memory_space<vmem>> -> memref<1x64xi32, #tpu.memory_space<vmem>>
      %dma_wait3A_145 = tpu.memref_squeeze %dma_wait3A_144 : memref<1x64xi32, #tpu.memory_space<vmem>> -> memref<64xi32, #tpu.memory_space<vmem>>
      %dma_wait3A_146 = tpu.memref_slice %arg3[%add3A_35] : memref<8192xi32, #tpu.memory_space<hbm>> -> memref<64xi32, #tpu.memory_space<hbm>>
      %dma_wait3A_147 = arith.constant 0 : i32
      %dma_wait3A_148 = tpu.memref_slice %arg6[%run_scoped3A_37, %dma_wait3A_147] : memref<2x64xi32, #tpu.memory_space<vmem>> -> memref<1x64xi32, #tpu.memory_space<vmem>>
      %dma_wait3A_149 = tpu.memref_squeeze %dma_wait3A_148 : memref<1x64xi32, #tpu.memory_space<vmem>> -> memref<64xi32, #tpu.memory_space<vmem>>
      %dma_wait3A_150 = tpu.memref_slice %arg3[%add3A_35] : memref<8192xi32, #tpu.memory_space<hbm>> -> memref<64xi32, #tpu.memory_space<hbm>>
      tpu.wait_dma2 semaphore(%run_scoped3A_134 : memref<!tpu.dma_semaphore, #tpu.memory_space<semaphore_mem>>) src(%dma_wait3A_150 : memref<64xi32, #tpu.memory_space<hbm>>) dst(%dma_wait3A_149 : memref<64xi32, #tpu.memory_space<vmem>>)
      tpu.yield
    }) : () -> ()
    %dma_start3A_38 = arith.constant 0 : i32
    %dma_start3A_39 = arith.constant 0 : i32
    %dma_start3A_40 = tpu.memref_slice %arg6[%dma_start3A_38, %dma_start3A_39] : memref<2x64xi32, #tpu.memory_space<vmem>> -> memref<1x64xi32, #tpu.memory_space<vmem>>
    %dma_start3A_41 = tpu.memref_squeeze %dma_start3A_40 : memref<1x64xi32, #tpu.memory_space<vmem>> -> memref<64xi32, #tpu.memory_space<vmem>>
    %dma_start3A_42 = arith.constant 0 : i32
    %dma_start3A_43 = arith.constant 0 : i32
    %dma_start3A_44 = tpu.memref_slice %arg2[%dma_start3A_42, %dma_start3A_43] : memref<4096x1024xf32, #tpu.memory_space<hbm>> -> memref<4096x1024xf32, #tpu.memory_space<hbm>>
    tpu.enqueue_indirect_dma source(%dma_start3A_44 : memref<4096x1024xf32, #tpu.memory_space<hbm>>) target(%arg7 : memref<64x1024xf32, #tpu.memory_space<vmem>>) offsets(%dma_start3A_41 : memref<64xi32, #tpu.memory_space<vmem>>) semaphore(%arg8 : memref<!tpu.dma_semaphore, #tpu.memory_space<semaphore_mem>>)
    %dma_wait3A_45 = arith.constant 0 : i32
    %dma_wait3A_46 = arith.constant 0 : i32
    %dma_wait3A_47 = tpu.memref_slice %arg6[%dma_wait3A_45, %dma_wait3A_46] : memref<2x64xi32, #tpu.memory_space<vmem>> -> memref<1x64xi32, #tpu.memory_space<vmem>>
    %dma_wait3A_48 = tpu.memref_squeeze %dma_wait3A_47 : memref<1x64xi32, #tpu.memory_space<vmem>> -> memref<64xi32, #tpu.memory_space<vmem>>
    %dma_wait3A_49 = arith.constant 0 : i32
    %dma_wait3A_50 = arith.constant 0 : i32
    %dma_wait3A_51 = tpu.memref_slice %arg2[%dma_wait3A_49, %dma_wait3A_50] : memref<4096x1024xf32, #tpu.memory_space<hbm>> -> memref<4096x1024xf32, #tpu.memory_space<hbm>>
    tpu.wait_indirect_dma semaphore(%arg8 : memref<!tpu.dma_semaphore, #tpu.memory_space<semaphore_mem>>) src(%dma_wait3A_51 : memref<4096x1024xf32, #tpu.memory_space<hbm>>) dst(%arg7 : memref<64x1024xf32, #tpu.memory_space<vmem>>)
    %dma_start3A_52 = arith.constant 1 : i32
    %dma_start3A_53 = arith.constant 0 : i32
    %dma_start3A_54 = tpu.memref_slice %arg6[%dma_start3A_52, %dma_start3A_53] : memref<2x64xi32, #tpu.memory_space<vmem>> -> memref<1x64xi32, #tpu.memory_space<vmem>>
    %dma_start3A_55 = tpu.memref_squeeze %dma_start3A_54 : memref<1x64xi32, #tpu.memory_space<vmem>> -> memref<64xi32, #tpu.memory_space<vmem>>
    %dma_start3A_56 = arith.constant 0 : i32
    %dma_start3A_57 = arith.constant 0 : i32
    %dma_start3A_58 = tpu.memref_slice %arg5[%dma_start3A_56, %dma_start3A_57] : memref<12288x1024xf32, #tpu.memory_space<hbm>> -> memref<12288x1024xf32, #tpu.memory_space<hbm>>
    tpu.enqueue_indirect_dma source(%arg7 : memref<64x1024xf32, #tpu.memory_space<vmem>>) target(%dma_start3A_58 : memref<12288x1024xf32, #tpu.memory_space<hbm>>) offsets(%dma_start3A_55 : memref<64xi32, #tpu.memory_space<vmem>>) semaphore(%arg9 : memref<!tpu.dma_semaphore, #tpu.memory_space<semaphore_mem>>)
    %dma_wait3A_59 = arith.constant 1 : i32
    %dma_wait3A_60 = arith.constant 0 : i32
    %dma_wait3A_61 = tpu.memref_slice %arg6[%dma_wait3A_59, %dma_wait3A_60] : memref<2x64xi32, #tpu.memory_space<vmem>> -> memref<1x64xi32, #tpu.memory_space<vmem>>
    %dma_wait3A_62 = tpu.memref_squeeze %dma_wait3A_61 : memref<1x64xi32, #tpu.memory_space<vmem>> -> memref<64xi32, #tpu.memory_space<vmem>>
    %dma_wait3A_63 = arith.constant 0 : i32
    %dma_wait3A_64 = arith.constant 0 : i32
    %dma_wait3A_65 = tpu.memref_slice %arg5[%dma_wait3A_63, %dma_wait3A_64] : memref<12288x1024xf32, #tpu.memory_space<hbm>> -> memref<12288x1024xf32, #tpu.memory_space<hbm>>
    tpu.wait_indirect_dma semaphore(%arg9 : memref<!tpu.dma_semaphore, #tpu.memory_space<semaphore_mem>>) src(%arg7 : memref<64x1024xf32, #tpu.memory_space<vmem>>) dst(%dma_wait3A_65 : memref<12288x1024xf32, #tpu.memory_space<hbm>>)
    %mul3A_66 = arith.constant 256 : i32
    %mul3A_67 = arith.muli %add3A, %mul3A_66 : i32
    %add3A_68 = arith.constant 128 : i32
    %add3A_69 = arith.addi %mul3A_67, %add3A_68 : i32
    %run_scoped3A_70 = arith.constant 0 : i32
    "tpu.region"() ({
      %run_scoped3A_134 = tpu.sem_alloc : memref<!tpu.dma_semaphore, #tpu.memory_space<semaphore_mem>>
      %dma_start3A_135 = arith.constant 0 : i32
      %dma_start3A_136 = tpu.memref_slice %arg6[%run_scoped3A_70, %dma_start3A_135] : memref<2x64xi32, #tpu.memory_space<vmem>> -> memref<1x64xi32, #tpu.memory_space<vmem>>
      %dma_start3A_137 = tpu.memref_squeeze %dma_start3A_136 : memref<1x64xi32, #tpu.memory_space<vmem>> -> memref<64xi32, #tpu.memory_space<vmem>>
      %dma_start3A_138 = tpu.memref_slice %arg4[%add3A_69] : memref<8192xi32, #tpu.memory_space<hbm>> -> memref<64xi32, #tpu.memory_space<hbm>>
      %dma_start3A_139 = arith.constant 0 : i32
      %dma_start3A_140 = tpu.memref_slice %arg6[%run_scoped3A_70, %dma_start3A_139] : memref<2x64xi32, #tpu.memory_space<vmem>> -> memref<1x64xi32, #tpu.memory_space<vmem>>
      %dma_start3A_141 = tpu.memref_squeeze %dma_start3A_140 : memref<1x64xi32, #tpu.memory_space<vmem>> -> memref<64xi32, #tpu.memory_space<vmem>>
      %dma_start3A_142 = tpu.memref_slice %arg4[%add3A_69] : memref<8192xi32, #tpu.memory_space<hbm>> -> memref<64xi32, #tpu.memory_space<hbm>>
      tpu.enqueue_dma source(%dma_start3A_142 : memref<64xi32, #tpu.memory_space<hbm>>) target(%dma_start3A_141 : memref<64xi32, #tpu.memory_space<vmem>>) target_semaphore(%run_scoped3A_134 : memref<!tpu.dma_semaphore, #tpu.memory_space<semaphore_mem>>)
      %dma_wait3A_143 = arith.constant 0 : i32
      %dma_wait3A_144 = tpu.memref_slice %arg6[%run_scoped3A_70, %dma_wait3A_143] : memref<2x64xi32, #tpu.memory_space<vmem>> -> memref<1x64xi32, #tpu.memory_space<vmem>>
      %dma_wait3A_145 = tpu.memref_squeeze %dma_wait3A_144 : memref<1x64xi32, #tpu.memory_space<vmem>> -> memref<64xi32, #tpu.memory_space<vmem>>
      %dma_wait3A_146 = tpu.memref_slice %arg4[%add3A_69] : memref<8192xi32, #tpu.memory_space<hbm>> -> memref<64xi32, #tpu.memory_space<hbm>>
      %dma_wait3A_147 = arith.constant 0 : i32
      %dma_wait3A_148 = tpu.memref_slice %arg6[%run_scoped3A_70, %dma_wait3A_147] : memref<2x64xi32, #tpu.memory_space<vmem>> -> memref<1x64xi32, #tpu.memory_space<vmem>>
      %dma_wait3A_149 = tpu.memref_squeeze %dma_wait3A_148 : memref<1x64xi32, #tpu.memory_space<vmem>> -> memref<64xi32, #tpu.memory_space<vmem>>
      %dma_wait3A_150 = tpu.memref_slice %arg4[%add3A_69] : memref<8192xi32, #tpu.memory_space<hbm>> -> memref<64xi32, #tpu.memory_space<hbm>>
      tpu.wait_dma2 semaphore(%run_scoped3A_134 : memref<!tpu.dma_semaphore, #tpu.memory_space<semaphore_mem>>) src(%dma_wait3A_150 : memref<64xi32, #tpu.memory_space<hbm>>) dst(%dma_wait3A_149 : memref<64xi32, #tpu.memory_space<vmem>>)
      tpu.yield
    }) : () -> ()
    %run_scoped3A_71 = arith.constant 1 : i32
    "tpu.region"() ({
      %run_scoped3A_134 = tpu.sem_alloc : memref<!tpu.dma_semaphore, #tpu.memory_space<semaphore_mem>>
      %dma_start3A_135 = arith.constant 0 : i32
      %dma_start3A_136 = tpu.memref_slice %arg6[%run_scoped3A_71, %dma_start3A_135] : memref<2x64xi32, #tpu.memory_space<vmem>> -> memref<1x64xi32, #tpu.memory_space<vmem>>
      %dma_start3A_137 = tpu.memref_squeeze %dma_start3A_136 : memref<1x64xi32, #tpu.memory_space<vmem>> -> memref<64xi32, #tpu.memory_space<vmem>>
      %dma_start3A_138 = tpu.memref_slice %arg3[%add3A_69] : memref<8192xi32, #tpu.memory_space<hbm>> -> memref<64xi32, #tpu.memory_space<hbm>>
      %dma_start3A_139 = arith.constant 0 : i32
      %dma_start3A_140 = tpu.memref_slice %arg6[%run_scoped3A_71, %dma_start3A_139] : memref<2x64xi32, #tpu.memory_space<vmem>> -> memref<1x64xi32, #tpu.memory_space<vmem>>
      %dma_start3A_141 = tpu.memref_squeeze %dma_start3A_140 : memref<1x64xi32, #tpu.memory_space<vmem>> -> memref<64xi32, #tpu.memory_space<vmem>>
      %dma_start3A_142 = tpu.memref_slice %arg3[%add3A_69] : memref<8192xi32, #tpu.memory_space<hbm>> -> memref<64xi32, #tpu.memory_space<hbm>>
      tpu.enqueue_dma source(%dma_start3A_142 : memref<64xi32, #tpu.memory_space<hbm>>) target(%dma_start3A_141 : memref<64xi32, #tpu.memory_space<vmem>>) target_semaphore(%run_scoped3A_134 : memref<!tpu.dma_semaphore, #tpu.memory_space<semaphore_mem>>)
      %dma_wait3A_143 = arith.constant 0 : i32
      %dma_wait3A_144 = tpu.memref_slice %arg6[%run_scoped3A_71, %dma_wait3A_143] : memref<2x64xi32, #tpu.memory_space<vmem>> -> memref<1x64xi32, #tpu.memory_space<vmem>>
      %dma_wait3A_145 = tpu.memref_squeeze %dma_wait3A_144 : memref<1x64xi32, #tpu.memory_space<vmem>> -> memref<64xi32, #tpu.memory_space<vmem>>
      %dma_wait3A_146 = tpu.memref_slice %arg3[%add3A_69] : memref<8192xi32, #tpu.memory_space<hbm>> -> memref<64xi32, #tpu.memory_space<hbm>>
      %dma_wait3A_147 = arith.constant 0 : i32
      %dma_wait3A_148 = tpu.memref_slice %arg6[%run_scoped3A_71, %dma_wait3A_147] : memref<2x64xi32, #tpu.memory_space<vmem>> -> memref<1x64xi32, #tpu.memory_space<vmem>>
      %dma_wait3A_149 = tpu.memref_squeeze %dma_wait3A_148 : memref<1x64xi32, #tpu.memory_space<vmem>> -> memref<64xi32, #tpu.memory_space<vmem>>
      %dma_wait3A_150 = tpu.memref_slice %arg3[%add3A_69] : memref<8192xi32, #tpu.memory_space<hbm>> -> memref<64xi32, #tpu.memory_space<hbm>>
      tpu.wait_dma2 semaphore(%run_scoped3A_134 : memref<!tpu.dma_semaphore, #tpu.memory_space<semaphore_mem>>) src(%dma_wait3A_150 : memref<64xi32, #tpu.memory_space<hbm>>) dst(%dma_wait3A_149 : memref<64xi32, #tpu.memory_space<vmem>>)
      tpu.yield
    }) : () -> ()
    %dma_start3A_72 = arith.constant 0 : i32
    %dma_start3A_73 = arith.constant 0 : i32
    %dma_start3A_74 = tpu.memref_slice %arg6[%dma_start3A_72, %dma_start3A_73] : memref<2x64xi32, #tpu.memory_space<vmem>> -> memref<1x64xi32, #tpu.memory_space<vmem>>
    %dma_start3A_75 = tpu.memref_squeeze %dma_start3A_74 : memref<1x64xi32, #tpu.memory_space<vmem>> -> memref<64xi32, #tpu.memory_space<vmem>>
    %dma_start3A_76 = arith.constant 0 : i32
    %dma_start3A_77 = arith.constant 0 : i32
    %dma_start3A_78 = tpu.memref_slice %arg2[%dma_start3A_76, %dma_start3A_77] : memref<4096x1024xf32, #tpu.memory_space<hbm>> -> memref<4096x1024xf32, #tpu.memory_space<hbm>>
    tpu.enqueue_indirect_dma source(%dma_start3A_78 : memref<4096x1024xf32, #tpu.memory_space<hbm>>) target(%arg7 : memref<64x1024xf32, #tpu.memory_space<vmem>>) offsets(%dma_start3A_75 : memref<64xi32, #tpu.memory_space<vmem>>) semaphore(%arg8 : memref<!tpu.dma_semaphore, #tpu.memory_space<semaphore_mem>>)
    %dma_wait3A_79 = arith.constant 0 : i32
    %dma_wait3A_80 = arith.constant 0 : i32
    %dma_wait3A_81 = tpu.memref_slice %arg6[%dma_wait3A_79, %dma_wait3A_80] : memref<2x64xi32, #tpu.memory_space<vmem>> -> memref<1x64xi32, #tpu.memory_space<vmem>>
    %dma_wait3A_82 = tpu.memref_squeeze %dma_wait3A_81 : memref<1x64xi32, #tpu.memory_space<vmem>> -> memref<64xi32, #tpu.memory_space<vmem>>
    %dma_wait3A_83 = arith.constant 0 : i32
    %dma_wait3A_84 = arith.constant 0 : i32
    %dma_wait3A_85 = tpu.memref_slice %arg2[%dma_wait3A_83, %dma_wait3A_84] : memref<4096x1024xf32, #tpu.memory_space<hbm>> -> memref<4096x1024xf32, #tpu.memory_space<hbm>>
    tpu.wait_indirect_dma semaphore(%arg8 : memref<!tpu.dma_semaphore, #tpu.memory_space<semaphore_mem>>) src(%dma_wait3A_85 : memref<4096x1024xf32, #tpu.memory_space<hbm>>) dst(%arg7 : memref<64x1024xf32, #tpu.memory_space<vmem>>)
    %dma_start3A_86 = arith.constant 1 : i32
    %dma_start3A_87 = arith.constant 0 : i32
    %dma_start3A_88 = tpu.memref_slice %arg6[%dma_start3A_86, %dma_start3A_87] : memref<2x64xi32, #tpu.memory_space<vmem>> -> memref<1x64xi32, #tpu.memory_space<vmem>>
    %dma_start3A_89 = tpu.memref_squeeze %dma_start3A_88 : memref<1x64xi32, #tpu.memory_space<vmem>> -> memref<64xi32, #tpu.memory_space<vmem>>
    %dma_start3A_90 = arith.constant 0 : i32
    %dma_start3A_91 = arith.constant 0 : i32
    %dma_start3A_92 = tpu.memref_slice %arg5[%dma_start3A_90, %dma_start3A_91] : memref<12288x1024xf32, #tpu.memory_space<hbm>> -> memref<12288x1024xf32, #tpu.memory_space<hbm>>
    tpu.enqueue_indirect_dma source(%arg7 : memref<64x1024xf32, #tpu.memory_space<vmem>>) target(%dma_start3A_92 : memref<12288x1024xf32, #tpu.memory_space<hbm>>) offsets(%dma_start3A_89 : memref<64xi32, #tpu.memory_space<vmem>>) semaphore(%arg9 : memref<!tpu.dma_semaphore, #tpu.memory_space<semaphore_mem>>)
    %dma_wait3A_93 = arith.constant 1 : i32
    %dma_wait3A_94 = arith.constant 0 : i32
    %dma_wait3A_95 = tpu.memref_slice %arg6[%dma_wait3A_93, %dma_wait3A_94] : memref<2x64xi32, #tpu.memory_space<vmem>> -> memref<1x64xi32, #tpu.memory_space<vmem>>
    %dma_wait3A_96 = tpu.memref_squeeze %dma_wait3A_95 : memref<1x64xi32, #tpu.memory_space<vmem>> -> memref<64xi32, #tpu.memory_space<vmem>>
    %dma_wait3A_97 = arith.constant 0 : i32
    %dma_wait3A_98 = arith.constant 0 : i32
    %dma_wait3A_99 = tpu.memref_slice %arg5[%dma_wait3A_97, %dma_wait3A_98] : memref<12288x1024xf32, #tpu.memory_space<hbm>> -> memref<12288x1024xf32, #tpu.memory_space<hbm>>
    tpu.wait_indirect_dma semaphore(%arg9 : memref<!tpu.dma_semaphore, #tpu.memory_space<semaphore_mem>>) src(%arg7 : memref<64x1024xf32, #tpu.memory_space<vmem>>) dst(%dma_wait3A_99 : memref<12288x1024xf32, #tpu.memory_space<hbm>>)
    %mul3A_100 = arith.constant 256 : i32
    %mul3A_101 = arith.muli %add3A, %mul3A_100 : i32
    %add3A_102 = arith.constant 192 : i32
    %add3A_103 = arith.addi %mul3A_101, %add3A_102 : i32
    %run_scoped3A_104 = arith.constant 0 : i32
    "tpu.region"() ({
      %run_scoped3A_134 = tpu.sem_alloc : memref<!tpu.dma_semaphore, #tpu.memory_space<semaphore_mem>>
      %dma_start3A_135 = arith.constant 0 : i32
      %dma_start3A_136 = tpu.memref_slice %arg6[%run_scoped3A_104, %dma_start3A_135] : memref<2x64xi32, #tpu.memory_space<vmem>> -> memref<1x64xi32, #tpu.memory_space<vmem>>
      %dma_start3A_137 = tpu.memref_squeeze %dma_start3A_136 : memref<1x64xi32, #tpu.memory_space<vmem>> -> memref<64xi32, #tpu.memory_space<vmem>>
      %dma_start3A_138 = tpu.memref_slice %arg4[%add3A_103] : memref<8192xi32, #tpu.memory_space<hbm>> -> memref<64xi32, #tpu.memory_space<hbm>>
      %dma_start3A_139 = arith.constant 0 : i32
      %dma_start3A_140 = tpu.memref_slice %arg6[%run_scoped3A_104, %dma_start3A_139] : memref<2x64xi32, #tpu.memory_space<vmem>> -> memref<1x64xi32, #tpu.memory_space<vmem>>
      %dma_start3A_141 = tpu.memref_squeeze %dma_start3A_140 : memref<1x64xi32, #tpu.memory_space<vmem>> -> memref<64xi32, #tpu.memory_space<vmem>>
      %dma_start3A_142 = tpu.memref_slice %arg4[%add3A_103] : memref<8192xi32, #tpu.memory_space<hbm>> -> memref<64xi32, #tpu.memory_space<hbm>>
      tpu.enqueue_dma source(%dma_start3A_142 : memref<64xi32, #tpu.memory_space<hbm>>) target(%dma_start3A_141 : memref<64xi32, #tpu.memory_space<vmem>>) target_semaphore(%run_scoped3A_134 : memref<!tpu.dma_semaphore, #tpu.memory_space<semaphore_mem>>)
      %dma_wait3A_143 = arith.constant 0 : i32
      %dma_wait3A_144 = tpu.memref_slice %arg6[%run_scoped3A_104, %dma_wait3A_143] : memref<2x64xi32, #tpu.memory_space<vmem>> -> memref<1x64xi32, #tpu.memory_space<vmem>>
      %dma_wait3A_145 = tpu.memref_squeeze %dma_wait3A_144 : memref<1x64xi32, #tpu.memory_space<vmem>> -> memref<64xi32, #tpu.memory_space<vmem>>
      %dma_wait3A_146 = tpu.memref_slice %arg4[%add3A_103] : memref<8192xi32, #tpu.memory_space<hbm>> -> memref<64xi32, #tpu.memory_space<hbm>>
      %dma_wait3A_147 = arith.constant 0 : i32
      %dma_wait3A_148 = tpu.memref_slice %arg6[%run_scoped3A_104, %dma_wait3A_147] : memref<2x64xi32, #tpu.memory_space<vmem>> -> memref<1x64xi32, #tpu.memory_space<vmem>>
      %dma_wait3A_149 = tpu.memref_squeeze %dma_wait3A_148 : memref<1x64xi32, #tpu.memory_space<vmem>> -> memref<64xi32, #tpu.memory_space<vmem>>
      %dma_wait3A_150 = tpu.memref_slice %arg4[%add3A_103] : memref<8192xi32, #tpu.memory_space<hbm>> -> memref<64xi32, #tpu.memory_space<hbm>>
      tpu.wait_dma2 semaphore(%run_scoped3A_134 : memref<!tpu.dma_semaphore, #tpu.memory_space<semaphore_mem>>) src(%dma_wait3A_150 : memref<64xi32, #tpu.memory_space<hbm>>) dst(%dma_wait3A_149 : memref<64xi32, #tpu.memory_space<vmem>>)
      tpu.yield
    }) : () -> ()
    %run_scoped3A_105 = arith.constant 1 : i32
    "tpu.region"() ({
      %run_scoped3A_134 = tpu.sem_alloc : memref<!tpu.dma_semaphore, #tpu.memory_space<semaphore_mem>>
      %dma_start3A_135 = arith.constant 0 : i32
      %dma_start3A_136 = tpu.memref_slice %arg6[%run_scoped3A_105, %dma_start3A_135] : memref<2x64xi32, #tpu.memory_space<vmem>> -> memref<1x64xi32, #tpu.memory_space<vmem>>
      %dma_start3A_137 = tpu.memref_squeeze %dma_start3A_136 : memref<1x64xi32, #tpu.memory_space<vmem>> -> memref<64xi32, #tpu.memory_space<vmem>>
      %dma_start3A_138 = tpu.memref_slice %arg3[%add3A_103] : memref<8192xi32, #tpu.memory_space<hbm>> -> memref<64xi32, #tpu.memory_space<hbm>>
      %dma_start3A_139 = arith.constant 0 : i32
      %dma_start3A_140 = tpu.memref_slice %arg6[%run_scoped3A_105, %dma_start3A_139] : memref<2x64xi32, #tpu.memory_space<vmem>> -> memref<1x64xi32, #tpu.memory_space<vmem>>
      %dma_start3A_141 = tpu.memref_squeeze %dma_start3A_140 : memref<1x64xi32, #tpu.memory_space<vmem>> -> memref<64xi32, #tpu.memory_space<vmem>>
      %dma_start3A_142 = tpu.memref_slice %arg3[%add3A_103] : memref<8192xi32, #tpu.memory_space<hbm>> -> memref<64xi32, #tpu.memory_space<hbm>>
      tpu.enqueue_dma source(%dma_start3A_142 : memref<64xi32, #tpu.memory_space<hbm>>) target(%dma_start3A_141 : memref<64xi32, #tpu.memory_space<vmem>>) target_semaphore(%run_scoped3A_134 : memref<!tpu.dma_semaphore, #tpu.memory_space<semaphore_mem>>)
      %dma_wait3A_143 = arith.constant 0 : i32
      %dma_wait3A_144 = tpu.memref_slice %arg6[%run_scoped3A_105, %dma_wait3A_143] : memref<2x64xi32, #tpu.memory_space<vmem>> -> memref<1x64xi32, #tpu.memory_space<vmem>>
      %dma_wait3A_145 = tpu.memref_squeeze %dma_wait3A_144 : memref<1x64xi32, #tpu.memory_space<vmem>> -> memref<64xi32, #tpu.memory_space<vmem>>
      %dma_wait3A_146 = tpu.memref_slice %arg3[%add3A_103] : memref<8192xi32, #tpu.memory_space<hbm>> -> memref<64xi32, #tpu.memory_space<hbm>>
      %dma_wait3A_147 = arith.constant 0 : i32
      %dma_wait3A_148 = tpu.memref_slice %arg6[%run_scoped3A_105, %dma_wait3A_147] : memref<2x64xi32, #tpu.memory_space<vmem>> -> memref<1x64xi32, #tpu.memory_space<vmem>>
      %dma_wait3A_149 = tpu.memref_squeeze %dma_wait3A_148 : memref<1x64xi32, #tpu.memory_space<vmem>> -> memref<64xi32, #tpu.memory_space<vmem>>
      %dma_wait3A_150 = tpu.memref_slice %arg3[%add3A_103] : memref<8192xi32, #tpu.memory_space<hbm>> -> memref<64xi32, #tpu.memory_space<hbm>>
      tpu.wait_dma2 semaphore(%run_scoped3A_134 : memref<!tpu.dma_semaphore, #tpu.memory_space<semaphore_mem>>) src(%dma_wait3A_150 : memref<64xi32, #tpu.memory_space<hbm>>) dst(%dma_wait3A_149 : memref<64xi32, #tpu.memory_space<vmem>>)
      tpu.yield
    }) : () -> ()
    %dma_start3A_106 = arith.constant 0 : i32
    %dma_start3A_107 = arith.constant 0 : i32
    %dma_start3A_108 = tpu.memref_slice %arg6[%dma_start3A_106, %dma_start3A_107] : memref<2x64xi32, #tpu.memory_space<vmem>> -> memref<1x64xi32, #tpu.memory_space<vmem>>
    %dma_start3A_109 = tpu.memref_squeeze %dma_start3A_108 : memref<1x64xi32, #tpu.memory_space<vmem>> -> memref<64xi32, #tpu.memory_space<vmem>>
    %dma_start3A_110 = arith.constant 0 : i32
    %dma_start3A_111 = arith.constant 0 : i32
    %dma_start3A_112 = tpu.memref_slice %arg2[%dma_start3A_110, %dma_start3A_111] : memref<4096x1024xf32, #tpu.memory_space<hbm>> -> memref<4096x1024xf32, #tpu.memory_space<hbm>>
    tpu.enqueue_indirect_dma source(%dma_start3A_112 : memref<4096x1024xf32, #tpu.memory_space<hbm>>) target(%arg7 : memref<64x1024xf32, #tpu.memory_space<vmem>>) offsets(%dma_start3A_109 : memref<64xi32, #tpu.memory_space<vmem>>) semaphore(%arg8 : memref<!tpu.dma_semaphore, #tpu.memory_space<semaphore_mem>>)
    %dma_wait3A_113 = arith.constant 0 : i32
    %dma_wait3A_114 = arith.constant 0 : i32
    %dma_wait3A_115 = tpu.memref_slice %arg6[%dma_wait3A_113, %dma_wait3A_114] : memref<2x64xi32, #tpu.memory_space<vmem>> -> memref<1x64xi32, #tpu.memory_space<vmem>>
    %dma_wait3A_116 = tpu.memref_squeeze %dma_wait3A_115 : memref<1x64xi32, #tpu.memory_space<vmem>> -> memref<64xi32, #tpu.memory_space<vmem>>
    %dma_wait3A_117 = arith.constant 0 : i32
    %dma_wait3A_118 = arith.constant 0 : i32
    %dma_wait3A_119 = tpu.memref_slice %arg2[%dma_wait3A_117, %dma_wait3A_118] : memref<4096x1024xf32, #tpu.memory_space<hbm>> -> memref<4096x1024xf32, #tpu.memory_space<hbm>>
    tpu.wait_indirect_dma semaphore(%arg8 : memref<!tpu.dma_semaphore, #tpu.memory_space<semaphore_mem>>) src(%dma_wait3A_119 : memref<4096x1024xf32, #tpu.memory_space<hbm>>) dst(%arg7 : memref<64x1024xf32, #tpu.memory_space<vmem>>)
    %dma_start3A_120 = arith.constant 1 : i32
    %dma_start3A_121 = arith.constant 0 : i32
    %dma_start3A_122 = tpu.memref_slice %arg6[%dma_start3A_120, %dma_start3A_121] : memref<2x64xi32, #tpu.memory_space<vmem>> -> memref<1x64xi32, #tpu.memory_space<vmem>>
    %dma_start3A_123 = tpu.memref_squeeze %dma_start3A_122 : memref<1x64xi32, #tpu.memory_space<vmem>> -> memref<64xi32, #tpu.memory_space<vmem>>
    %dma_start3A_124 = arith.constant 0 : i32
    %dma_start3A_125 = arith.constant 0 : i32
    %dma_start3A_126 = tpu.memref_slice %arg5[%dma_start3A_124, %dma_start3A_125] : memref<12288x1024xf32, #tpu.memory_space<hbm>> -> memref<12288x1024xf32, #tpu.memory_space<hbm>>
    tpu.enqueue_indirect_dma source(%arg7 : memref<64x1024xf32, #tpu.memory_space<vmem>>) target(%dma_start3A_126 : memref<12288x1024xf32, #tpu.memory_space<hbm>>) offsets(%dma_start3A_123 : memref<64xi32, #tpu.memory_space<vmem>>) semaphore(%arg9 : memref<!tpu.dma_semaphore, #tpu.memory_space<semaphore_mem>>)
    %dma_wait3A_127 = arith.constant 1 : i32
    %dma_wait3A_128 = arith.constant 0 : i32
    %dma_wait3A_129 = tpu.memref_slice %arg6[%dma_wait3A_127, %dma_wait3A_128] : memref<2x64xi32, #tpu.memory_space<vmem>> -> memref<1x64xi32, #tpu.memory_space<vmem>>
    %dma_wait3A_130 = tpu.memref_squeeze %dma_wait3A_129 : memref<1x64xi32, #tpu.memory_space<vmem>> -> memref<64xi32, #tpu.memory_space<vmem>>
    %dma_wait3A_131 = arith.constant 0 : i32
    %dma_wait3A_132 = arith.constant 0 : i32
    %dma_wait3A_133 = tpu.memref_slice %arg5[%dma_wait3A_131, %dma_wait3A_132] : memref<12288x1024xf32, #tpu.memory_space<hbm>> -> memref<12288x1024xf32, #tpu.memory_space<hbm>>
    tpu.wait_indirect_dma semaphore(%arg9 : memref<!tpu.dma_semaphore, #tpu.memory_space<semaphore_mem>>) src(%arg7 : memref<64x1024xf32, #tpu.memory_space<vmem>>) dst(%dma_wait3A_133 : memref<12288x1024xf32, #tpu.memory_space<hbm>>)
    return
  }
}

module attributes {stable_mosaic.version = 14 : i64} {
  func.func @_mlp_tile_kernel(%arg0: i32, %arg1: memref<8xi32, #tpu.memory_space<smem>>, %arg2: memref<8xi32, #tpu.memory_space<smem>>, %arg3: memref<512x1024xf32, #tpu.memory_space<vmem>>, %arg4: memref<1x1024x2048xf32, #tpu.memory_space<vmem>>, %arg5: memref<1x1024x2048xf32, #tpu.memory_space<vmem>>, %arg6: memref<1x2048x1024xf32, #tpu.memory_space<vmem>>, %arg7: memref<512x1024xf32, #tpu.memory_space<vmem>>) attributes {dimension_semantics = [#tpu.dimension_semantics<arbitrary>], iteration_bounds = array<i64: 8>, scalar_prefetch = 2 : i64, scratch_operands = 0 : i64, tpu.core_type = #tpu.core_type<tc>, window_params = [{transform_indices = @transform_0, window_bounds = array<i64: 512, 1024>}, {transform_indices = @transform_1, window_bounds = array<i64: 1, 1024, 2048>}, {transform_indices = @transform_2, window_bounds = array<i64: 1, 1024, 2048>}, {transform_indices = @transform_3, window_bounds = array<i64: 1, 2048, 1024>}, {transform_indices = @transform_4, window_bounds = array<i64: 512, 1024>}]} {
    %get3A = arith.index_cast %arg0 : i32 to index
    %get3A_0 = memref.load %arg2[%get3A] : memref<8xi32, #tpu.memory_space<smem>>
    %eq3A = arith.constant 1 : i32
    %eq3A_1 = arith.cmpi eq, %get3A_0, %eq3A : i32
    %convert_element_type3A = arith.extui %eq3A_1 : i1 to i32
    %cond3A = arith.constant 0 : i32
    %cond3A_2 = arith.cmpi ne, %convert_element_type3A, %cond3A : i32
    scf.if %cond3A_2 {
      %get3A_3 = arith.constant 0 : index
      %get3A_4 = arith.constant 0 : index
      %get3A_5 = vector.load %arg3[%get3A_3, %get3A_4] : memref<512x1024xf32, #tpu.memory_space<vmem>>, vector<512x1024xf32>
      %convert_element_type3A_6 = arith.truncf %get3A_5 : vector<512x1024xf32> to vector<512x1024xbf16>
      %get3A_7 = arith.constant 0 : index
      %get3A_8 = arith.constant 0 : index
      %get3A_9 = arith.constant 0 : index
      %get3A_10 = vector.load %arg4[%get3A_7, %get3A_8, %get3A_9] : memref<1x1024x2048xf32, #tpu.memory_space<vmem>>, vector<1x1024x2048xf32>
      %get3A_11 = vector.shape_cast %get3A_10 : vector<1x1024x2048xf32> to vector<1024x2048xf32>
      %convert_element_type3A_12 = arith.truncf %get3A_11 : vector<1024x2048xf32> to vector<1024x2048xbf16>
      %get3A_13 = arith.constant 0 : index
      %get3A_14 = arith.constant 0 : index
      %get3A_15 = arith.constant 0 : index
      %get3A_16 = vector.load %arg5[%get3A_13, %get3A_14, %get3A_15] : memref<1x1024x2048xf32, #tpu.memory_space<vmem>>, vector<1x1024x2048xf32>
      %get3A_17 = vector.shape_cast %get3A_16 : vector<1x1024x2048xf32> to vector<1024x2048xf32>
      %convert_element_type3A_18 = arith.truncf %get3A_17 : vector<1024x2048xf32> to vector<1024x2048xbf16>
      %get3A_19 = arith.constant 0 : index
      %get3A_20 = arith.constant 0 : index
      %get3A_21 = arith.constant 0 : index
      %get3A_22 = vector.load %arg6[%get3A_19, %get3A_20, %get3A_21] : memref<1x2048x1024xf32, #tpu.memory_space<vmem>>, vector<1x2048x1024xf32>
      %get3A_23 = vector.shape_cast %get3A_22 : vector<1x2048x1024xf32> to vector<2048x1024xf32>
      %convert_element_type3A_24 = arith.truncf %get3A_23 : vector<2048x1024xf32> to vector<2048x1024xbf16>
      %dot_general3A = arith.constant dense<0.000000e+00> : vector<512x2048xf32>
      %dot_general3A_25 = tpu.matmul %convert_element_type3A_6, %convert_element_type3A_12, %dot_general3A {dimension_numbers = #tpu.dot_dimension_numbers<[1], [0], [0], [1], [0, 0, 1, 1], [], []>, transpose_lhs_hint = false} : vector<512x1024xbf16>, vector<1024x2048xbf16>, vector<512x2048xf32> -> vector<512x2048xf32>
      %dot_general3A_26 = arith.constant dense<0.000000e+00> : vector<512x2048xf32>
      %dot_general3A_27 = tpu.matmul %convert_element_type3A_6, %convert_element_type3A_18, %dot_general3A_26 {dimension_numbers = #tpu.dot_dimension_numbers<[1], [0], [0], [1], [0, 0, 1, 1], [], []>, transpose_lhs_hint = false} : vector<512x1024xbf16>, vector<1024x2048xbf16>, vector<512x2048xf32> -> vector<512x2048xf32>
      %logistic3A = arith.negf %dot_general3A_25 : vector<512x2048xf32>
      %logistic3A_28 = math.exp %logistic3A : vector<512x2048xf32>
      %logistic3A_29 = arith.constant 1.000000e+00 : f32
      %logistic3A_30 = vector.broadcast %logistic3A_29 : f32 to vector<512x2048xf32>
      %logistic3A_31 = arith.addf %logistic3A_30, %logistic3A_28 : vector<512x2048xf32>
      %logistic3A_32 = arith.divf %logistic3A_30, %logistic3A_31 : vector<512x2048xf32>
      %mul3A = arith.mulf %dot_general3A_25, %logistic3A_32 : vector<512x2048xf32>
      %mul3A_33 = arith.mulf %mul3A, %dot_general3A_27 : vector<512x2048xf32>
      %convert_element_type3A_34 = arith.truncf %mul3A_33 : vector<512x2048xf32> to vector<512x2048xbf16>
      %dot_general3A_35 = arith.constant dense<0.000000e+00> : vector<512x1024xf32>
      %dot_general3A_36 = tpu.matmul %convert_element_type3A_34, %convert_element_type3A_24, %dot_general3A_35 {dimension_numbers = #tpu.dot_dimension_numbers<[1], [0], [0], [1], [0, 0, 1, 1], [], []>, transpose_lhs_hint = false} : vector<512x2048xbf16>, vector<2048x1024xbf16>, vector<512x1024xf32> -> vector<512x1024xf32>
      %swap3A = arith.constant 0 : index
      %swap3A_37 = arith.constant 0 : index
      %swap3A_38 = vector.load %arg7[%swap3A, %swap3A_37] : memref<512x1024xf32, #tpu.memory_space<vmem>>, vector<512x1024xf32>
      tpu.vector_store %arg7[%swap3A, %swap3A_37], %dot_general3A_36 {strides = array<i32>} : memref<512x1024xf32, #tpu.memory_space<vmem>>, vector<512x1024xf32>,
    } else {
    }
    return
  }
  func.func @transform_0(%arg0: i32, %arg1: memref<8xi32, #tpu.memory_space<smem>>, %arg2: memref<8xi32, #tpu.memory_space<smem>>) -> (i32, i32) {
    %c0_i32 = arith.constant 0 : i32
    %c0_i32_0 = arith.constant 0 : i32
    return %arg0, %c0_i32 : i32, i32
  }
  func.func @transform_1(%arg0: i32, %arg1: memref<8xi32, #tpu.memory_space<smem>>, %arg2: memref<8xi32, #tpu.memory_space<smem>>) -> (i32, i32, i32) {
    %get3A = arith.index_cast %arg0 : i32 to index
    %get3A_0 = memref.load %arg1[%get3A] : memref<8xi32, #tpu.memory_space<smem>>
    %c0_i32 = arith.constant 0 : i32
    %c0_i32_1 = arith.constant 0 : i32
    %c0_i32_2 = arith.constant 0 : i32
    return %get3A_0, %c0_i32, %c0_i32_1 : i32, i32, i32
  }
  func.func @transform_2(%arg0: i32, %arg1: memref<8xi32, #tpu.memory_space<smem>>, %arg2: memref<8xi32, #tpu.memory_space<smem>>) -> (i32, i32, i32) {
    %get3A = arith.index_cast %arg0 : i32 to index
    %get3A_0 = memref.load %arg1[%get3A] : memref<8xi32, #tpu.memory_space<smem>>
    %c0_i32 = arith.constant 0 : i32
    %c0_i32_1 = arith.constant 0 : i32
    %c0_i32_2 = arith.constant 0 : i32
    return %get3A_0, %c0_i32, %c0_i32_1 : i32, i32, i32
  }
  func.func @transform_3(%arg0: i32, %arg1: memref<8xi32, #tpu.memory_space<smem>>, %arg2: memref<8xi32, #tpu.memory_space<smem>>) -> (i32, i32, i32) {
    %get3A = arith.index_cast %arg0 : i32 to index
    %get3A_0 = memref.load %arg1[%get3A] : memref<8xi32, #tpu.memory_space<smem>>
    %c0_i32 = arith.constant 0 : i32
    %c0_i32_1 = arith.constant 0 : i32
    %c0_i32_2 = arith.constant 0 : i32
    return %get3A_0, %c0_i32, %c0_i32_1 : i32, i32, i32
  }
  func.func @transform_4(%arg0: i32, %arg1: memref<8xi32, #tpu.memory_space<smem>>, %arg2: memref<8xi32, #tpu.memory_space<smem>>) -> (i32, i32) {
    %c0_i32 = arith.constant 0 : i32
    %c0_i32_0 = arith.constant 0 : i32
    return %arg0, %c0_i32 : i32, i32
  }
}

module attributes {stable_mosaic.version = 14 : i64} {
  func.func @_gate_kernel(%arg0: memref<4096x1024xf32, #tpu.memory_space<vmem>>, %arg1: memref<1024x8xf32, #tpu.memory_space<vmem>>, %arg2: memref<4096x8xf32, #tpu.memory_space<vmem>>, %arg3: memref<24x8xf32, #tpu.memory_space<vmem>>) attributes {dimension_semantics = [], scalar_prefetch = 0 : i64, scratch_operands = 0 : i64, tpu.core_type = #tpu.core_type<tc>} {
    %get3A = arith.constant 0 : index
    %get3A_0 = arith.constant 0 : index
    %get3A_1 = vector.load %arg0[%get3A, %get3A_0] : memref<4096x1024xf32, #tpu.memory_space<vmem>>, vector<4096x1024xf32>
    %get3A_2 = arith.constant 0 : index
    %get3A_3 = arith.constant 0 : index
    %get3A_4 = vector.load %arg1[%get3A_2, %get3A_3] : memref<1024x8xf32, #tpu.memory_space<vmem>>, vector<1024x8xf32>
    %dot_general3A = arith.constant dense<0.000000e+00> : vector<4096x8xf32>
    %dot_general3A_5 = tpu.matmul %get3A_1, %get3A_4, %dot_general3A {dimension_numbers = #tpu.dot_dimension_numbers<[1], [0], [0], [1], [0, 0, 1, 1], [], []>, transpose_lhs_hint = false} : vector<4096x1024xf32>, vector<1024x8xf32>, vector<4096x8xf32> -> vector<4096x8xf32>
    %reduce_max3A = arith.constant dense<0xFF800000> : vector<4096xf32>
    %reduce_max3A_6 = vector.multi_reduction <maximumf>, %dot_general3A_5, %reduce_max3A [1] : vector<4096x8xf32> to vector<4096xf32>
    %broadcast_in_dim3A = vector.shape_cast %reduce_max3A_6 : vector<4096xf32> to vector<4096x1xf32>
    %sub3A = vector.broadcast %broadcast_in_dim3A : vector<4096x1xf32> to vector<4096x8xf32>
    %sub3A_7 = arith.subf %dot_general3A_5, %sub3A : vector<4096x8xf32>
    %exp3A = math.exp %sub3A_7 : vector<4096x8xf32>
    %reduce_sum3A = arith.constant dense<0.000000e+00> : vector<4096xf32>
    %reduce_sum3A_8 = vector.multi_reduction <add>, %exp3A, %reduce_sum3A [1] : vector<4096x8xf32> to vector<4096xf32>
    %broadcast_in_dim3A_9 = vector.shape_cast %reduce_sum3A_8 : vector<4096xf32> to vector<4096x1xf32>
    %div3A = vector.broadcast %broadcast_in_dim3A_9 : vector<4096x1xf32> to vector<4096x8xf32>
    %div3A_10 = arith.divf %exp3A, %div3A : vector<4096x8xf32>
    %iota3A = tpu.iota {dimensions = array<i32: 1>} : vector<4096x8xi32>
    %reduce_max3A_11 = arith.constant dense<0xFF800000> : vector<4096xf32>
    %reduce_max3A_12 = vector.multi_reduction <maximumf>, %div3A_10, %reduce_max3A_11 [1] : vector<4096x8xf32> to vector<4096xf32>
    %broadcast_in_dim3A_13 = vector.shape_cast %reduce_max3A_12 : vector<4096xf32> to vector<4096x1xf32>
    %eq3A = vector.broadcast %broadcast_in_dim3A_13 : vector<4096x1xf32> to vector<4096x8xf32>
    %eq3A_14 = arith.cmpf oeq, %div3A_10, %eq3A : vector<4096x8xf32>
    %jit3A = arith.constant 8 : i32
    %broadcast_in_dim3A_15 = vector.broadcast %jit3A : i32 to vector<4096x8xi32>
    %select_n3A = arith.select %eq3A_14, %iota3A, %broadcast_in_dim3A_15 : vector<4096x8xi1>, vector<4096x8xi32>
    %reduce_min3A = arith.constant dense<2147483647> : vector<4096xi32>
    %reduce_min3A_16 = vector.multi_reduction <minsi>, %select_n3A, %reduce_min3A [1] : vector<4096x8xi32> to vector<4096xi32>
    %broadcast_in_dim3A_17 = vector.shape_cast %reduce_min3A_16 : vector<4096xi32> to vector<4096x1xi32>
    %eq3A_18 = vector.broadcast %broadcast_in_dim3A_17 : vector<4096x1xi32> to vector<4096x8xi32>
    %eq3A_19 = arith.cmpi eq, %iota3A, %eq3A_18 : vector<4096x8xi32>
    %jit3A_20 = arith.constant -1.000000e+00 : f32
    %broadcast_in_dim3A_21 = vector.broadcast %jit3A_20 : f32 to vector<4096x8xf32>
    %select_n3A_22 = arith.select %eq3A_19, %broadcast_in_dim3A_21, %div3A_10 : vector<4096x8xi1>, vector<4096x8xf32>
    %reduce_max3A_23 = arith.constant dense<0xFF800000> : vector<4096xf32>
    %reduce_max3A_24 = vector.multi_reduction <maximumf>, %select_n3A_22, %reduce_max3A_23 [1] : vector<4096x8xf32> to vector<4096xf32>
    %broadcast_in_dim3A_25 = vector.shape_cast %reduce_max3A_24 : vector<4096xf32> to vector<4096x1xf32>
    %eq3A_26 = vector.broadcast %broadcast_in_dim3A_25 : vector<4096x1xf32> to vector<4096x8xf32>
    %eq3A_27 = arith.cmpf oeq, %select_n3A_22, %eq3A_26 : vector<4096x8xf32>
    %jit3A_28 = arith.constant 8 : i32
    %broadcast_in_dim3A_29 = vector.broadcast %jit3A_28 : i32 to vector<4096x8xi32>
    %select_n3A_30 = arith.select %eq3A_27, %iota3A, %broadcast_in_dim3A_29 : vector<4096x8xi1>, vector<4096x8xi32>
    %reduce_min3A_31 = arith.constant dense<2147483647> : vector<4096xi32>
    %reduce_min3A_32 = vector.multi_reduction <minsi>, %select_n3A_30, %reduce_min3A_31 [1] : vector<4096x8xi32> to vector<4096xi32>
    %broadcast_in_dim3A_33 = vector.shape_cast %reduce_min3A_32 : vector<4096xi32> to vector<4096x1xi32>
    %eq3A_34 = vector.broadcast %broadcast_in_dim3A_33 : vector<4096x1xi32> to vector<4096x8xi32>
    %eq3A_35 = arith.cmpi eq, %iota3A, %eq3A_34 : vector<4096x8xi32>
    %add3A = arith.addf %broadcast_in_dim3A_13, %broadcast_in_dim3A_25 : vector<4096x1xf32>
    %div3A_36 = arith.divf %broadcast_in_dim3A_13, %add3A : vector<4096x1xf32>
    %div3A_37 = arith.divf %broadcast_in_dim3A_25, %add3A : vector<4096x1xf32>
    %or3A = arith.ori %eq3A_19, %eq3A_35 : vector<4096x8xi1>
    %convert_element_type3A = arith.extui %or3A : vector<4096x8xi1> to vector<4096x8xi32>
    %convert_element_type3A_38 = arith.sitofp %convert_element_type3A : vector<4096x8xi32> to vector<4096x8xf32>
    %iota3A_39 = tpu.iota {dimensions = array<i32: 0>} : vector<32x4096xi32>
    %iota3A_40 = tpu.iota {dimensions = array<i32: 1>} : vector<32x4096xi32>
    %jit3A_41 = arith.constant 128 : i32
    %div3A_42 = vector.broadcast %jit3A_41 : i32 to vector<32x4096xi32>
    %div3A_43 = arith.divsi %iota3A_40, %div3A_42 : vector<32x4096xi32>
    %sign3A = arith.constant 0 : i32
    %sign3A_44 = vector.broadcast %sign3A : i32 to vector<32x4096xi32>
    %sign3A_45 = arith.cmpi sgt, %iota3A_40, %sign3A_44 : vector<32x4096xi32>
    %sign3A_46 = arith.extui %sign3A_45 : vector<32x4096xi1> to vector<32x4096xi32>
    %sign3A_47 = arith.constant 0 : i32
    %sign3A_48 = vector.broadcast %sign3A_47 : i32 to vector<32x4096xi32>
    %sign3A_49 = arith.cmpi slt, %iota3A_40, %sign3A_48 : vector<32x4096xi32>
    %sign3A_50 = arith.extui %sign3A_49 : vector<32x4096xi1> to vector<32x4096xi32>
    %sign3A_51 = arith.subi %sign3A_46, %sign3A_50 : vector<32x4096xi32>
    %sign3A_52 = arith.constant 0 : i32
    %sign3A_53 = arith.cmpi sgt, %jit3A_41, %sign3A_52 : i32
    %sign3A_54 = arith.extui %sign3A_53 : i1 to i32
    %sign3A_55 = arith.constant 0 : i32
    %sign3A_56 = arith.cmpi slt, %jit3A_41, %sign3A_55 : i32
    %sign3A_57 = arith.extui %sign3A_56 : i1 to i32
    %sign3A_58 = arith.subi %sign3A_54, %sign3A_57 : i32
    %ne3A = vector.broadcast %sign3A_58 : i32 to vector<32x4096xi32>
    %ne3A_59 = arith.cmpi ne, %sign3A_51, %ne3A : vector<32x4096xi32>
    %rem3A = vector.broadcast %jit3A_41 : i32 to vector<32x4096xi32>
    %rem3A_60 = arith.remsi %iota3A_40, %rem3A : vector<32x4096xi32>
    %ne3A_61 = arith.constant 0 : i32
    %ne3A_62 = vector.broadcast %ne3A_61 : i32 to vector<32x4096xi32>
    %ne3A_63 = arith.cmpi ne, %rem3A_60, %ne3A_62 : vector<32x4096xi32>
    %and3A = arith.andi %ne3A_59, %ne3A_63 : vector<32x4096xi1>
    %sub3A_64 = arith.constant 1 : i32
    %sub3A_65 = vector.broadcast %sub3A_64 : i32 to vector<32x4096xi32>
    %sub3A_66 = arith.subi %div3A_43, %sub3A_65 : vector<32x4096xi32>
    %select_n3A_67 = arith.select %and3A, %sub3A_66, %div3A_43 : vector<32x4096xi1>, vector<32x4096xi32>
    %eq3A_68 = arith.cmpi eq, %select_n3A_67, %iota3A_39 : vector<32x4096xi32>
    %convert_element_type3A_69 = arith.extui %eq3A_68 : vector<32x4096xi1> to vector<32x4096xi32>
    %convert_element_type3A_70 = arith.sitofp %convert_element_type3A_69 : vector<32x4096xi32> to vector<32x4096xf32>
    %iota3A_71 = tpu.iota {dimensions = array<i32: 1>} : vector<4096x32xi32>
    %iota3A_72 = tpu.iota {dimensions = array<i32: 0>} : vector<4096x32xi32>
    %jit3A_73 = arith.constant 128 : i32
    %div3A_74 = vector.broadcast %jit3A_73 : i32 to vector<4096x32xi32>
    %div3A_75 = arith.divsi %iota3A_72, %div3A_74 : vector<4096x32xi32>
    %sign3A_76 = arith.constant 0 : i32
    %sign3A_77 = vector.broadcast %sign3A_76 : i32 to vector<4096x32xi32>
    %sign3A_78 = arith.cmpi sgt, %iota3A_72, %sign3A_77 : vector<4096x32xi32>
    %sign3A_79 = arith.extui %sign3A_78 : vector<4096x32xi1> to vector<4096x32xi32>
    %sign3A_80 = arith.constant 0 : i32
    %sign3A_81 = vector.broadcast %sign3A_80 : i32 to vector<4096x32xi32>
    %sign3A_82 = arith.cmpi slt, %iota3A_72, %sign3A_81 : vector<4096x32xi32>
    %sign3A_83 = arith.extui %sign3A_82 : vector<4096x32xi1> to vector<4096x32xi32>
    %sign3A_84 = arith.subi %sign3A_79, %sign3A_83 : vector<4096x32xi32>
    %sign3A_85 = arith.constant 0 : i32
    %sign3A_86 = arith.cmpi sgt, %jit3A_73, %sign3A_85 : i32
    %sign3A_87 = arith.extui %sign3A_86 : i1 to i32
    %sign3A_88 = arith.constant 0 : i32
    %sign3A_89 = arith.cmpi slt, %jit3A_73, %sign3A_88 : i32
    %sign3A_90 = arith.extui %sign3A_89 : i1 to i32
    %sign3A_91 = arith.subi %sign3A_87, %sign3A_90 : i32
    %ne3A_92 = vector.broadcast %sign3A_91 : i32 to vector<4096x32xi32>
    %ne3A_93 = arith.cmpi ne, %sign3A_84, %ne3A_92 : vector<4096x32xi32>
    %rem3A_94 = vector.broadcast %jit3A_73 : i32 to vector<4096x32xi32>
    %rem3A_95 = arith.remsi %iota3A_72, %rem3A_94 : vector<4096x32xi32>
    %ne3A_96 = arith.constant 0 : i32
    %ne3A_97 = vector.broadcast %ne3A_96 : i32 to vector<4096x32xi32>
    %ne3A_98 = arith.cmpi ne, %rem3A_95, %ne3A_97 : vector<4096x32xi32>
    %and3A_99 = arith.andi %ne3A_93, %ne3A_98 : vector<4096x32xi1>
    %sub3A_100 = arith.constant 1 : i32
    %sub3A_101 = vector.broadcast %sub3A_100 : i32 to vector<4096x32xi32>
    %sub3A_102 = arith.subi %div3A_75, %sub3A_101 : vector<4096x32xi32>
    %select_n3A_103 = arith.select %and3A_99, %sub3A_102, %div3A_75 : vector<4096x32xi1>, vector<4096x32xi32>
    %eq3A_104 = arith.cmpi eq, %select_n3A_103, %iota3A_71 : vector<4096x32xi32>
    %convert_element_type3A_105 = arith.extui %eq3A_104 : vector<4096x32xi1> to vector<4096x32xi32>
    %convert_element_type3A_106 = arith.sitofp %convert_element_type3A_105 : vector<4096x32xi32> to vector<4096x32xf32>
    %iota3A_107 = tpu.iota {dimensions = array<i32: 0>} : vector<32x32xi32>
    %iota3A_108 = tpu.iota {dimensions = array<i32: 1>} : vector<32x32xi32>
    %lt3A = arith.cmpi slt, %iota3A_108, %iota3A_107 : vector<32x32xi32>
    %convert_element_type3A_109 = arith.extui %lt3A : vector<32x32xi1> to vector<32x32xi32>
    %convert_element_type3A_110 = arith.sitofp %convert_element_type3A_109 : vector<32x32xi32> to vector<32x32xf32>
    %iota3A_111 = tpu.iota {dimensions = array<i32: 0>} : vector<128x128xi32>
    %iota3A_112 = tpu.iota {dimensions = array<i32: 1>} : vector<128x128xi32>
    %lt3A_113 = arith.cmpi slt, %iota3A_112, %iota3A_111 : vector<128x128xi32>
    %convert_element_type3A_114 = arith.extui %lt3A_113 : vector<128x128xi1> to vector<128x128xi32>
    %convert_element_type3A_115 = arith.sitofp %convert_element_type3A_114 : vector<128x128xi32> to vector<128x128xf32>
    %dot_general3A_116 = arith.constant dense<0.000000e+00> : vector<32x8xf32>
    %dot_general3A_117 = tpu.matmul %convert_element_type3A_70, %convert_element_type3A_38, %dot_general3A_116 {dimension_numbers = #tpu.dot_dimension_numbers<[1], [0], [0], [1], [0, 0, 1, 1], [], []>, precision = #tpu.contract_precision<fp32>, transpose_lhs_hint = false} : vector<32x4096xf32>, vector<4096x8xf32>, vector<32x8xf32> -> vector<32x8xf32>
    %dot_general3A_118 = arith.constant dense<0.000000e+00> : vector<32x8xf32>
    %dot_general3A_119 = tpu.matmul %convert_element_type3A_110, %dot_general3A_117, %dot_general3A_118 {dimension_numbers = #tpu.dot_dimension_numbers<[1], [0], [0], [1], [0, 0, 1, 1], [], []>, precision = #tpu.contract_precision<fp32>, transpose_lhs_hint = false} : vector<32x32xf32>, vector<32x8xf32>, vector<32x8xf32> -> vector<32x8xf32>
    %dot_general3A_120 = arith.constant dense<0.000000e+00> : vector<4096x8xf32>
    %dot_general3A_121 = tpu.matmul %convert_element_type3A_106, %dot_general3A_119, %dot_general3A_120 {dimension_numbers = #tpu.dot_dimension_numbers<[1], [0], [0], [1], [0, 0, 1, 1], [], []>, precision = #tpu.contract_precision<fp32>, transpose_lhs_hint = false} : vector<4096x32xf32>, vector<32x8xf32>, vector<4096x8xf32> -> vector<4096x8xf32>
    %slice3A = vector.extract_strided_slice %convert_element_type3A_38 {offsets = [0, 0], sizes = [128, 8], strides = [1, 1]} : vector<4096x8xf32> to vector<128x8xf32>
    %dot_general3A_122 = arith.constant dense<0.000000e+00> : vector<128x8xf32>
    %dot_general3A_123 = tpu.matmul %convert_element_type3A_115, %slice3A, %dot_general3A_122 {dimension_numbers = #tpu.dot_dimension_numbers<[1], [0], [0], [1], [0, 0, 1, 1], [], []>, precision = #tpu.contract_precision<fp32>, transpose_lhs_hint = false} : vector<128x128xf32>, vector<128x8xf32>, vector<128x8xf32> -> vector<128x8xf32>
    %slice3A_124 = vector.extract_strided_slice %convert_element_type3A_38 {offsets = [128, 0], sizes = [128, 8], strides = [1, 1]} : vector<4096x8xf32> to vector<128x8xf32>
    %dot_general3A_125 = arith.constant dense<0.000000e+00> : vector<128x8xf32>
    %dot_general3A_126 = tpu.matmul %convert_element_type3A_115, %slice3A_124, %dot_general3A_125 {dimension_numbers = #tpu.dot_dimension_numbers<[1], [0], [0], [1], [0, 0, 1, 1], [], []>, precision = #tpu.contract_precision<fp32>, transpose_lhs_hint = false} : vector<128x128xf32>, vector<128x8xf32>, vector<128x8xf32> -> vector<128x8xf32>
    %slice3A_127 = vector.extract_strided_slice %convert_element_type3A_38 {offsets = [256, 0], sizes = [128, 8], strides = [1, 1]} : vector<4096x8xf32> to vector<128x8xf32>
    %dot_general3A_128 = arith.constant dense<0.000000e+00> : vector<128x8xf32>
    %dot_general3A_129 = tpu.matmul %convert_element_type3A_115, %slice3A_127, %dot_general3A_128 {dimension_numbers = #tpu.dot_dimension_numbers<[1], [0], [0], [1], [0, 0, 1, 1], [], []>, precision = #tpu.contract_precision<fp32>, transpose_lhs_hint = false} : vector<128x128xf32>, vector<128x8xf32>, vector<128x8xf32> -> vector<128x8xf32>
    %slice3A_130 = vector.extract_strided_slice %convert_element_type3A_38 {offsets = [384, 0], sizes = [128, 8], strides = [1, 1]} : vector<4096x8xf32> to vector<128x8xf32>
    %dot_general3A_131 = arith.constant dense<0.000000e+00> : vector<128x8xf32>
    %dot_general3A_132 = tpu.matmul %convert_element_type3A_115, %slice3A_130, %dot_general3A_131 {dimension_numbers = #tpu.dot_dimension_numbers<[1], [0], [0], [1], [0, 0, 1, 1], [], []>, precision = #tpu.contract_precision<fp32>, transpose_lhs_hint = false} : vector<128x128xf32>, vector<128x8xf32>, vector<128x8xf32> -> vector<128x8xf32>
    %slice3A_133 = vector.extract_strided_slice %convert_element_type3A_38 {offsets = [512, 0], sizes = [128, 8], strides = [1, 1]} : vector<4096x8xf32> to vector<128x8xf32>
    %dot_general3A_134 = arith.constant dense<0.000000e+00> : vector<128x8xf32>
    %dot_general3A_135 = tpu.matmul %convert_element_type3A_115, %slice3A_133, %dot_general3A_134 {dimension_numbers = #tpu.dot_dimension_numbers<[1], [0], [0], [1], [0, 0, 1, 1], [], []>, precision = #tpu.contract_precision<fp32>, transpose_lhs_hint = false} : vector<128x128xf32>, vector<128x8xf32>, vector<128x8xf32> -> vector<128x8xf32>
    %slice3A_136 = vector.extract_strided_slice %convert_element_type3A_38 {offsets = [640, 0], sizes = [128, 8], strides = [1, 1]} : vector<4096x8xf32> to vector<128x8xf32>
    %dot_general3A_137 = arith.constant dense<0.000000e+00> : vector<128x8xf32>
    %dot_general3A_138 = tpu.matmul %convert_element_type3A_115, %slice3A_136, %dot_general3A_137 {dimension_numbers = #tpu.dot_dimension_numbers<[1], [0], [0], [1], [0, 0, 1, 1], [], []>, precision = #tpu.contract_precision<fp32>, transpose_lhs_hint = false} : vector<128x128xf32>, vector<128x8xf32>, vector<128x8xf32> -> vector<128x8xf32>
    %slice3A_139 = vector.extract_strided_slice %convert_element_type3A_38 {offsets = [768, 0], sizes = [128, 8], strides = [1, 1]} : vector<4096x8xf32> to vector<128x8xf32>
    %dot_general3A_140 = arith.constant dense<0.000000e+00> : vector<128x8xf32>
    %dot_general3A_141 = tpu.matmul %convert_element_type3A_115, %slice3A_139, %dot_general3A_140 {dimension_numbers = #tpu.dot_dimension_numbers<[1], [0], [0], [1], [0, 0, 1, 1], [], []>, precision = #tpu.contract_precision<fp32>, transpose_lhs_hint = false} : vector<128x128xf32>, vector<128x8xf32>, vector<128x8xf32> -> vector<128x8xf32>
    %slice3A_142 = vector.extract_strided_slice %convert_element_type3A_38 {offsets = [896, 0], sizes = [128, 8], strides = [1, 1]} : vector<4096x8xf32> to vector<128x8xf32>
    %dot_general3A_143 = arith.constant dense<0.000000e+00> : vector<128x8xf32>
    %dot_general3A_144 = tpu.matmul %convert_element_type3A_115, %slice3A_142, %dot_general3A_143 {dimension_numbers = #tpu.dot_dimension_numbers<[1], [0], [0], [1], [0, 0, 1, 1], [], []>, precision = #tpu.contract_precision<fp32>, transpose_lhs_hint = false} : vector<128x128xf32>, vector<128x8xf32>, vector<128x8xf32> -> vector<128x8xf32>
    %slice3A_145 = vector.extract_strided_slice %convert_element_type3A_38 {offsets = [1024, 0], sizes = [128, 8], strides = [1, 1]} : vector<4096x8xf32> to vector<128x8xf32>
    %dot_general3A_146 = arith.constant dense<0.000000e+00> : vector<128x8xf32>
    %dot_general3A_147 = tpu.matmul %convert_element_type3A_115, %slice3A_145, %dot_general3A_146 {dimension_numbers = #tpu.dot_dimension_numbers<[1], [0], [0], [1], [0, 0, 1, 1], [], []>, precision = #tpu.contract_precision<fp32>, transpose_lhs_hint = false} : vector<128x128xf32>, vector<128x8xf32>, vector<128x8xf32> -> vector<128x8xf32>
    %slice3A_148 = vector.extract_strided_slice %convert_element_type3A_38 {offsets = [1152, 0], sizes = [128, 8], strides = [1, 1]} : vector<4096x8xf32> to vector<128x8xf32>
    %dot_general3A_149 = arith.constant dense<0.000000e+00> : vector<128x8xf32>
    %dot_general3A_150 = tpu.matmul %convert_element_type3A_115, %slice3A_148, %dot_general3A_149 {dimension_numbers = #tpu.dot_dimension_numbers<[1], [0], [0], [1], [0, 0, 1, 1], [], []>, precision = #tpu.contract_precision<fp32>, transpose_lhs_hint = false} : vector<128x128xf32>, vector<128x8xf32>, vector<128x8xf32> -> vector<128x8xf32>
    %slice3A_151 = vector.extract_strided_slice %convert_element_type3A_38 {offsets = [1280, 0], sizes = [128, 8], strides = [1, 1]} : vector<4096x8xf32> to vector<128x8xf32>
    %dot_general3A_152 = arith.constant dense<0.000000e+00> : vector<128x8xf32>
    %dot_general3A_153 = tpu.matmul %convert_element_type3A_115, %slice3A_151, %dot_general3A_152 {dimension_numbers = #tpu.dot_dimension_numbers<[1], [0], [0], [1], [0, 0, 1, 1], [], []>, precision = #tpu.contract_precision<fp32>, transpose_lhs_hint = false} : vector<128x128xf32>, vector<128x8xf32>, vector<128x8xf32> -> vector<128x8xf32>
    %slice3A_154 = vector.extract_strided_slice %convert_element_type3A_38 {offsets = [1408, 0], sizes = [128, 8], strides = [1, 1]} : vector<4096x8xf32> to vector<128x8xf32>
    %dot_general3A_155 = arith.constant dense<0.000000e+00> : vector<128x8xf32>
    %dot_general3A_156 = tpu.matmul %convert_element_type3A_115, %slice3A_154, %dot_general3A_155 {dimension_numbers = #tpu.dot_dimension_numbers<[1], [0], [0], [1], [0, 0, 1, 1], [], []>, precision = #tpu.contract_precision<fp32>, transpose_lhs_hint = false} : vector<128x128xf32>, vector<128x8xf32>, vector<128x8xf32> -> vector<128x8xf32>
    %slice3A_157 = vector.extract_strided_slice %convert_element_type3A_38 {offsets = [1536, 0], sizes = [128, 8], strides = [1, 1]} : vector<4096x8xf32> to vector<128x8xf32>
    %dot_general3A_158 = arith.constant dense<0.000000e+00> : vector<128x8xf32>
    %dot_general3A_159 = tpu.matmul %convert_element_type3A_115, %slice3A_157, %dot_general3A_158 {dimension_numbers = #tpu.dot_dimension_numbers<[1], [0], [0], [1], [0, 0, 1, 1], [], []>, precision = #tpu.contract_precision<fp32>, transpose_lhs_hint = false} : vector<128x128xf32>, vector<128x8xf32>, vector<128x8xf32> -> vector<128x8xf32>
    %slice3A_160 = vector.extract_strided_slice %convert_element_type3A_38 {offsets = [1664, 0], sizes = [128, 8], strides = [1, 1]} : vector<4096x8xf32> to vector<128x8xf32>
    %dot_general3A_161 = arith.constant dense<0.000000e+00> : vector<128x8xf32>
    %dot_general3A_162 = tpu.matmul %convert_element_type3A_115, %slice3A_160, %dot_general3A_161 {dimension_numbers = #tpu.dot_dimension_numbers<[1], [0], [0], [1], [0, 0, 1, 1], [], []>, precision = #tpu.contract_precision<fp32>, transpose_lhs_hint = false} : vector<128x128xf32>, vector<128x8xf32>, vector<128x8xf32> -> vector<128x8xf32>
    %slice3A_163 = vector.extract_strided_slice %convert_element_type3A_38 {offsets = [1792, 0], sizes = [128, 8], strides = [1, 1]} : vector<4096x8xf32> to vector<128x8xf32>
    %dot_general3A_164 = arith.constant dense<0.000000e+00> : vector<128x8xf32>
    %dot_general3A_165 = tpu.matmul %convert_element_type3A_115, %slice3A_163, %dot_general3A_164 {dimension_numbers = #tpu.dot_dimension_numbers<[1], [0], [0], [1], [0, 0, 1, 1], [], []>, precision = #tpu.contract_precision<fp32>, transpose_lhs_hint = false} : vector<128x128xf32>, vector<128x8xf32>, vector<128x8xf32> -> vector<128x8xf32>
    %slice3A_166 = vector.extract_strided_slice %convert_element_type3A_38 {offsets = [1920, 0], sizes = [128, 8], strides = [1, 1]} : vector<4096x8xf32> to vector<128x8xf32>
    %dot_general3A_167 = arith.constant dense<0.000000e+00> : vector<128x8xf32>
    %dot_general3A_168 = tpu.matmul %convert_element_type3A_115, %slice3A_166, %dot_general3A_167 {dimension_numbers = #tpu.dot_dimension_numbers<[1], [0], [0], [1], [0, 0, 1, 1], [], []>, precision = #tpu.contract_precision<fp32>, transpose_lhs_hint = false} : vector<128x128xf32>, vector<128x8xf32>, vector<128x8xf32> -> vector<128x8xf32>
    %slice3A_169 = vector.extract_strided_slice %convert_element_type3A_38 {offsets = [2048, 0], sizes = [128, 8], strides = [1, 1]} : vector<4096x8xf32> to vector<128x8xf32>
    %dot_general3A_170 = arith.constant dense<0.000000e+00> : vector<128x8xf32>
    %dot_general3A_171 = tpu.matmul %convert_element_type3A_115, %slice3A_169, %dot_general3A_170 {dimension_numbers = #tpu.dot_dimension_numbers<[1], [0], [0], [1], [0, 0, 1, 1], [], []>, precision = #tpu.contract_precision<fp32>, transpose_lhs_hint = false} : vector<128x128xf32>, vector<128x8xf32>, vector<128x8xf32> -> vector<128x8xf32>
    %slice3A_172 = vector.extract_strided_slice %convert_element_type3A_38 {offsets = [2176, 0], sizes = [128, 8], strides = [1, 1]} : vector<4096x8xf32> to vector<128x8xf32>
    %dot_general3A_173 = arith.constant dense<0.000000e+00> : vector<128x8xf32>
    %dot_general3A_174 = tpu.matmul %convert_element_type3A_115, %slice3A_172, %dot_general3A_173 {dimension_numbers = #tpu.dot_dimension_numbers<[1], [0], [0], [1], [0, 0, 1, 1], [], []>, precision = #tpu.contract_precision<fp32>, transpose_lhs_hint = false} : vector<128x128xf32>, vector<128x8xf32>, vector<128x8xf32> -> vector<128x8xf32>
    %slice3A_175 = vector.extract_strided_slice %convert_element_type3A_38 {offsets = [2304, 0], sizes = [128, 8], strides = [1, 1]} : vector<4096x8xf32> to vector<128x8xf32>
    %dot_general3A_176 = arith.constant dense<0.000000e+00> : vector<128x8xf32>
    %dot_general3A_177 = tpu.matmul %convert_element_type3A_115, %slice3A_175, %dot_general3A_176 {dimension_numbers = #tpu.dot_dimension_numbers<[1], [0], [0], [1], [0, 0, 1, 1], [], []>, precision = #tpu.contract_precision<fp32>, transpose_lhs_hint = false} : vector<128x128xf32>, vector<128x8xf32>, vector<128x8xf32> -> vector<128x8xf32>
    %slice3A_178 = vector.extract_strided_slice %convert_element_type3A_38 {offsets = [2432, 0], sizes = [128, 8], strides = [1, 1]} : vector<4096x8xf32> to vector<128x8xf32>
    %dot_general3A_179 = arith.constant dense<0.000000e+00> : vector<128x8xf32>
    %dot_general3A_180 = tpu.matmul %convert_element_type3A_115, %slice3A_178, %dot_general3A_179 {dimension_numbers = #tpu.dot_dimension_numbers<[1], [0], [0], [1], [0, 0, 1, 1], [], []>, precision = #tpu.contract_precision<fp32>, transpose_lhs_hint = false} : vector<128x128xf32>, vector<128x8xf32>, vector<128x8xf32> -> vector<128x8xf32>
    %slice3A_181 = vector.extract_strided_slice %convert_element_type3A_38 {offsets = [2560, 0], sizes = [128, 8], strides = [1, 1]} : vector<4096x8xf32> to vector<128x8xf32>
    %dot_general3A_182 = arith.constant dense<0.000000e+00> : vector<128x8xf32>
    %dot_general3A_183 = tpu.matmul %convert_element_type3A_115, %slice3A_181, %dot_general3A_182 {dimension_numbers = #tpu.dot_dimension_numbers<[1], [0], [0], [1], [0, 0, 1, 1], [], []>, precision = #tpu.contract_precision<fp32>, transpose_lhs_hint = false} : vector<128x128xf32>, vector<128x8xf32>, vector<128x8xf32> -> vector<128x8xf32>
    %slice3A_184 = vector.extract_strided_slice %convert_element_type3A_38 {offsets = [2688, 0], sizes = [128, 8], strides = [1, 1]} : vector<4096x8xf32> to vector<128x8xf32>
    %dot_general3A_185 = arith.constant dense<0.000000e+00> : vector<128x8xf32>
    %dot_general3A_186 = tpu.matmul %convert_element_type3A_115, %slice3A_184, %dot_general3A_185 {dimension_numbers = #tpu.dot_dimension_numbers<[1], [0], [0], [1], [0, 0, 1, 1], [], []>, precision = #tpu.contract_precision<fp32>, transpose_lhs_hint = false} : vector<128x128xf32>, vector<128x8xf32>, vector<128x8xf32> -> vector<128x8xf32>
    %slice3A_187 = vector.extract_strided_slice %convert_element_type3A_38 {offsets = [2816, 0], sizes = [128, 8], strides = [1, 1]} : vector<4096x8xf32> to vector<128x8xf32>
    %dot_general3A_188 = arith.constant dense<0.000000e+00> : vector<128x8xf32>
    %dot_general3A_189 = tpu.matmul %convert_element_type3A_115, %slice3A_187, %dot_general3A_188 {dimension_numbers = #tpu.dot_dimension_numbers<[1], [0], [0], [1], [0, 0, 1, 1], [], []>, precision = #tpu.contract_precision<fp32>, transpose_lhs_hint = false} : vector<128x128xf32>, vector<128x8xf32>, vector<128x8xf32> -> vector<128x8xf32>
    %slice3A_190 = vector.extract_strided_slice %convert_element_type3A_38 {offsets = [2944, 0], sizes = [128, 8], strides = [1, 1]} : vector<4096x8xf32> to vector<128x8xf32>
    %dot_general3A_191 = arith.constant dense<0.000000e+00> : vector<128x8xf32>
    %dot_general3A_192 = tpu.matmul %convert_element_type3A_115, %slice3A_190, %dot_general3A_191 {dimension_numbers = #tpu.dot_dimension_numbers<[1], [0], [0], [1], [0, 0, 1, 1], [], []>, precision = #tpu.contract_precision<fp32>, transpose_lhs_hint = false} : vector<128x128xf32>, vector<128x8xf32>, vector<128x8xf32> -> vector<128x8xf32>
    %slice3A_193 = vector.extract_strided_slice %convert_element_type3A_38 {offsets = [3072, 0], sizes = [128, 8], strides = [1, 1]} : vector<4096x8xf32> to vector<128x8xf32>
    %dot_general3A_194 = arith.constant dense<0.000000e+00> : vector<128x8xf32>
    %dot_general3A_195 = tpu.matmul %convert_element_type3A_115, %slice3A_193, %dot_general3A_194 {dimension_numbers = #tpu.dot_dimension_numbers<[1], [0], [0], [1], [0, 0, 1, 1], [], []>, precision = #tpu.contract_precision<fp32>, transpose_lhs_hint = false} : vector<128x128xf32>, vector<128x8xf32>, vector<128x8xf32> -> vector<128x8xf32>
    %slice3A_196 = vector.extract_strided_slice %convert_element_type3A_38 {offsets = [3200, 0], sizes = [128, 8], strides = [1, 1]} : vector<4096x8xf32> to vector<128x8xf32>
    %dot_general3A_197 = arith.constant dense<0.000000e+00> : vector<128x8xf32>
    %dot_general3A_198 = tpu.matmul %convert_element_type3A_115, %slice3A_196, %dot_general3A_197 {dimension_numbers = #tpu.dot_dimension_numbers<[1], [0], [0], [1], [0, 0, 1, 1], [], []>, precision = #tpu.contract_precision<fp32>, transpose_lhs_hint = false} : vector<128x128xf32>, vector<128x8xf32>, vector<128x8xf32> -> vector<128x8xf32>
    %slice3A_199 = vector.extract_strided_slice %convert_element_type3A_38 {offsets = [3328, 0], sizes = [128, 8], strides = [1, 1]} : vector<4096x8xf32> to vector<128x8xf32>
    %dot_general3A_200 = arith.constant dense<0.000000e+00> : vector<128x8xf32>
    %dot_general3A_201 = tpu.matmul %convert_element_type3A_115, %slice3A_199, %dot_general3A_200 {dimension_numbers = #tpu.dot_dimension_numbers<[1], [0], [0], [1], [0, 0, 1, 1], [], []>, precision = #tpu.contract_precision<fp32>, transpose_lhs_hint = false} : vector<128x128xf32>, vector<128x8xf32>, vector<128x8xf32> -> vector<128x8xf32>
    %slice3A_202 = vector.extract_strided_slice %convert_element_type3A_38 {offsets = [3456, 0], sizes = [128, 8], strides = [1, 1]} : vector<4096x8xf32> to vector<128x8xf32>
    %dot_general3A_203 = arith.constant dense<0.000000e+00> : vector<128x8xf32>
    %dot_general3A_204 = tpu.matmul %convert_element_type3A_115, %slice3A_202, %dot_general3A_203 {dimension_numbers = #tpu.dot_dimension_numbers<[1], [0], [0], [1], [0, 0, 1, 1], [], []>, precision = #tpu.contract_precision<fp32>, transpose_lhs_hint = false} : vector<128x128xf32>, vector<128x8xf32>, vector<128x8xf32> -> vector<128x8xf32>
    %slice3A_205 = vector.extract_strided_slice %convert_element_type3A_38 {offsets = [3584, 0], sizes = [128, 8], strides = [1, 1]} : vector<4096x8xf32> to vector<128x8xf32>
    %dot_general3A_206 = arith.constant dense<0.000000e+00> : vector<128x8xf32>
    %dot_general3A_207 = tpu.matmul %convert_element_type3A_115, %slice3A_205, %dot_general3A_206 {dimension_numbers = #tpu.dot_dimension_numbers<[1], [0], [0], [1], [0, 0, 1, 1], [], []>, precision = #tpu.contract_precision<fp32>, transpose_lhs_hint = false} : vector<128x128xf32>, vector<128x8xf32>, vector<128x8xf32> -> vector<128x8xf32>
    %slice3A_208 = vector.extract_strided_slice %convert_element_type3A_38 {offsets = [3712, 0], sizes = [128, 8], strides = [1, 1]} : vector<4096x8xf32> to vector<128x8xf32>
    %dot_general3A_209 = arith.constant dense<0.000000e+00> : vector<128x8xf32>
    %dot_general3A_210 = tpu.matmul %convert_element_type3A_115, %slice3A_208, %dot_general3A_209 {dimension_numbers = #tpu.dot_dimension_numbers<[1], [0], [0], [1], [0, 0, 1, 1], [], []>, precision = #tpu.contract_precision<fp32>, transpose_lhs_hint = false} : vector<128x128xf32>, vector<128x8xf32>, vector<128x8xf32> -> vector<128x8xf32>
    %slice3A_211 = vector.extract_strided_slice %convert_element_type3A_38 {offsets = [3840, 0], sizes = [128, 8], strides = [1, 1]} : vector<4096x8xf32> to vector<128x8xf32>
    %dot_general3A_212 = arith.constant dense<0.000000e+00> : vector<128x8xf32>
    %dot_general3A_213 = tpu.matmul %convert_element_type3A_115, %slice3A_211, %dot_general3A_212 {dimension_numbers = #tpu.dot_dimension_numbers<[1], [0], [0], [1], [0, 0, 1, 1], [], []>, precision = #tpu.contract_precision<fp32>, transpose_lhs_hint = false} : vector<128x128xf32>, vector<128x8xf32>, vector<128x8xf32> -> vector<128x8xf32>
    %slice3A_214 = vector.extract_strided_slice %convert_element_type3A_38 {offsets = [3968, 0], sizes = [128, 8], strides = [1, 1]} : vector<4096x8xf32> to vector<128x8xf32>
    %dot_general3A_215 = arith.constant dense<0.000000e+00> : vector<128x8xf32>
    %dot_general3A_216 = tpu.matmul %convert_element_type3A_115, %slice3A_214, %dot_general3A_215 {dimension_numbers = #tpu.dot_dimension_numbers<[1], [0], [0], [1], [0, 0, 1, 1], [], []>, precision = #tpu.contract_precision<fp32>, transpose_lhs_hint = false} : vector<128x128xf32>, vector<128x8xf32>, vector<128x8xf32> -> vector<128x8xf32>
    %concatenate3A = tpu.concatenate %dot_general3A_123, %dot_general3A_126, %dot_general3A_129, %dot_general3A_132, %dot_general3A_135, %dot_general3A_138, %dot_general3A_141, %dot_general3A_144, %dot_general3A_147, %dot_general3A_150, %dot_general3A_153, %dot_general3A_156, %dot_general3A_159, %dot_general3A_162, %dot_general3A_165, %dot_general3A_168, %dot_general3A_171, %dot_general3A_174, %dot_general3A_177, %dot_general3A_180, %dot_general3A_183, %dot_general3A_186, %dot_general3A_189, %dot_general3A_192, %dot_general3A_195, %dot_general3A_198, %dot_general3A_201, %dot_general3A_204, %dot_general3A_207, %dot_general3A_210, %dot_general3A_213, %dot_general3A_216 in 0 : vector<128x8xf32>, vector<128x8xf32>, vector<128x8xf32>, vector<128x8xf32>, vector<128x8xf32>, vector<128x8xf32>, vector<128x8xf32>, vector<128x8xf32>, vector<128x8xf32>, vector<128x8xf32>, vector<128x8xf32>, vector<128x8xf32>, vector<128x8xf32>, vector<128x8xf32>, vector<128x8xf32>, vector<128x8xf32>, vector<128x8xf32>, vector<128x8xf32>, vector<128x8xf32>, vector<128x8xf32>, vector<128x8xf32>, vector<128x8xf32>, vector<128x8xf32>, vector<128x8xf32>, vector<128x8xf32>, vector<128x8xf32>, vector<128x8xf32>, vector<128x8xf32>, vector<128x8xf32>, vector<128x8xf32>, vector<128x8xf32>, vector<128x8xf32> -> vector<4096x8xf32>
    %add3A_217 = arith.addf %dot_general3A_121, %concatenate3A : vector<4096x8xf32>
    %convert_element_type3A_218 = arith.extui %eq3A_19 : vector<4096x8xi1> to vector<4096x8xi32>
    %convert_element_type3A_219 = arith.sitofp %convert_element_type3A_218 : vector<4096x8xi32> to vector<4096x8xf32>
    %mul3A = arith.mulf %add3A_217, %convert_element_type3A_219 : vector<4096x8xf32>
    %reduce_sum3A_220 = arith.constant dense<0.000000e+00> : vector<4096xf32>
    %reduce_sum3A_221 = vector.multi_reduction <add>, %mul3A, %reduce_sum3A_220 [1] : vector<4096x8xf32> to vector<4096xf32>
    %broadcast_in_dim3A_222 = vector.shape_cast %reduce_sum3A_221 : vector<4096xf32> to vector<4096x1xf32>
    %convert_element_type3A_223 = arith.extui %eq3A_35 : vector<4096x8xi1> to vector<4096x8xi32>
    %convert_element_type3A_224 = arith.sitofp %convert_element_type3A_223 : vector<4096x8xi32> to vector<4096x8xf32>
    %mul3A_225 = arith.mulf %add3A_217, %convert_element_type3A_224 : vector<4096x8xf32>
    %reduce_sum3A_226 = arith.constant dense<0.000000e+00> : vector<4096xf32>
    %reduce_sum3A_227 = vector.multi_reduction <add>, %mul3A_225, %reduce_sum3A_226 [1] : vector<4096x8xf32> to vector<4096xf32>
    %broadcast_in_dim3A_228 = vector.shape_cast %reduce_sum3A_227 : vector<4096xf32> to vector<4096x1xf32>
    %reduce_sum3A_229 = arith.constant dense<0.000000e+00> : vector<8xf32>
    %reduce_sum3A_230 = vector.multi_reduction <add>, %convert_element_type3A_38, %reduce_sum3A_229 [0] : vector<4096x8xf32> to vector<8xf32>
    %broadcast_in_dim3A_231 = vector.shape_cast %reduce_sum3A_230 : vector<8xf32> to vector<1x8xf32>
    %add3A_232 = arith.constant 5.110000e+02 : f32
    %add3A_233 = vector.broadcast %add3A_232 : f32 to vector<1x8xf32>
    %add3A_234 = arith.addf %broadcast_in_dim3A_231, %add3A_233 : vector<1x8xf32>
    %mul3A_235 = arith.constant 0.001953125 : f32
    %mul3A_236 = vector.broadcast %mul3A_235 : f32 to vector<1x8xf32>
    %mul3A_237 = arith.mulf %add3A_234, %mul3A_236 : vector<1x8xf32>
    %floor3A = math.floor %mul3A_237 : vector<1x8xf32>
    %mul3A_238 = arith.constant 5.120000e+02 : f32
    %mul3A_239 = vector.broadcast %mul3A_238 : f32 to vector<1x8xf32>
    %mul3A_240 = arith.mulf %floor3A, %mul3A_239 : vector<1x8xf32>
    %iota3A_241 = tpu.iota {dimensions = array<i32: 0>} : vector<8x8xi32>
    %iota3A_242 = tpu.iota {dimensions = array<i32: 1>} : vector<8x8xi32>
    %le3A = arith.cmpi sle, %iota3A_241, %iota3A_242 : vector<8x8xi32>
    %convert_element_type3A_243 = arith.extui %le3A : vector<8x8xi1> to vector<8x8xi32>
    %convert_element_type3A_244 = arith.sitofp %convert_element_type3A_243 : vector<8x8xi32> to vector<8x8xf32>
    %dot_general3A_245 = arith.constant dense<0.000000e+00> : vector<1x8xf32>
    %dot_general3A_246 = tpu.matmul %mul3A_240, %convert_element_type3A_244, %dot_general3A_245 {dimension_numbers = #tpu.dot_dimension_numbers<[1], [0], [0], [1], [0, 0, 1, 1], [], []>, precision = #tpu.contract_precision<fp32>, transpose_lhs_hint = false} : vector<1x8xf32>, vector<8x8xf32>, vector<1x8xf32> -> vector<1x8xf32>
    %sub3A_247 = arith.subf %dot_general3A_246, %mul3A_240 : vector<1x8xf32>
    %convert_element_type3A_248 = arith.extui %eq3A_19 : vector<4096x8xi1> to vector<4096x8xi32>
    %convert_element_type3A_249 = arith.sitofp %convert_element_type3A_248 : vector<4096x8xi32> to vector<4096x8xf32>
    %mul3A_250 = vector.broadcast %sub3A_247 : vector<1x8xf32> to vector<4096x8xf32>
    %mul3A_251 = arith.mulf %mul3A_250, %convert_element_type3A_249 : vector<4096x8xf32>
    %reduce_sum3A_252 = arith.constant dense<0.000000e+00> : vector<4096xf32>
    %reduce_sum3A_253 = vector.multi_reduction <add>, %mul3A_251, %reduce_sum3A_252 [1] : vector<4096x8xf32> to vector<4096xf32>
    %broadcast_in_dim3A_254 = vector.shape_cast %reduce_sum3A_253 : vector<4096xf32> to vector<4096x1xf32>
    %add3A_255 = arith.addf %broadcast_in_dim3A_254, %broadcast_in_dim3A_222 : vector<4096x1xf32>
    %convert_element_type3A_256 = arith.extui %eq3A_35 : vector<4096x8xi1> to vector<4096x8xi32>
    %convert_element_type3A_257 = arith.sitofp %convert_element_type3A_256 : vector<4096x8xi32> to vector<4096x8xf32>
    %mul3A_258 = vector.broadcast %sub3A_247 : vector<1x8xf32> to vector<4096x8xf32>
    %mul3A_259 = arith.mulf %mul3A_258, %convert_element_type3A_257 : vector<4096x8xf32>
    %reduce_sum3A_260 = arith.constant dense<0.000000e+00> : vector<4096xf32>
    %reduce_sum3A_261 = vector.multi_reduction <add>, %mul3A_259, %reduce_sum3A_260 [1] : vector<4096x8xf32> to vector<4096xf32>
    %broadcast_in_dim3A_262 = vector.shape_cast %reduce_sum3A_261 : vector<4096xf32> to vector<4096x1xf32>
    %add3A_263 = arith.addf %broadcast_in_dim3A_262, %broadcast_in_dim3A_228 : vector<4096x1xf32>
    %broadcast_in_dim3A_264 = arith.constant 0.000000e+00 : f32
    %broadcast_in_dim3A_265 = vector.broadcast %broadcast_in_dim3A_264 : f32 to vector<4096x4xf32>
    %concatenate3A_266 = tpu.concatenate %add3A_255, %add3A_263, %div3A_36, %div3A_37, %broadcast_in_dim3A_265 in 1 : vector<4096x1xf32>, vector<4096x1xf32>, vector<4096x1xf32>, vector<4096x1xf32>, vector<4096x4xf32> -> vector<4096x8xf32>
    %swap3A = arith.constant 0 : index
    %swap3A_267 = arith.constant 0 : index
    %swap3A_268 = vector.load %arg2[%swap3A, %swap3A_267] : memref<4096x8xf32, #tpu.memory_space<vmem>>, vector<4096x8xf32>
    tpu.vector_store %arg2[%swap3A, %swap3A_267], %concatenate3A_266 {strides = array<i32>} : memref<4096x8xf32, #tpu.memory_space<vmem>>, vector<4096x8xf32>,
    %iota3A_269 = tpu.iota {dimensions = array<i32: 0>} : vector<24x8xi32>
    %mul3A_270 = arith.constant 512 : i32
    %mul3A_271 = vector.broadcast %mul3A_270 : i32 to vector<24x8xi32>
    %mul3A_272 = arith.muli %iota3A_269, %mul3A_271 : vector<24x8xi32>
    %convert_element_type3A_273 = arith.sitofp %mul3A_272 : vector<24x8xi32> to vector<24x8xf32>
    %broadcast_in_dim3A_274 = vector.shape_cast %dot_general3A_246 : vector<1x8xf32> to vector<1x8xf32>
    %broadcast_in_dim3A_275 = vector.broadcast %broadcast_in_dim3A_274 : vector<1x8xf32> to vector<24x8xf32>
    %ge3A = arith.cmpf oge, %convert_element_type3A_273, %broadcast_in_dim3A_275 : vector<24x8xf32>
    %convert_element_type3A_276 = arith.extui %ge3A : vector<24x8xi1> to vector<24x8xi32>
    %convert_element_type3A_277 = arith.sitofp %convert_element_type3A_276 : vector<24x8xi32> to vector<24x8xf32>
    %reduce_sum3A_278 = arith.constant dense<0.000000e+00> : vector<24xf32>
    %reduce_sum3A_279 = vector.multi_reduction <add>, %convert_element_type3A_277, %reduce_sum3A_278 [1] : vector<24x8xf32> to vector<24xf32>
    %broadcast_in_dim3A_280 = vector.shape_cast %reduce_sum3A_279 : vector<24xf32> to vector<24x1xf32>
    %min3A = arith.constant 7.000000e+00 : f32
    %min3A_281 = vector.broadcast %min3A : f32 to vector<24x1xf32>
    %min3A_282 = arith.minimumf %broadcast_in_dim3A_280, %min3A_281 : vector<24x1xf32>
    %slice3A_283 = vector.extract_strided_slice %convert_element_type3A_273 {offsets = [0, 0], sizes = [24, 1], strides = [1, 1]} : vector<24x8xf32> to vector<24x1xf32>
    %slice3A_284 = vector.extract_strided_slice %broadcast_in_dim3A_275 {offsets = [0, 7], sizes = [24, 1], strides = [1, 1]} : vector<24x8xf32> to vector<24x1xf32>
    %lt3A_285 = arith.cmpf olt, %slice3A_283, %slice3A_284 : vector<24x1xf32>
    %convert_element_type3A_286 = arith.extui %lt3A_285 : vector<24x1xi1> to vector<24x1xi32>
    %convert_element_type3A_287 = arith.sitofp %convert_element_type3A_286 : vector<24x1xi32> to vector<24x1xf32>
    %broadcast_in_dim3A_288 = arith.constant 0.000000e+00 : f32
    %broadcast_in_dim3A_289 = vector.broadcast %broadcast_in_dim3A_288 : f32 to vector<24x6xf32>
    %concatenate3A_290 = tpu.concatenate %min3A_282, %convert_element_type3A_287, %broadcast_in_dim3A_289 in 1 : vector<24x1xf32>, vector<24x1xf32>, vector<24x6xf32> -> vector<24x8xf32>
    %swap3A_291 = arith.constant 0 : index
    %swap3A_292 = arith.constant 0 : index
    %swap3A_293 = vector.load %arg3[%swap3A_291, %swap3A_292] : memref<24x8xf32, #tpu.memory_space<vmem>>, vector<24x8xf32>
    tpu.vector_store %arg3[%swap3A_291, %swap3A_292], %concatenate3A_290 {strides = array<i32>} : memref<24x8xf32, #tpu.memory_space<vmem>>, vector<24x8xf32>,
    return
  }
}

module attributes {stable_mosaic.version = 14 : i64} {
  func.func @_mlp_tile_kernel(%arg0: i32, %arg1: memref<24xi32, #tpu.memory_space<smem>>, %arg2: memref<24xi32, #tpu.memory_space<smem>>, %arg3: memref<512x1024xf32, #tpu.memory_space<vmem>>, %arg4: memref<1x1024x2048xf32, #tpu.memory_space<vmem>>, %arg5: memref<1x1024x2048xf32, #tpu.memory_space<vmem>>, %arg6: memref<1x2048x1024xf32, #tpu.memory_space<vmem>>, %arg7: memref<512x1024xf32, #tpu.memory_space<vmem>>) attributes {dimension_semantics = [#tpu.dimension_semantics<arbitrary>], iteration_bounds = array<i64: 24>, scalar_prefetch = 2 : i64, scratch_operands = 0 : i64, tpu.core_type = #tpu.core_type<tc>, window_params = [{transform_indices = @transform_0, window_bounds = array<i64: 512, 1024>}, {transform_indices = @transform_1, window_bounds = array<i64: 1, 1024, 2048>}, {transform_indices = @transform_2, window_bounds = array<i64: 1, 1024, 2048>}, {transform_indices = @transform_3, window_bounds = array<i64: 1, 2048, 1024>}, {transform_indices = @transform_4, window_bounds = array<i64: 512, 1024>}]} {
    %get3A = arith.index_cast %arg0 : i32 to index
    %get3A_0 = memref.load %arg2[%get3A] : memref<24xi32, #tpu.memory_space<smem>>
    %eq3A = arith.constant 1 : i32
    %eq3A_1 = arith.cmpi eq, %get3A_0, %eq3A : i32
    %convert_element_type3A = arith.extui %eq3A_1 : i1 to i32
    %cond3A = arith.constant 0 : i32
    %cond3A_2 = arith.cmpi ne, %convert_element_type3A, %cond3A : i32
    scf.if %cond3A_2 {
      %get3A_3 = arith.constant 0 : index
      %get3A_4 = arith.constant 0 : index
      %get3A_5 = vector.load %arg3[%get3A_3, %get3A_4] : memref<512x1024xf32, #tpu.memory_space<vmem>>, vector<512x1024xf32>
      %convert_element_type3A_6 = arith.truncf %get3A_5 : vector<512x1024xf32> to vector<512x1024xbf16>
      %get3A_7 = arith.constant 0 : index
      %get3A_8 = arith.constant 0 : index
      %get3A_9 = arith.constant 0 : index
      %get3A_10 = vector.load %arg4[%get3A_7, %get3A_8, %get3A_9] : memref<1x1024x2048xf32, #tpu.memory_space<vmem>>, vector<1x1024x2048xf32>
      %get3A_11 = vector.shape_cast %get3A_10 : vector<1x1024x2048xf32> to vector<1024x2048xf32>
      %convert_element_type3A_12 = arith.truncf %get3A_11 : vector<1024x2048xf32> to vector<1024x2048xbf16>
      %get3A_13 = arith.constant 0 : index
      %get3A_14 = arith.constant 0 : index
      %get3A_15 = arith.constant 0 : index
      %get3A_16 = vector.load %arg5[%get3A_13, %get3A_14, %get3A_15] : memref<1x1024x2048xf32, #tpu.memory_space<vmem>>, vector<1x1024x2048xf32>
      %get3A_17 = vector.shape_cast %get3A_16 : vector<1x1024x2048xf32> to vector<1024x2048xf32>
      %convert_element_type3A_18 = arith.truncf %get3A_17 : vector<1024x2048xf32> to vector<1024x2048xbf16>
      %get3A_19 = arith.constant 0 : index
      %get3A_20 = arith.constant 0 : index
      %get3A_21 = arith.constant 0 : index
      %get3A_22 = vector.load %arg6[%get3A_19, %get3A_20, %get3A_21] : memref<1x2048x1024xf32, #tpu.memory_space<vmem>>, vector<1x2048x1024xf32>
      %get3A_23 = vector.shape_cast %get3A_22 : vector<1x2048x1024xf32> to vector<2048x1024xf32>
      %convert_element_type3A_24 = arith.truncf %get3A_23 : vector<2048x1024xf32> to vector<2048x1024xbf16>
      %dot_general3A = arith.constant dense<0.000000e+00> : vector<512x2048xf32>
      %dot_general3A_25 = tpu.matmul %convert_element_type3A_6, %convert_element_type3A_12, %dot_general3A {dimension_numbers = #tpu.dot_dimension_numbers<[1], [0], [0], [1], [0, 0, 1, 1], [], []>, transpose_lhs_hint = false} : vector<512x1024xbf16>, vector<1024x2048xbf16>, vector<512x2048xf32> -> vector<512x2048xf32>
      %dot_general3A_26 = arith.constant dense<0.000000e+00> : vector<512x2048xf32>
      %dot_general3A_27 = tpu.matmul %convert_element_type3A_6, %convert_element_type3A_18, %dot_general3A_26 {dimension_numbers = #tpu.dot_dimension_numbers<[1], [0], [0], [1], [0, 0, 1, 1], [], []>, transpose_lhs_hint = false} : vector<512x1024xbf16>, vector<1024x2048xbf16>, vector<512x2048xf32> -> vector<512x2048xf32>
      %logistic3A = arith.negf %dot_general3A_25 : vector<512x2048xf32>
      %logistic3A_28 = math.exp %logistic3A : vector<512x2048xf32>
      %logistic3A_29 = arith.constant 1.000000e+00 : f32
      %logistic3A_30 = vector.broadcast %logistic3A_29 : f32 to vector<512x2048xf32>
      %logistic3A_31 = arith.addf %logistic3A_30, %logistic3A_28 : vector<512x2048xf32>
      %logistic3A_32 = arith.divf %logistic3A_30, %logistic3A_31 : vector<512x2048xf32>
      %mul3A = arith.mulf %dot_general3A_25, %logistic3A_32 : vector<512x2048xf32>
      %mul3A_33 = arith.mulf %mul3A, %dot_general3A_27 : vector<512x2048xf32>
      %convert_element_type3A_34 = arith.truncf %mul3A_33 : vector<512x2048xf32> to vector<512x2048xbf16>
      %dot_general3A_35 = arith.constant dense<0.000000e+00> : vector<512x1024xf32>
      %dot_general3A_36 = tpu.matmul %convert_element_type3A_34, %convert_element_type3A_24, %dot_general3A_35 {dimension_numbers = #tpu.dot_dimension_numbers<[1], [0], [0], [1], [0, 0, 1, 1], [], []>, transpose_lhs_hint = false} : vector<512x2048xbf16>, vector<2048x1024xbf16>, vector<512x1024xf32> -> vector<512x1024xf32>
      %swap3A = arith.constant 0 : index
      %swap3A_37 = arith.constant 0 : index
      %swap3A_38 = vector.load %arg7[%swap3A, %swap3A_37] : memref<512x1024xf32, #tpu.memory_space<vmem>>, vector<512x1024xf32>
      tpu.vector_store %arg7[%swap3A, %swap3A_37], %dot_general3A_36 {strides = array<i32>} : memref<512x1024xf32, #tpu.memory_space<vmem>>, vector<512x1024xf32>,
    } else {
    }
    return
  }
  func.func @transform_0(%arg0: i32, %arg1: memref<24xi32, #tpu.memory_space<smem>>, %arg2: memref<24xi32, #tpu.memory_space<smem>>) -> (i32, i32) {
    %c0_i32 = arith.constant 0 : i32
    %c0_i32_0 = arith.constant 0 : i32
    return %arg0, %c0_i32 : i32, i32
  }
  func.func @transform_1(%arg0: i32, %arg1: memref<24xi32, #tpu.memory_space<smem>>, %arg2: memref<24xi32, #tpu.memory_space<smem>>) -> (i32, i32, i32) {
    %get3A = arith.index_cast %arg0 : i32 to index
    %get3A_0 = memref.load %arg1[%get3A] : memref<24xi32, #tpu.memory_space<smem>>
    %c0_i32 = arith.constant 0 : i32
    %c0_i32_1 = arith.constant 0 : i32
    %c0_i32_2 = arith.constant 0 : i32
    return %get3A_0, %c0_i32, %c0_i32_1 : i32, i32, i32
  }
  func.func @transform_2(%arg0: i32, %arg1: memref<24xi32, #tpu.memory_space<smem>>, %arg2: memref<24xi32, #tpu.memory_space<smem>>) -> (i32, i32, i32) {
    %get3A = arith.index_cast %arg0 : i32 to index
    %get3A_0 = memref.load %arg1[%get3A] : memref<24xi32, #tpu.memory_space<smem>>
    %c0_i32 = arith.constant 0 : i32
    %c0_i32_1 = arith.constant 0 : i32
    %c0_i32_2 = arith.constant 0 : i32
    return %get3A_0, %c0_i32, %c0_i32_1 : i32, i32, i32
  }
  func.func @transform_3(%arg0: i32, %arg1: memref<24xi32, #tpu.memory_space<smem>>, %arg2: memref<24xi32, #tpu.memory_space<smem>>) -> (i32, i32, i32) {
    %get3A = arith.index_cast %arg0 : i32 to index
    %get3A_0 = memref.load %arg1[%get3A] : memref<24xi32, #tpu.memory_space<smem>>
    %c0_i32 = arith.constant 0 : i32
    %c0_i32_1 = arith.constant 0 : i32
    %c0_i32_2 = arith.constant 0 : i32
    return %get3A_0, %c0_i32, %c0_i32_1 : i32, i32, i32
  }
  func.func @transform_4(%arg0: i32, %arg1: memref<24xi32, #tpu.memory_space<smem>>, %arg2: memref<24xi32, #tpu.memory_space<smem>>) -> (i32, i32) {
    %c0_i32 = arith.constant 0 : i32
    %c0_i32_0 = arith.constant 0 : i32
    return %arg0, %c0_i32 : i32, i32
  }
}

</mosaic_0001>

<sc_bundles>
// kernel: kernel.10.cloned.1.call-start
scs
__scs_entry_jumppad:
0x0: {  	(pc) =	sbr.rel $0x88, $3  }
0x1: {  	(tag) =	ssettag $0x0;
	lr =	simm.s32 $0x1  }
0x2: {  	[smem:$0x3F99] =	sst lr;
	_ =	strace $0xD0000000  }
0x3: {  	_ = 	snop  }
0x4: {  	_ = 	snop  }
0x5: {  	_ = 	snop  }
0x6: {  	_ = 	snop  }
0x7: {  	_ = 	snop  }
__scs_overlays_trampoline_lowered:
0x8: {  	[smem:$0x3FA8] =	sst s0  }
0x9: {  	[smem:$0x3FA9] =	sst s1  }
0xa: {  	[smem:$0x3FAA] =	sst s2  }
0xb: {  	[smem:$0x3FAB] =	sst s3  }
0xc: {  	[smem:$0x3FAC] =	sst s4  }
0xd: {  	[smem:$0x3FAD] =	sst s5  }
0xe: {  	[smem:$0x3FAE] =	sst s6  }
0xf: {  	[smem:$0x3FAF] =	sst s7  }
0x10: {  	[smem:$0x3FB0] =	sst s8  }
0x11: {  	[smem:$0x3FB1] =	sst s9;
	s0 =	simm.s32 @!p0 $0x0  }
0x12: {  	s1 =	sld [smem:$0x3F97];
	s0 =	simm.s32 @p0 $0x1  }
0x13: {  	[smem:$0x3FB2] =	sst s0;
	s0 =	simm.s32 @!p1 $0x0  }
0x14: {  	s2 =	sld [smem:$0x3F96];
	s0 =	simm.s32 @p1 $0x1  }
0x15: {  	[smem:$0x3FB3] =	sst s0;
	s0 =	simm.s32 @!p2 $0x0  }
0x16: {  	s3 =	sld [smem:$0x3FDB];
	s0 =	simm.s32 @p2 $0x1  }
0x17: {  	s4 =	simm.s32 $0x1BF5;
	[smem:$0x3FB5] =	sst s0  }
0x18: {  	s0 =	sld [smem:$0x3F98];
	_ =	swait.ge [sflag:s4], $0x0  }
0x19: {  	s7 =	sld [smem:$0x3F99]  }
0x1a: {  	s8 =	sadd.s32 $0xFFFFE003, lr  }
0x1b: {  	s9 =	sadd.s32 $0xFFFFFEF7, lr;
	s5 =	simm.s32 $0xFFFFFFFF;
	p2 =	slt.u32 s8, $0xFFFFF086  }
0x1c: {  	p1 =	slt.u32 s9, $0xF7A;
	s5 =	simm.s32 @!p2 $0x0  }
0x1d: {  	s5 =	simm.s32 @p1 $0x1;
	p0 =	seq.s32 s7, s2  }
0x1e: {  	s7 =	smul.u32 @!p0 $0xF7A, s2;
	p2 =	seq.s32 @!p0 s5, $0x0  }
0x1f: {  	s9 =	smul.u32 $0xF7A, s1;
	s8 =	simm.s32 @!p0 $0x1BF5;
	p2 =	por !p2, p0  }
0x20: {  	[sflag:s8] =	ssyncset.s32 @!p0 $0xFFFFF086;
	s6 =	sadd.s32 @!p0 s3, s7;
	s7 =	simm.s32 @!p0 $0x108  }
0x21: {  	s3 =	sadd.s32 s3, s9;
	s6 =	sadd.s32 @!p0 $0x88, s6;
	s7 =	simm.s32 @p2 $0x1082  }
0x22: {  	[simem:s7], [sflag:s8] =	dma.local @!p0 [hbm:s6], $0xF7A  }
0x23: {  	s9 =	sor.u32 $0xD0000000, s2;
	s6 =	simm.s32 $0x108;
	_ =	swait.ge @!p0 [sflag:s8], $0x0  }
0x24: {  	s3 =	sadd.s32 $0x88, s3;
	s6 =	simm.s32 @!p1 $0x1082;
	[sflag:s4] =	ssyncset.s32 $0xFFFFF086  }
0x25: {  	[simem:s6], [sflag:s4] =	dma.local [hbm:s3], $0xF7A  }
0x26: {  	[smem:$0x3F99] =	sst s1;
	(tag) =	ssettag s2;
	_ =	strace s9  }
0x27: {  	s1 =	sld [smem:$0x3FA9]  }
0x28: {  	s2 =	sld [smem:$0x3FAA]  }
0x29: {  	s4 =	sld [smem:$0x3FAC]  }
0x2a: {  	p0 =	seq.s32 s5, $0x0;
	s5 =	sld [smem:$0x3FAD]  }
0x2b: {  	s6 =	sld [smem:$0x3FAE]  }
0x2c: {  	s7 =	sld [smem:$0x3FAF]  }
0x2d: {  	s3 =	simm.s32 $0x108;
	s8 =	sld [smem:$0x3FB0]  }
0x2e: {  	s3 =	simm.s32 @!p0 $0x1082;
	s9 =	sld [smem:$0x3FB1]  }
0x2f: {  	lr =	sadd.s32 s0, s3;
	s0 =	sld [smem:$0x3FA8]  }
0x30: {  	s3 =	sld [smem:$0x3FAB]  }
0x31: {  	[smem:$0x3FB4] =	sst s10  }
0x32: {  	s10 =	sld [smem:$0x3FB2];
	_ =	sdelay $0x3  }
0x33: {  	p0 =	seq.s32 s10, $0x1;
	s10 =	sld [smem:$0x3FB4];
	_ =	sdelay $0x3  }
0x34: {  	[smem:$0x3FB4] =	sst s10  }
0x35: {  	s10 =	sld [smem:$0x3FB3];
	_ =	sdelay $0x3  }
0x36: {  	p1 =	seq.s32 s10, $0x1;
	s10 =	sld [smem:$0x3FB4];
	_ =	sdelay $0x3  }
0x37: {  	[smem:$0x3FB4] =	sst s10  }
0x38: {  	s10 =	sld [smem:$0x3FB5]  }
0x39: {  	_ = 	snop;
	(pc) =	sbr.ind lr, $3  }
0x3a: {  	_ = 	snop  }
0x3b: {  	_ = 	snop  }
0x3c: {  	p2 =	seq.s32 s10, $0x1;
	s10 =	sld [smem:$0x3FB4]  }
0x3d: {  	_ =	shalt  }
0x3e: {  	_ =	shalt  }
0x3f: {  	_ =	shalt  }
0x40: {  	_ =	shalt  }
0x41: {  	_ =	shalt  }
0x42: {  	_ =	shalt  }
0x43: {  	_ =	shalt  }
0x44: {  	_ =	shalt  }
0x45: {  	_ =	shalt  }
0x46: {  	_ =	shalt  }
0x47: {  	_ =	shalt  }
0x48: {  	_ =	shalt  }
0x49: {  	_ =	shalt  }
0x4a: {  	_ =	shalt  }
0x4b: {  	_ =	shalt  }
0x4c: {  	_ =	shalt  }
0x4d: {  	_ =	shalt  }
0x4e: {  	_ =	shalt  }
0x4f: {  	_ =	shalt  }
0x50: {  	_ =	shalt  }
0x51: {  	_ =	shalt  }
0x52: {  	_ =	shalt  }
0x53: {  	_ =	shalt  }
0x54: {  	_ =	shalt  }
0x55: {  	_ =	shalt  }
0x56: {  	_ =	shalt  }
0x57: {  	_ =	shalt  }
0x58: {  	_ =	shalt  }
0x59: {  	_ =	shalt  }
0x5a: {  	_ =	shalt  }
0x5b: {  	_ =	shalt  }
0x5c: {  	_ =	shalt  }
0x5d: {  	_ =	shalt  }
0x5e: {  	_ =	shalt  }
0x5f: {  	_ =	shalt  }
0x60: {  	_ =	shalt  }
0x61: {  	_ =	shalt  }
0x62: {  	_ =	shalt  }
0x63: {  	_ =	shalt  }
0x64: {  	_ =	shalt  }
0x65: {  	_ =	shalt  }
0x66: {  	_ =	shalt  }
0x67: {  	_ =	shalt  }
0x68: {  	_ =	shalt  }
0x69: {  	_ =	shalt  }
0x6a: {  	_ =	shalt  }
0x6b: {  	_ =	shalt  }
0x6c: {  	_ =	shalt  }
0x6d: {  	_ =	shalt  }
0x6e: {  	_ =	shalt  }
0x6f: {  	_ =	shalt  }
0x70: {  	_ =	shalt  }
0x71: {  	_ =	shalt  }
0x72: {  	_ =	shalt  }
0x73: {  	_ =	shalt  }
0x74: {  	_ =	shalt  }
0x75: {  	_ =	shalt  }
0x76: {  	_ =	shalt  }
0x77: {  	_ =	shalt  }
0x78: {  	_ =	shalt  }
0x79: {  	_ =	shalt  }
0x7a: {  	_ =	shalt  }
0x7b: {  	_ =	shalt  }
0x7c: {  	_ =	shalt  }
0x7d: {  	_ =	shalt  }
0x7e: {  	_ =	shalt  }
0x7f: {  	_ =	shalt  }
0x80: {  	_ =	shalt  }
0x81: {  	_ =	shalt  }
0x82: {  	_ =	shalt  }
0x83: {  	_ =	shalt  }
0x84: {  	_ =	shalt  }
0x85: {  	_ =	shalt  }
0x86: {  	_ =	shalt  }
0x87: {  	_ =	shalt  }
.Lfunc_end0:
.L_simem_size_0:
called_computation.1_lowered:
.L_overlay_start_0:
0x88: {  	s2 =	sld [smem:$0x3FD9]  }
0x89: {  	s3 =	sld [smem:$0x3FFE];
	_ =	sdelay $0x1  }
0x8a: {  	s1 =	srdreg.scid  }
0x8b: {  	s0 =	sand.u32 $0x1, s1  }
0x8c: {  	s17 =	sshll.u32 s0, $0xA;
	s2 =	sadd.s32 s3, s2  }
0x8d: {  	s2 =	sadd.s32 s2, s17  }
0x8e: {  	[smem:$0x3FC0] =	sst s2  }
0x8f: {  	_ = 	snop  }
0x90: {  	s2 =	sld [smem:$0x3FD0];
	(tm) =	ssettm $0x1  }
0x91: {  	s18 =	sld [smem:$0x3FFB];
	_ =	sdelay $0x3  }
0x92: {  	_ =	strace s18  }
0x93: {  	s3 =	sld [smem:$0x3FFC];
	_ =	sdelay $0x3  }
0x94: {  	_ =	strace s3  }
0x95: {  	s3 =	sld [smem:$0x3FFD];
	_ =	sdelay $0x3  }
0x96: {  	_ =	strace s3  }
0x97: {  	_ =	strace $0x8FFFFFFF  }
0x98: {  	s19 =	sld [smem:$0x3FDB];
	_ =	sdelay $0x1  }
0x99: {  	s4 =	simm.s32 $_scs_section_size  }
0x9a: {  	s5 =	simm.s32 $_size__tile_overlayer_lowered;
	s6 =	simm.s32 $_tile_overlayer_lowered  }
0x9b: {  	s22 =	simm.s32 $0x1BFF;
	s21 =	sshll.u32 s6, $0x1;
	s3 =	sadd.s32 s4, s19  }
0x9c: {  	s7 =	simm.s32 $0x0;
	s20 =	sshll.u32 s5, $0x1;
	s5 =	sadd.s32 s21, s3  }
0x9d: {  	[timem:s7], [sflag:s22] =	dma.local [hbm:s5], s20  }
0x9e: {  	_ =	swait.ge [sflag:s22], s20  }
0x9f: {  	s4 =	ssub.s32 $0x0, s20;
	[sflag:s22] =	ssyncset.done $0x0  }
0xa0: {  	[sflag:s22] =	ssyncadd.s32 s4;
	_ =	sdelay $0x1  }
0xa1: {  	s23 =	simm.s32 $0x1B8B  }
0xa2: {  	_ =	swait.ge [sflag:s23], $0x1  }
0xa3: {  	[sflag:s23] =	ssyncset.done $0x0  }
0xa4: {  	s25 =	simm.s32 $0x1B8E;
	s24 =	sld [smem:$0x3FFE];
	[sflag:s23] =	ssyncadd.s32 $0xFFFFFFFF  }
0xa5: {  	s26 =	simm.s32 $execute0_lowered;
	[smem:$0x3FD2] =	sst s25  }
0xa6: {  	s5 =	sshll.u32 s26, $0x1;
	_ =	strace $0x80000049;
	[dreg:$0x1] =	wrdreg $0xFFFFFFFF  }
0xa7: {  	s28 =	simm.s32 $_size_execute0_lowered;
	s3 =	sadd.s32 s3, s5;
	[dreg:$0x0] =	wrdreg $0x0  }
0xa8: {  	s5 =	sshll.u32 s28, $0x1;
	[dreg:$0x2] =	wrdreg s3  }
0xa9: {  	[dreg:$0x3] =	wrdreg s5  }
0xaa: {  	[dreg:$0x4] =	wrdreg $0xC0  }
0xab: {  	_ =	task [dreg:s7], $0x5FFFF  }
0xac: {  	[dreg:$0x1] =	wrdreg $0xFFFFFFFF  }
0xad: {  	[dreg:$0x0] =	wrdreg $0x60  }
0xae: {  	[dreg:$0x2] =	wrdreg s24  }
0xaf: {  	[dreg:$0x3] =	wrdreg s2  }
0xb0: {  	[dreg:$0x4] =	wrdreg $0x9  }
0xb1: {  	_ =	task.clear_ibuf [dreg:s7], $0x5FFFF;
	_ =	strace $0x90000049  }
0xb2: {  	s29 =	simm.s32 $0x9;
	_ =	strace $0x8000004B  }
0xb3: {  	_ =	swait.ge [sflag:s29], $0x1  }
0xb4: {  	[sflag:s29] =	ssyncadd.s32 $0xFFFFFFFF  }
0xb5: {  	_ =	strace $0x9000004B  }
0xb6: {  	_ =	sfence  }
0xb7: {  	s30 =	sld [smem:$0x0];
	_ =	sdelay $0x2  }
0xb8: {  	s31 =	sshll.u32 s1, $0xD;
	s1 =	sshrl.u32 s1, $0x2  }
0xb9: {  	s3 =	sand.u32 $0x4000, s31;
	s1 =	sadd.s32 s1, s30  }
0xba: {  	s0 =	sor.u32 s3, s0;
	s1 =	sshll.u32 s1, $0x11  }
0xbb: {  	s0 =	sor.u32 s1, s0  }
0xbc: {  	s0 =	sadd.s32 $0x8F2B, s0  }
0xbd: {  	[sflag:s0] =	ssyncadd.remote.s32 $0x1  }
0xbe: {  	_ =	sfence.sel $0xFFFF  }
0xbf: {  	[dreg:$0x0] =	wrdreg $0xFFFFFFFF;
	(pc) =	sbr.abs _section_cstart, $3  }
0xc0: {  	[dreg:$0x1] =	wrdreg $0xFFFFFFFF  }
0xc1: {  	_ =	task.clear_ibuf [dreg:s7], $0x2FFFF;
	_ =	strace $0x9FFFFFFF  }
0xc2: {  	(tm) =	ssettm $0x7FFFFFFF  }
0xc3: {  	_ =	shalt  }
tec
execute0_lowered:
.L_overlay_start_1:
0x0: {  	(tag) =	ssettag $0x1  }
0x1: {  	s0 =	rddreg [dreg:$0x0]  }
0x2: {  	s1 =	rddreg [dreg:$0x1];
	s2 =	simm.s32 $0x0;
	s4 =	srdreg.scid  }
0x3: {  	s7 =	stileid.u32;
	s3 =	sadd.s32 $0x200, s0;
	s5 =	sadd.s32 $0x400, s0  }
0x4: {  	s4 =	sand.u32 $0x1, s4;
	s8 =	sadd.s32 $0x600, s0;
	[smem:$0x7FF] =	sst s2  }
0x5: {  	s7 =	sshll.u32 s7, $0x8;
	s28 =	sadd.s32 $0x201700, s0;
	s30 =	sadd.s32 $0x201800, s0  }
0x6: {  	s31 =	sadd.s32 $0x201900, s0;
	s6 =	ssub.s32 $0x2, s4;
	s4 =	sshll.u32 s4, $0x7  }
0x7: {  	s9 =	sshrl.u32 s6, $0x1;
	s4 =	sor.u32 s4, s7;
	s7 =	sadd.s32 $0x10600, s0  }
0x8: {  	s6 =	ssub.s32 s6, s9;
	s17 =	sshrl.u32 s4, $0x3;
	s18 =	sshll.u32 s4, $0x4  }
0x9: {  	s11 =	sor.u32 $0x20, s4;
	s24 =	sor.u32 $0x40, s4;
	s10 =	sadd.s32 s3, s17  }
0xa: {  	s12 =	sor.u32 $0x60, s4;
	s9 =	sadd.s32 s5, s17;
	[dreg:$0x3] =	wrdreg s10  }
0xb: {  	s19 =	sadd.s32 s8, s18;
	s20 =	sshrl.u32 s11, $0x3;
	[dreg:$0x4] =	wrdreg s9  }
0xc: {  	s22 =	sshll.u32 s11, $0x4;
	[dreg:$0x5] =	wrdreg s19;
	s10 =	sadd.s32 s7, s18  }
0xd: {  	s25 =	sshrl.u32 s24, $0x3;
	s21 =	sadd.s32 s3, s20;
	[dreg:$0x6] =	wrdreg s10  }
0xe: {  	s26 =	sshrl.u32 s12, $0x3;
	s9 =	sadd.s32 s5, s20;
	[dreg:$0x7] =	wrdreg s21  }
0xf: {  	s29 =	sshll.u32 s24, $0x4;
	s23 =	sadd.s32 s8, s22;
	[dreg:$0x8] =	wrdreg s9  }
0x10: {  	s16 =	sshll.u32 s12, $0x4;
	s13 =	sadd.s32 s3, s25;
	[dreg:$0x9] =	wrdreg s23  }
0x11: {  	s3 =	sadd.s32 s3, s26;
	s14 =	sadd.s32 s8, s29;
	[dreg:$0xb] =	wrdreg s13  }
0x12: {  	s15 =	sadd.s32 s7, s29;
	s17 =	sadd.s32 s8, s16;
	[dreg:$0xd] =	wrdreg s3  }
0x13: {  	s18 =	sshll.u32 s4, $0x7;
	s19 =	sadd.s32 $0x181200, s0;
	[dreg:$0xf] =	wrdreg s14  }
0x14: {  	s29 =	smax.u32 s6, $0x1;
	s6 =	simm.s32 $0x2100;
	[dreg:$0x10] =	wrdreg s15  }
0x15: {  	s8 =	simm.s32 $0xF100;
	s10 =	sadd.s32 s7, s22;
	[dreg:$0x11] =	wrdreg s17  }
0x16: {  	s3 =	sadd.s32 s7, s16;
	s20 =	sadd.s32 s19, s18;
	s21 =	sshll.u32 s11, $0x7  }
0x17: {  	s23 =	sshll.u32 s24, $0x7;
	s7 =	simm.s32 $0xE900;
	s9 =	simm.s32 $0xF900  }
0x18: {  	s11 =	simm.s32 $0x10900;
	s13 =	simm.s32 $0x11900;
	[dreg:$0xa] =	wrdreg s10  }
0x19: {  	s14 =	simm.s32 $0x12100;
	s10 =	sadd.s32 s5, s25;
	[dreg:$0x12] =	wrdreg s3  }
0x1a: {  	s15 =	simm.s32 $0x1;
	[dreg:$0xc] =	wrdreg s10;
	s10 =	sadd.s32 s5, s26  }
0x1b: {  	s16 =	simm.s32 $0x2;
	s17 =	simm.s32 $0x3;
	[dreg:$0xe] =	wrdreg s10  }
0x1c: {  	s3 =	sadd.s32 s1, s18;
	_ =	strace $0x8000004A;
	[dreg:$0x13] =	wrdreg s20  }
0x1d: {  	s22 =	sadd.s32 s19, s21;
	s24 =	sadd.s32 s19, s23;
	[dreg:$0x14] =	wrdreg s3  }
0x1e: {  	s25 =	sshll.u32 s12, $0x7;
	s12 =	simm.s32 $0x11100;
	[dreg:$0x15] =	wrdreg s22  }
0x1f: {  	s18 =	simm.s32 $0x0;
	s4 =	sadd.s32 s19, s25;
	[dreg:$0x17] =	wrdreg s24  }
0x20: {  	s26 =	sadd.s32 $0x201600, s0;
	s0 =	simm.s32 $0xC900;
	[dreg:$0x19] =	wrdreg s4  }
0x21: {  	s5 =	simm.s32 $0xE100;
	s3 =	sadd.s32 s1, s21;
	[dreg:$0x1b] =	wrdreg s29  }
0x22: {  	v2 =	vlaneseq.u32;
	s10 =	simm.s32 $0x10100;
	[dreg:$0x16] =	wrdreg s3;
	s3 =	sadd.s32 s1, s23  }
0x23: {  	vm0 =	vmmov $0xffff;
	v1 =	vshrl.u32 v2, $0x3;
	s4 =	simm.s32 $0xD900;
	s1 =	sadd.s32 s1, s25;
	[dreg:$0x18] =	wrdreg s3  }
0x24: {  	v0 =	vand.u32 $0x7, v2;
	v2 =	vor.u32 $0x8, v2;
	v1 =	vmul.u32 $0x8, v1;
	[dreg:$0x1a] =	wrdreg s1;
	s1 =	simm.s32 $0x4;
	s3 =	simm.s32 $0xD100  }
.LBB2_1:
0x25: {  	s19 =	rddreg [dreg:$0x3]  }
0x26: {  	[tilespmem:s2], [sflag:$0x4] =	stream.linear.gather [hbm4b:s19+s2], $0x20, $0x38;
	[tilespmem:$0x1A100] =	vst v63  }
0x27: {  	_ =	swait.ge [sflag:s1], $0x20  }
0x28: {  	[sflag:s1] =	ssyncset.done $0x0  }
0x29: {  	s20 =	simm.s32 $0x80;
	s22 =	rddreg [dreg:$0x4];
	[sflag:s1] =	ssyncadd.s32 $0xFFFFFFE0  }
0x2a: {  	[tilespmem:s20], [sflag:$0x4] =	stream.linear.gather [hbm4b:s22+s2], $0x20, $0x38;
	[tilespmem:$0x1A100] =	vst v63  }
0x2b: {  	_ =	swait.ge [sflag:s1], $0x20  }
0x2c: {  	[sflag:s1] =	ssyncset.done $0x0  }
0x2d: {  	s24 =	simm.s32 $0x100;
	s23 =	rddreg [dreg:$0x5];
	[sflag:s1] =	ssyncadd.s32 $0xFFFFFFE0  }
0x2e: {  	[tilespmem:s24], [sflag:$0x4] =	stream.linear.gather [hbm4b:s23+s2], $0x1000, $0x38;
	[tilespmem:$0x1A100] =	vst v63  }
0x2f: {  	_ =	swait.ge [sflag:s1], $0x1000  }
0x30: {  	[sflag:s1] =	ssyncset.done $0x0  }
0x31: {  	s29 =	simm.s32 $0x1100;
	s25 =	rddreg [dreg:$0x6];
	[sflag:s1] =	ssyncadd.s32 $0xFFFFF000  }
0x32: {  	[tilespmem:s29], [sflag:$0x4] =	stream.linear.gather [hbm4b:s25+s2], $0x1000, $0x38;
	[tilespmem:$0x1A100] =	vst v63  }
0x33: {  	_ =	swait.ge [sflag:s1], $0x1000  }
0x34: {  	[sflag:s1] =	ssyncset.done $0x0  }
0x35: {  	[sflag:s1] =	ssyncadd.s32 $0xFFFFF000  }
0x36: {  	v3 =	vld [tilespmem:$0x0];
	_ =	sdelay $0x4  }
0x37: {  	v4 =	vshll.u32 v3, $0x3  }
0x38: {  	v3 =	vand.u32 $0x7, v3;
	v4 =	vand.u32 $0xFFFFFFC0, v4  }
0x39: {  	v3 =	vor.u32 v3, v4  }
0x3a: {  	v4 =	vperm.xlane v3, v0;
	_ =	sdelay $0x1  }
0x3b: {  	v4 =	vadd.s32 v1, v4;
	_ =	sdelay $0x4  }
0x3c: {  	[tilespmem:s6], [sflag:$0x1] =	stream.indirect_vreg.gather [hbm4b:s26+s2], $0x80, v4, vm0, $0xb8;
	[tilespmem:$0x1A100] =	vst v63  }
0x3d: {  	s20 =	simm.s32 $0x2900;
	v3 =	vperm.xlane v3, v2  }
0x3e: {  	[tilespmem:s20], [sflag:$0x1] =	stream.indirect_vreg.gather [hbm4b:s28+s2], $0x80, v4, vm0, $0xb8;
	[tilespmem:$0x1A100] =	vst v63  }
0x3f: {  	s21 =	simm.s32 $0x3100;
	v3 =	vadd.s32 v1, v3  }
0x40: {  	[tilespmem:s21], [sflag:$0x1] =	stream.indirect_vreg.gather [hbm4b:s30+s2], $0x80, v4, vm0, $0xb8;
	[tilespmem:$0x1A100] =	vst v63  }
0x41: {  	s22 =	simm.s32 $0x3900  }
0x42: {  	[tilespmem:s22], [sflag:$0x1] =	stream.indirect_vreg.gather [hbm4b:s31+s2], $0x80, v4, vm0, $0xb8;
	[tilespmem:$0x1A100] =	vst v63  }
0x43: {  	s23 =	simm.s32 $0x4100  }
0x44: {  	[tilespmem:s23], [sflag:$0x1] =	stream.indirect_vreg.gather [hbm4b:s26+s2], $0x80, v3, vm0, $0xb8;
	[tilespmem:$0x1A100] =	vst v63  }
0x45: {  	s24 =	simm.s32 $0x4900  }
0x46: {  	[tilespmem:s24], [sflag:$0x1] =	stream.indirect_vreg.gather [hbm4b:s28+s2], $0x80, v3, vm0, $0xb8;
	[tilespmem:$0x1A100] =	vst v63  }
0x47: {  	s25 =	simm.s32 $0x5100  }
0x48: {  	[tilespmem:s25], [sflag:$0x1] =	stream.indirect_vreg.gather [hbm4b:s30+s2], $0x80, v3, vm0, $0xb8;
	[tilespmem:$0x1A100] =	vst v63  }
0x49: {  	s29 =	simm.s32 $0x5900  }
0x4a: {  	[tilespmem:s29], [sflag:$0x1] =	stream.indirect_vreg.gather [hbm4b:s31+s2], $0x80, v3, vm0, $0xb8;
	[tilespmem:$0x1A100] =	vst v63  }
0x4b: {  	v3 =	vld [tilespmem:$0x10];
	_ =	sdelay $0x4  }
0x4c: {  	v61 =	vshll.u32 v3, $0x3  }
0x4d: {  	v3 =	vand.u32 $0x7, v3;
	v4 =	vand.u32 $0xFFFFFFC0, v61  }
0x4e: {  	v3 =	vor.u32 v3, v4  }
0x4f: {  	v4 =	vperm.xlane v3, v0;
	_ =	sdelay $0x1  }
0x50: {  	v4 =	vadd.s32 v1, v4;
	_ =	sdelay $0x3  }
0x51: {  	s20 =	simm.s32 $0x6100  }
0x52: {  	[tilespmem:s20], [sflag:$0x1] =	stream.indirect_vreg.gather [hbm4b:s26+s2], $0x80, v4, vm0, $0xb8;
	[tilespmem:$0x1A100] =	vst v63  }
0x53: {  	s21 =	simm.s32 $0x6900;
	v3 =	vperm.xlane v3, v2  }
0x54: {  	[tilespmem:s21], [sflag:$0x1] =	stream.indirect_vreg.gather [hbm4b:s28+s2], $0x80, v4, vm0, $0xb8;
	[tilespmem:$0x1A100] =	vst v63  }
0x55: {  	s22 =	simm.s32 $0x7100;
	v3 =	vadd.s32 v1, v3  }
0x56: {  	[tilespmem:s22], [sflag:$0x1] =	stream.indirect_vreg.gather [hbm4b:s30+s2], $0x80, v4, vm0, $0xb8;
	[tilespmem:$0x1A100] =	vst v63  }
0x57: {  	s23 =	simm.s32 $0x7900  }
0x58: {  	[tilespmem:s23], [sflag:$0x1] =	stream.indirect_vreg.gather [hbm4b:s31+s2], $0x80, v4, vm0, $0xb8;
	[tilespmem:$0x1A100] =	vst v63  }
0x59: {  	s24 =	simm.s32 $0x8100  }
0x5a: {  	[tilespmem:s24], [sflag:$0x1] =	stream.indirect_vreg.gather [hbm4b:s26+s2], $0x80, v3, vm0, $0xb8;
	[tilespmem:$0x1A100] =	vst v63  }
0x5b: {  	s25 =	simm.s32 $0x8900  }
0x5c: {  	[tilespmem:s25], [sflag:$0x1] =	stream.indirect_vreg.gather [hbm4b:s28+s2], $0x80, v3, vm0, $0xb8;
	[tilespmem:$0x1A100] =	vst v63  }
0x5d: {  	s29 =	simm.s32 $0x9100  }
0x5e: {  	[tilespmem:s29], [sflag:$0x1] =	stream.indirect_vreg.gather [hbm4b:s30+s2], $0x80, v3, vm0, $0xb8;
	[tilespmem:$0x1A100] =	vst v63  }
0x5f: {  	s20 =	simm.s32 $0x9900  }
0x60: {  	[tilespmem:s20], [sflag:$0x1] =	stream.indirect_vreg.gather [hbm4b:s31+s2], $0x80, v3, vm0, $0xb8;
	[tilespmem:$0x1A100] =	vst v63  }
0x61: {  	v3 =	vld [tilespmem:$0x80];
	_ =	sdelay $0x4  }
0x62: {  	v62 =	vshll.u32 v3, $0x3  }
0x63: {  	v3 =	vand.u32 $0x7, v3;
	v4 =	vand.u32 $0xFFFFFFC0, v62  }
0x64: {  	v3 =	vor.u32 v3, v4  }
0x65: {  	v4 =	vperm.xlane v3, v0;
	_ =	sdelay $0x1  }
0x66: {  	v4 =	vadd.s32 v1, v4;
	_ =	sdelay $0x3  }
0x67: {  	s21 =	simm.s32 $0xA100  }
0x68: {  	[tilespmem:s21], [sflag:$0x2] =	stream.indirect_vreg.gather [hbm4b:s26+s2], $0x80, v4, vm0, $0xb8;
	[tilespmem:$0x1A100] =	vst v63  }
0x69: {  	s22 =	simm.s32 $0xA900;
	v3 =	vperm.xlane v3, v2  }
0x6a: {  	[tilespmem:s22], [sflag:$0x2] =	stream.indirect_vreg.gather [hbm4b:s28+s2], $0x80, v4, vm0, $0xb8;
	[tilespmem:$0x1A100] =	vst v63  }
0x6b: {  	s23 =	simm.s32 $0xB100;
	v3 =	vadd.s32 v1, v3  }
0x6c: {  	[tilespmem:s23], [sflag:$0x2] =	stream.indirect_vreg.gather [hbm4b:s30+s2], $0x80, v4, vm0, $0xb8;
	[tilespmem:$0x1A100] =	vst v63  }
0x6d: {  	s24 =	simm.s32 $0xB900  }
0x6e: {  	[tilespmem:s24], [sflag:$0x2] =	stream.indirect_vreg.gather [hbm4b:s31+s2], $0x80, v4, vm0, $0xb8;
	[tilespmem:$0x1A100] =	vst v63  }
0x6f: {  	s25 =	simm.s32 $0xC100  }
0x70: {  	[tilespmem:s25], [sflag:$0x2] =	stream.indirect_vreg.gather [hbm4b:s26+s2], $0x80, v3, vm0, $0xb8;
	[tilespmem:$0x1A100] =	vst v63  }
0x71: {  	_ = 	snop  }
0x72: {  	[tilespmem:s0], [sflag:$0x2] =	stream.indirect_vreg.gather [hbm4b:s28+s2], $0x80, v3, vm0, $0xb8;
	[tilespmem:$0x1A100] =	vst v63  }
0x73: {  	_ = 	snop  }
0x74: {  	[tilespmem:s3], [sflag:$0x2] =	stream.indirect_vreg.gather [hbm4b:s30+s2], $0x80, v3, vm0, $0xb8;
	[tilespmem:$0x1A100] =	vst v63  }
0x75: {  	_ = 	snop  }
0x76: {  	[tilespmem:s4], [sflag:$0x2] =	stream.indirect_vreg.gather [hbm4b:s31+s2], $0x80, v3, vm0, $0xb8;
	[tilespmem:$0x1A100] =	vst v63  }
0x77: {  	v3 =	vld [tilespmem:$0x90];
	_ =	sdelay $0x4  }
0x78: {  	v63 =	vshll.u32 v3, $0x3  }
0x79: {  	v3 =	vand.u32 $0x7, v3;
	v4 =	vand.u32 $0xFFFFFFC0, v63  }
0x7a: {  	v3 =	vor.u32 v3, v4  }
0x7b: {  	v4 =	vperm.xlane v3, v0;
	_ =	sdelay $0x1  }
0x7c: {  	v4 =	vadd.s32 v1, v4;
	_ =	sdelay $0x4  }
0x7d: {  	[tilespmem:s5], [sflag:$0x2] =	stream.indirect_vreg.gather [hbm4b:s26+s2], $0x80, v4, vm0, $0xb8;
	[tilespmem:$0x1A100] =	vst v63  }
0x7e: {  	v3 =	vperm.xlane v3, v2  }
0x7f: {  	[tilespmem:s7], [sflag:$0x2] =	stream.indirect_vreg.gather [hbm4b:s28+s2], $0x80, v4, vm0, $0xb8;
	[tilespmem:$0x1A100] =	vst v63  }
0x80: {  	v3 =	vadd.s32 v1, v3  }
0x81: {  	[tilespmem:s8], [sflag:$0x2] =	stream.indirect_vreg.gather [hbm4b:s30+s2], $0x80, v4, vm0, $0xb8;
	[tilespmem:$0x1A100] =	vst v63  }
0x82: {  	_ = 	snop  }
0x83: {  	[tilespmem:s9], [sflag:$0x2] =	stream.indirect_vreg.gather [hbm4b:s31+s2], $0x80, v4, vm0, $0xb8;
	[tilespmem:$0x1A100] =	vst v63  }
0x84: {  	_ = 	snop  }
0x85: {  	[tilespmem:s10], [sflag:$0x2] =	stream.indirect_vreg.gather [hbm4b:s26+s2], $0x80, v3, vm0, $0xb8;
	[tilespmem:$0x1A100] =	vst v63  }
0x86: {  	_ = 	snop  }
0x87: {  	[tilespmem:s11], [sflag:$0x2] =	stream.indirect_vreg.gather [hbm4b:s28+s2], $0x80, v3, vm0, $0xb8;
	[tilespmem:$0x1A100] =	vst v63  }
0x88: {  	_ = 	snop  }
0x89: {  	[tilespmem:s12], [sflag:$0x2] =	stream.indirect_vreg.gather [hbm4b:s30+s2], $0x80, v3, vm0, $0xb8;
	[tilespmem:$0x1A100] =	vst v63  }
0x8a: {  	_ = 	snop  }
0x8b: {  	[tilespmem:s13], [sflag:$0x2] =	stream.indirect_vreg.gather [hbm4b:s31+s2], $0x80, v3, vm0, $0xb8;
	[tilespmem:$0x1A100] =	vst v63  }
0x8c: {  	s29 =	rddreg [dreg:$0x13]  }
0x8d: {  	[tilespmem:s14], [sflag:$0x3] =	stream.linear.gather [hbm4b:s29+s2], $0x8000, $0x38;
	[tilespmem:$0x1A100] =	vst v63  }
0x8e: {  	_ =	swait.ge [sflag:s15], $0x8000  }
0x8f: {  	[sflag:s15] =	ssyncset.done $0x0  }
0x90: {  	[sflag:s15] =	ssyncadd.s32 $0xFFFF8000  }
0x91: {  	_ =	swait.ge [sflag:s16], $0x8000  }
0x92: {  	[sflag:s16] =	ssyncset.done $0x0  }
0x93: {  	[sflag:s16] =	ssyncadd.s32 $0xFFFF8000  }
0x94: {  	_ =	swait.ge [sflag:s17], $0x8000  }
0x95: {  	[sflag:s17] =	ssyncset.done $0x0  }
0x96: {  	s19 =	simm.s32 $0x0;
	[sflag:s17] =	ssyncadd.s32 $0xFFFF8000  }
.LBB2_2:
0x97: {  	s21 =	sshll.u32 s19, $0x7;
	s20 =	sshll.u32 s19, $0xA  }
0x98: {  	s23 =	simm.s32 $0x0;
	s20 =	sand.u32 $0x6000, s20;
	s22 =	sand.u32 $0x380, s21  }
0x99: {  	s25 =	sand.u32 $0x1C00, s23;
	s20 =	sor.u32 s20, s22  }
0x9a: {  	v3 =	vld [tilespmem:s21+$0x100];
	s23 =	sand.u32 $0x70, s23;
	s22 =	sor.u32 s25, s20  }
0x9b: {  	v4 =	vld [tilespmem:s21+$0x1100];
	s21 =	sor.u32 s23, s22  }
0x9c: {  	v5 =	vld [tilespmem:s21+$0xA100]  }
0x9d: {  	v6 =	vld [tilespmem:s21+$0x2100];
	_ =	sdelay $0x3  }
0x9e: {  	v7 =	vld [tilespmem:s21+$0x12100]  }
0x9f: {  	v6 =	vmul.f32 v6, v3;
	v5 =	vmul.f32 v5, v4;
	_ =	sdelay $0x1  }
0xa0: {  	s22 =	simm.s32 $0x80;
	v5 =	vadd.f32 v5, v6  }
0xa1: {  	s29 =	simm.s32 $0x10;
	s25 =	sand.u32 $0x1C00, s22  }
0xa2: {  	s24 =	sand.u32 $0x70, s29;
	s23 =	simm.s32 $0x20;
	s25 =	sor.u32 s25, s20;
	v5 =	vadd.f32 v5, v7  }
.LBB2_3:
0xa3: {  	p0 =	sne.s32 s23, $0x3F0;
	s24 =	sor.u32 s24, s25  }
0xa4: {  	v6 =	vld [tilespmem:s24+$0xA100];
	[tilespmem:s21+$0x2100] =	vst v5;
	s21 =	smov.u32 s24  }
0xa5: {  	v5 =	vld [tilespmem:s21+$0x2100];
	_ =	sdelay $0x3  }
0xa6: {  	v7 =	vld [tilespmem:s21+$0x12100]  }
.Ltmp0:
0xa7: {  	v6 =	vmul.f32 v6, v4;
	v5 =	vmul.f32 v5, v3;
	(pc) =	sbr.rel @p0 .LBB2_3-.Ltmp0, $4  }
0xa8: {  	_ = 	snop  }
0xa9: {  	s22 =	sadd.s32 $0x80, s22;
	v5 =	vadd.f32 v6, v5  }
0xaa: {  	s25 =	sand.u32 $0x1C00, s22  }
0xab: {  	s24 =	sand.u32 $0x70, s23;
	s23 =	sadd.s32 $0x10, s23;
	s25 =	sor.u32 s25, s20;
	v5 =	vadd.f32 v5, v7  }
0xac: {  	s20 =	sor.u32 s24, s25  }
0xad: {  	v6 =	vld [tilespmem:s20+$0xA100];
	[tilespmem:s21+$0x2100] =	vst v5  }
0xae: {  	v5 =	vld [tilespmem:s20+$0x2100];
	_ =	sdelay $0x3  }
0xaf: {  	v7 =	vld [tilespmem:s20+$0x12100]  }
0xb0: {  	s19 =	sadd.s32 $0x1, s19;
	v4 =	vmul.f32 v6, v4;
	v3 =	vmul.f32 v5, v3  }
0xb1: {  	p0 =	sne.s32 s19, $0x20  }
.Ltmp1:
0xb2: {  	v3 =	vadd.f32 v4, v3;
	(pc) =	sbr.rel @p0 .LBB2_2-.Ltmp1, $3  }
0xb3: {  	_ = 	snop  }
0xb4: {  	v3 =	vadd.f32 v3, v7;
	_ =	sdelay $0x1  }
0xb5: {  	[tilespmem:s20+$0x2100] =	vst v3  }
0xb6: {  	s19 =	simm.s32 $0x0;
	s20 =	rddreg [dreg:$0x14]  }
0xb7: {  	[hbm4b:s20+s19] =	stream.linear.scatter [tilespmem:s6], [sflag:$0x4], $0x8000, $0x38;
	[tilespmem:$0x1A100] =	vst v63  }
0xb8: {  	_ =	swait.ge [sflag:s1], $0x8000  }
0xb9: {  	[sflag:s1] =	ssyncset.done $0x0  }
0xba: {  	s23 =	rddreg [dreg:$0x7];
	[sflag:s1] =	ssyncadd.s32 $0xFFFF8000  }
0xbb: {  	[tilespmem:s19], [sflag:$0x4] =	stream.linear.gather [hbm4b:s23+s19], $0x20, $0x38;
	[tilespmem:$0x1A100] =	vst v63  }
0xbc: {  	_ =	swait.ge [sflag:s1], $0x20  }
0xbd: {  	[sflag:s1] =	ssyncset.done $0x0  }
0xbe: {  	s21 =	simm.s32 $0x80;
	s24 =	rddreg [dreg:$0x8];
	[sflag:s1] =	ssyncadd.s32 $0xFFFFFFE0  }
0xbf: {  	[tilespmem:s21], [sflag:$0x4] =	stream.linear.gather [hbm4b:s24+s19], $0x20, $0x38;
	[tilespmem:$0x1A100] =	vst v63  }
0xc0: {  	_ =	swait.ge [sflag:s1], $0x20  }
0xc1: {  	[sflag:s1] =	ssyncset.done $0x0  }
0xc2: {  	s29 =	simm.s32 $0x100;
	s25 =	rddreg [dreg:$0x9];
	[sflag:s1] =	ssyncadd.s32 $0xFFFFFFE0  }
0xc3: {  	[tilespmem:s29], [sflag:$0x4] =	stream.linear.gather [hbm4b:s25+s19], $0x1000, $0x38;
	[tilespmem:$0x1A100] =	vst v63  }
0xc4: {  	_ =	swait.ge [sflag:s1], $0x1000  }
0xc5: {  	[sflag:s1] =	ssyncset.done $0x0  }
0xc6: {  	s23 =	simm.s32 $0x1100;
	s22 =	rddreg [dreg:$0xa];
	[sflag:s1] =	ssyncadd.s32 $0xFFFFF000  }
0xc7: {  	[tilespmem:s23], [sflag:$0x4] =	stream.linear.gather [hbm4b:s22+s19], $0x1000, $0x38;
	[tilespmem:$0x1A100] =	vst v63  }
0xc8: {  	_ =	swait.ge [sflag:s1], $0x1000  }
0xc9: {  	[sflag:s1] =	ssyncset.done $0x0  }
0xca: {  	[sflag:s1] =	ssyncadd.s32 $0xFFFFF000  }
0xcb: {  	v3 =	vld [tilespmem:$0x0];
	_ =	sdelay $0x4  }
0xcc: {  	v4 =	vshll.u32 v3, $0x3  }
0xcd: {  	v3 =	vand.u32 $0x7, v3;
	v4 =	vand.u32 $0xFFFFFFC0, v4  }
0xce: {  	v3 =	vor.u32 v3, v4  }
0xcf: {  	v4 =	vperm.xlane v3, v0;
	_ =	sdelay $0x1  }
0xd0: {  	v4 =	vadd.s32 v1, v4;
	_ =	sdelay $0x4  }
0xd1: {  	[tilespmem:s6], [sflag:$0x1] =	stream.indirect_vreg.gather [hbm4b:s26+s19], $0x80, v4, vm0, $0xb8;
	[tilespmem:$0x1A100] =	vst v63  }
0xd2: {  	s24 =	simm.s32 $0x2900;
	v3 =	vperm.xlane v3, v2  }
0xd3: {  	[tilespmem:s24], [sflag:$0x1] =	stream.indirect_vreg.gather [hbm4b:s28+s19], $0x80, v4, vm0, $0xb8;
	[tilespmem:$0x1A100] =	vst v63  }
0xd4: {  	s25 =	simm.s32 $0x3100;
	v3 =	vadd.s32 v1, v3  }
0xd5: {  	[tilespmem:s25], [sflag:$0x1] =	stream.indirect_vreg.gather [hbm4b:s30+s19], $0x80, v4, vm0, $0xb8;
	[tilespmem:$0x1A100] =	vst v63  }
0xd6: {  	s29 =	simm.s32 $0x3900  }
0xd7: {  	[tilespmem:s29], [sflag:$0x1] =	stream.indirect_vreg.gather [hbm4b:s31+s19], $0x80, v4, vm0, $0xb8;
	[tilespmem:$0x1A100] =	vst v63  }
0xd8: {  	s21 =	simm.s32 $0x4100  }
0xd9: {  	[tilespmem:s21], [sflag:$0x1] =	stream.indirect_vreg.gather [hbm4b:s26+s19], $0x80, v3, vm0, $0xb8;
	[tilespmem:$0x1A100] =	vst v63  }
0xda: {  	s22 =	simm.s32 $0x4900  }
0xdb: {  	[tilespmem:s22], [sflag:$0x1] =	stream.indirect_vreg.gather [hbm4b:s28+s19], $0x80, v3, vm0, $0xb8;
	[tilespmem:$0x1A100] =	vst v63  }
0xdc: {  	s23 =	simm.s32 $0x5100  }
0xdd: {  	[tilespmem:s23], [sflag:$0x1] =	stream.indirect_vreg.gather [hbm4b:s30+s19], $0x80, v3, vm0, $0xb8;
	[tilespmem:$0x1A100] =	vst v63  }
0xde: {  	s24 =	simm.s32 $0x5900  }
0xdf: {  	[tilespmem:s24], [sflag:$0x1] =	stream.indirect_vreg.gather [hbm4b:s31+s19], $0x80, v3, vm0, $0xb8;
	[tilespmem:$0x1A100] =	vst v63  }
0xe0: {  	v3 =	vld [tilespmem:$0x10];
	_ =	sdelay $0x4  }
0xe1: {  	v61 =	vshll.u32 v3, $0x3  }
0xe2: {  	v3 =	vand.u32 $0x7, v3;
	v4 =	vand.u32 $0xFFFFFFC0, v61  }
0xe3: {  	v3 =	vor.u32 v3, v4  }
0xe4: {  	v4 =	vperm.xlane v3, v0;
	_ =	sdelay $0x1  }
0xe5: {  	v4 =	vadd.s32 v1, v4;
	_ =	sdelay $0x3  }
0xe6: {  	s25 =	simm.s32 $0x6100  }
0xe7: {  	[tilespmem:s25], [sflag:$0x1] =	stream.indirect_vreg.gather [hbm4b:s26+s19], $0x80, v4, vm0, $0xb8;
	[tilespmem:$0x1A100] =	vst v63  }
0xe8: {  	s29 =	simm.s32 $0x6900;
	v3 =	vperm.xlane v3, v2  }
0xe9: {  	[tilespmem:s29], [sflag:$0x1] =	stream.indirect_vreg.gather [hbm4b:s28+s19], $0x80, v4, vm0, $0xb8;
	[tilespmem:$0x1A100] =	vst v63  }
0xea: {  	s21 =	simm.s32 $0x7100;
	v3 =	vadd.s32 v1, v3  }
0xeb: {  	[tilespmem:s21], [sflag:$0x1] =	stream.indirect_vreg.gather [hbm4b:s30+s19], $0x80, v4, vm0, $0xb8;
	[tilespmem:$0x1A100] =	vst v63  }
0xec: {  	s22 =	simm.s32 $0x7900  }
0xed: {  	[tilespmem:s22], [sflag:$0x1] =	stream.indirect_vreg.gather [hbm4b:s31+s19], $0x80, v4, vm0, $0xb8;
	[tilespmem:$0x1A100] =	vst v63  }
0xee: {  	s23 =	simm.s32 $0x8100  }
0xef: {  	[tilespmem:s23], [sflag:$0x1] =	stream.indirect_vreg.gather [hbm4b:s26+s19], $0x80, v3, vm0, $0xb8;
	[tilespmem:$0x1A100] =	vst v63  }
0xf0: {  	s24 =	simm.s32 $0x8900  }
0xf1: {  	[tilespmem:s24], [sflag:$0x1] =	stream.indirect_vreg.gather [hbm4b:s28+s19], $0x80, v3, vm0, $0xb8;
	[tilespmem:$0x1A100] =	vst v63  }
0xf2: {  	s25 =	simm.s32 $0x9100  }
0xf3: {  	[tilespmem:s25], [sflag:$0x1] =	stream.indirect_vreg.gather [hbm4b:s30+s19], $0x80, v3, vm0, $0xb8;
	[tilespmem:$0x1A100] =	vst v63  }
0xf4: {  	s29 =	simm.s32 $0x9900  }
0xf5: {  	[tilespmem:s29], [sflag:$0x1] =	stream.indirect_vreg.gather [hbm4b:s31+s19], $0x80, v3, vm0, $0xb8;
	[tilespmem:$0x1A100] =	vst v63  }
0xf6: {  	v3 =	vld [tilespmem:$0x80];
	_ =	sdelay $0x4  }
0xf7: {  	v62 =	vshll.u32 v3, $0x3  }
0xf8: {  	v3 =	vand.u32 $0x7, v3;
	v4 =	vand.u32 $0xFFFFFFC0, v62  }
0xf9: {  	v3 =	vor.u32 v3, v4  }
0xfa: {  	v4 =	vperm.xlane v3, v0;
	_ =	sdelay $0x1  }
0xfb: {  	v4 =	vadd.s32 v1, v4;
	_ =	sdelay $0x3  }
0xfc: {  	s21 =	simm.s32 $0xA100  }
0xfd: {  	[tilespmem:s21], [sflag:$0x2] =	stream.indirect_vreg.gather [hbm4b:s26+s19], $0x80, v4, vm0, $0xb8;
	[tilespmem:$0x1A100] =	vst v63  }
0xfe: {  	s22 =	simm.s32 $0xA900;
	v3 =	vperm.xlane v3, v2  }
0xff: {  	[tilespmem:s22], [sflag:$0x2] =	stream.indirect_vreg.gather [hbm4b:s28+s19], $0x80, v4, vm0, $0xb8;
	[tilespmem:$0x1A100] =	vst v63  }
0x100: {  	s23 =	simm.s32 $0xB100;
	v3 =	vadd.s32 v1, v3  }
0x101: {  	[tilespmem:s23], [sflag:$0x2] =	stream.indirect_vreg.gather [hbm4b:s30+s19], $0x80, v4, vm0, $0xb8;
	[tilespmem:$0x1A100] =	vst v63  }
0x102: {  	s24 =	simm.s32 $0xB900  }
0x103: {  	[tilespmem:s24], [sflag:$0x2] =	stream.indirect_vreg.gather [hbm4b:s31+s19], $0x80, v4, vm0, $0xb8;
	[tilespmem:$0x1A100] =	vst v63  }
0x104: {  	s25 =	simm.s32 $0xC100  }
0x105: {  	[tilespmem:s25], [sflag:$0x2] =	stream.indirect_vreg.gather [hbm4b:s26+s19], $0x80, v3, vm0, $0xb8;
	[tilespmem:$0x1A100] =	vst v63  }
0x106: {  	_ = 	snop  }
0x107: {  	[tilespmem:s0], [sflag:$0x2] =	stream.indirect_vreg.gather [hbm4b:s28+s19], $0x80, v3, vm0, $0xb8;
	[tilespmem:$0x1A100] =	vst v63  }
0x108: {  	_ = 	snop  }
0x109: {  	[tilespmem:s3], [sflag:$0x2] =	stream.indirect_vreg.gather [hbm4b:s30+s19], $0x80, v3, vm0, $0xb8;
	[tilespmem:$0x1A100] =	vst v63  }
0x10a: {  	_ = 	snop  }
0x10b: {  	[tilespmem:s4], [sflag:$0x2] =	stream.indirect_vreg.gather [hbm4b:s31+s19], $0x80, v3, vm0, $0xb8;
	[tilespmem:$0x1A100] =	vst v63  }
0x10c: {  	v3 =	vld [tilespmem:$0x90];
	_ =	sdelay $0x4  }
0x10d: {  	v63 =	vshll.u32 v3, $0x3  }
0x10e: {  	v3 =	vand.u32 $0x7, v3;
	v4 =	vand.u32 $0xFFFFFFC0, v63  }
0x10f: {  	v3 =	vor.u32 v3, v4  }
0x110: {  	v4 =	vperm.xlane v3, v0;
	_ =	sdelay $0x1  }
0x111: {  	v4 =	vadd.s32 v1, v4;
	_ =	sdelay $0x4  }
0x112: {  	[tilespmem:s5], [sflag:$0x2] =	stream.indirect_vreg.gather [hbm4b:s26+s19], $0x80, v4, vm0, $0xb8;
	[tilespmem:$0x1A100] =	vst v63  }
0x113: {  	v3 =	vperm.xlane v3, v2  }
0x114: {  	[tilespmem:s7], [sflag:$0x2] =	stream.indirect_vreg.gather [hbm4b:s28+s19], $0x80, v4, vm0, $0xb8;
	[tilespmem:$0x1A100] =	vst v63  }
0x115: {  	v3 =	vadd.s32 v1, v3  }
0x116: {  	[tilespmem:s8], [sflag:$0x2] =	stream.indirect_vreg.gather [hbm4b:s30+s19], $0x80, v4, vm0, $0xb8;
	[tilespmem:$0x1A100] =	vst v63  }
0x117: {  	_ = 	snop  }
0x118: {  	[tilespmem:s9], [sflag:$0x2] =	stream.indirect_vreg.gather [hbm4b:s31+s19], $0x80, v4, vm0, $0xb8;
	[tilespmem:$0x1A100] =	vst v63  }
0x119: {  	_ = 	snop  }
0x11a: {  	[tilespmem:s10], [sflag:$0x2] =	stream.indirect_vreg.gather [hbm4b:s26+s19], $0x80, v3, vm0, $0xb8;
	[tilespmem:$0x1A100] =	vst v63  }
0x11b: {  	_ = 	snop  }
0x11c: {  	[tilespmem:s11], [sflag:$0x2] =	stream.indirect_vreg.gather [hbm4b:s28+s19], $0x80, v3, vm0, $0xb8;
	[tilespmem:$0x1A100] =	vst v63  }
0x11d: {  	_ = 	snop  }
0x11e: {  	[tilespmem:s12], [sflag:$0x2] =	stream.indirect_vreg.gather [hbm4b:s30+s19], $0x80, v3, vm0, $0xb8;
	[tilespmem:$0x1A100] =	vst v63  }
0x11f: {  	_ = 	snop  }
0x120: {  	[tilespmem:s13], [sflag:$0x2] =	stream.indirect_vreg.gather [hbm4b:s31+s19], $0x80, v3, vm0, $0xb8;
	[tilespmem:$0x1A100] =	vst v63  }
0x121: {  	s29 =	rddreg [dreg:$0x15]  }
0x122: {  	[tilespmem:s14], [sflag:$0x3] =	stream.linear.gather [hbm4b:s29+s19], $0x8000, $0x38;
	[tilespmem:$0x1A100] =	vst v63  }
0x123: {  	_ =	swait.ge [sflag:s15], $0x8000  }
0x124: {  	[sflag:s15] =	ssyncset.done $0x0  }
0x125: {  	[sflag:s15] =	ssyncadd.s32 $0xFFFF8000  }
0x126: {  	_ =	swait.ge [sflag:s16], $0x8000  }
0x127: {  	[sflag:s16] =	ssyncset.done $0x0  }
0x128: {  	[sflag:s16] =	ssyncadd.s32 $0xFFFF8000  }
0x129: {  	_ =	swait.ge [sflag:s17], $0x8000  }
0x12a: {  	[sflag:s17] =	ssyncset.done $0x0  }
0x12b: {  	s20 =	simm.s32 $0x0;
	[sflag:s17] =	ssyncadd.s32 $0xFFFF8000  }
.LBB2_6:
0x12c: {  	s22 =	sshll.u32 s20, $0x7;
	s21 =	sshll.u32 s20, $0xA  }
0x12d: {  	s21 =	sand.u32 $0x6000, s21;
	s23 =	sand.u32 $0x380, s22  }
0x12e: {  	s25 =	sand.u32 $0x1C00, s19;
	s21 =	sor.u32 s21, s23  }
0x12f: {  	s24 =	sand.u32 $0x70, s19;
	v3 =	vld [tilespmem:s22+$0x100];
	s23 =	sor.u32 s25, s21  }
0x130: {  	v4 =	vld [tilespmem:s22+$0x1100];
	s22 =	sor.u32 s24, s23  }
0x131: {  	v5 =	vld [tilespmem:s22+$0xA100]  }
0x132: {  	v6 =	vld [tilespmem:s22+$0x2100];
	_ =	sdelay $0x3  }
0x133: {  	v7 =	vld [tilespmem:s22+$0x12100]  }
0x134: {  	v6 =	vmul.f32 v6, v3;
	v5 =	vmul.f32 v5, v4;
	_ =	sdelay $0x1  }
0x135: {  	s23 =	simm.s32 $0x80;
	v5 =	vadd.f32 v5, v6  }
0x136: {  	s25 =	simm.s32 $0x10;
	s29 =	sand.u32 $0x1C00, s23  }
0x137: {  	s25 =	sand.u32 $0x70, s25;
	s24 =	simm.s32 $0x20;
	s29 =	sor.u32 s29, s21;
	v5 =	vadd.f32 v5, v7  }
.LBB2_7:
0x138: {  	p0 =	sne.s32 s24, $0x3F0;
	s25 =	sor.u32 s25, s29  }
0x139: {  	v6 =	vld [tilespmem:s25+$0xA100];
	[tilespmem:s22+$0x2100] =	vst v5;
	s22 =	smov.u32 s25  }
0x13a: {  	v5 =	vld [tilespmem:s22+$0x2100];
	_ =	sdelay $0x3  }
0x13b: {  	v7 =	vld [tilespmem:s22+$0x12100]  }
.Ltmp2:
0x13c: {  	v6 =	vmul.f32 v6, v4;
	v5 =	vmul.f32 v5, v3;
	(pc) =	sbr.rel @p0 .LBB2_7-.Ltmp2, $4  }
0x13d: {  	_ = 	snop  }
0x13e: {  	s23 =	sadd.s32 $0x80, s23;
	v5 =	vadd.f32 v6, v5  }
0x13f: {  	s29 =	sand.u32 $0x1C00, s23  }
0x140: {  	s25 =	sand.u32 $0x70, s24;
	s24 =	sadd.s32 $0x10, s24;
	s29 =	sor.u32 s29, s21;
	v5 =	vadd.f32 v5, v7  }
0x141: {  	s21 =	sor.u32 s25, s29  }
0x142: {  	v6 =	vld [tilespmem:s21+$0xA100];
	[tilespmem:s22+$0x2100] =	vst v5  }
0x143: {  	v5 =	vld [tilespmem:s21+$0x2100];
	_ =	sdelay $0x3  }
0x144: {  	v7 =	vld [tilespmem:s21+$0x12100]  }
0x145: {  	s20 =	sadd.s32 $0x1, s20;
	v4 =	vmul.f32 v6, v4;
	v3 =	vmul.f32 v5, v3  }
0x146: {  	p0 =	sne.s32 s20, $0x20  }
.Ltmp3:
0x147: {  	v3 =	vadd.f32 v4, v3;
	(pc) =	sbr.rel @p0 .LBB2_6-.Ltmp3, $3  }
0x148: {  	_ = 	snop  }
0x149: {  	v3 =	vadd.f32 v3, v7;
	_ =	sdelay $0x1  }
0x14a: {  	[tilespmem:s21+$0x2100] =	vst v3  }
0x14b: {  	s19 =	simm.s32 $0x0;
	s20 =	rddreg [dreg:$0x16]  }
0x14c: {  	[hbm4b:s20+s19] =	stream.linear.scatter [tilespmem:s6], [sflag:$0x4], $0x8000, $0x38;
	[tilespmem:$0x1A100] =	vst v63  }
0x14d: {  	_ =	swait.ge [sflag:s1], $0x8000  }
0x14e: {  	[sflag:s1] =	ssyncset.done $0x0  }
0x14f: {  	s23 =	rddreg [dreg:$0xb];
	[sflag:s1] =	ssyncadd.s32 $0xFFFF8000  }
0x150: {  	[tilespmem:s19], [sflag:$0x4] =	stream.linear.gather [hbm4b:s23+s19], $0x20, $0x38;
	[tilespmem:$0x1A100] =	vst v63  }
0x151: {  	_ =	swait.ge [sflag:s1], $0x20  }
0x152: {  	[sflag:s1] =	ssyncset.done $0x0  }
0x153: {  	s21 =	simm.s32 $0x80;
	s24 =	rddreg [dreg:$0xc];
	[sflag:s1] =	ssyncadd.s32 $0xFFFFFFE0  }
0x154: {  	[tilespmem:s21], [sflag:$0x4] =	stream.linear.gather [hbm4b:s24+s19], $0x20, $0x38;
	[tilespmem:$0x1A100] =	vst v63  }
0x155: {  	_ =	swait.ge [sflag:s1], $0x20  }
0x156: {  	[sflag:s1] =	ssyncset.done $0x0  }
0x157: {  	s29 =	simm.s32 $0x100;
	s25 =	rddreg [dreg:$0xf];
	[sflag:s1] =	ssyncadd.s32 $0xFFFFFFE0  }
0x158: {  	[tilespmem:s29], [sflag:$0x4] =	stream.linear.gather [hbm4b:s25+s19], $0x1000, $0x38;
	[tilespmem:$0x1A100] =	vst v63  }
0x159: {  	_ =	swait.ge [sflag:s1], $0x1000  }
0x15a: {  	[sflag:s1] =	ssyncset.done $0x0  }
0x15b: {  	s23 =	simm.s32 $0x1100;
	s22 =	rddreg [dreg:$0x10];
	[sflag:s1] =	ssyncadd.s32 $0xFFFFF000  }
0x15c: {  	[tilespmem:s23], [sflag:$0x4] =	stream.linear.gather [hbm4b:s22+s19], $0x1000, $0x38;
	[tilespmem:$0x1A100] =	vst v63  }
0x15d: {  	_ =	swait.ge [sflag:s1], $0x1000  }
0x15e: {  	[sflag:s1] =	ssyncset.done $0x0  }
0x15f: {  	[sflag:s1] =	ssyncadd.s32 $0xFFFFF000  }
0x160: {  	v3 =	vld [tilespmem:$0x0];
	_ =	sdelay $0x4  }
0x161: {  	v4 =	vshll.u32 v3, $0x3  }
0x162: {  	v3 =	vand.u32 $0x7, v3;
	v4 =	vand.u32 $0xFFFFFFC0, v4  }
0x163: {  	v3 =	vor.u32 v3, v4  }
0x164: {  	v4 =	vperm.xlane v3, v0;
	_ =	sdelay $0x1  }
0x165: {  	v4 =	vadd.s32 v1, v4;
	_ =	sdelay $0x4  }
0x166: {  	[tilespmem:s6], [sflag:$0x1] =	stream.indirect_vreg.gather [hbm4b:s26+s19], $0x80, v4, vm0, $0xb8;
	[tilespmem:$0x1A100] =	vst v63  }
0x167: {  	s24 =	simm.s32 $0x2900;
	v3 =	vperm.xlane v3, v2  }
0x168: {  	[tilespmem:s24], [sflag:$0x1] =	stream.indirect_vreg.gather [hbm4b:s28+s19], $0x80, v4, vm0, $0xb8;
	[tilespmem:$0x1A100] =	vst v63  }
0x169: {  	s25 =	simm.s32 $0x3100;
	v3 =	vadd.s32 v1, v3  }
0x16a: {  	[tilespmem:s25], [sflag:$0x1] =	stream.indirect_vreg.gather [hbm4b:s30+s19], $0x80, v4, vm0, $0xb8;
	[tilespmem:$0x1A100] =	vst v63  }
0x16b: {  	s29 =	simm.s32 $0x3900  }
0x16c: {  	[tilespmem:s29], [sflag:$0x1] =	stream.indirect_vreg.gather [hbm4b:s31+s19], $0x80, v4, vm0, $0xb8;
	[tilespmem:$0x1A100] =	vst v63  }
0x16d: {  	s21 =	simm.s32 $0x4100  }
0x16e: {  	[tilespmem:s21], [sflag:$0x1] =	stream.indirect_vreg.gather [hbm4b:s26+s19], $0x80, v3, vm0, $0xb8;
	[tilespmem:$0x1A100] =	vst v63  }
0x16f: {  	s22 =	simm.s32 $0x4900  }
0x170: {  	[tilespmem:s22], [sflag:$0x1] =	stream.indirect_vreg.gather [hbm4b:s28+s19], $0x80, v3, vm0, $0xb8;
	[tilespmem:$0x1A100] =	vst v63  }
0x171: {  	s23 =	simm.s32 $0x5100  }
0x172: {  	[tilespmem:s23], [sflag:$0x1] =	stream.indirect_vreg.gather [hbm4b:s30+s19], $0x80, v3, vm0, $0xb8;
	[tilespmem:$0x1A100] =	vst v63  }
0x173: {  	s24 =	simm.s32 $0x5900  }
0x174: {  	[tilespmem:s24], [sflag:$0x1] =	stream.indirect_vreg.gather [hbm4b:s31+s19], $0x80, v3, vm0, $0xb8;
	[tilespmem:$0x1A100] =	vst v63  }
0x175: {  	v3 =	vld [tilespmem:$0x10];
	_ =	sdelay $0x4  }
0x176: {  	v61 =	vshll.u32 v3, $0x3  }
0x177: {  	v3 =	vand.u32 $0x7, v3;
	v4 =	vand.u32 $0xFFFFFFC0, v61  }
0x178: {  	v3 =	vor.u32 v3, v4  }
0x179: {  	v4 =	vperm.xlane v3, v0;
	_ =	sdelay $0x1  }
0x17a: {  	v4 =	vadd.s32 v1, v4;
	_ =	sdelay $0x3  }
0x17b: {  	s25 =	simm.s32 $0x6100  }
0x17c: {  	[tilespmem:s25], [sflag:$0x1] =	stream.indirect_vreg.gather [hbm4b:s26+s19], $0x80, v4, vm0, $0xb8;
	[tilespmem:$0x1A100] =	vst v63  }
0x17d: {  	s29 =	simm.s32 $0x6900;
	v3 =	vperm.xlane v3, v2  }
0x17e: {  	[tilespmem:s29], [sflag:$0x1] =	stream.indirect_vreg.gather [hbm4b:s28+s19], $0x80, v4, vm0, $0xb8;
	[tilespmem:$0x1A100] =	vst v63  }
0x17f: {  	s21 =	simm.s32 $0x7100;
	v3 =	vadd.s32 v1, v3  }
0x180: {  	[tilespmem:s21], [sflag:$0x1] =	stream.indirect_vreg.gather [hbm4b:s30+s19], $0x80, v4, vm0, $0xb8;
	[tilespmem:$0x1A100] =	vst v63  }
0x181: {  	s22 =	simm.s32 $0x7900  }
0x182: {  	[tilespmem:s22], [sflag:$0x1] =	stream.indirect_vreg.gather [hbm4b:s31+s19], $0x80, v4, vm0, $0xb8;
	[tilespmem:$0x1A100] =	vst v63  }
0x183: {  	s23 =	simm.s32 $0x8100  }
0x184: {  	[tilespmem:s23], [sflag:$0x1] =	stream.indirect_vreg.gather [hbm4b:s26+s19], $0x80, v3, vm0, $0xb8;
	[tilespmem:$0x1A100] =	vst v63  }
0x185: {  	s24 =	simm.s32 $0x8900  }
0x186: {  	[tilespmem:s24], [sflag:$0x1] =	stream.indirect_vreg.gather [hbm4b:s28+s19], $0x80, v3, vm0, $0xb8;
	[tilespmem:$0x1A100] =	vst v63  }
0x187: {  	s25 =	simm.s32 $0x9100  }
0x188: {  	[tilespmem:s25], [sflag:$0x1] =	stream.indirect_vreg.gather [hbm4b:s30+s19], $0x80, v3, vm0, $0xb8;
	[tilespmem:$0x1A100] =	vst v63  }
0x189: {  	s29 =	simm.s32 $0x9900  }
0x18a: {  	[tilespmem:s29], [sflag:$0x1] =	stream.indirect_vreg.gather [hbm4b:s31+s19], $0x80, v3, vm0, $0xb8;
	[tilespmem:$0x1A100] =	vst v63  }
0x18b: {  	v3 =	vld [tilespmem:$0x80];
	_ =	sdelay $0x4  }
0x18c: {  	v62 =	vshll.u32 v3, $0x3  }
0x18d: {  	v3 =	vand.u32 $0x7, v3;
	v4 =	vand.u32 $0xFFFFFFC0, v62  }
0x18e: {  	v3 =	vor.u32 v3, v4  }
0x18f: {  	v4 =	vperm.xlane v3, v0;
	_ =	sdelay $0x1  }
0x190: {  	v4 =	vadd.s32 v1, v4;
	_ =	sdelay $0x3  }
0x191: {  	s21 =	simm.s32 $0xA100  }
0x192: {  	[tilespmem:s21], [sflag:$0x2] =	stream.indirect_vreg.gather [hbm4b:s26+s19], $0x80, v4, vm0, $0xb8;
	[tilespmem:$0x1A100] =	vst v63  }
0x193: {  	s22 =	simm.s32 $0xA900;
	v3 =	vperm.xlane v3, v2  }
0x194: {  	[tilespmem:s22], [sflag:$0x2] =	stream.indirect_vreg.gather [hbm4b:s28+s19], $0x80, v4, vm0, $0xb8;
	[tilespmem:$0x1A100] =	vst v63  }
0x195: {  	s23 =	simm.s32 $0xB100;
	v3 =	vadd.s32 v1, v3  }
0x196: {  	[tilespmem:s23], [sflag:$0x2] =	stream.indirect_vreg.gather [hbm4b:s30+s19], $0x80, v4, vm0, $0xb8;
	[tilespmem:$0x1A100] =	vst v63  }
0x197: {  	s24 =	simm.s32 $0xB900  }
0x198: {  	[tilespmem:s24], [sflag:$0x2] =	stream.indirect_vreg.gather [hbm4b:s31+s19], $0x80, v4, vm0, $0xb8;
	[tilespmem:$0x1A100] =	vst v63  }
0x199: {  	s25 =	simm.s32 $0xC100  }
0x19a: {  	[tilespmem:s25], [sflag:$0x2] =	stream.indirect_vreg.gather [hbm4b:s26+s19], $0x80, v3, vm0, $0xb8;
	[tilespmem:$0x1A100] =	vst v63  }
0x19b: {  	_ = 	snop  }
0x19c: {  	[tilespmem:s0], [sflag:$0x2] =	stream.indirect_vreg.gather [hbm4b:s28+s19], $0x80, v3, vm0, $0xb8;
	[tilespmem:$0x1A100] =	vst v63  }
0x19d: {  	_ = 	snop  }
0x19e: {  	[tilespmem:s3], [sflag:$0x2] =	stream.indirect_vreg.gather [hbm4b:s30+s19], $0x80, v3, vm0, $0xb8;
	[tilespmem:$0x1A100] =	vst v63  }
0x19f: {  	_ = 	snop  }
0x1a0: {  	[tilespmem:s4], [sflag:$0x2] =	stream.indirect_vreg.gather [hbm4b:s31+s19], $0x80, v3, vm0, $0xb8;
	[tilespmem:$0x1A100] =	vst v63  }
0x1a1: {  	v3 =	vld [tilespmem:$0x90];
	_ =	sdelay $0x4  }
0x1a2: {  	v63 =	vshll.u32 v3, $0x3  }
0x1a3: {  	v3 =	vand.u32 $0x7, v3;
	v4 =	vand.u32 $0xFFFFFFC0, v63  }
0x1a4: {  	v3 =	vor.u32 v3, v4  }
0x1a5: {  	v4 =	vperm.xlane v3, v0;
	_ =	sdelay $0x1  }
0x1a6: {  	v4 =	vadd.s32 v1, v4;
	_ =	sdelay $0x4  }
0x1a7: {  	[tilespmem:s5], [sflag:$0x2] =	stream.indirect_vreg.gather [hbm4b:s26+s19], $0x80, v4, vm0, $0xb8;
	[tilespmem:$0x1A100] =	vst v63  }
0x1a8: {  	v3 =	vperm.xlane v3, v2  }
0x1a9: {  	[tilespmem:s7], [sflag:$0x2] =	stream.indirect_vreg.gather [hbm4b:s28+s19], $0x80, v4, vm0, $0xb8;
	[tilespmem:$0x1A100] =	vst v63  }
0x1aa: {  	v3 =	vadd.s32 v1, v3  }
0x1ab: {  	[tilespmem:s8], [sflag:$0x2] =	stream.indirect_vreg.gather [hbm4b:s30+s19], $0x80, v4, vm0, $0xb8;
	[tilespmem:$0x1A100] =	vst v63  }
0x1ac: {  	_ = 	snop  }
0x1ad: {  	[tilespmem:s9], [sflag:$0x2] =	stream.indirect_vreg.gather [hbm4b:s31+s19], $0x80, v4, vm0, $0xb8;
	[tilespmem:$0x1A100] =	vst v63  }
0x1ae: {  	_ = 	snop  }
0x1af: {  	[tilespmem:s10], [sflag:$0x2] =	stream.indirect_vreg.gather [hbm4b:s26+s19], $0x80, v3, vm0, $0xb8;
	[tilespmem:$0x1A100] =	vst v63  }
0x1b0: {  	_ = 	snop  }
0x1b1: {  	[tilespmem:s11], [sflag:$0x2] =	stream.indirect_vreg.gather [hbm4b:s28+s19], $0x80, v3, vm0, $0xb8;
	[tilespmem:$0x1A100] =	vst v63  }
0x1b2: {  	_ = 	snop  }
0x1b3: {  	[tilespmem:s12], [sflag:$0x2] =	stream.indirect_vreg.gather [hbm4b:s30+s19], $0x80, v3, vm0, $0xb8;
	[tilespmem:$0x1A100] =	vst v63  }
0x1b4: {  	_ = 	snop  }
0x1b5: {  	[tilespmem:s13], [sflag:$0x2] =	stream.indirect_vreg.gather [hbm4b:s31+s19], $0x80, v3, vm0, $0xb8;
	[tilespmem:$0x1A100] =	vst v63  }
0x1b6: {  	s29 =	rddreg [dreg:$0x17]  }
0x1b7: {  	[tilespmem:s14], [sflag:$0x3] =	stream.linear.gather [hbm4b:s29+s19], $0x8000, $0x38;
	[tilespmem:$0x1A100] =	vst v63  }
0x1b8: {  	_ =	swait.ge [sflag:s15], $0x8000  }
0x1b9: {  	[sflag:s15] =	ssyncset.done $0x0  }
0x1ba: {  	[sflag:s15] =	ssyncadd.s32 $0xFFFF8000  }
0x1bb: {  	_ =	swait.ge [sflag:s16], $0x8000  }
0x1bc: {  	[sflag:s16] =	ssyncset.done $0x0  }
0x1bd: {  	[sflag:s16] =	ssyncadd.s32 $0xFFFF8000  }
0x1be: {  	_ =	swait.ge [sflag:s17], $0x8000  }
0x1bf: {  	[sflag:s17] =	ssyncset.done $0x0  }
0x1c0: {  	s20 =	simm.s32 $0x0;
	[sflag:s17] =	ssyncadd.s32 $0xFFFF8000  }
.LBB2_10:
0x1c1: {  	s22 =	sshll.u32 s20, $0x7;
	s21 =	sshll.u32 s20, $0xA  }
0x1c2: {  	s21 =	sand.u32 $0x6000, s21;
	s23 =	sand.u32 $0x380, s22  }
0x1c3: {  	s25 =	sand.u32 $0x1C00, s19;
	s21 =	sor.u32 s21, s23  }
0x1c4: {  	s24 =	sand.u32 $0x70, s19;
	v3 =	vld [tilespmem:s22+$0x100];
	s23 =	sor.u32 s25, s21  }
0x1c5: {  	v4 =	vld [tilespmem:s22+$0x1100];
	s22 =	sor.u32 s24, s23  }
0x1c6: {  	v5 =	vld [tilespmem:s22+$0xA100]  }
0x1c7: {  	v6 =	vld [tilespmem:s22+$0x2100];
	_ =	sdelay $0x3  }
0x1c8: {  	v7 =	vld [tilespmem:s22+$0x12100]  }
0x1c9: {  	v6 =	vmul.f32 v6, v3;
	v5 =	vmul.f32 v5, v4;
	_ =	sdelay $0x1  }
0x1ca: {  	s23 =	simm.s32 $0x80;
	v5 =	vadd.f32 v5, v6  }
0x1cb: {  	s25 =	simm.s32 $0x10;
	s29 =	sand.u32 $0x1C00, s23  }
0x1cc: {  	s25 =	sand.u32 $0x70, s25;
	s24 =	simm.s32 $0x20;
	s29 =	sor.u32 s29, s21;
	v5 =	vadd.f32 v5, v7  }
.LBB2_11:
0x1cd: {  	p0 =	sne.s32 s24, $0x3F0;
	s25 =	sor.u32 s25, s29  }
0x1ce: {  	v6 =	vld [tilespmem:s25+$0xA100];
	[tilespmem:s22+$0x2100] =	vst v5;
	s22 =	smov.u32 s25  }
0x1cf: {  	v5 =	vld [tilespmem:s22+$0x2100];
	_ =	sdelay $0x3  }
0x1d0: {  	v7 =	vld [tilespmem:s22+$0x12100]  }
.Ltmp4:
0x1d1: {  	v6 =	vmul.f32 v6, v4;
	v5 =	vmul.f32 v5, v3;
	(pc) =	sbr.rel @p0 .LBB2_11-.Ltmp4, $4  }
0x1d2: {  	_ = 	snop  }
0x1d3: {  	s23 =	sadd.s32 $0x80, s23;
	v5 =	vadd.f32 v6, v5  }
0x1d4: {  	s29 =	sand.u32 $0x1C00, s23  }
0x1d5: {  	s25 =	sand.u32 $0x70, s24;
	s24 =	sadd.s32 $0x10, s24;
	s29 =	sor.u32 s29, s21;
	v5 =	vadd.f32 v5, v7  }
0x1d6: {  	s21 =	sor.u32 s25, s29  }
0x1d7: {  	v6 =	vld [tilespmem:s21+$0xA100];
	[tilespmem:s22+$0x2100] =	vst v5  }
0x1d8: {  	v5 =	vld [tilespmem:s21+$0x2100];
	_ =	sdelay $0x3  }
0x1d9: {  	v7 =	vld [tilespmem:s21+$0x12100]  }
0x1da: {  	s20 =	sadd.s32 $0x1, s20;
	v4 =	vmul.f32 v6, v4;
	v3 =	vmul.f32 v5, v3  }
0x1db: {  	p0 =	sne.s32 s20, $0x20  }
.Ltmp5:
0x1dc: {  	v3 =	vadd.f32 v4, v3;
	(pc) =	sbr.rel @p0 .LBB2_10-.Ltmp5, $3  }
0x1dd: {  	_ = 	snop  }
0x1de: {  	v3 =	vadd.f32 v3, v7;
	_ =	sdelay $0x1  }
0x1df: {  	[tilespmem:s21+$0x2100] =	vst v3  }
0x1e0: {  	s19 =	simm.s32 $0x0;
	s20 =	rddreg [dreg:$0x18]  }
0x1e1: {  	[hbm4b:s20+s19] =	stream.linear.scatter [tilespmem:s6], [sflag:$0x4], $0x8000, $0x38;
	[tilespmem:$0x1A100] =	vst v63  }
0x1e2: {  	_ =	swait.ge [sflag:s1], $0x8000  }
0x1e3: {  	[sflag:s1] =	ssyncset.done $0x0  }
0x1e4: {  	s23 =	rddreg [dreg:$0xd];
	[sflag:s1] =	ssyncadd.s32 $0xFFFF8000  }
0x1e5: {  	[tilespmem:s19], [sflag:$0x4] =	stream.linear.gather [hbm4b:s23+s19], $0x20, $0x38;
	[tilespmem:$0x1A100] =	vst v63  }
0x1e6: {  	_ =	swait.ge [sflag:s1], $0x20  }
0x1e7: {  	[sflag:s1] =	ssyncset.done $0x0  }
0x1e8: {  	s21 =	simm.s32 $0x80;
	s24 =	rddreg [dreg:$0xe];
	[sflag:s1] =	ssyncadd.s32 $0xFFFFFFE0  }
0x1e9: {  	[tilespmem:s21], [sflag:$0x4] =	stream.linear.gather [hbm4b:s24+s19], $0x20, $0x38;
	[tilespmem:$0x1A100] =	vst v63  }
0x1ea: {  	_ =	swait.ge [sflag:s1], $0x20  }
0x1eb: {  	[sflag:s1] =	ssyncset.done $0x0  }
0x1ec: {  	s29 =	simm.s32 $0x100;
	s25 =	rddreg [dreg:$0x11];
	[sflag:s1] =	ssyncadd.s32 $0xFFFFFFE0  }
0x1ed: {  	[tilespmem:s29], [sflag:$0x4] =	stream.linear.gather [hbm4b:s25+s19], $0x1000, $0x38;
	[tilespmem:$0x1A100] =	vst v63  }
0x1ee: {  	_ =	swait.ge [sflag:s1], $0x1000  }
0x1ef: {  	[sflag:s1] =	ssyncset.done $0x0  }
0x1f0: {  	s23 =	simm.s32 $0x1100;
	s22 =	rddreg [dreg:$0x12];
	[sflag:s1] =	ssyncadd.s32 $0xFFFFF000  }
0x1f1: {  	[tilespmem:s23], [sflag:$0x4] =	stream.linear.gather [hbm4b:s22+s19], $0x1000, $0x38;
	[tilespmem:$0x1A100] =	vst v63  }
0x1f2: {  	_ =	swait.ge [sflag:s1], $0x1000  }
0x1f3: {  	[sflag:s1] =	ssyncset.done $0x0  }
0x1f4: {  	[sflag:s1] =	ssyncadd.s32 $0xFFFFF000  }
0x1f5: {  	v3 =	vld [tilespmem:$0x0];
	_ =	sdelay $0x4  }
0x1f6: {  	v4 =	vshll.u32 v3, $0x3  }
0x1f7: {  	v3 =	vand.u32 $0x7, v3;
	v4 =	vand.u32 $0xFFFFFFC0, v4  }
0x1f8: {  	v3 =	vor.u32 v3, v4  }
0x1f9: {  	v4 =	vperm.xlane v3, v0;
	_ =	sdelay $0x1  }
0x1fa: {  	v4 =	vadd.s32 v1, v4;
	_ =	sdelay $0x4  }
0x1fb: {  	[tilespmem:s6], [sflag:$0x1] =	stream.indirect_vreg.gather [hbm4b:s26+s19], $0x80, v4, vm0, $0xb8;
	[tilespmem:$0x1A100] =	vst v63  }
0x1fc: {  	s24 =	simm.s32 $0x2900;
	v3 =	vperm.xlane v3, v2  }
0x1fd: {  	[tilespmem:s24], [sflag:$0x1] =	stream.indirect_vreg.gather [hbm4b:s28+s19], $0x80, v4, vm0, $0xb8;
	[tilespmem:$0x1A100] =	vst v63  }
0x1fe: {  	s25 =	simm.s32 $0x3100;
	v3 =	vadd.s32 v1, v3  }
0x1ff: {  	[tilespmem:s25], [sflag:$0x1] =	stream.indirect_vreg.gather [hbm4b:s30+s19], $0x80, v4, vm0, $0xb8;
	[tilespmem:$0x1A100] =	vst v63  }
0x200: {  	s29 =	simm.s32 $0x3900  }
0x201: {  	[tilespmem:s29], [sflag:$0x1] =	stream.indirect_vreg.gather [hbm4b:s31+s19], $0x80, v4, vm0, $0xb8;
	[tilespmem:$0x1A100] =	vst v63  }
0x202: {  	s21 =	simm.s32 $0x4100  }
0x203: {  	[tilespmem:s21], [sflag:$0x1] =	stream.indirect_vreg.gather [hbm4b:s26+s19], $0x80, v3, vm0, $0xb8;
	[tilespmem:$0x1A100] =	vst v63  }
0x204: {  	s22 =	simm.s32 $0x4900  }
0x205: {  	[tilespmem:s22], [sflag:$0x1] =	stream.indirect_vreg.gather [hbm4b:s28+s19], $0x80, v3, vm0, $0xb8;
	[tilespmem:$0x1A100] =	vst v63  }
0x206: {  	s23 =	simm.s32 $0x5100  }
0x207: {  	[tilespmem:s23], [sflag:$0x1] =	stream.indirect_vreg.gather [hbm4b:s30+s19], $0x80, v3, vm0, $0xb8;
	[tilespmem:$0x1A100] =	vst v63  }
0x208: {  	s24 =	simm.s32 $0x5900  }
0x209: {  	[tilespmem:s24], [sflag:$0x1] =	stream.indirect_vreg.gather [hbm4b:s31+s19], $0x80, v3, vm0, $0xb8;
	[tilespmem:$0x1A100] =	vst v63  }
0x20a: {  	v3 =	vld [tilespmem:$0x10];
	_ =	sdelay $0x4  }
0x20b: {  	v61 =	vshll.u32 v3, $0x3  }
0x20c: {  	v3 =	vand.u32 $0x7, v3;
	v4 =	vand.u32 $0xFFFFFFC0, v61  }
0x20d: {  	v3 =	vor.u32 v3, v4  }
0x20e: {  	v4 =	vperm.xlane v3, v0;
	_ =	sdelay $0x1  }
0x20f: {  	v4 =	vadd.s32 v1, v4;
	_ =	sdelay $0x3  }
0x210: {  	s25 =	simm.s32 $0x6100  }
0x211: {  	[tilespmem:s25], [sflag:$0x1] =	stream.indirect_vreg.gather [hbm4b:s26+s19], $0x80, v4, vm0, $0xb8;
	[tilespmem:$0x1A100] =	vst v63  }
0x212: {  	s29 =	simm.s32 $0x6900;
	v3 =	vperm.xlane v3, v2  }
0x213: {  	[tilespmem:s29], [sflag:$0x1] =	stream.indirect_vreg.gather [hbm4b:s28+s19], $0x80, v4, vm0, $0xb8;
	[tilespmem:$0x1A100] =	vst v63  }
0x214: {  	s21 =	simm.s32 $0x7100;
	v3 =	vadd.s32 v1, v3  }
0x215: {  	[tilespmem:s21], [sflag:$0x1] =	stream.indirect_vreg.gather [hbm4b:s30+s19], $0x80, v4, vm0, $0xb8;
	[tilespmem:$0x1A100] =	vst v63  }
0x216: {  	s22 =	simm.s32 $0x7900  }
0x217: {  	[tilespmem:s22], [sflag:$0x1] =	stream.indirect_vreg.gather [hbm4b:s31+s19], $0x80, v4, vm0, $0xb8;
	[tilespmem:$0x1A100] =	vst v63  }
0x218: {  	s23 =	simm.s32 $0x8100  }
0x219: {  	[tilespmem:s23], [sflag:$0x1] =	stream.indirect_vreg.gather [hbm4b:s26+s19], $0x80, v3, vm0, $0xb8;
	[tilespmem:$0x1A100] =	vst v63  }
0x21a: {  	s24 =	simm.s32 $0x8900  }
0x21b: {  	[tilespmem:s24], [sflag:$0x1] =	stream.indirect_vreg.gather [hbm4b:s28+s19], $0x80, v3, vm0, $0xb8;
	[tilespmem:$0x1A100] =	vst v63  }
0x21c: {  	s25 =	simm.s32 $0x9100  }
0x21d: {  	[tilespmem:s25], [sflag:$0x1] =	stream.indirect_vreg.gather [hbm4b:s30+s19], $0x80, v3, vm0, $0xb8;
	[tilespmem:$0x1A100] =	vst v63  }
0x21e: {  	s29 =	simm.s32 $0x9900  }
0x21f: {  	[tilespmem:s29], [sflag:$0x1] =	stream.indirect_vreg.gather [hbm4b:s31+s19], $0x80, v3, vm0, $0xb8;
	[tilespmem:$0x1A100] =	vst v63  }
0x220: {  	v3 =	vld [tilespmem:$0x80];
	_ =	sdelay $0x4  }
0x221: {  	v62 =	vshll.u32 v3, $0x3  }
0x222: {  	v3 =	vand.u32 $0x7, v3;
	v4 =	vand.u32 $0xFFFFFFC0, v62  }
0x223: {  	v3 =	vor.u32 v3, v4  }
0x224: {  	v4 =	vperm.xlane v3, v0;
	_ =	sdelay $0x1  }
0x225: {  	v4 =	vadd.s32 v1, v4;
	_ =	sdelay $0x3  }
0x226: {  	s21 =	simm.s32 $0xA100  }
0x227: {  	[tilespmem:s21], [sflag:$0x2] =	stream.indirect_vreg.gather [hbm4b:s26+s19], $0x80, v4, vm0, $0xb8;
	[tilespmem:$0x1A100] =	vst v63  }
0x228: {  	s22 =	simm.s32 $0xA900;
	v3 =	vperm.xlane v3, v2  }
0x229: {  	[tilespmem:s22], [sflag:$0x2] =	stream.indirect_vreg.gather [hbm4b:s28+s19], $0x80, v4, vm0, $0xb8;
	[tilespmem:$0x1A100] =	vst v63  }
0x22a: {  	s23 =	simm.s32 $0xB100;
	v3 =	vadd.s32 v1, v3  }
0x22b: {  	[tilespmem:s23], [sflag:$0x2] =	stream.indirect_vreg.gather [hbm4b:s30+s19], $0x80, v4, vm0, $0xb8;
	[tilespmem:$0x1A100] =	vst v63  }
0x22c: {  	s24 =	simm.s32 $0xB900  }
0x22d: {  	[tilespmem:s24], [sflag:$0x2] =	stream.indirect_vreg.gather [hbm4b:s31+s19], $0x80, v4, vm0, $0xb8;
	[tilespmem:$0x1A100] =	vst v63  }
0x22e: {  	s25 =	simm.s32 $0xC100  }
0x22f: {  	[tilespmem:s25], [sflag:$0x2] =	stream.indirect_vreg.gather [hbm4b:s26+s19], $0x80, v3, vm0, $0xb8;
	[tilespmem:$0x1A100] =	vst v63  }
0x230: {  	_ = 	snop  }
0x231: {  	[tilespmem:s0], [sflag:$0x2] =	stream.indirect_vreg.gather [hbm4b:s28+s19], $0x80, v3, vm0, $0xb8;
	[tilespmem:$0x1A100] =	vst v63  }
0x232: {  	_ = 	snop  }
0x233: {  	[tilespmem:s3], [sflag:$0x2] =	stream.indirect_vreg.gather [hbm4b:s30+s19], $0x80, v3, vm0, $0xb8;
	[tilespmem:$0x1A100] =	vst v63  }
0x234: {  	_ = 	snop  }
0x235: {  	[tilespmem:s4], [sflag:$0x2] =	stream.indirect_vreg.gather [hbm4b:s31+s19], $0x80, v3, vm0, $0xb8;
	[tilespmem:$0x1A100] =	vst v63  }
0x236: {  	v3 =	vld [tilespmem:$0x90];
	_ =	sdelay $0x4  }
0x237: {  	v63 =	vshll.u32 v3, $0x3  }
0x238: {  	v3 =	vand.u32 $0x7, v3;
	v4 =	vand.u32 $0xFFFFFFC0, v63  }
0x239: {  	v3 =	vor.u32 v3, v4  }
0x23a: {  	v4 =	vperm.xlane v3, v0;
	_ =	sdelay $0x1  }
0x23b: {  	v4 =	vadd.s32 v1, v4;
	_ =	sdelay $0x4  }
0x23c: {  	[tilespmem:s5], [sflag:$0x2] =	stream.indirect_vreg.gather [hbm4b:s26+s19], $0x80, v4, vm0, $0xb8;
	[tilespmem:$0x1A100] =	vst v63  }
0x23d: {  	v3 =	vperm.xlane v3, v2  }
0x23e: {  	[tilespmem:s7], [sflag:$0x2] =	stream.indirect_vreg.gather [hbm4b:s28+s19], $0x80, v4, vm0, $0xb8;
	[tilespmem:$0x1A100] =	vst v63  }
0x23f: {  	v3 =	vadd.s32 v1, v3  }
0x240: {  	[tilespmem:s8], [sflag:$0x2] =	stream.indirect_vreg.gather [hbm4b:s30+s19], $0x80, v4, vm0, $0xb8;
	[tilespmem:$0x1A100] =	vst v63  }
0x241: {  	_ = 	snop  }
0x242: {  	[tilespmem:s9], [sflag:$0x2] =	stream.indirect_vreg.gather [hbm4b:s31+s19], $0x80, v4, vm0, $0xb8;
	[tilespmem:$0x1A100] =	vst v63  }
0x243: {  	_ = 	snop  }
0x244: {  	[tilespmem:s10], [sflag:$0x2] =	stream.indirect_vreg.gather [hbm4b:s26+s19], $0x80, v3, vm0, $0xb8;
	[tilespmem:$0x1A100] =	vst v63  }
0x245: {  	_ = 	snop  }
0x246: {  	[tilespmem:s11], [sflag:$0x2] =	stream.indirect_vreg.gather [hbm4b:s28+s19], $0x80, v3, vm0, $0xb8;
	[tilespmem:$0x1A100] =	vst v63  }
0x247: {  	_ = 	snop  }
0x248: {  	[tilespmem:s12], [sflag:$0x2] =	stream.indirect_vreg.gather [hbm4b:s30+s19], $0x80, v3, vm0, $0xb8;
	[tilespmem:$0x1A100] =	vst v63  }
0x249: {  	_ = 	snop  }
0x24a: {  	[tilespmem:s13], [sflag:$0x2] =	stream.indirect_vreg.gather [hbm4b:s31+s19], $0x80, v3, vm0, $0xb8;
	[tilespmem:$0x1A100] =	vst v63  }
0x24b: {  	s29 =	rddreg [dreg:$0x19]  }
0x24c: {  	[tilespmem:s14], [sflag:$0x3] =	stream.linear.gather [hbm4b:s29+s19], $0x8000, $0x38;
	[tilespmem:$0x1A100] =	vst v63  }
0x24d: {  	_ =	swait.ge [sflag:s15], $0x8000  }
0x24e: {  	[sflag:s15] =	ssyncset.done $0x0  }
0x24f: {  	[sflag:s15] =	ssyncadd.s32 $0xFFFF8000  }
0x250: {  	_ =	swait.ge [sflag:s16], $0x8000  }
0x251: {  	[sflag:s16] =	ssyncset.done $0x0  }
0x252: {  	[sflag:s16] =	ssyncadd.s32 $0xFFFF8000  }
0x253: {  	_ =	swait.ge [sflag:s17], $0x8000  }
0x254: {  	[sflag:s17] =	ssyncset.done $0x0  }
0x255: {  	s20 =	simm.s32 $0x0;
	[sflag:s17] =	ssyncadd.s32 $0xFFFF8000  }
.LBB2_14:
0x256: {  	s22 =	sshll.u32 s20, $0x7;
	s21 =	sshll.u32 s20, $0xA  }
0x257: {  	s21 =	sand.u32 $0x6000, s21;
	s23 =	sand.u32 $0x380, s22  }
0x258: {  	s25 =	sand.u32 $0x1C00, s19;
	s21 =	sor.u32 s21, s23  }
0x259: {  	s24 =	sand.u32 $0x70, s19;
	v3 =	vld [tilespmem:s22+$0x100];
	s23 =	sor.u32 s25, s21  }
0x25a: {  	v4 =	vld [tilespmem:s22+$0x1100];
	s22 =	sor.u32 s24, s23  }
0x25b: {  	v5 =	vld [tilespmem:s22+$0xA100]  }
0x25c: {  	v6 =	vld [tilespmem:s22+$0x2100];
	_ =	sdelay $0x3  }
0x25d: {  	v7 =	vld [tilespmem:s22+$0x12100]  }
0x25e: {  	v6 =	vmul.f32 v6, v3;
	v5 =	vmul.f32 v5, v4;
	_ =	sdelay $0x1  }
0x25f: {  	s23 =	simm.s32 $0x80;
	v5 =	vadd.f32 v5, v6  }
0x260: {  	s25 =	simm.s32 $0x10;
	s29 =	sand.u32 $0x1C00, s23  }
0x261: {  	s25 =	sand.u32 $0x70, s25;
	s24 =	simm.s32 $0x20;
	s29 =	sor.u32 s29, s21;
	v5 =	vadd.f32 v5, v7  }
.LBB2_15:
0x262: {  	p0 =	sne.s32 s24, $0x3F0;
	s25 =	sor.u32 s25, s29  }
0x263: {  	v6 =	vld [tilespmem:s25+$0xA100];
	[tilespmem:s22+$0x2100] =	vst v5;
	s22 =	smov.u32 s25  }
0x264: {  	v5 =	vld [tilespmem:s22+$0x2100];
	_ =	sdelay $0x3  }
0x265: {  	v7 =	vld [tilespmem:s22+$0x12100]  }
.Ltmp6:
0x266: {  	v6 =	vmul.f32 v6, v4;
	v5 =	vmul.f32 v5, v3;
	(pc) =	sbr.rel @p0 .LBB2_15-.Ltmp6, $4  }
0x267: {  	_ = 	snop  }
0x268: {  	s23 =	sadd.s32 $0x80, s23;
	v5 =	vadd.f32 v6, v5  }
0x269: {  	s29 =	sand.u32 $0x1C00, s23  }
0x26a: {  	s25 =	sand.u32 $0x70, s24;
	s24 =	sadd.s32 $0x10, s24;
	s29 =	sor.u32 s29, s21;
	v5 =	vadd.f32 v5, v7  }
0x26b: {  	s21 =	sor.u32 s25, s29  }
0x26c: {  	v6 =	vld [tilespmem:s21+$0xA100];
	[tilespmem:s22+$0x2100] =	vst v5  }
0x26d: {  	v5 =	vld [tilespmem:s21+$0x2100];
	_ =	sdelay $0x3  }
0x26e: {  	v7 =	vld [tilespmem:s21+$0x12100]  }
0x26f: {  	s20 =	sadd.s32 $0x1, s20;
	v4 =	vmul.f32 v6, v4;
	v3 =	vmul.f32 v5, v3  }
0x270: {  	p0 =	sne.s32 s20, $0x20  }
.Ltmp7:
0x271: {  	v3 =	vadd.f32 v4, v3;
	(pc) =	sbr.rel @p0 .LBB2_14-.Ltmp7, $3  }
0x272: {  	_ = 	snop  }
0x273: {  	v3 =	vadd.f32 v3, v7;
	_ =	sdelay $0x1  }
0x274: {  	[tilespmem:s21+$0x2100] =	vst v3  }
0x275: {  	s19 =	rddreg [dreg:$0x1a]  }
0x276: {  	[hbm4b:s19+s2] =	stream.linear.scatter [tilespmem:s6], [sflag:$0x4], $0x8000, $0x38;
	[tilespmem:$0x1A100] =	vst v63  }
0x277: {  	_ =	swait.ge [sflag:s1], $0x8000  }
0x278: {  	s18 =	sadd.s32 $0x1, s18;
	s29 =	rddreg [dreg:$0x1b]  }
0x279: {  	p0 =	sne.s32 s18, s29  }
.Ltmp8:
0x27a: {  	_ = 	snop;
	(pc) =	sbr.rel @p0 .LBB2_1-.Ltmp8, $3  }
0x27b: {  	_ =	sdelay $0x1  }
0x27c: {  	[sflag:s1] =	ssyncset.done $0x0  }
0x27d: {  	[sflag:s1] =	ssyncadd.s32 $0xFFFF8000  }
0x27e: {  	_ =	sfence.sel $0x180000  }
0x27f: {  	[bflag:$0x0] =	sbarrier.arrive $0xFFFF  }
0x280: {  	_ =	strace $0x9000004A  }
0x281: {  	s0 =	stileid.u32;
	[bflag:$0x2] =	sbarrier.arrive $0xFFFF  }
0x282: {  	p0 =	sne.s32 s0, $0x0;
	s0 =	rddreg [dreg:$0x2]  }
0x283: {  	s0 =	sadd.s32 @!p0 $0x100000, s0  }
0x284: {  	[sflag:s0] =	ssyncadd.tile.s32 @!p0 $0x1;
	_ =	shalt  }
.Lfunc_end2:
_tile_overlayer_lowered:
.L_overlay_start_2:
0x285: {  	(tag) =	ssettag $0x2  }
0x286: {  	s0 =	rddreg [dreg:$0x0];
	s2 =	stileid.u32  }
0x287: {  	s1 =	rddreg [dreg:$0x1];
	p0 =	sne.s32 s2, $0x0  }
0x288: {  	s3 =	rddreg [dreg:$0x2];
	[bflag:$0x3] =	sbarrier.arrive $0xFFFF;
	s2 =	simm.s32 @!p0 $0x1C04  }
0x289: {  	[timem:s3], [sflag:s2] =	dma.local @!p0 [hbm:s0], s1  }
0x28a: {  	s0 =	simm.s32 @!p0 $0x4  }
0x28b: {  	_ =	swait.ge @!p0 [sflag:s0], s1  }
0x28c: {  	s1 =	ssub.s32 @!p0 $0x0, s1;
	[sflag:s0] =	ssyncset.done @!p0 $0x0  }
0x28d: {  	[sflag:s0] =	ssyncadd.s32 @!p0 s1  }
0x28e: {  	[bflag:$0x3] =	sbarrier.arrive $0xFFFF  }
0x28f: {  	_ =	shalt  }

// kernel: kernel.7.cloned.1.call-start
scs
__scs_entry_jumppad:
0x0: {  	(pc) =	sbr.rel $0x88, $3  }
0x1: {  	(tag) =	ssettag $0x0;
	lr =	simm.s32 $0x1  }
0x2: {  	[smem:$0x3F99] =	sst lr;
	_ =	strace $0xD0000000  }
0x3: {  	_ = 	snop  }
0x4: {  	_ = 	snop  }
0x5: {  	_ = 	snop  }
0x6: {  	_ = 	snop  }
0x7: {  	_ = 	snop  }
__scs_overlays_trampoline_lowered:
0x8: {  	[smem:$0x3FA8] =	sst s0  }
0x9: {  	[smem:$0x3FA9] =	sst s1  }
0xa: {  	[smem:$0x3FAA] =	sst s2  }
0xb: {  	[smem:$0x3FAB] =	sst s3  }
0xc: {  	[smem:$0x3FAC] =	sst s4  }
0xd: {  	[smem:$0x3FAD] =	sst s5  }
0xe: {  	[smem:$0x3FAE] =	sst s6  }
0xf: {  	[smem:$0x3FAF] =	sst s7  }
0x10: {  	[smem:$0x3FB0] =	sst s8  }
0x11: {  	[smem:$0x3FB1] =	sst s9;
	s0 =	simm.s32 @!p0 $0x0  }
0x12: {  	s1 =	sld [smem:$0x3F97];
	s0 =	simm.s32 @p0 $0x1  }
0x13: {  	[smem:$0x3FB2] =	sst s0;
	s0 =	simm.s32 @!p1 $0x0  }
0x14: {  	s2 =	sld [smem:$0x3F96];
	s0 =	simm.s32 @p1 $0x1  }
0x15: {  	[smem:$0x3FB3] =	sst s0;
	s0 =	simm.s32 @!p2 $0x0  }
0x16: {  	s3 =	sld [smem:$0x3FDB];
	s0 =	simm.s32 @p2 $0x1  }
0x17: {  	s4 =	simm.s32 $0x1BF5;
	[smem:$0x3FB5] =	sst s0  }
0x18: {  	s0 =	sld [smem:$0x3F98];
	_ =	swait.ge [sflag:s4], $0x0  }
0x19: {  	s7 =	sld [smem:$0x3F99]  }
0x1a: {  	s8 =	sadd.s32 $0xFFFFE003, lr  }
0x1b: {  	s9 =	sadd.s32 $0xFFFFFEF7, lr;
	s5 =	simm.s32 $0xFFFFFFFF;
	p2 =	slt.u32 s8, $0xFFFFF086  }
0x1c: {  	p1 =	slt.u32 s9, $0xF7A;
	s5 =	simm.s32 @!p2 $0x0  }
0x1d: {  	s5 =	simm.s32 @p1 $0x1;
	p0 =	seq.s32 s7, s2  }
0x1e: {  	s7 =	smul.u32 @!p0 $0xF7A, s2;
	p2 =	seq.s32 @!p0 s5, $0x0  }
0x1f: {  	s9 =	smul.u32 $0xF7A, s1;
	s8 =	simm.s32 @!p0 $0x1BF5;
	p2 =	por !p2, p0  }
0x20: {  	[sflag:s8] =	ssyncset.s32 @!p0 $0xFFFFF086;
	s6 =	sadd.s32 @!p0 s3, s7;
	s7 =	simm.s32 @!p0 $0x108  }
0x21: {  	s3 =	sadd.s32 s3, s9;
	s6 =	sadd.s32 @!p0 $0x88, s6;
	s7 =	simm.s32 @p2 $0x1082  }
0x22: {  	[simem:s7], [sflag:s8] =	dma.local @!p0 [hbm:s6], $0xF7A  }
0x23: {  	s9 =	sor.u32 $0xD0000000, s2;
	s6 =	simm.s32 $0x108;
	_ =	swait.ge @!p0 [sflag:s8], $0x0  }
0x24: {  	s3 =	sadd.s32 $0x88, s3;
	s6 =	simm.s32 @!p1 $0x1082;
	[sflag:s4] =	ssyncset.s32 $0xFFFFF086  }
0x25: {  	[simem:s6], [sflag:s4] =	dma.local [hbm:s3], $0xF7A  }
0x26: {  	[smem:$0x3F99] =	sst s1;
	(tag) =	ssettag s2;
	_ =	strace s9  }
0x27: {  	s1 =	sld [smem:$0x3FA9]  }
0x28: {  	s2 =	sld [smem:$0x3FAA]  }
0x29: {  	s4 =	sld [smem:$0x3FAC]  }
0x2a: {  	p0 =	seq.s32 s5, $0x0;
	s5 =	sld [smem:$0x3FAD]  }
0x2b: {  	s6 =	sld [smem:$0x3FAE]  }
0x2c: {  	s7 =	sld [smem:$0x3FAF]  }
0x2d: {  	s3 =	simm.s32 $0x108;
	s8 =	sld [smem:$0x3FB0]  }
0x2e: {  	s3 =	simm.s32 @!p0 $0x1082;
	s9 =	sld [smem:$0x3FB1]  }
0x2f: {  	lr =	sadd.s32 s0, s3;
	s0 =	sld [smem:$0x3FA8]  }
0x30: {  	s3 =	sld [smem:$0x3FAB]  }
0x31: {  	[smem:$0x3FB4] =	sst s10  }
0x32: {  	s10 =	sld [smem:$0x3FB2];
	_ =	sdelay $0x3  }
0x33: {  	p0 =	seq.s32 s10, $0x1;
	s10 =	sld [smem:$0x3FB4];
	_ =	sdelay $0x3  }
0x34: {  	[smem:$0x3FB4] =	sst s10  }
0x35: {  	s10 =	sld [smem:$0x3FB3];
	_ =	sdelay $0x3  }
0x36: {  	p1 =	seq.s32 s10, $0x1;
	s10 =	sld [smem:$0x3FB4];
	_ =	sdelay $0x3  }
0x37: {  	[smem:$0x3FB4] =	sst s10  }
0x38: {  	s10 =	sld [smem:$0x3FB5]  }
0x39: {  	_ = 	snop;
	(pc) =	sbr.ind lr, $3  }
0x3a: {  	_ = 	snop  }
0x3b: {  	_ = 	snop  }
0x3c: {  	p2 =	seq.s32 s10, $0x1;
	s10 =	sld [smem:$0x3FB4]  }
0x3d: {  	_ =	shalt  }
0x3e: {  	_ =	shalt  }
0x3f: {  	_ =	shalt  }
0x40: {  	_ =	shalt  }
0x41: {  	_ =	shalt  }
0x42: {  	_ =	shalt  }
0x43: {  	_ =	shalt  }
0x44: {  	_ =	shalt  }
0x45: {  	_ =	shalt  }
0x46: {  	_ =	shalt  }
0x47: {  	_ =	shalt  }
0x48: {  	_ =	shalt  }
0x49: {  	_ =	shalt  }
0x4a: {  	_ =	shalt  }
0x4b: {  	_ =	shalt  }
0x4c: {  	_ =	shalt  }
0x4d: {  	_ =	shalt  }
0x4e: {  	_ =	shalt  }
0x4f: {  	_ =	shalt  }
0x50: {  	_ =	shalt  }
0x51: {  	_ =	shalt  }
0x52: {  	_ =	shalt  }
0x53: {  	_ =	shalt  }
0x54: {  	_ =	shalt  }
0x55: {  	_ =	shalt  }
0x56: {  	_ =	shalt  }
0x57: {  	_ =	shalt  }
0x58: {  	_ =	shalt  }
0x59: {  	_ =	shalt  }
0x5a: {  	_ =	shalt  }
0x5b: {  	_ =	shalt  }
0x5c: {  	_ =	shalt  }
0x5d: {  	_ =	shalt  }
0x5e: {  	_ =	shalt  }
0x5f: {  	_ =	shalt  }
0x60: {  	_ =	shalt  }
0x61: {  	_ =	shalt  }
0x62: {  	_ =	shalt  }
0x63: {  	_ =	shalt  }
0x64: {  	_ =	shalt  }
0x65: {  	_ =	shalt  }
0x66: {  	_ =	shalt  }
0x67: {  	_ =	shalt  }
0x68: {  	_ =	shalt  }
0x69: {  	_ =	shalt  }
0x6a: {  	_ =	shalt  }
0x6b: {  	_ =	shalt  }
0x6c: {  	_ =	shalt  }
0x6d: {  	_ =	shalt  }
0x6e: {  	_ =	shalt  }
0x6f: {  	_ =	shalt  }
0x70: {  	_ =	shalt  }
0x71: {  	_ =	shalt  }
0x72: {  	_ =	shalt  }
0x73: {  	_ =	shalt  }
0x74: {  	_ =	shalt  }
0x75: {  	_ =	shalt  }
0x76: {  	_ =	shalt  }
0x77: {  	_ =	shalt  }
0x78: {  	_ =	shalt  }
0x79: {  	_ =	shalt  }
0x7a: {  	_ =	shalt  }
0x7b: {  	_ =	shalt  }
0x7c: {  	_ =	shalt  }
0x7d: {  	_ =	shalt  }
0x7e: {  	_ =	shalt  }
0x7f: {  	_ =	shalt  }
0x80: {  	_ =	shalt  }
0x81: {  	_ =	shalt  }
0x82: {  	_ =	shalt  }
0x83: {  	_ =	shalt  }
0x84: {  	_ =	shalt  }
0x85: {  	_ =	shalt  }
0x86: {  	_ =	shalt  }
0x87: {  	_ =	shalt  }
.Lfunc_end0:
.L_simem_size_0:
called_computation_lowered:
.L_overlay_start_0:
0x88: {  	s2 =	sld [smem:$0x3FD9]  }
0x89: {  	s3 =	sld [smem:$0x3FFE];
	_ =	sdelay $0x1  }
0x8a: {  	s1 =	srdreg.scid  }
0x8b: {  	s0 =	sand.u32 $0x1, s1  }
0x8c: {  	s17 =	sshll.u32 s0, $0xA;
	s2 =	sadd.s32 s3, s2  }
0x8d: {  	s2 =	sadd.s32 s2, s17  }
0x8e: {  	[smem:$0x3FC0] =	sst s2  }
0x8f: {  	_ = 	snop  }
0x90: {  	s2 =	sld [smem:$0x3FC9];
	(tm) =	ssettm $0x1  }
0x91: {  	s18 =	sld [smem:$0x3FFB];
	_ =	sdelay $0x3  }
0x92: {  	_ =	strace s18  }
0x93: {  	s3 =	sld [smem:$0x3FFC];
	_ =	sdelay $0x3  }
0x94: {  	_ =	strace s3  }
0x95: {  	s3 =	sld [smem:$0x3FFD];
	_ =	sdelay $0x3  }
0x96: {  	_ =	strace s3  }
0x97: {  	_ =	strace $0x8FFFFFFF  }
0x98: {  	s19 =	sld [smem:$0x3FDB];
	_ =	sdelay $0x1  }
0x99: {  	s4 =	simm.s32 $_scs_section_size  }
0x9a: {  	s5 =	simm.s32 $_size__tile_overlayer_lowered;
	s6 =	simm.s32 $_tile_overlayer_lowered  }
0x9b: {  	s22 =	simm.s32 $0x1BFF;
	s21 =	sshll.u32 s6, $0x1;
	s3 =	sadd.s32 s4, s19  }
0x9c: {  	s7 =	simm.s32 $0x0;
	s20 =	sshll.u32 s5, $0x1;
	s5 =	sadd.s32 s21, s3  }
0x9d: {  	[timem:s7], [sflag:s22] =	dma.local [hbm:s5], s20  }
0x9e: {  	_ =	swait.ge [sflag:s22], s20  }
0x9f: {  	s4 =	ssub.s32 $0x0, s20;
	[sflag:s22] =	ssyncset.done $0x0  }
0xa0: {  	[sflag:s22] =	ssyncadd.s32 s4;
	_ =	sdelay $0x1  }
0xa1: {  	s23 =	simm.s32 $0x1B8B  }
0xa2: {  	_ =	swait.ge [sflag:s23], $0x1  }
0xa3: {  	[sflag:s23] =	ssyncset.done $0x0  }
0xa4: {  	s25 =	simm.s32 $0x1B8E;
	s24 =	sld [smem:$0x3FFE];
	[sflag:s23] =	ssyncadd.s32 $0xFFFFFFFF  }
0xa5: {  	s26 =	simm.s32 $execute0_lowered;
	[smem:$0x3FD2] =	sst s25  }
0xa6: {  	s5 =	sshll.u32 s26, $0x1;
	_ =	strace $0x80000046;
	[dreg:$0x1] =	wrdreg $0xFFFFFFFF  }
0xa7: {  	s28 =	simm.s32 $_size_execute0_lowered;
	s3 =	sadd.s32 s3, s5;
	[dreg:$0x0] =	wrdreg $0x0  }
0xa8: {  	s5 =	sshll.u32 s28, $0x1;
	[dreg:$0x2] =	wrdreg s3  }
0xa9: {  	[dreg:$0x3] =	wrdreg s5  }
0xaa: {  	[dreg:$0x4] =	wrdreg $0xC0  }
0xab: {  	_ =	task [dreg:s7], $0x5FFFF  }
0xac: {  	[dreg:$0x1] =	wrdreg $0xFFFFFFFF  }
0xad: {  	[dreg:$0x0] =	wrdreg $0x60  }
0xae: {  	[dreg:$0x2] =	wrdreg s2  }
0xaf: {  	[dreg:$0x3] =	wrdreg s24  }
0xb0: {  	[dreg:$0x4] =	wrdreg $0x9  }
0xb1: {  	_ =	task.clear_ibuf [dreg:s7], $0x5FFFF;
	_ =	strace $0x90000046  }
0xb2: {  	s29 =	simm.s32 $0x9;
	_ =	strace $0x80000048  }
0xb3: {  	_ =	swait.ge [sflag:s29], $0x1  }
0xb4: {  	[sflag:s29] =	ssyncadd.s32 $0xFFFFFFFF  }
0xb5: {  	_ =	strace $0x90000048  }
0xb6: {  	_ =	sfence  }
0xb7: {  	s30 =	sld [smem:$0x0];
	_ =	sdelay $0x2  }
0xb8: {  	s31 =	sshll.u32 s1, $0xD;
	s1 =	sshrl.u32 s1, $0x2  }
0xb9: {  	s3 =	sand.u32 $0x4000, s31;
	s1 =	sadd.s32 s1, s30  }
0xba: {  	s0 =	sor.u32 s3, s0;
	s1 =	sshll.u32 s1, $0x11  }
0xbb: {  	s0 =	sor.u32 s1, s0  }
0xbc: {  	s0 =	sadd.s32 $0x8F2B, s0  }
0xbd: {  	[sflag:s0] =	ssyncadd.remote.s32 $0x1  }
0xbe: {  	_ =	sfence.sel $0xFFFF  }
0xbf: {  	[dreg:$0x0] =	wrdreg $0xFFFFFFFF;
	(pc) =	sbr.abs _section_cstart, $3  }
0xc0: {  	[dreg:$0x1] =	wrdreg $0xFFFFFFFF  }
0xc1: {  	_ =	task.clear_ibuf [dreg:s7], $0x2FFFF;
	_ =	strace $0x9FFFFFFF  }
0xc2: {  	(tm) =	ssettm $0x7FFFFFFF  }
0xc3: {  	_ =	shalt  }
tec
execute0_lowered:
.L_overlay_start_1:
0x0: {  	(tag) =	ssettag $0x1  }
0x1: {  	s1 =	rddreg [dreg:$0x0]  }
0x2: {  	s0 =	rddreg [dreg:$0x1]  }
0x3: {  	s3 =	simm.s32 $0x0;
	s2 =	srdreg.scid;
	s4 =	stileid.u32  }
0x4: {  	[smem:$0x7FF] =	sst s3;
	s2 =	sand.u32 $0x1, s2;
	s4 =	sshll.u32 s4, $0x6  }
0x5: {  	s10 =	sadd.s32 $0x600, s0;
	s9 =	sadd.s32 $0xA00, s0;
	s5 =	sshll.u32 s2, $0x5  }
0x6: {  	_ =	strace $0x80000047;
	s2 =	ssub.s32 $0x2, s2;
	s8 =	sor.u32 s5, s4  }
0x7: {  	s4 =	sadd.s32 $0xE00, s0;
	s6 =	sshrl.u32 s2, $0x1;
	s5 =	sadd.s32 s9, s8  }
0x8: {  	s24 =	sadd.s32 s10, s8;
	s2 =	ssub.s32 s2, s6;
	s7 =	sor.u32 $0x8, s8  }
0x9: {  	s6 =	sadd.s32 $0x200, s1;
	s12 =	sor.u32 $0x10, s8;
	[dreg:$0x3] =	wrdreg s5  }
0xa: {  	s29 =	sor.u32 $0x18, s8;
	[dreg:$0x4] =	wrdreg s24;
	s11 =	sadd.s32 s9, s7  }
0xb: {  	s8 =	sadd.s32 $0xF00, s0;
	s25 =	sadd.s32 s10, s7;
	[dreg:$0x5] =	wrdreg s11  }
0xc: {  	s5 =	sadd.s32 $0x100, s1;
	s26 =	sadd.s32 s9, s12;
	[dreg:$0x6] =	wrdreg s25  }
0xd: {  	s7 =	sadd.s32 $0x300, s1;
	s28 =	sadd.s32 s10, s12;
	[dreg:$0x7] =	wrdreg s26  }
0xe: {  	v2 =	vlaneseq.u32;
	s30 =	sadd.s32 s9, s29;
	s9 =	sadd.s32 $0x1000, s0;
	[dreg:$0x8] =	wrdreg s28  }
0xf: {  	vm0 =	vmmov $0xffff;
	v1 =	vshrl.u32 v2, $0x3;
	s31 =	sadd.s32 s10, s29;
	s10 =	sadd.s32 $0x1100, s0;
	[dreg:$0x9] =	wrdreg s30  }
0x10: {  	v0 =	vand.u32 $0x7, v2;
	v2 =	vor.u32 $0x8, v2;
	v1 =	vmul.u32 $0x8, v1;
	s0 =	smax.u32 s2, $0x1;
	s12 =	simm.s32 $0x3;
	[dreg:$0xa] =	wrdreg s31  }
.LBB2_1:
0x11: {  	[dreg:$0xb] =	wrdreg s0  }
0x12: {  	s29 =	rddreg [dreg:$0x3]  }
0x13: {  	[tilespmem:s3], [sflag:$0x3] =	stream.linear.gather [hbm4b:s29+s3], $0x40, $0x38;
	[tilespmem:$0x10100] =	vst v63  }
0x14: {  	_ =	swait.ge [sflag:s12], $0x40  }
0x15: {  	[sflag:s12] =	ssyncset.done $0x0  }
0x16: {  	s20 =	simm.s32 $0x80;
	s19 =	rddreg [dreg:$0x4];
	[sflag:s12] =	ssyncadd.s32 $0xFFFFFFC0  }
0x17: {  	[tilespmem:s20], [sflag:$0x3] =	stream.linear.gather [hbm4b:s19+s3], $0x40, $0x38;
	[tilespmem:$0x10100] =	vst v63  }
0x18: {  	_ =	swait.ge [sflag:s12], $0x40  }
0x19: {  	[sflag:s12] =	ssyncset.done $0x0  }
0x1a: {  	[sflag:s12] =	ssyncadd.s32 $0xFFFFFFC0  }
0x1b: {  	v3 =	vld [tilespmem:$0x0];
	_ =	sdelay $0x4  }
0x1c: {  	v4 =	vshll.u32 v3, $0x3  }
0x1d: {  	v3 =	vand.u32 $0x7, v3;
	v4 =	vand.u32 $0xFFFFFFC0, v4  }
0x1e: {  	v3 =	vor.u32 v3, v4  }
0x1f: {  	v4 =	vperm.xlane v3, v0;
	_ =	sdelay $0x1  }
0x20: {  	v4 =	vadd.s32 v1, v4;
	_ =	sdelay $0x3  }
0x21: {  	s21 =	simm.s32 $0x100  }
0x22: {  	[tilespmem:s21], [sflag:$0x1] =	stream.indirect_vreg.gather [hbm4b:s1+s3], $0x80, v4, vm0, $0xb8;
	[tilespmem:$0x10100] =	vst v63  }
0x23: {  	s22 =	simm.s32 $0x900;
	v3 =	vperm.xlane v3, v2  }
0x24: {  	[tilespmem:s22], [sflag:$0x1] =	stream.indirect_vreg.gather [hbm4b:s5+s3], $0x80, v4, vm0, $0xb8;
	[tilespmem:$0x10100] =	vst v63  }
0x25: {  	s23 =	simm.s32 $0x1100;
	v3 =	vadd.s32 v1, v3  }
0x26: {  	[tilespmem:s23], [sflag:$0x1] =	stream.indirect_vreg.gather [hbm4b:s6+s3], $0x80, v4, vm0, $0xb8;
	[tilespmem:$0x10100] =	vst v63  }
0x27: {  	s24 =	simm.s32 $0x1900  }
0x28: {  	[tilespmem:s24], [sflag:$0x1] =	stream.indirect_vreg.gather [hbm4b:s7+s3], $0x80, v4, vm0, $0xb8;
	[tilespmem:$0x10100] =	vst v63  }
0x29: {  	s25 =	simm.s32 $0x2100  }
0x2a: {  	[tilespmem:s25], [sflag:$0x1] =	stream.indirect_vreg.gather [hbm4b:s1+s3], $0x80, v3, vm0, $0xb8;
	[tilespmem:$0x10100] =	vst v63  }
0x2b: {  	s26 =	simm.s32 $0x2900  }
0x2c: {  	[tilespmem:s26], [sflag:$0x1] =	stream.indirect_vreg.gather [hbm4b:s5+s3], $0x80, v3, vm0, $0xb8;
	[tilespmem:$0x10100] =	vst v63  }
0x2d: {  	s28 =	simm.s32 $0x3100  }
0x2e: {  	[tilespmem:s28], [sflag:$0x1] =	stream.indirect_vreg.gather [hbm4b:s6+s3], $0x80, v3, vm0, $0xb8;
	[tilespmem:$0x10100] =	vst v63  }
0x2f: {  	s29 =	simm.s32 $0x3900  }
0x30: {  	[tilespmem:s29], [sflag:$0x1] =	stream.indirect_vreg.gather [hbm4b:s7+s3], $0x80, v3, vm0, $0xb8;
	[tilespmem:$0x10100] =	vst v63  }
0x31: {  	v3 =	vld [tilespmem:$0x10];
	_ =	sdelay $0x4  }
0x32: {  	v33 =	vshll.u32 v3, $0x3  }
0x33: {  	v3 =	vand.u32 $0x7, v3;
	v4 =	vand.u32 $0xFFFFFFC0, v33  }
0x34: {  	v3 =	vor.u32 v3, v4  }
0x35: {  	v4 =	vperm.xlane v3, v0;
	_ =	sdelay $0x1  }
0x36: {  	v4 =	vadd.s32 v1, v4;
	_ =	sdelay $0x3  }
0x37: {  	s30 =	simm.s32 $0x4100  }
0x38: {  	[tilespmem:s30], [sflag:$0x1] =	stream.indirect_vreg.gather [hbm4b:s1+s3], $0x80, v4, vm0, $0xb8;
	[tilespmem:$0x10100] =	vst v63  }
0x39: {  	s31 =	simm.s32 $0x4900;
	v3 =	vperm.xlane v3, v2  }
0x3a: {  	[tilespmem:s31], [sflag:$0x1] =	stream.indirect_vreg.gather [hbm4b:s5+s3], $0x80, v4, vm0, $0xb8;
	[tilespmem:$0x10100] =	vst v63  }
0x3b: {  	s11 =	simm.s32 $0x5100;
	v3 =	vadd.s32 v1, v3  }
0x3c: {  	[tilespmem:s11], [sflag:$0x1] =	stream.indirect_vreg.gather [hbm4b:s6+s3], $0x80, v4, vm0, $0xb8;
	[tilespmem:$0x10100] =	vst v63  }
0x3d: {  	s16 =	simm.s32 $0x5900  }
0x3e: {  	[tilespmem:s16], [sflag:$0x1] =	stream.indirect_vreg.gather [hbm4b:s7+s3], $0x80, v4, vm0, $0xb8;
	[tilespmem:$0x10100] =	vst v63  }
0x3f: {  	s19 =	simm.s32 $0x6100  }
0x40: {  	[tilespmem:s19], [sflag:$0x1] =	stream.indirect_vreg.gather [hbm4b:s1+s3], $0x80, v3, vm0, $0xb8;
	[tilespmem:$0x10100] =	vst v63  }
0x41: {  	s20 =	simm.s32 $0x6900  }
0x42: {  	[tilespmem:s20], [sflag:$0x1] =	stream.indirect_vreg.gather [hbm4b:s5+s3], $0x80, v3, vm0, $0xb8;
	[tilespmem:$0x10100] =	vst v63  }
0x43: {  	s21 =	simm.s32 $0x7100  }
0x44: {  	[tilespmem:s21], [sflag:$0x1] =	stream.indirect_vreg.gather [hbm4b:s6+s3], $0x80, v3, vm0, $0xb8;
	[tilespmem:$0x10100] =	vst v63  }
0x45: {  	s22 =	simm.s32 $0x7900  }
0x46: {  	[tilespmem:s22], [sflag:$0x1] =	stream.indirect_vreg.gather [hbm4b:s7+s3], $0x80, v3, vm0, $0xb8;
	[tilespmem:$0x10100] =	vst v63  }
0x47: {  	v3 =	vld [tilespmem:$0x20];
	_ =	sdelay $0x4  }
0x48: {  	v34 =	vshll.u32 v3, $0x3  }
0x49: {  	v3 =	vand.u32 $0x7, v3;
	v4 =	vand.u32 $0xFFFFFFC0, v34  }
0x4a: {  	v3 =	vor.u32 v3, v4  }
0x4b: {  	v4 =	vperm.xlane v3, v0;
	_ =	sdelay $0x1  }
0x4c: {  	v4 =	vadd.s32 v1, v4;
	_ =	sdelay $0x3  }
0x4d: {  	s23 =	simm.s32 $0x8100  }
0x4e: {  	[tilespmem:s23], [sflag:$0x1] =	stream.indirect_vreg.gather [hbm4b:s1+s3], $0x80, v4, vm0, $0xb8;
	[tilespmem:$0x10100] =	vst v63  }
0x4f: {  	s24 =	simm.s32 $0x8900;
	v3 =	vperm.xlane v3, v2  }
0x50: {  	[tilespmem:s24], [sflag:$0x1] =	stream.indirect_vreg.gather [hbm4b:s5+s3], $0x80, v4, vm0, $0xb8;
	[tilespmem:$0x10100] =	vst v63  }
0x51: {  	s25 =	simm.s32 $0x9100;
	v3 =	vadd.s32 v1, v3  }
0x52: {  	[tilespmem:s25], [sflag:$0x1] =	stream.indirect_vreg.gather [hbm4b:s6+s3], $0x80, v4, vm0, $0xb8;
	[tilespmem:$0x10100] =	vst v63  }
0x53: {  	s26 =	simm.s32 $0x9900  }
0x54: {  	[tilespmem:s26], [sflag:$0x1] =	stream.indirect_vreg.gather [hbm4b:s7+s3], $0x80, v4, vm0, $0xb8;
	[tilespmem:$0x10100] =	vst v63  }
0x55: {  	s31 =	simm.s32 $0xA100  }
0x56: {  	[tilespmem:s31], [sflag:$0x1] =	stream.indirect_vreg.gather [hbm4b:s1+s3], $0x80, v3, vm0, $0xb8;
	[tilespmem:$0x10100] =	vst v63  }
0x57: {  	s0 =	simm.s32 $0xA900  }
0x58: {  	[tilespmem:s0], [sflag:$0x1] =	stream.indirect_vreg.gather [hbm4b:s5+s3], $0x80, v3, vm0, $0xb8;
	[tilespmem:$0x10100] =	vst v63  }
0x59: {  	s11 =	simm.s32 $0xB100  }
0x5a: {  	[tilespmem:s11], [sflag:$0x1] =	stream.indirect_vreg.gather [hbm4b:s6+s3], $0x80, v3, vm0, $0xb8;
	[tilespmem:$0x10100] =	vst v63  }
0x5b: {  	s19 =	simm.s32 $0xB900  }
0x5c: {  	[tilespmem:s19], [sflag:$0x1] =	stream.indirect_vreg.gather [hbm4b:s7+s3], $0x80, v3, vm0, $0xb8;
	[tilespmem:$0x10100] =	vst v63  }
0x5d: {  	v3 =	vld [tilespmem:$0x30];
	_ =	sdelay $0x4  }
0x5e: {  	v35 =	vshll.u32 v3, $0x3  }
0x5f: {  	v3 =	vand.u32 $0x7, v3;
	v4 =	vand.u32 $0xFFFFFFC0, v35  }
0x60: {  	v3 =	vor.u32 v3, v4  }
0x61: {  	v4 =	vperm.xlane v3, v0;
	_ =	sdelay $0x1  }
0x62: {  	v4 =	vadd.s32 v1, v4;
	_ =	sdelay $0x3  }
0x63: {  	s21 =	simm.s32 $0xC100  }
0x64: {  	[tilespmem:s21], [sflag:$0x1] =	stream.indirect_vreg.gather [hbm4b:s1+s3], $0x80, v4, vm0, $0xb8;
	[tilespmem:$0x10100] =	vst v63  }
0x65: {  	s22 =	simm.s32 $0xC900;
	v3 =	vperm.xlane v3, v2  }
0x66: {  	[tilespmem:s22], [sflag:$0x1] =	stream.indirect_vreg.gather [hbm4b:s5+s3], $0x80, v4, vm0, $0xb8;
	[tilespmem:$0x10100] =	vst v63  }
0x67: {  	s23 =	simm.s32 $0xD100;
	v3 =	vadd.s32 v1, v3  }
0x68: {  	[tilespmem:s23], [sflag:$0x1] =	stream.indirect_vreg.gather [hbm4b:s6+s3], $0x80, v4, vm0, $0xb8;
	[tilespmem:$0x10100] =	vst v63  }
0x69: {  	s24 =	simm.s32 $0xD900  }
0x6a: {  	[tilespmem:s24], [sflag:$0x1] =	stream.indirect_vreg.gather [hbm4b:s7+s3], $0x80, v4, vm0, $0xb8;
	[tilespmem:$0x10100] =	vst v63  }
0x6b: {  	s25 =	simm.s32 $0xE100  }
0x6c: {  	[tilespmem:s25], [sflag:$0x1] =	stream.indirect_vreg.gather [hbm4b:s1+s3], $0x80, v3, vm0, $0xb8;
	[tilespmem:$0x10100] =	vst v63  }
0x6d: {  	s26 =	simm.s32 $0xE900  }
0x6e: {  	[tilespmem:s26], [sflag:$0x1] =	stream.indirect_vreg.gather [hbm4b:s5+s3], $0x80, v3, vm0, $0xb8;
	[tilespmem:$0x10100] =	vst v63  }
0x6f: {  	s0 =	simm.s32 $0xF100  }
0x70: {  	[tilespmem:s0], [sflag:$0x1] =	stream.indirect_vreg.gather [hbm4b:s6+s3], $0x80, v3, vm0, $0xb8;
	[tilespmem:$0x10100] =	vst v63  }
0x71: {  	s19 =	simm.s32 $0xF900;
	s26 =	simm.s32 $0x1  }
0x72: {  	[tilespmem:s19], [sflag:$0x1] =	stream.indirect_vreg.gather [hbm4b:s7+s3], $0x80, v3, vm0, $0xb8;
	[tilespmem:$0x10100] =	vst v63  }
0x73: {  	_ =	swait.ge [sflag:s26], $0x10000  }
0x74: {  	[sflag:s26] =	ssyncset.done $0x0  }
0x75: {  	[sflag:s26] =	ssyncadd.s32 $0xFFFF0000  }
0x76: {  	v3 =	vld [tilespmem:$0x80];
	_ =	sdelay $0x4  }
0x77: {  	v36 =	vshll.u32 v3, $0x3  }
0x78: {  	v3 =	vand.u32 $0x7, v3;
	v4 =	vand.u32 $0xFFFFFFC0, v36  }
0x79: {  	v3 =	vor.u32 v3, v4  }
0x7a: {  	v4 =	vperm.xlane v3, v0;
	_ =	sdelay $0x1  }
0x7b: {  	v4 =	vadd.s32 v1, v4;
	_ =	sdelay $0x3  }
0x7c: {  	s17 =	simm.s32 $0x100  }
0x7d: {  	[hbm4b:s4+s3] =	stream.indirect_vreg.scatter [tilespmem:s17], [sflag:$0x2], $0x80, v4, vm0, $0xb8;
	[tilespmem:$0x10100] =	vst v63  }
0x7e: {  	s18 =	simm.s32 $0x900;
	v3 =	vperm.xlane v3, v2  }
0x7f: {  	[hbm4b:s8+s3] =	stream.indirect_vreg.scatter [tilespmem:s18], [sflag:$0x2], $0x80, v4, vm0, $0xb8;
	[tilespmem:$0x10100] =	vst v63  }
0x80: {  	s2 =	simm.s32 $0x1100;
	v3 =	vadd.s32 v1, v3  }
0x81: {  	[hbm4b:s9+s3] =	stream.indirect_vreg.scatter [tilespmem:s2], [sflag:$0x2], $0x80, v4, vm0, $0xb8;
	[tilespmem:$0x10100] =	vst v63  }
0x82: {  	s13 =	simm.s32 $0x1900  }
0x83: {  	[hbm4b:s10+s3] =	stream.indirect_vreg.scatter [tilespmem:s13], [sflag:$0x2], $0x80, v4, vm0, $0xb8;
	[tilespmem:$0x10100] =	vst v63  }
0x84: {  	s26 =	simm.s32 $0x2100  }
0x85: {  	[hbm4b:s4+s3] =	stream.indirect_vreg.scatter [tilespmem:s26], [sflag:$0x2], $0x80, v3, vm0, $0xb8;
	[tilespmem:$0x10100] =	vst v63  }
0x86: {  	s2 =	simm.s32 $0x2900  }
0x87: {  	[hbm4b:s8+s3] =	stream.indirect_vreg.scatter [tilespmem:s2], [sflag:$0x2], $0x80, v3, vm0, $0xb8;
	[tilespmem:$0x10100] =	vst v63  }
0x88: {  	s13 =	simm.s32 $0x3100  }
0x89: {  	[hbm4b:s9+s3] =	stream.indirect_vreg.scatter [tilespmem:s13], [sflag:$0x2], $0x80, v3, vm0, $0xb8;
	[tilespmem:$0x10100] =	vst v63  }
0x8a: {  	s14 =	simm.s32 $0x3900  }
0x8b: {  	[hbm4b:s10+s3] =	stream.indirect_vreg.scatter [tilespmem:s14], [sflag:$0x2], $0x80, v3, vm0, $0xb8;
	[tilespmem:$0x10100] =	vst v63  }
0x8c: {  	v3 =	vld [tilespmem:$0x90];
	_ =	sdelay $0x4  }
0x8d: {  	v37 =	vshll.u32 v3, $0x3  }
0x8e: {  	v3 =	vand.u32 $0x7, v3;
	v4 =	vand.u32 $0xFFFFFFC0, v37  }
0x8f: {  	v3 =	vor.u32 v3, v4  }
0x90: {  	v4 =	vperm.xlane v3, v0;
	_ =	sdelay $0x1  }
0x91: {  	v4 =	vadd.s32 v1, v4;
	_ =	sdelay $0x3  }
0x92: {  	s15 =	simm.s32 $0x4100  }
0x93: {  	[hbm4b:s4+s3] =	stream.indirect_vreg.scatter [tilespmem:s15], [sflag:$0x2], $0x80, v4, vm0, $0xb8;
	[tilespmem:$0x10100] =	vst v63  }
0x94: {  	s17 =	simm.s32 $0x4900;
	v3 =	vperm.xlane v3, v2  }
0x95: {  	[hbm4b:s8+s3] =	stream.indirect_vreg.scatter [tilespmem:s17], [sflag:$0x2], $0x80, v4, vm0, $0xb8;
	[tilespmem:$0x10100] =	vst v63  }
0x96: {  	s14 =	simm.s32 $0x5100;
	v3 =	vadd.s32 v1, v3  }
0x97: {  	[hbm4b:s9+s3] =	stream.indirect_vreg.scatter [tilespmem:s14], [sflag:$0x2], $0x80, v4, vm0, $0xb8;
	[tilespmem:$0x10100] =	vst v63  }
0x98: {  	s30 =	simm.s32 $0x5900  }
0x99: {  	[hbm4b:s10+s3] =	stream.indirect_vreg.scatter [tilespmem:s30], [sflag:$0x2], $0x80, v4, vm0, $0xb8;
	[tilespmem:$0x10100] =	vst v63  }
0x9a: {  	s18 =	simm.s32 $0x6100  }
0x9b: {  	[hbm4b:s4+s3] =	stream.indirect_vreg.scatter [tilespmem:s18], [sflag:$0x2], $0x80, v3, vm0, $0xb8;
	[tilespmem:$0x10100] =	vst v63  }
0x9c: {  	s30 =	simm.s32 $0x6900  }
0x9d: {  	[hbm4b:s8+s3] =	stream.indirect_vreg.scatter [tilespmem:s30], [sflag:$0x2], $0x80, v3, vm0, $0xb8;
	[tilespmem:$0x10100] =	vst v63  }
0x9e: {  	s0 =	simm.s32 $0x7100  }
0x9f: {  	[hbm4b:s9+s3] =	stream.indirect_vreg.scatter [tilespmem:s0], [sflag:$0x2], $0x80, v3, vm0, $0xb8;
	[tilespmem:$0x10100] =	vst v63  }
0xa0: {  	s28 =	simm.s32 $0x7900  }
0xa1: {  	[hbm4b:s10+s3] =	stream.indirect_vreg.scatter [tilespmem:s28], [sflag:$0x2], $0x80, v3, vm0, $0xb8;
	[tilespmem:$0x10100] =	vst v63  }
0xa2: {  	v3 =	vld [tilespmem:$0xA0];
	_ =	sdelay $0x4  }
0xa3: {  	v38 =	vshll.u32 v3, $0x3  }
0xa4: {  	v3 =	vand.u32 $0x7, v3;
	v4 =	vand.u32 $0xFFFFFFC0, v38  }
0xa5: {  	v3 =	vor.u32 v3, v4  }
0xa6: {  	v4 =	vperm.xlane v3, v0;
	_ =	sdelay $0x1  }
0xa7: {  	v4 =	vadd.s32 v1, v4;
	_ =	sdelay $0x3  }
0xa8: {  	s18 =	simm.s32 $0x8100  }
0xa9: {  	[hbm4b:s4+s3] =	stream.indirect_vreg.scatter [tilespmem:s18], [sflag:$0x2], $0x80, v4, vm0, $0xb8;
	[tilespmem:$0x10100] =	vst v63  }
0xaa: {  	s15 =	simm.s32 $0x8900;
	v3 =	vperm.xlane v3, v2  }
0xab: {  	[hbm4b:s8+s3] =	stream.indirect_vreg.scatter [tilespmem:s15], [sflag:$0x2], $0x80, v4, vm0, $0xb8;
	[tilespmem:$0x10100] =	vst v63  }
0xac: {  	s28 =	simm.s32 $0x9100;
	v3 =	vadd.s32 v1, v3  }
0xad: {  	[hbm4b:s9+s3] =	stream.indirect_vreg.scatter [tilespmem:s28], [sflag:$0x2], $0x80, v4, vm0, $0xb8;
	[tilespmem:$0x10100] =	vst v63  }
0xae: {  	s16 =	simm.s32 $0x9900  }
0xaf: {  	[hbm4b:s10+s3] =	stream.indirect_vreg.scatter [tilespmem:s16], [sflag:$0x2], $0x80, v4, vm0, $0xb8;
	[tilespmem:$0x10100] =	vst v63  }
0xb0: {  	s28 =	simm.s32 $0xA100  }
0xb1: {  	[hbm4b:s4+s3] =	stream.indirect_vreg.scatter [tilespmem:s28], [sflag:$0x2], $0x80, v3, vm0, $0xb8;
	[tilespmem:$0x10100] =	vst v63  }
0xb2: {  	s28 =	simm.s32 $0xA900  }
0xb3: {  	[hbm4b:s8+s3] =	stream.indirect_vreg.scatter [tilespmem:s28], [sflag:$0x2], $0x80, v3, vm0, $0xb8;
	[tilespmem:$0x10100] =	vst v63  }
0xb4: {  	s20 =	simm.s32 $0xB100  }
0xb5: {  	[hbm4b:s9+s3] =	stream.indirect_vreg.scatter [tilespmem:s20], [sflag:$0x2], $0x80, v3, vm0, $0xb8;
	[tilespmem:$0x10100] =	vst v63  }
0xb6: {  	s31 =	simm.s32 $0xB900  }
0xb7: {  	[hbm4b:s10+s3] =	stream.indirect_vreg.scatter [tilespmem:s31], [sflag:$0x2], $0x80, v3, vm0, $0xb8;
	[tilespmem:$0x10100] =	vst v63  }
0xb8: {  	v3 =	vld [tilespmem:$0xB0];
	_ =	sdelay $0x4  }
0xb9: {  	v39 =	vshll.u32 v3, $0x3  }
0xba: {  	v3 =	vand.u32 $0x7, v3;
	v4 =	vand.u32 $0xFFFFFFC0, v39  }
0xbb: {  	v3 =	vor.u32 v3, v4  }
0xbc: {  	v4 =	vperm.xlane v3, v0;
	_ =	sdelay $0x1  }
0xbd: {  	v4 =	vadd.s32 v1, v4;
	_ =	sdelay $0x3  }
0xbe: {  	s16 =	simm.s32 $0xC100  }
0xbf: {  	[hbm4b:s4+s3] =	stream.indirect_vreg.scatter [tilespmem:s16], [sflag:$0x2], $0x80, v4, vm0, $0xb8;
	[tilespmem:$0x10100] =	vst v63  }
0xc0: {  	s11 =	simm.s32 $0xC900;
	v3 =	vperm.xlane v3, v2  }
0xc1: {  	[hbm4b:s8+s3] =	stream.indirect_vreg.scatter [tilespmem:s11], [sflag:$0x2], $0x80, v4, vm0, $0xb8;
	[tilespmem:$0x10100] =	vst v63  }
0xc2: {  	s21 =	simm.s32 $0xD100;
	v3 =	vadd.s32 v1, v3  }
0xc3: {  	[hbm4b:s9+s3] =	stream.indirect_vreg.scatter [tilespmem:s21], [sflag:$0x2], $0x80, v4, vm0, $0xb8;
	[tilespmem:$0x10100] =	vst v63  }
0xc4: {  	s22 =	simm.s32 $0xD900  }
0xc5: {  	[hbm4b:s10+s3] =	stream.indirect_vreg.scatter [tilespmem:s22], [sflag:$0x2], $0x80, v4, vm0, $0xb8;
	[tilespmem:$0x10100] =	vst v63  }
0xc6: {  	s23 =	simm.s32 $0xE100  }
0xc7: {  	[hbm4b:s4+s3] =	stream.indirect_vreg.scatter [tilespmem:s23], [sflag:$0x2], $0x80, v3, vm0, $0xb8;
	[tilespmem:$0x10100] =	vst v63  }
0xc8: {  	s24 =	simm.s32 $0xE900  }
0xc9: {  	[hbm4b:s8+s3] =	stream.indirect_vreg.scatter [tilespmem:s24], [sflag:$0x2], $0x80, v3, vm0, $0xb8;
	[tilespmem:$0x10100] =	vst v63  }
0xca: {  	s25 =	simm.s32 $0xF100  }
0xcb: {  	[hbm4b:s9+s3] =	stream.indirect_vreg.scatter [tilespmem:s25], [sflag:$0x2], $0x80, v3, vm0, $0xb8;
	[tilespmem:$0x10100] =	vst v63  }
0xcc: {  	s29 =	simm.s32 $0xF900;
	s25 =	simm.s32 $0x2  }
0xcd: {  	[hbm4b:s10+s3] =	stream.indirect_vreg.scatter [tilespmem:s29], [sflag:$0x2], $0x80, v3, vm0, $0xb8;
	[tilespmem:$0x10100] =	vst v63  }
0xce: {  	_ =	swait.ge [sflag:s25], $0x10000  }
0xcf: {  	[sflag:s25] =	ssyncset.done $0x0  }
0xd0: {  	s31 =	rddreg [dreg:$0x5];
	[sflag:s25] =	ssyncadd.s32 $0xFFFF0000  }
0xd1: {  	[tilespmem:s3], [sflag:$0x3] =	stream.linear.gather [hbm4b:s31+s3], $0x40, $0x38;
	[tilespmem:$0x10100] =	vst v63  }
0xd2: {  	_ =	swait.ge [sflag:s12], $0x40  }
0xd3: {  	[sflag:s12] =	ssyncset.done $0x0  }
0xd4: {  	s21 =	simm.s32 $0x80;
	s20 =	rddreg [dreg:$0x6];
	[sflag:s12] =	ssyncadd.s32 $0xFFFFFFC0  }
0xd5: {  	[tilespmem:s21], [sflag:$0x3] =	stream.linear.gather [hbm4b:s20+s3], $0x40, $0x38;
	[tilespmem:$0x10100] =	vst v63  }
0xd6: {  	_ =	swait.ge [sflag:s12], $0x40  }
0xd7: {  	[sflag:s12] =	ssyncset.done $0x0  }
0xd8: {  	[sflag:s12] =	ssyncadd.s32 $0xFFFFFFC0  }
0xd9: {  	v3 =	vld [tilespmem:$0x0];
	_ =	sdelay $0x4  }
0xda: {  	v40 =	vshll.u32 v3, $0x3  }
0xdb: {  	v3 =	vand.u32 $0x7, v3;
	v4 =	vand.u32 $0xFFFFFFC0, v40  }
0xdc: {  	v3 =	vor.u32 v3, v4  }
0xdd: {  	v4 =	vperm.xlane v3, v0;
	_ =	sdelay $0x1  }
0xde: {  	v4 =	vadd.s32 v1, v4;
	_ =	sdelay $0x3  }
0xdf: {  	s22 =	simm.s32 $0x100  }
0xe0: {  	[tilespmem:s22], [sflag:$0x1] =	stream.indirect_vreg.gather [hbm4b:s1+s3], $0x80, v4, vm0, $0xb8;
	[tilespmem:$0x10100] =	vst v63  }
0xe1: {  	s23 =	simm.s32 $0x900;
	v3 =	vperm.xlane v3, v2  }
0xe2: {  	[tilespmem:s23], [sflag:$0x1] =	stream.indirect_vreg.gather [hbm4b:s5+s3], $0x80, v4, vm0, $0xb8;
	[tilespmem:$0x10100] =	vst v63  }
0xe3: {  	s24 =	simm.s32 $0x1100;
	v3 =	vadd.s32 v1, v3  }
0xe4: {  	[tilespmem:s24], [sflag:$0x1] =	stream.indirect_vreg.gather [hbm4b:s6+s3], $0x80, v4, vm0, $0xb8;
	[tilespmem:$0x10100] =	vst v63  }
0xe5: {  	s25 =	simm.s32 $0x1900  }
0xe6: {  	[tilespmem:s25], [sflag:$0x1] =	stream.indirect_vreg.gather [hbm4b:s7+s3], $0x80, v4, vm0, $0xb8;
	[tilespmem:$0x10100] =	vst v63  }
0xe7: {  	_ = 	snop  }
0xe8: {  	[tilespmem:s26], [sflag:$0x1] =	stream.indirect_vreg.gather [hbm4b:s1+s3], $0x80, v3, vm0, $0xb8;
	[tilespmem:$0x10100] =	vst v63  }
0xe9: {  	_ = 	snop  }
0xea: {  	[tilespmem:s2], [sflag:$0x1] =	stream.indirect_vreg.gather [hbm4b:s5+s3], $0x80, v3, vm0, $0xb8;
	[tilespmem:$0x10100] =	vst v63  }
0xeb: {  	_ = 	snop  }
0xec: {  	[tilespmem:s13], [sflag:$0x1] =	stream.indirect_vreg.gather [hbm4b:s6+s3], $0x80, v3, vm0, $0xb8;
	[tilespmem:$0x10100] =	vst v63  }
0xed: {  	s29 =	simm.s32 $0x3900  }
0xee: {  	[tilespmem:s29], [sflag:$0x1] =	stream.indirect_vreg.gather [hbm4b:s7+s3], $0x80, v3, vm0, $0xb8;
	[tilespmem:$0x10100] =	vst v63  }
0xef: {  	v3 =	vld [tilespmem:$0x10];
	_ =	sdelay $0x4  }
0xf0: {  	v41 =	vshll.u32 v3, $0x3  }
0xf1: {  	v3 =	vand.u32 $0x7, v3;
	v4 =	vand.u32 $0xFFFFFFC0, v41  }
0xf2: {  	v3 =	vor.u32 v3, v4  }
0xf3: {  	v4 =	vperm.xlane v3, v0;
	_ =	sdelay $0x1  }
0xf4: {  	v4 =	vadd.s32 v1, v4;
	_ =	sdelay $0x3  }
0xf5: {  	s31 =	simm.s32 $0x4100  }
0xf6: {  	[tilespmem:s31], [sflag:$0x1] =	stream.indirect_vreg.gather [hbm4b:s1+s3], $0x80, v4, vm0, $0xb8;
	[tilespmem:$0x10100] =	vst v63  }
0xf7: {  	v3 =	vperm.xlane v3, v2  }
0xf8: {  	[tilespmem:s17], [sflag:$0x1] =	stream.indirect_vreg.gather [hbm4b:s5+s3], $0x80, v4, vm0, $0xb8;
	[tilespmem:$0x10100] =	vst v63  }
0xf9: {  	v3 =	vadd.s32 v1, v3  }
0xfa: {  	[tilespmem:s14], [sflag:$0x1] =	stream.indirect_vreg.gather [hbm4b:s6+s3], $0x80, v4, vm0, $0xb8;
	[tilespmem:$0x10100] =	vst v63  }
0xfb: {  	s29 =	simm.s32 $0x5900  }
0xfc: {  	[tilespmem:s29], [sflag:$0x1] =	stream.indirect_vreg.gather [hbm4b:s7+s3], $0x80, v4, vm0, $0xb8;
	[tilespmem:$0x10100] =	vst v63  }
0xfd: {  	s31 =	simm.s32 $0x6100  }
0xfe: {  	[tilespmem:s31], [sflag:$0x1] =	stream.indirect_vreg.gather [hbm4b:s1+s3], $0x80, v3, vm0, $0xb8;
	[tilespmem:$0x10100] =	vst v63  }
0xff: {  	_ = 	snop  }
0x100: {  	[tilespmem:s30], [sflag:$0x1] =	stream.indirect_vreg.gather [hbm4b:s5+s3], $0x80, v3, vm0, $0xb8;
	[tilespmem:$0x10100] =	vst v63  }
0x101: {  	_ = 	snop  }
0x102: {  	[tilespmem:s0], [sflag:$0x1] =	stream.indirect_vreg.gather [hbm4b:s6+s3], $0x80, v3, vm0, $0xb8;
	[tilespmem:$0x10100] =	vst v63  }
0x103: {  	s21 =	simm.s32 $0x7900  }
0x104: {  	[tilespmem:s21], [sflag:$0x1] =	stream.indirect_vreg.gather [hbm4b:s7+s3], $0x80, v3, vm0, $0xb8;
	[tilespmem:$0x10100] =	vst v63  }
0x105: {  	v3 =	vld [tilespmem:$0x20];
	_ =	sdelay $0x4  }
0x106: {  	v42 =	vshll.u32 v3, $0x3  }
0x107: {  	v3 =	vand.u32 $0x7, v3;
	v4 =	vand.u32 $0xFFFFFFC0, v42  }
0x108: {  	v3 =	vor.u32 v3, v4  }
0x109: {  	v4 =	vperm.xlane v3, v0;
	_ =	sdelay $0x1  }
0x10a: {  	v4 =	vadd.s32 v1, v4;
	_ =	sdelay $0x4  }
0x10b: {  	[tilespmem:s18], [sflag:$0x1] =	stream.indirect_vreg.gather [hbm4b:s1+s3], $0x80, v4, vm0, $0xb8;
	[tilespmem:$0x10100] =	vst v63  }
0x10c: {  	v3 =	vperm.xlane v3, v2  }
0x10d: {  	[tilespmem:s15], [sflag:$0x1] =	stream.indirect_vreg.gather [hbm4b:s5+s3], $0x80, v4, vm0, $0xb8;
	[tilespmem:$0x10100] =	vst v63  }
0x10e: {  	s22 =	simm.s32 $0x9100;
	v3 =	vadd.s32 v1, v3  }
0x10f: {  	[tilespmem:s22], [sflag:$0x1] =	stream.indirect_vreg.gather [hbm4b:s6+s3], $0x80, v4, vm0, $0xb8;
	[tilespmem:$0x10100] =	vst v63  }
0x110: {  	s23 =	simm.s32 $0x9900  }
0x111: {  	[tilespmem:s23], [sflag:$0x1] =	stream.indirect_vreg.gather [hbm4b:s7+s3], $0x80, v4, vm0, $0xb8;
	[tilespmem:$0x10100] =	vst v63  }
0x112: {  	s24 =	simm.s32 $0xA100  }
0x113: {  	[tilespmem:s24], [sflag:$0x1] =	stream.indirect_vreg.gather [hbm4b:s1+s3], $0x80, v3, vm0, $0xb8;
	[tilespmem:$0x10100] =	vst v63  }
0x114: {  	s25 =	simm.s32 $0xA900  }
0x115: {  	[tilespmem:s25], [sflag:$0x1] =	stream.indirect_vreg.gather [hbm4b:s5+s3], $0x80, v3, vm0, $0xb8;
	[tilespmem:$0x10100] =	vst v63  }
0x116: {  	s11 =	simm.s32 $0xB100  }
0x117: {  	[tilespmem:s11], [sflag:$0x1] =	stream.indirect_vreg.gather [hbm4b:s6+s3], $0x80, v3, vm0, $0xb8;
	[tilespmem:$0x10100] =	vst v63  }
0x118: {  	s11 =	simm.s32 $0xB900  }
0x119: {  	[tilespmem:s11], [sflag:$0x1] =	stream.indirect_vreg.gather [hbm4b:s7+s3], $0x80, v3, vm0, $0xb8;
	[tilespmem:$0x10100] =	vst v63  }
0x11a: {  	v3 =	vld [tilespmem:$0x30];
	_ =	sdelay $0x4  }
0x11b: {  	v43 =	vshll.u32 v3, $0x3  }
0x11c: {  	v3 =	vand.u32 $0x7, v3;
	v4 =	vand.u32 $0xFFFFFFC0, v43  }
0x11d: {  	v3 =	vor.u32 v3, v4  }
0x11e: {  	v4 =	vperm.xlane v3, v0;
	_ =	sdelay $0x1  }
0x11f: {  	v4 =	vadd.s32 v1, v4;
	_ =	sdelay $0x4  }
0x120: {  	[tilespmem:s16], [sflag:$0x1] =	stream.indirect_vreg.gather [hbm4b:s1+s3], $0x80, v4, vm0, $0xb8;
	[tilespmem:$0x10100] =	vst v63  }
0x121: {  	s28 =	simm.s32 $0xC900;
	v3 =	vperm.xlane v3, v2  }
0x122: {  	[tilespmem:s28], [sflag:$0x1] =	stream.indirect_vreg.gather [hbm4b:s5+s3], $0x80, v4, vm0, $0xb8;
	[tilespmem:$0x10100] =	vst v63  }
0x123: {  	s25 =	simm.s32 $0xD100;
	v3 =	vadd.s32 v1, v3  }
0x124: {  	[tilespmem:s25], [sflag:$0x1] =	stream.indirect_vreg.gather [hbm4b:s6+s3], $0x80, v4, vm0, $0xb8;
	[tilespmem:$0x10100] =	vst v63  }
0x125: {  	s0 =	simm.s32 $0xD900  }
0x126: {  	[tilespmem:s0], [sflag:$0x1] =	stream.indirect_vreg.gather [hbm4b:s7+s3], $0x80, v4, vm0, $0xb8;
	[tilespmem:$0x10100] =	vst v63  }
0x127: {  	s0 =	simm.s32 $0xE100  }
0x128: {  	[tilespmem:s0], [sflag:$0x1] =	stream.indirect_vreg.gather [hbm4b:s1+s3], $0x80, v3, vm0, $0xb8;
	[tilespmem:$0x10100] =	vst v63  }
0x129: {  	s0 =	simm.s32 $0xE900  }
0x12a: {  	[tilespmem:s0], [sflag:$0x1] =	stream.indirect_vreg.gather [hbm4b:s5+s3], $0x80, v3, vm0, $0xb8;
	[tilespmem:$0x10100] =	vst v63  }
0x12b: {  	s0 =	simm.s32 $0xF100  }
0x12c: {  	[tilespmem:s0], [sflag:$0x1] =	stream.indirect_vreg.gather [hbm4b:s6+s3], $0x80, v3, vm0, $0xb8;
	[tilespmem:$0x10100] =	vst v63  }
0x12d: {  	s19 =	simm.s32 $0x1;
	s0 =	simm.s32 $0xF900  }
0x12e: {  	[tilespmem:s0], [sflag:$0x1] =	stream.indirect_vreg.gather [hbm4b:s7+s3], $0x80, v3, vm0, $0xb8;
	[tilespmem:$0x10100] =	vst v63  }
0x12f: {  	_ =	swait.ge [sflag:s19], $0x10000  }
0x130: {  	[sflag:s19] =	ssyncset.done $0x0  }
0x131: {  	[sflag:s19] =	ssyncadd.s32 $0xFFFF0000  }
0x132: {  	v3 =	vld [tilespmem:$0x80];
	_ =	sdelay $0x4  }
0x133: {  	v44 =	vshll.u32 v3, $0x3  }
0x134: {  	v3 =	vand.u32 $0x7, v3;
	v4 =	vand.u32 $0xFFFFFFC0, v44  }
0x135: {  	v3 =	vor.u32 v3, v4  }
0x136: {  	v4 =	vperm.xlane v3, v0;
	_ =	sdelay $0x1  }
0x137: {  	v4 =	vadd.s32 v1, v4;
	_ =	sdelay $0x3  }
0x138: {  	s19 =	simm.s32 $0x100  }
0x139: {  	[hbm4b:s4+s3] =	stream.indirect_vreg.scatter [tilespmem:s19], [sflag:$0x2], $0x80, v4, vm0, $0xb8;
	[tilespmem:$0x10100] =	vst v63  }
0x13a: {  	v3 =	vperm.xlane v3, v2;
	s19 =	simm.s32 $0x900  }
0x13b: {  	[hbm4b:s8+s3] =	stream.indirect_vreg.scatter [tilespmem:s19], [sflag:$0x2], $0x80, v4, vm0, $0xb8;
	[tilespmem:$0x10100] =	vst v63  }
0x13c: {  	v3 =	vadd.s32 v1, v3;
	s19 =	simm.s32 $0x1100  }
0x13d: {  	[hbm4b:s9+s3] =	stream.indirect_vreg.scatter [tilespmem:s19], [sflag:$0x2], $0x80, v4, vm0, $0xb8;
	[tilespmem:$0x10100] =	vst v63  }
0x13e: {  	s19 =	simm.s32 $0x1900  }
0x13f: {  	[hbm4b:s10+s3] =	stream.indirect_vreg.scatter [tilespmem:s19], [sflag:$0x2], $0x80, v4, vm0, $0xb8;
	[tilespmem:$0x10100] =	vst v63  }
0x140: {  	s20 =	simm.s32 $0x2100  }
0x141: {  	[hbm4b:s4+s3] =	stream.indirect_vreg.scatter [tilespmem:s20], [sflag:$0x2], $0x80, v3, vm0, $0xb8;
	[tilespmem:$0x10100] =	vst v63  }
0x142: {  	s2 =	simm.s32 $0x2900  }
0x143: {  	[hbm4b:s8+s3] =	stream.indirect_vreg.scatter [tilespmem:s2], [sflag:$0x2], $0x80, v3, vm0, $0xb8;
	[tilespmem:$0x10100] =	vst v63  }
0x144: {  	s13 =	simm.s32 $0x3100  }
0x145: {  	[hbm4b:s9+s3] =	stream.indirect_vreg.scatter [tilespmem:s13], [sflag:$0x2], $0x80, v3, vm0, $0xb8;
	[tilespmem:$0x10100] =	vst v63  }
0x146: {  	s13 =	simm.s32 $0x3900  }
0x147: {  	[hbm4b:s10+s3] =	stream.indirect_vreg.scatter [tilespmem:s13], [sflag:$0x2], $0x80, v3, vm0, $0xb8;
	[tilespmem:$0x10100] =	vst v63  }
0x148: {  	v3 =	vld [tilespmem:$0x90];
	_ =	sdelay $0x4  }
0x149: {  	v45 =	vshll.u32 v3, $0x3  }
0x14a: {  	v3 =	vand.u32 $0x7, v3;
	v4 =	vand.u32 $0xFFFFFFC0, v45  }
0x14b: {  	v3 =	vor.u32 v3, v4  }
0x14c: {  	v4 =	vperm.xlane v3, v0;
	_ =	sdelay $0x1  }
0x14d: {  	v4 =	vadd.s32 v1, v4;
	_ =	sdelay $0x3  }
0x14e: {  	s19 =	simm.s32 $0x4100  }
0x14f: {  	[hbm4b:s4+s3] =	stream.indirect_vreg.scatter [tilespmem:s19], [sflag:$0x2], $0x80, v4, vm0, $0xb8;
	[tilespmem:$0x10100] =	vst v63  }
0x150: {  	s17 =	simm.s32 $0x4900;
	v3 =	vperm.xlane v3, v2  }
0x151: {  	[hbm4b:s8+s3] =	stream.indirect_vreg.scatter [tilespmem:s17], [sflag:$0x2], $0x80, v4, vm0, $0xb8;
	[tilespmem:$0x10100] =	vst v63  }
0x152: {  	s20 =	simm.s32 $0x5100;
	v3 =	vadd.s32 v1, v3  }
0x153: {  	[hbm4b:s9+s3] =	stream.indirect_vreg.scatter [tilespmem:s20], [sflag:$0x2], $0x80, v4, vm0, $0xb8;
	[tilespmem:$0x10100] =	vst v63  }
0x154: {  	_ = 	snop  }
0x155: {  	[hbm4b:s10+s3] =	stream.indirect_vreg.scatter [tilespmem:s29], [sflag:$0x2], $0x80, v4, vm0, $0xb8;
	[tilespmem:$0x10100] =	vst v63  }
0x156: {  	_ = 	snop  }
0x157: {  	[hbm4b:s4+s3] =	stream.indirect_vreg.scatter [tilespmem:s31], [sflag:$0x2], $0x80, v3, vm0, $0xb8;
	[tilespmem:$0x10100] =	vst v63  }
0x158: {  	s26 =	simm.s32 $0x6900  }
0x159: {  	[hbm4b:s8+s3] =	stream.indirect_vreg.scatter [tilespmem:s26], [sflag:$0x2], $0x80, v3, vm0, $0xb8;
	[tilespmem:$0x10100] =	vst v63  }
0x15a: {  	s30 =	simm.s32 $0x7100  }
0x15b: {  	[hbm4b:s9+s3] =	stream.indirect_vreg.scatter [tilespmem:s30], [sflag:$0x2], $0x80, v3, vm0, $0xb8;
	[tilespmem:$0x10100] =	vst v63  }
0x15c: {  	s14 =	simm.s32 $0x7900  }
0x15d: {  	[hbm4b:s10+s3] =	stream.indirect_vreg.scatter [tilespmem:s14], [sflag:$0x2], $0x80, v3, vm0, $0xb8;
	[tilespmem:$0x10100] =	vst v63  }
0x15e: {  	v3 =	vld [tilespmem:$0xA0];
	_ =	sdelay $0x4  }
0x15f: {  	v46 =	vshll.u32 v3, $0x3  }
0x160: {  	v3 =	vand.u32 $0x7, v3;
	v4 =	vand.u32 $0xFFFFFFC0, v46  }
0x161: {  	v3 =	vor.u32 v3, v4  }
0x162: {  	v4 =	vperm.xlane v3, v0;
	_ =	sdelay $0x1  }
0x163: {  	v4 =	vadd.s32 v1, v4;
	_ =	sdelay $0x3  }
0x164: {  	s18 =	simm.s32 $0x8100  }
0x165: {  	[hbm4b:s4+s3] =	stream.indirect_vreg.scatter [tilespmem:s18], [sflag:$0x2], $0x80, v4, vm0, $0xb8;
	[tilespmem:$0x10100] =	vst v63  }
0x166: {  	s15 =	simm.s32 $0x8900;
	v3 =	vperm.xlane v3, v2  }
0x167: {  	[hbm4b:s8+s3] =	stream.indirect_vreg.scatter [tilespmem:s15], [sflag:$0x2], $0x80, v4, vm0, $0xb8;
	[tilespmem:$0x10100] =	vst v63  }
0x168: {  	s21 =	simm.s32 $0x9100;
	v3 =	vadd.s32 v1, v3  }
0x169: {  	[hbm4b:s9+s3] =	stream.indirect_vreg.scatter [tilespmem:s21], [sflag:$0x2], $0x80, v4, vm0, $0xb8;
	[tilespmem:$0x10100] =	vst v63  }
0x16a: {  	s22 =	simm.s32 $0x9900  }
0x16b: {  	[hbm4b:s10+s3] =	stream.indirect_vreg.scatter [tilespmem:s22], [sflag:$0x2], $0x80, v4, vm0, $0xb8;
	[tilespmem:$0x10100] =	vst v63  }
0x16c: {  	s23 =	simm.s32 $0xA100  }
0x16d: {  	[hbm4b:s4+s3] =	stream.indirect_vreg.scatter [tilespmem:s23], [sflag:$0x2], $0x80, v3, vm0, $0xb8;
	[tilespmem:$0x10100] =	vst v63  }
0x16e: {  	s24 =	simm.s32 $0xA900  }
0x16f: {  	[hbm4b:s8+s3] =	stream.indirect_vreg.scatter [tilespmem:s24], [sflag:$0x2], $0x80, v3, vm0, $0xb8;
	[tilespmem:$0x10100] =	vst v63  }
0x170: {  	s24 =	simm.s32 $0xB100  }
0x171: {  	[hbm4b:s9+s3] =	stream.indirect_vreg.scatter [tilespmem:s24], [sflag:$0x2], $0x80, v3, vm0, $0xb8;
	[tilespmem:$0x10100] =	vst v63  }
0x172: {  	_ = 	snop  }
0x173: {  	[hbm4b:s10+s3] =	stream.indirect_vreg.scatter [tilespmem:s11], [sflag:$0x2], $0x80, v3, vm0, $0xb8;
	[tilespmem:$0x10100] =	vst v63  }
0x174: {  	v3 =	vld [tilespmem:$0xB0];
	_ =	sdelay $0x4  }
0x175: {  	v47 =	vshll.u32 v3, $0x3  }
0x176: {  	v3 =	vand.u32 $0x7, v3;
	v4 =	vand.u32 $0xFFFFFFC0, v47  }
0x177: {  	v3 =	vor.u32 v3, v4  }
0x178: {  	v4 =	vperm.xlane v3, v0;
	_ =	sdelay $0x1  }
0x179: {  	v4 =	vadd.s32 v1, v4;
	_ =	sdelay $0x3  }
0x17a: {  	s16 =	simm.s32 $0xC100  }
0x17b: {  	[hbm4b:s4+s3] =	stream.indirect_vreg.scatter [tilespmem:s16], [sflag:$0x2], $0x80, v4, vm0, $0xb8;
	[tilespmem:$0x10100] =	vst v63  }
0x17c: {  	s28 =	simm.s32 $0xC900;
	v3 =	vperm.xlane v3, v2  }
0x17d: {  	[hbm4b:s8+s3] =	stream.indirect_vreg.scatter [tilespmem:s28], [sflag:$0x2], $0x80, v4, vm0, $0xb8;
	[tilespmem:$0x10100] =	vst v63  }
0x17e: {  	s25 =	simm.s32 $0xD100;
	v3 =	vadd.s32 v1, v3  }
0x17f: {  	[hbm4b:s9+s3] =	stream.indirect_vreg.scatter [tilespmem:s25], [sflag:$0x2], $0x80, v4, vm0, $0xb8;
	[tilespmem:$0x10100] =	vst v63  }
0x180: {  	s25 =	simm.s32 $0xD900  }
0x181: {  	[hbm4b:s10+s3] =	stream.indirect_vreg.scatter [tilespmem:s25], [sflag:$0x2], $0x80, v4, vm0, $0xb8;
	[tilespmem:$0x10100] =	vst v63  }
0x182: {  	s26 =	simm.s32 $0xE100  }
0x183: {  	[hbm4b:s4+s3] =	stream.indirect_vreg.scatter [tilespmem:s26], [sflag:$0x2], $0x80, v3, vm0, $0xb8;
	[tilespmem:$0x10100] =	vst v63  }
0x184: {  	s28 =	simm.s32 $0xE900  }
0x185: {  	[hbm4b:s8+s3] =	stream.indirect_vreg.scatter [tilespmem:s28], [sflag:$0x2], $0x80, v3, vm0, $0xb8;
	[tilespmem:$0x10100] =	vst v63  }
0x186: {  	s29 =	simm.s32 $0xF100  }
0x187: {  	[hbm4b:s9+s3] =	stream.indirect_vreg.scatter [tilespmem:s29], [sflag:$0x2], $0x80, v3, vm0, $0xb8;
	[tilespmem:$0x10100] =	vst v63  }
0x188: {  	s30 =	simm.s32 $0x2  }
0x189: {  	[hbm4b:s10+s3] =	stream.indirect_vreg.scatter [tilespmem:s0], [sflag:$0x2], $0x80, v3, vm0, $0xb8;
	[tilespmem:$0x10100] =	vst v63  }
0x18a: {  	_ =	swait.ge [sflag:s30], $0x10000  }
0x18b: {  	[sflag:s30] =	ssyncset.done $0x0  }
0x18c: {  	s31 =	rddreg [dreg:$0x7];
	[sflag:s30] =	ssyncadd.s32 $0xFFFF0000  }
0x18d: {  	[tilespmem:s3], [sflag:$0x3] =	stream.linear.gather [hbm4b:s31+s3], $0x40, $0x38;
	[tilespmem:$0x10100] =	vst v63  }
0x18e: {  	_ =	swait.ge [sflag:s12], $0x40  }
0x18f: {  	[sflag:s12] =	ssyncset.done $0x0  }
0x190: {  	s14 =	simm.s32 $0x80;
	s11 =	rddreg [dreg:$0x8];
	[sflag:s12] =	ssyncadd.s32 $0xFFFFFFC0  }
0x191: {  	[tilespmem:s14], [sflag:$0x3] =	stream.linear.gather [hbm4b:s11+s3], $0x40, $0x38;
	[tilespmem:$0x10100] =	vst v63  }
0x192: {  	_ =	swait.ge [sflag:s12], $0x40  }
0x193: {  	[sflag:s12] =	ssyncset.done $0x0  }
0x194: {  	[sflag:s12] =	ssyncadd.s32 $0xFFFFFFC0  }
0x195: {  	v3 =	vld [tilespmem:$0x0];
	_ =	sdelay $0x4  }
0x196: {  	v48 =	vshll.u32 v3, $0x3  }
0x197: {  	v3 =	vand.u32 $0x7, v3;
	v4 =	vand.u32 $0xFFFFFFC0, v48  }
0x198: {  	v3 =	vor.u32 v3, v4  }
0x199: {  	v4 =	vperm.xlane v3, v0;
	_ =	sdelay $0x1  }
0x19a: {  	v4 =	vadd.s32 v1, v4;
	_ =	sdelay $0x3  }
0x19b: {  	s15 =	simm.s32 $0x100  }
0x19c: {  	[tilespmem:s15], [sflag:$0x1] =	stream.indirect_vreg.gather [hbm4b:s1+s3], $0x80, v4, vm0, $0xb8;
	[tilespmem:$0x10100] =	vst v63  }
0x19d: {  	s16 =	simm.s32 $0x900;
	v3 =	vperm.xlane v3, v2  }
0x19e: {  	[tilespmem:s16], [sflag:$0x1] =	stream.indirect_vreg.gather [hbm4b:s5+s3], $0x80, v4, vm0, $0xb8;
	[tilespmem:$0x10100] =	vst v63  }
0x19f: {  	s21 =	simm.s32 $0x1100;
	v3 =	vadd.s32 v1, v3  }
0x1a0: {  	[tilespmem:s21], [sflag:$0x1] =	stream.indirect_vreg.gather [hbm4b:s6+s3], $0x80, v4, vm0, $0xb8;
	[tilespmem:$0x10100] =	vst v63  }
0x1a1: {  	s22 =	simm.s32 $0x1900  }
0x1a2: {  	[tilespmem:s22], [sflag:$0x1] =	stream.indirect_vreg.gather [hbm4b:s7+s3], $0x80, v4, vm0, $0xb8;
	[tilespmem:$0x10100] =	vst v63  }
0x1a3: {  	s23 =	simm.s32 $0x2100  }
0x1a4: {  	[tilespmem:s23], [sflag:$0x1] =	stream.indirect_vreg.gather [hbm4b:s1+s3], $0x80, v3, vm0, $0xb8;
	[tilespmem:$0x10100] =	vst v63  }
0x1a5: {  	s24 =	simm.s32 $0x2900  }
0x1a6: {  	[tilespmem:s24], [sflag:$0x1] =	stream.indirect_vreg.gather [hbm4b:s5+s3], $0x80, v3, vm0, $0xb8;
	[tilespmem:$0x10100] =	vst v63  }
0x1a7: {  	s25 =	simm.s32 $0x3100  }
0x1a8: {  	[tilespmem:s25], [sflag:$0x1] =	stream.indirect_vreg.gather [hbm4b:s6+s3], $0x80, v3, vm0, $0xb8;
	[tilespmem:$0x10100] =	vst v63  }
0x1a9: {  	s30 =	simm.s32 $0x3900  }
0x1aa: {  	[tilespmem:s30], [sflag:$0x1] =	stream.indirect_vreg.gather [hbm4b:s7+s3], $0x80, v3, vm0, $0xb8;
	[tilespmem:$0x10100] =	vst v63  }
0x1ab: {  	v3 =	vld [tilespmem:$0x10];
	_ =	sdelay $0x4  }
0x1ac: {  	v49 =	vshll.u32 v3, $0x3  }
0x1ad: {  	v3 =	vand.u32 $0x7, v3;
	v4 =	vand.u32 $0xFFFFFFC0, v49  }
0x1ae: {  	v3 =	vor.u32 v3, v4  }
0x1af: {  	v4 =	vperm.xlane v3, v0;
	_ =	sdelay $0x1  }
0x1b0: {  	v4 =	vadd.s32 v1, v4;
	_ =	sdelay $0x3  }
0x1b1: {  	s11 =	simm.s32 $0x4100  }
0x1b2: {  	[tilespmem:s11], [sflag:$0x1] =	stream.indirect_vreg.gather [hbm4b:s1+s3], $0x80, v4, vm0, $0xb8;
	[tilespmem:$0x10100] =	vst v63  }
0x1b3: {  	s28 =	simm.s32 $0x4900;
	v3 =	vperm.xlane v3, v2  }
0x1b4: {  	[tilespmem:s28], [sflag:$0x1] =	stream.indirect_vreg.gather [hbm4b:s5+s3], $0x80, v4, vm0, $0xb8;
	[tilespmem:$0x10100] =	vst v63  }
0x1b5: {  	s29 =	simm.s32 $0x5100;
	v3 =	vadd.s32 v1, v3  }
0x1b6: {  	[tilespmem:s29], [sflag:$0x1] =	stream.indirect_vreg.gather [hbm4b:s6+s3], $0x80, v4, vm0, $0xb8;
	[tilespmem:$0x10100] =	vst v63  }
0x1b7: {  	s2 =	simm.s32 $0x5900  }
0x1b8: {  	[tilespmem:s2], [sflag:$0x1] =	stream.indirect_vreg.gather [hbm4b:s7+s3], $0x80, v4, vm0, $0xb8;
	[tilespmem:$0x10100] =	vst v63  }
0x1b9: {  	s20 =	simm.s32 $0x6100  }
0x1ba: {  	[tilespmem:s20], [sflag:$0x1] =	stream.indirect_vreg.gather [hbm4b:s1+s3], $0x80, v3, vm0, $0xb8;
	[tilespmem:$0x10100] =	vst v63  }
0x1bb: {  	s19 =	simm.s32 $0x6900  }
0x1bc: {  	[tilespmem:s19], [sflag:$0x1] =	stream.indirect_vreg.gather [hbm4b:s5+s3], $0x80, v3, vm0, $0xb8;
	[tilespmem:$0x10100] =	vst v63  }
0x1bd: {  	s13 =	simm.s32 $0x7100  }
0x1be: {  	[tilespmem:s13], [sflag:$0x1] =	stream.indirect_vreg.gather [hbm4b:s6+s3], $0x80, v3, vm0, $0xb8;
	[tilespmem:$0x10100] =	vst v63  }
0x1bf: {  	s19 =	simm.s32 $0x7900  }
0x1c0: {  	[tilespmem:s19], [sflag:$0x1] =	stream.indirect_vreg.gather [hbm4b:s7+s3], $0x80, v3, vm0, $0xb8;
	[tilespmem:$0x10100] =	vst v63  }
0x1c1: {  	v3 =	vld [tilespmem:$0x20];
	_ =	sdelay $0x4  }
0x1c2: {  	v50 =	vshll.u32 v3, $0x3  }
0x1c3: {  	v3 =	vand.u32 $0x7, v3;
	v4 =	vand.u32 $0xFFFFFFC0, v50  }
0x1c4: {  	v3 =	vor.u32 v3, v4  }
0x1c5: {  	v4 =	vperm.xlane v3, v0;
	_ =	sdelay $0x1  }
0x1c6: {  	v4 =	vadd.s32 v1, v4;
	_ =	sdelay $0x3  }
0x1c7: {  	s20 =	simm.s32 $0x8100  }
0x1c8: {  	[tilespmem:s20], [sflag:$0x1] =	stream.indirect_vreg.gather [hbm4b:s1+s3], $0x80, v4, vm0, $0xb8;
	[tilespmem:$0x10100] =	vst v63  }
0x1c9: {  	s31 =	simm.s32 $0x8900;
	v3 =	vperm.xlane v3, v2  }
0x1ca: {  	[tilespmem:s31], [sflag:$0x1] =	stream.indirect_vreg.gather [hbm4b:s5+s3], $0x80, v4, vm0, $0xb8;
	[tilespmem:$0x10100] =	vst v63  }
0x1cb: {  	s26 =	simm.s32 $0x9100;
	v3 =	vadd.s32 v1, v3  }
0x1cc: {  	[tilespmem:s26], [sflag:$0x1] =	stream.indirect_vreg.gather [hbm4b:s6+s3], $0x80, v4, vm0, $0xb8;
	[tilespmem:$0x10100] =	vst v63  }
0x1cd: {  	s2 =	simm.s32 $0x9900  }
0x1ce: {  	[tilespmem:s2], [sflag:$0x1] =	stream.indirect_vreg.gather [hbm4b:s7+s3], $0x80, v4, vm0, $0xb8;
	[tilespmem:$0x10100] =	vst v63  }
0x1cf: {  	s13 =	simm.s32 $0xA100  }
0x1d0: {  	[tilespmem:s13], [sflag:$0x1] =	stream.indirect_vreg.gather [hbm4b:s1+s3], $0x80, v3, vm0, $0xb8;
	[tilespmem:$0x10100] =	vst v63  }
0x1d1: {  	s14 =	simm.s32 $0xA900  }
0x1d2: {  	[tilespmem:s14], [sflag:$0x1] =	stream.indirect_vreg.gather [hbm4b:s5+s3], $0x80, v3, vm0, $0xb8;
	[tilespmem:$0x10100] =	vst v63  }
0x1d3: {  	s15 =	simm.s32 $0xB100  }
0x1d4: {  	[tilespmem:s15], [sflag:$0x1] =	stream.indirect_vreg.gather [hbm4b:s6+s3], $0x80, v3, vm0, $0xb8;
	[tilespmem:$0x10100] =	vst v63  }
0x1d5: {  	s18 =	simm.s32 $0xB900  }
0x1d6: {  	[tilespmem:s18], [sflag:$0x1] =	stream.indirect_vreg.gather [hbm4b:s7+s3], $0x80, v3, vm0, $0xb8;
	[tilespmem:$0x10100] =	vst v63  }
0x1d7: {  	v3 =	vld [tilespmem:$0x30];
	_ =	sdelay $0x4  }
0x1d8: {  	v51 =	vshll.u32 v3, $0x3  }
0x1d9: {  	v3 =	vand.u32 $0x7, v3;
	v4 =	vand.u32 $0xFFFFFFC0, v51  }
0x1da: {  	v3 =	vor.u32 v3, v4  }
0x1db: {  	v4 =	vperm.xlane v3, v0;
	_ =	sdelay $0x1  }
0x1dc: {  	v4 =	vadd.s32 v1, v4;
	_ =	sdelay $0x3  }
0x1dd: {  	s26 =	simm.s32 $0xC100  }
0x1de: {  	[tilespmem:s26], [sflag:$0x1] =	stream.indirect_vreg.gather [hbm4b:s1+s3], $0x80, v4, vm0, $0xb8;
	[tilespmem:$0x10100] =	vst v63  }
0x1df: {  	s17 =	simm.s32 $0xC900;
	v3 =	vperm.xlane v3, v2  }
0x1e0: {  	[tilespmem:s17], [sflag:$0x1] =	stream.indirect_vreg.gather [hbm4b:s5+s3], $0x80, v4, vm0, $0xb8;
	[tilespmem:$0x10100] =	vst v63  }
0x1e1: {  	s16 =	simm.s32 $0xD100;
	v3 =	vadd.s32 v1, v3  }
0x1e2: {  	[tilespmem:s16], [sflag:$0x1] =	stream.indirect_vreg.gather [hbm4b:s6+s3], $0x80, v4, vm0, $0xb8;
	[tilespmem:$0x10100] =	vst v63  }
0x1e3: {  	s17 =	simm.s32 $0xD900  }
0x1e4: {  	[tilespmem:s17], [sflag:$0x1] =	stream.indirect_vreg.gather [hbm4b:s7+s3], $0x80, v4, vm0, $0xb8;
	[tilespmem:$0x10100] =	vst v63  }
0x1e5: {  	s18 =	simm.s32 $0xE100  }
0x1e6: {  	[tilespmem:s18], [sflag:$0x1] =	stream.indirect_vreg.gather [hbm4b:s1+s3], $0x80, v3, vm0, $0xb8;
	[tilespmem:$0x10100] =	vst v63  }
0x1e7: {  	s19 =	simm.s32 $0xE900  }
0x1e8: {  	[tilespmem:s19], [sflag:$0x1] =	stream.indirect_vreg.gather [hbm4b:s5+s3], $0x80, v3, vm0, $0xb8;
	[tilespmem:$0x10100] =	vst v63  }
0x1e9: {  	s20 =	simm.s32 $0xF100  }
0x1ea: {  	[tilespmem:s20], [sflag:$0x1] =	stream.indirect_vreg.gather [hbm4b:s6+s3], $0x80, v3, vm0, $0xb8;
	[tilespmem:$0x10100] =	vst v63  }
0x1eb: {  	s0 =	simm.s32 $0xF900  }
0x1ec: {  	[tilespmem:s0], [sflag:$0x1] =	stream.indirect_vreg.gather [hbm4b:s7+s3], $0x80, v3, vm0, $0xb8;
	[tilespmem:$0x10100] =	vst v63  }
0x1ed: {  	s0 =	simm.s32 $0x1  }
0x1ee: {  	_ =	swait.ge [sflag:s0], $0x10000  }
0x1ef: {  	[sflag:s0] =	ssyncset.done $0x0  }
0x1f0: {  	[sflag:s0] =	ssyncadd.s32 $0xFFFF0000  }
0x1f1: {  	v3 =	vld [tilespmem:$0x80];
	_ =	sdelay $0x4  }
0x1f2: {  	v52 =	vshll.u32 v3, $0x3  }
0x1f3: {  	v3 =	vand.u32 $0x7, v3;
	v4 =	vand.u32 $0xFFFFFFC0, v52  }
0x1f4: {  	v3 =	vor.u32 v3, v4  }
0x1f5: {  	v4 =	vperm.xlane v3, v0;
	_ =	sdelay $0x1  }
0x1f6: {  	v4 =	vadd.s32 v1, v4;
	_ =	sdelay $0x3  }
0x1f7: {  	s0 =	simm.s32 $0x100  }
0x1f8: {  	[hbm4b:s4+s3] =	stream.indirect_vreg.scatter [tilespmem:s0], [sflag:$0x2], $0x80, v4, vm0, $0xb8;
	[tilespmem:$0x10100] =	vst v63  }
0x1f9: {  	v3 =	vperm.xlane v3, v2;
	s0 =	simm.s32 $0x900  }
0x1fa: {  	[hbm4b:s8+s3] =	stream.indirect_vreg.scatter [tilespmem:s0], [sflag:$0x2], $0x80, v4, vm0, $0xb8;
	[tilespmem:$0x10100] =	vst v63  }
0x1fb: {  	v3 =	vadd.s32 v1, v3  }
0x1fc: {  	[hbm4b:s9+s3] =	stream.indirect_vreg.scatter [tilespmem:s21], [sflag:$0x2], $0x80, v4, vm0, $0xb8;
	[tilespmem:$0x10100] =	vst v63  }
0x1fd: {  	_ = 	snop  }
0x1fe: {  	[hbm4b:s10+s3] =	stream.indirect_vreg.scatter [tilespmem:s22], [sflag:$0x2], $0x80, v4, vm0, $0xb8;
	[tilespmem:$0x10100] =	vst v63  }
0x1ff: {  	_ = 	snop  }
0x200: {  	[hbm4b:s4+s3] =	stream.indirect_vreg.scatter [tilespmem:s23], [sflag:$0x2], $0x80, v3, vm0, $0xb8;
	[tilespmem:$0x10100] =	vst v63  }
0x201: {  	_ = 	snop  }
0x202: {  	[hbm4b:s8+s3] =	stream.indirect_vreg.scatter [tilespmem:s24], [sflag:$0x2], $0x80, v3, vm0, $0xb8;
	[tilespmem:$0x10100] =	vst v63  }
0x203: {  	_ = 	snop  }
0x204: {  	[hbm4b:s9+s3] =	stream.indirect_vreg.scatter [tilespmem:s25], [sflag:$0x2], $0x80, v3, vm0, $0xb8;
	[tilespmem:$0x10100] =	vst v63  }
0x205: {  	_ = 	snop  }
0x206: {  	[hbm4b:s10+s3] =	stream.indirect_vreg.scatter [tilespmem:s30], [sflag:$0x2], $0x80, v3, vm0, $0xb8;
	[tilespmem:$0x10100] =	vst v63  }
0x207: {  	v3 =	vld [tilespmem:$0x90];
	_ =	sdelay $0x4  }
0x208: {  	v53 =	vshll.u32 v3, $0x3  }
0x209: {  	v3 =	vand.u32 $0x7, v3;
	v4 =	vand.u32 $0xFFFFFFC0, v53  }
0x20a: {  	v3 =	vor.u32 v3, v4  }
0x20b: {  	v4 =	vperm.xlane v3, v0;
	_ =	sdelay $0x1  }
0x20c: {  	v4 =	vadd.s32 v1, v4;
	_ =	sdelay $0x4  }
0x20d: {  	[hbm4b:s4+s3] =	stream.indirect_vreg.scatter [tilespmem:s11], [sflag:$0x2], $0x80, v4, vm0, $0xb8;
	[tilespmem:$0x10100] =	vst v63  }
0x20e: {  	v3 =	vperm.xlane v3, v2  }
0x20f: {  	[hbm4b:s8+s3] =	stream.indirect_vreg.scatter [tilespmem:s28], [sflag:$0x2], $0x80, v4, vm0, $0xb8;
	[tilespmem:$0x10100] =	vst v63  }
0x210: {  	v3 =	vadd.s32 v1, v3  }
0x211: {  	[hbm4b:s9+s3] =	stream.indirect_vreg.scatter [tilespmem:s29], [sflag:$0x2], $0x80, v4, vm0, $0xb8;
	[tilespmem:$0x10100] =	vst v63  }
0x212: {  	s21 =	simm.s32 $0x5900  }
0x213: {  	[hbm4b:s10+s3] =	stream.indirect_vreg.scatter [tilespmem:s21], [sflag:$0x2], $0x80, v4, vm0, $0xb8;
	[tilespmem:$0x10100] =	vst v63  }
0x214: {  	s28 =	simm.s32 $0x6100  }
0x215: {  	[hbm4b:s4+s3] =	stream.indirect_vreg.scatter [tilespmem:s28], [sflag:$0x2], $0x80, v3, vm0, $0xb8;
	[tilespmem:$0x10100] =	vst v63  }
0x216: {  	s22 =	simm.s32 $0x6900  }
0x217: {  	[hbm4b:s8+s3] =	stream.indirect_vreg.scatter [tilespmem:s22], [sflag:$0x2], $0x80, v3, vm0, $0xb8;
	[tilespmem:$0x10100] =	vst v63  }
0x218: {  	s23 =	simm.s32 $0x7100  }
0x219: {  	[hbm4b:s9+s3] =	stream.indirect_vreg.scatter [tilespmem:s23], [sflag:$0x2], $0x80, v3, vm0, $0xb8;
	[tilespmem:$0x10100] =	vst v63  }
0x21a: {  	s29 =	simm.s32 $0x7900  }
0x21b: {  	[hbm4b:s10+s3] =	stream.indirect_vreg.scatter [tilespmem:s29], [sflag:$0x2], $0x80, v3, vm0, $0xb8;
	[tilespmem:$0x10100] =	vst v63  }
0x21c: {  	v3 =	vld [tilespmem:$0xA0];
	_ =	sdelay $0x4  }
0x21d: {  	v54 =	vshll.u32 v3, $0x3  }
0x21e: {  	v3 =	vand.u32 $0x7, v3;
	v4 =	vand.u32 $0xFFFFFFC0, v54  }
0x21f: {  	v3 =	vor.u32 v3, v4  }
0x220: {  	v4 =	vperm.xlane v3, v0;
	_ =	sdelay $0x1  }
0x221: {  	v4 =	vadd.s32 v1, v4;
	_ =	sdelay $0x3  }
0x222: {  	s30 =	simm.s32 $0x8100  }
0x223: {  	[hbm4b:s4+s3] =	stream.indirect_vreg.scatter [tilespmem:s30], [sflag:$0x2], $0x80, v4, vm0, $0xb8;
	[tilespmem:$0x10100] =	vst v63  }
0x224: {  	v3 =	vperm.xlane v3, v2  }
0x225: {  	[hbm4b:s8+s3] =	stream.indirect_vreg.scatter [tilespmem:s31], [sflag:$0x2], $0x80, v4, vm0, $0xb8;
	[tilespmem:$0x10100] =	vst v63  }
0x226: {  	s0 =	simm.s32 $0x9100;
	v3 =	vadd.s32 v1, v3  }
0x227: {  	[hbm4b:s9+s3] =	stream.indirect_vreg.scatter [tilespmem:s0], [sflag:$0x2], $0x80, v4, vm0, $0xb8;
	[tilespmem:$0x10100] =	vst v63  }
0x228: {  	_ = 	snop  }
0x229: {  	[hbm4b:s10+s3] =	stream.indirect_vreg.scatter [tilespmem:s2], [sflag:$0x2], $0x80, v4, vm0, $0xb8;
	[tilespmem:$0x10100] =	vst v63  }
0x22a: {  	_ = 	snop  }
0x22b: {  	[hbm4b:s4+s3] =	stream.indirect_vreg.scatter [tilespmem:s13], [sflag:$0x2], $0x80, v3, vm0, $0xb8;
	[tilespmem:$0x10100] =	vst v63  }
0x22c: {  	_ = 	snop  }
0x22d: {  	[hbm4b:s8+s3] =	stream.indirect_vreg.scatter [tilespmem:s14], [sflag:$0x2], $0x80, v3, vm0, $0xb8;
	[tilespmem:$0x10100] =	vst v63  }
0x22e: {  	_ = 	snop  }
0x22f: {  	[hbm4b:s9+s3] =	stream.indirect_vreg.scatter [tilespmem:s15], [sflag:$0x2], $0x80, v3, vm0, $0xb8;
	[tilespmem:$0x10100] =	vst v63  }
0x230: {  	s13 =	simm.s32 $0xB900  }
0x231: {  	[hbm4b:s10+s3] =	stream.indirect_vreg.scatter [tilespmem:s13], [sflag:$0x2], $0x80, v3, vm0, $0xb8;
	[tilespmem:$0x10100] =	vst v63  }
0x232: {  	v3 =	vld [tilespmem:$0xB0];
	_ =	sdelay $0x4  }
0x233: {  	v55 =	vshll.u32 v3, $0x3  }
0x234: {  	v3 =	vand.u32 $0x7, v3;
	v4 =	vand.u32 $0xFFFFFFC0, v55  }
0x235: {  	v3 =	vor.u32 v3, v4  }
0x236: {  	v4 =	vperm.xlane v3, v0;
	_ =	sdelay $0x1  }
0x237: {  	v4 =	vadd.s32 v1, v4;
	_ =	sdelay $0x4  }
0x238: {  	[hbm4b:s4+s3] =	stream.indirect_vreg.scatter [tilespmem:s26], [sflag:$0x2], $0x80, v4, vm0, $0xb8;
	[tilespmem:$0x10100] =	vst v63  }
0x239: {  	s14 =	simm.s32 $0xC900;
	v3 =	vperm.xlane v3, v2  }
0x23a: {  	[hbm4b:s8+s3] =	stream.indirect_vreg.scatter [tilespmem:s14], [sflag:$0x2], $0x80, v4, vm0, $0xb8;
	[tilespmem:$0x10100] =	vst v63  }
0x23b: {  	v3 =	vadd.s32 v1, v3  }
0x23c: {  	[hbm4b:s9+s3] =	stream.indirect_vreg.scatter [tilespmem:s16], [sflag:$0x2], $0x80, v4, vm0, $0xb8;
	[tilespmem:$0x10100] =	vst v63  }
0x23d: {  	_ = 	snop  }
0x23e: {  	[hbm4b:s10+s3] =	stream.indirect_vreg.scatter [tilespmem:s17], [sflag:$0x2], $0x80, v4, vm0, $0xb8;
	[tilespmem:$0x10100] =	vst v63  }
0x23f: {  	_ = 	snop  }
0x240: {  	[hbm4b:s4+s3] =	stream.indirect_vreg.scatter [tilespmem:s18], [sflag:$0x2], $0x80, v3, vm0, $0xb8;
	[tilespmem:$0x10100] =	vst v63  }
0x241: {  	_ = 	snop  }
0x242: {  	[hbm4b:s8+s3] =	stream.indirect_vreg.scatter [tilespmem:s19], [sflag:$0x2], $0x80, v3, vm0, $0xb8;
	[tilespmem:$0x10100] =	vst v63  }
0x243: {  	_ = 	snop  }
0x244: {  	[hbm4b:s9+s3] =	stream.indirect_vreg.scatter [tilespmem:s20], [sflag:$0x2], $0x80, v3, vm0, $0xb8;
	[tilespmem:$0x10100] =	vst v63  }
0x245: {  	s11 =	simm.s32 $0x2;
	s26 =	simm.s32 $0xF900  }
0x246: {  	[hbm4b:s10+s3] =	stream.indirect_vreg.scatter [tilespmem:s26], [sflag:$0x2], $0x80, v3, vm0, $0xb8;
	[tilespmem:$0x10100] =	vst v63  }
0x247: {  	_ =	swait.ge [sflag:s11], $0x10000  }
0x248: {  	[sflag:s11] =	ssyncset.done $0x0  }
0x249: {  	s15 =	rddreg [dreg:$0x9];
	[sflag:s11] =	ssyncadd.s32 $0xFFFF0000  }
0x24a: {  	[tilespmem:s3], [sflag:$0x3] =	stream.linear.gather [hbm4b:s15+s3], $0x40, $0x38;
	[tilespmem:$0x10100] =	vst v63  }
0x24b: {  	_ =	swait.ge [sflag:s12], $0x40  }
0x24c: {  	[sflag:s12] =	ssyncset.done $0x0  }
0x24d: {  	s17 =	simm.s32 $0x80;
	s16 =	rddreg [dreg:$0xa];
	[sflag:s12] =	ssyncadd.s32 $0xFFFFFFC0  }
0x24e: {  	[tilespmem:s17], [sflag:$0x3] =	stream.linear.gather [hbm4b:s16+s3], $0x40, $0x38;
	[tilespmem:$0x10100] =	vst v63  }
0x24f: {  	_ =	swait.ge [sflag:s12], $0x40  }
0x250: {  	[sflag:s12] =	ssyncset.done $0x0  }
0x251: {  	[sflag:s12] =	ssyncadd.s32 $0xFFFFFFC0  }
0x252: {  	v3 =	vld [tilespmem:$0x0];
	_ =	sdelay $0x4  }
0x253: {  	v56 =	vshll.u32 v3, $0x3  }
0x254: {  	v3 =	vand.u32 $0x7, v3;
	v4 =	vand.u32 $0xFFFFFFC0, v56  }
0x255: {  	v3 =	vor.u32 v3, v4  }
0x256: {  	v4 =	vperm.xlane v3, v0;
	_ =	sdelay $0x1  }
0x257: {  	v4 =	vadd.s32 v1, v4;
	_ =	sdelay $0x3  }
0x258: {  	s19 =	simm.s32 $0x100  }
0x259: {  	[tilespmem:s19], [sflag:$0x1] =	stream.indirect_vreg.gather [hbm4b:s1+s3], $0x80, v4, vm0, $0xb8;
	[tilespmem:$0x10100] =	vst v63  }
0x25a: {  	s20 =	simm.s32 $0x900;
	v3 =	vperm.xlane v3, v2  }
0x25b: {  	[tilespmem:s20], [sflag:$0x1] =	stream.indirect_vreg.gather [hbm4b:s5+s3], $0x80, v4, vm0, $0xb8;
	[tilespmem:$0x10100] =	vst v63  }
0x25c: {  	s17 =	simm.s32 $0x1100;
	v3 =	vadd.s32 v1, v3  }
0x25d: {  	[tilespmem:s17], [sflag:$0x1] =	stream.indirect_vreg.gather [hbm4b:s6+s3], $0x80, v4, vm0, $0xb8;
	[tilespmem:$0x10100] =	vst v63  }
0x25e: {  	s2 =	simm.s32 $0x1900  }
0x25f: {  	[tilespmem:s2], [sflag:$0x1] =	stream.indirect_vreg.gather [hbm4b:s7+s3], $0x80, v4, vm0, $0xb8;
	[tilespmem:$0x10100] =	vst v63  }
0x260: {  	s11 =	simm.s32 $0x2100  }
0x261: {  	[tilespmem:s11], [sflag:$0x1] =	stream.indirect_vreg.gather [hbm4b:s1+s3], $0x80, v3, vm0, $0xb8;
	[tilespmem:$0x10100] =	vst v63  }
0x262: {  	s29 =	simm.s32 $0x2900  }
0x263: {  	[tilespmem:s29], [sflag:$0x1] =	stream.indirect_vreg.gather [hbm4b:s5+s3], $0x80, v3, vm0, $0xb8;
	[tilespmem:$0x10100] =	vst v63  }
0x264: {  	s0 =	simm.s32 $0x3100  }
0x265: {  	[tilespmem:s0], [sflag:$0x1] =	stream.indirect_vreg.gather [hbm4b:s6+s3], $0x80, v3, vm0, $0xb8;
	[tilespmem:$0x10100] =	vst v63  }
0x266: {  	s16 =	simm.s32 $0x3900  }
0x267: {  	[tilespmem:s16], [sflag:$0x1] =	stream.indirect_vreg.gather [hbm4b:s7+s3], $0x80, v3, vm0, $0xb8;
	[tilespmem:$0x10100] =	vst v63  }
0x268: {  	v3 =	vld [tilespmem:$0x10];
	_ =	sdelay $0x4  }
0x269: {  	v57 =	vshll.u32 v3, $0x3  }
0x26a: {  	v3 =	vand.u32 $0x7, v3;
	v4 =	vand.u32 $0xFFFFFFC0, v57  }
0x26b: {  	v3 =	vor.u32 v3, v4  }
0x26c: {  	v4 =	vperm.xlane v3, v0;
	_ =	sdelay $0x1  }
0x26d: {  	v4 =	vadd.s32 v1, v4;
	_ =	sdelay $0x3  }
0x26e: {  	s20 =	simm.s32 $0x4100  }
0x26f: {  	[tilespmem:s20], [sflag:$0x1] =	stream.indirect_vreg.gather [hbm4b:s1+s3], $0x80, v4, vm0, $0xb8;
	[tilespmem:$0x10100] =	vst v63  }
0x270: {  	s29 =	simm.s32 $0x4900;
	v3 =	vperm.xlane v3, v2  }
0x271: {  	[tilespmem:s29], [sflag:$0x1] =	stream.indirect_vreg.gather [hbm4b:s5+s3], $0x80, v4, vm0, $0xb8;
	[tilespmem:$0x10100] =	vst v63  }
0x272: {  	s0 =	simm.s32 $0x5100;
	v3 =	vadd.s32 v1, v3  }
0x273: {  	[tilespmem:s0], [sflag:$0x1] =	stream.indirect_vreg.gather [hbm4b:s6+s3], $0x80, v4, vm0, $0xb8;
	[tilespmem:$0x10100] =	vst v63  }
0x274: {  	_ = 	snop  }
0x275: {  	[tilespmem:s21], [sflag:$0x1] =	stream.indirect_vreg.gather [hbm4b:s7+s3], $0x80, v4, vm0, $0xb8;
	[tilespmem:$0x10100] =	vst v63  }
0x276: {  	s29 =	simm.s32 $0x6100  }
0x277: {  	[tilespmem:s29], [sflag:$0x1] =	stream.indirect_vreg.gather [hbm4b:s1+s3], $0x80, v3, vm0, $0xb8;
	[tilespmem:$0x10100] =	vst v63  }
0x278: {  	_ = 	snop  }
0x279: {  	[tilespmem:s22], [sflag:$0x1] =	stream.indirect_vreg.gather [hbm4b:s5+s3], $0x80, v3, vm0, $0xb8;
	[tilespmem:$0x10100] =	vst v63  }
0x27a: {  	_ = 	snop  }
0x27b: {  	[tilespmem:s23], [sflag:$0x1] =	stream.indirect_vreg.gather [hbm4b:s6+s3], $0x80, v3, vm0, $0xb8;
	[tilespmem:$0x10100] =	vst v63  }
0x27c: {  	s16 =	simm.s32 $0x7900  }
0x27d: {  	[tilespmem:s16], [sflag:$0x1] =	stream.indirect_vreg.gather [hbm4b:s7+s3], $0x80, v3, vm0, $0xb8;
	[tilespmem:$0x10100] =	vst v63  }
0x27e: {  	v3 =	vld [tilespmem:$0x20];
	_ =	sdelay $0x4  }
0x27f: {  	v58 =	vshll.u32 v3, $0x3  }
0x280: {  	v3 =	vand.u32 $0x7, v3;
	v4 =	vand.u32 $0xFFFFFFC0, v58  }
0x281: {  	v3 =	vor.u32 v3, v4  }
0x282: {  	v4 =	vperm.xlane v3, v0;
	_ =	sdelay $0x1  }
0x283: {  	v4 =	vadd.s32 v1, v4;
	_ =	sdelay $0x3  }
0x284: {  	s21 =	simm.s32 $0x8100  }
0x285: {  	[tilespmem:s21], [sflag:$0x1] =	stream.indirect_vreg.gather [hbm4b:s1+s3], $0x80, v4, vm0, $0xb8;
	[tilespmem:$0x10100] =	vst v63  }
0x286: {  	s23 =	simm.s32 $0x8900;
	v3 =	vperm.xlane v3, v2  }
0x287: {  	[tilespmem:s23], [sflag:$0x1] =	stream.indirect_vreg.gather [hbm4b:s5+s3], $0x80, v4, vm0, $0xb8;
	[tilespmem:$0x10100] =	vst v63  }
0x288: {  	s30 =	simm.s32 $0x9100;
	v3 =	vadd.s32 v1, v3  }
0x289: {  	[tilespmem:s30], [sflag:$0x1] =	stream.indirect_vreg.gather [hbm4b:s6+s3], $0x80, v4, vm0, $0xb8;
	[tilespmem:$0x10100] =	vst v63  }
0x28a: {  	s24 =	simm.s32 $0x9900  }
0x28b: {  	[tilespmem:s24], [sflag:$0x1] =	stream.indirect_vreg.gather [hbm4b:s7+s3], $0x80, v4, vm0, $0xb8;
	[tilespmem:$0x10100] =	vst v63  }
0x28c: {  	s25 =	simm.s32 $0xA100  }
0x28d: {  	[tilespmem:s25], [sflag:$0x1] =	stream.indirect_vreg.gather [hbm4b:s1+s3], $0x80, v3, vm0, $0xb8;
	[tilespmem:$0x10100] =	vst v63  }
0x28e: {  	s28 =	simm.s32 $0xA900  }
0x28f: {  	[tilespmem:s28], [sflag:$0x1] =	stream.indirect_vreg.gather [hbm4b:s5+s3], $0x80, v3, vm0, $0xb8;
	[tilespmem:$0x10100] =	vst v63  }
0x290: {  	s31 =	simm.s32 $0xB100  }
0x291: {  	[tilespmem:s31], [sflag:$0x1] =	stream.indirect_vreg.gather [hbm4b:s6+s3], $0x80, v3, vm0, $0xb8;
	[tilespmem:$0x10100] =	vst v63  }
0x292: {  	_ = 	snop  }
0x293: {  	[tilespmem:s13], [sflag:$0x1] =	stream.indirect_vreg.gather [hbm4b:s7+s3], $0x80, v3, vm0, $0xb8;
	[tilespmem:$0x10100] =	vst v63  }
0x294: {  	v3 =	vld [tilespmem:$0x30];
	_ =	sdelay $0x4  }
0x295: {  	v59 =	vshll.u32 v3, $0x3  }
0x296: {  	v3 =	vand.u32 $0x7, v3;
	v4 =	vand.u32 $0xFFFFFFC0, v59  }
0x297: {  	v3 =	vor.u32 v3, v4  }
0x298: {  	v4 =	vperm.xlane v3, v0;
	_ =	sdelay $0x1  }
0x299: {  	v4 =	vadd.s32 v1, v4;
	_ =	sdelay $0x3  }
0x29a: {  	s30 =	simm.s32 $0xC100  }
0x29b: {  	[tilespmem:s30], [sflag:$0x1] =	stream.indirect_vreg.gather [hbm4b:s1+s3], $0x80, v4, vm0, $0xb8;
	[tilespmem:$0x10100] =	vst v63  }
0x29c: {  	v3 =	vperm.xlane v3, v2  }
0x29d: {  	[tilespmem:s14], [sflag:$0x1] =	stream.indirect_vreg.gather [hbm4b:s5+s3], $0x80, v4, vm0, $0xb8;
	[tilespmem:$0x10100] =	vst v63  }
0x29e: {  	s0 =	simm.s32 $0xD100;
	v3 =	vadd.s32 v1, v3  }
0x29f: {  	[tilespmem:s0], [sflag:$0x1] =	stream.indirect_vreg.gather [hbm4b:s6+s3], $0x80, v4, vm0, $0xb8;
	[tilespmem:$0x10100] =	vst v63  }
0x2a0: {  	s14 =	simm.s32 $0xD900  }
0x2a1: {  	[tilespmem:s14], [sflag:$0x1] =	stream.indirect_vreg.gather [hbm4b:s7+s3], $0x80, v4, vm0, $0xb8;
	[tilespmem:$0x10100] =	vst v63  }
0x2a2: {  	s13 =	simm.s32 $0xE100  }
0x2a3: {  	[tilespmem:s13], [sflag:$0x1] =	stream.indirect_vreg.gather [hbm4b:s1+s3], $0x80, v3, vm0, $0xb8;
	[tilespmem:$0x10100] =	vst v63  }
0x2a4: {  	s15 =	simm.s32 $0xE900  }
0x2a5: {  	[tilespmem:s15], [sflag:$0x1] =	stream.indirect_vreg.gather [hbm4b:s5+s3], $0x80, v3, vm0, $0xb8;
	[tilespmem:$0x10100] =	vst v63  }
0x2a6: {  	s16 =	simm.s32 $0xF100  }
0x2a7: {  	[tilespmem:s16], [sflag:$0x1] =	stream.indirect_vreg.gather [hbm4b:s6+s3], $0x80, v3, vm0, $0xb8;
	[tilespmem:$0x10100] =	vst v63  }
0x2a8: {  	s0 =	simm.s32 $0x1  }
0x2a9: {  	[tilespmem:s26], [sflag:$0x1] =	stream.indirect_vreg.gather [hbm4b:s7+s3], $0x80, v3, vm0, $0xb8;
	[tilespmem:$0x10100] =	vst v63  }
0x2aa: {  	_ =	swait.ge [sflag:s0], $0x10000  }
0x2ab: {  	[sflag:s0] =	ssyncset.done $0x0  }
0x2ac: {  	[sflag:s0] =	ssyncadd.s32 $0xFFFF0000  }
0x2ad: {  	v3 =	vld [tilespmem:$0x80];
	_ =	sdelay $0x4  }
0x2ae: {  	v60 =	vshll.u32 v3, $0x3  }
0x2af: {  	v3 =	vand.u32 $0x7, v3;
	v4 =	vand.u32 $0xFFFFFFC0, v60  }
0x2b0: {  	v3 =	vor.u32 v3, v4  }
0x2b1: {  	v4 =	vperm.xlane v3, v0;
	_ =	sdelay $0x1  }
0x2b2: {  	v4 =	vadd.s32 v1, v4;
	_ =	sdelay $0x3  }
0x2b3: {  	s0 =	simm.s32 $0x100  }
0x2b4: {  	[hbm4b:s4+s3] =	stream.indirect_vreg.scatter [tilespmem:s0], [sflag:$0x2], $0x80, v4, vm0, $0xb8;
	[tilespmem:$0x10100] =	vst v63  }
0x2b5: {  	v3 =	vperm.xlane v3, v2;
	s0 =	simm.s32 $0x900  }
0x2b6: {  	[hbm4b:s8+s3] =	stream.indirect_vreg.scatter [tilespmem:s0], [sflag:$0x2], $0x80, v4, vm0, $0xb8;
	[tilespmem:$0x10100] =	vst v63  }
0x2b7: {  	v3 =	vadd.s32 v1, v3  }
0x2b8: {  	[hbm4b:s9+s3] =	stream.indirect_vreg.scatter [tilespmem:s17], [sflag:$0x2], $0x80, v4, vm0, $0xb8;
	[tilespmem:$0x10100] =	vst v63  }
0x2b9: {  	_ = 	snop  }
0x2ba: {  	[hbm4b:s10+s3] =	stream.indirect_vreg.scatter [tilespmem:s2], [sflag:$0x2], $0x80, v4, vm0, $0xb8;
	[tilespmem:$0x10100] =	vst v63  }
0x2bb: {  	_ = 	snop  }
0x2bc: {  	[hbm4b:s4+s3] =	stream.indirect_vreg.scatter [tilespmem:s11], [sflag:$0x2], $0x80, v3, vm0, $0xb8;
	[tilespmem:$0x10100] =	vst v63  }
0x2bd: {  	s19 =	simm.s32 $0x2900  }
0x2be: {  	[hbm4b:s8+s3] =	stream.indirect_vreg.scatter [tilespmem:s19], [sflag:$0x2], $0x80, v3, vm0, $0xb8;
	[tilespmem:$0x10100] =	vst v63  }
0x2bf: {  	s2 =	simm.s32 $0x3100  }
0x2c0: {  	[hbm4b:s9+s3] =	stream.indirect_vreg.scatter [tilespmem:s2], [sflag:$0x2], $0x80, v3, vm0, $0xb8;
	[tilespmem:$0x10100] =	vst v63  }
0x2c1: {  	s11 =	simm.s32 $0x3900  }
0x2c2: {  	[hbm4b:s10+s3] =	stream.indirect_vreg.scatter [tilespmem:s11], [sflag:$0x2], $0x80, v3, vm0, $0xb8;
	[tilespmem:$0x10100] =	vst v63  }
0x2c3: {  	v3 =	vld [tilespmem:$0x90];
	_ =	sdelay $0x4  }
0x2c4: {  	v61 =	vshll.u32 v3, $0x3  }
0x2c5: {  	v3 =	vand.u32 $0x7, v3;
	v4 =	vand.u32 $0xFFFFFFC0, v61  }
0x2c6: {  	v3 =	vor.u32 v3, v4  }
0x2c7: {  	v4 =	vperm.xlane v3, v0;
	_ =	sdelay $0x1  }
0x2c8: {  	v4 =	vadd.s32 v1, v4;
	_ =	sdelay $0x3  }
0x2c9: {  	s17 =	simm.s32 $0x4100  }
0x2ca: {  	[hbm4b:s4+s3] =	stream.indirect_vreg.scatter [tilespmem:s17], [sflag:$0x2], $0x80, v4, vm0, $0xb8;
	[tilespmem:$0x10100] =	vst v63  }
0x2cb: {  	s19 =	simm.s32 $0x4900;
	v3 =	vperm.xlane v3, v2  }
0x2cc: {  	[hbm4b:s8+s3] =	stream.indirect_vreg.scatter [tilespmem:s19], [sflag:$0x2], $0x80, v4, vm0, $0xb8;
	[tilespmem:$0x10100] =	vst v63  }
0x2cd: {  	s2 =	simm.s32 $0x5100;
	v3 =	vadd.s32 v1, v3  }
0x2ce: {  	[hbm4b:s9+s3] =	stream.indirect_vreg.scatter [tilespmem:s2], [sflag:$0x2], $0x80, v4, vm0, $0xb8;
	[tilespmem:$0x10100] =	vst v63  }
0x2cf: {  	s11 =	simm.s32 $0x5900  }
0x2d0: {  	[hbm4b:s10+s3] =	stream.indirect_vreg.scatter [tilespmem:s11], [sflag:$0x2], $0x80, v4, vm0, $0xb8;
	[tilespmem:$0x10100] =	vst v63  }
0x2d1: {  	_ = 	snop  }
0x2d2: {  	[hbm4b:s4+s3] =	stream.indirect_vreg.scatter [tilespmem:s29], [sflag:$0x2], $0x80, v3, vm0, $0xb8;
	[tilespmem:$0x10100] =	vst v63  }
0x2d3: {  	s22 =	simm.s32 $0x6900  }
0x2d4: {  	[hbm4b:s8+s3] =	stream.indirect_vreg.scatter [tilespmem:s22], [sflag:$0x2], $0x80, v3, vm0, $0xb8;
	[tilespmem:$0x10100] =	vst v63  }
0x2d5: {  	s20 =	simm.s32 $0x7100  }
0x2d6: {  	[hbm4b:s9+s3] =	stream.indirect_vreg.scatter [tilespmem:s20], [sflag:$0x2], $0x80, v3, vm0, $0xb8;
	[tilespmem:$0x10100] =	vst v63  }
0x2d7: {  	s17 =	simm.s32 $0x7900  }
0x2d8: {  	[hbm4b:s10+s3] =	stream.indirect_vreg.scatter [tilespmem:s17], [sflag:$0x2], $0x80, v3, vm0, $0xb8;
	[tilespmem:$0x10100] =	vst v63  }
0x2d9: {  	v3 =	vld [tilespmem:$0xA0];
	_ =	sdelay $0x4  }
0x2da: {  	v62 =	vshll.u32 v3, $0x3  }
0x2db: {  	v3 =	vand.u32 $0x7, v3;
	v4 =	vand.u32 $0xFFFFFFC0, v62  }
0x2dc: {  	v3 =	vor.u32 v3, v4  }
0x2dd: {  	v4 =	vperm.xlane v3, v0;
	_ =	sdelay $0x1  }
0x2de: {  	v4 =	vadd.s32 v1, v4;
	_ =	sdelay $0x3  }
0x2df: {  	s19 =	simm.s32 $0x8100  }
0x2e0: {  	[hbm4b:s4+s3] =	stream.indirect_vreg.scatter [tilespmem:s19], [sflag:$0x2], $0x80, v4, vm0, $0xb8;
	[tilespmem:$0x10100] =	vst v63  }
0x2e1: {  	s20 =	simm.s32 $0x8900;
	v3 =	vperm.xlane v3, v2  }
0x2e2: {  	[hbm4b:s8+s3] =	stream.indirect_vreg.scatter [tilespmem:s20], [sflag:$0x2], $0x80, v4, vm0, $0xb8;
	[tilespmem:$0x10100] =	vst v63  }
0x2e3: {  	s21 =	simm.s32 $0x9100;
	v3 =	vadd.s32 v1, v3  }
0x2e4: {  	[hbm4b:s9+s3] =	stream.indirect_vreg.scatter [tilespmem:s21], [sflag:$0x2], $0x80, v4, vm0, $0xb8;
	[tilespmem:$0x10100] =	vst v63  }
0x2e5: {  	s23 =	simm.s32 $0x9900  }
0x2e6: {  	[hbm4b:s10+s3] =	stream.indirect_vreg.scatter [tilespmem:s23], [sflag:$0x2], $0x80, v4, vm0, $0xb8;
	[tilespmem:$0x10100] =	vst v63  }
0x2e7: {  	s24 =	simm.s32 $0xA100  }
0x2e8: {  	[hbm4b:s4+s3] =	stream.indirect_vreg.scatter [tilespmem:s24], [sflag:$0x2], $0x80, v3, vm0, $0xb8;
	[tilespmem:$0x10100] =	vst v63  }
0x2e9: {  	s25 =	simm.s32 $0xA900  }
0x2ea: {  	[hbm4b:s8+s3] =	stream.indirect_vreg.scatter [tilespmem:s25], [sflag:$0x2], $0x80, v3, vm0, $0xb8;
	[tilespmem:$0x10100] =	vst v63  }
0x2eb: {  	s28 =	simm.s32 $0xB100  }
0x2ec: {  	[hbm4b:s9+s3] =	stream.indirect_vreg.scatter [tilespmem:s28], [sflag:$0x2], $0x80, v3, vm0, $0xb8;
	[tilespmem:$0x10100] =	vst v63  }
0x2ed: {  	s31 =	simm.s32 $0xB900  }
0x2ee: {  	[hbm4b:s10+s3] =	stream.indirect_vreg.scatter [tilespmem:s31], [sflag:$0x2], $0x80, v3, vm0, $0xb8;
	[tilespmem:$0x10100] =	vst v63  }
0x2ef: {  	v3 =	vld [tilespmem:$0xB0];
	_ =	sdelay $0x4  }
0x2f0: {  	v63 =	vshll.u32 v3, $0x3  }
0x2f1: {  	v3 =	vand.u32 $0x7, v3;
	v4 =	vand.u32 $0xFFFFFFC0, v63  }
0x2f2: {  	v3 =	vor.u32 v3, v4  }
0x2f3: {  	v4 =	vperm.xlane v3, v0;
	_ =	sdelay $0x1  }
0x2f4: {  	v4 =	vadd.s32 v1, v4;
	_ =	sdelay $0x3  }
0x2f5: {  	s29 =	simm.s32 $0xC100  }
0x2f6: {  	[hbm4b:s4+s3] =	stream.indirect_vreg.scatter [tilespmem:s29], [sflag:$0x2], $0x80, v4, vm0, $0xb8;
	[tilespmem:$0x10100] =	vst v63  }
0x2f7: {  	s31 =	simm.s32 $0xC900;
	v3 =	vperm.xlane v3, v2  }
0x2f8: {  	[hbm4b:s8+s3] =	stream.indirect_vreg.scatter [tilespmem:s31], [sflag:$0x2], $0x80, v4, vm0, $0xb8;
	[tilespmem:$0x10100] =	vst v63  }
0x2f9: {  	s30 =	simm.s32 $0xD100;
	v3 =	vadd.s32 v1, v3  }
0x2fa: {  	[hbm4b:s9+s3] =	stream.indirect_vreg.scatter [tilespmem:s30], [sflag:$0x2], $0x80, v4, vm0, $0xb8;
	[tilespmem:$0x10100] =	vst v63  }
0x2fb: {  	_ = 	snop  }
0x2fc: {  	[hbm4b:s10+s3] =	stream.indirect_vreg.scatter [tilespmem:s14], [sflag:$0x2], $0x80, v4, vm0, $0xb8;
	[tilespmem:$0x10100] =	vst v63  }
0x2fd: {  	_ = 	snop  }
0x2fe: {  	[hbm4b:s4+s3] =	stream.indirect_vreg.scatter [tilespmem:s13], [sflag:$0x2], $0x80, v3, vm0, $0xb8;
	[tilespmem:$0x10100] =	vst v63  }
0x2ff: {  	s22 =	rddreg [dreg:$0xb]  }
0x300: {  	[hbm4b:s8+s3] =	stream.indirect_vreg.scatter [tilespmem:s15], [sflag:$0x2], $0x80, v3, vm0, $0xb8;
	[tilespmem:$0x10100] =	vst v63  }
0x301: {  	p0 =	sne.s32 s22, $0x1  }
0x302: {  	[hbm4b:s9+s3] =	stream.indirect_vreg.scatter [tilespmem:s16], [sflag:$0x2], $0x80, v3, vm0, $0xb8;
	[tilespmem:$0x10100] =	vst v63  }
.Ltmp0:
0x303: {  	s18 =	simm.s32 $0x2;
	s26 =	simm.s32 $0xF900;
	(pc) =	sbr.rel @p0 .LBB2_1-.Ltmp0, $4  }
0x304: {  	[hbm4b:s10+s3] =	stream.indirect_vreg.scatter [tilespmem:s26], [sflag:$0x2], $0x80, v3, vm0, $0xb8;
	[tilespmem:$0x10100] =	vst v63  }
0x305: {  	_ =	swait.ge [sflag:s18], $0x10000  }
0x306: {  	[sflag:s18] =	ssyncset.done $0x0  }
0x307: {  	s0 =	sadd.s32 $0xFFFFFFFF, s22;
	[sflag:s18] =	ssyncadd.s32 $0xFFFF0000  }
0x308: {  	_ =	sfence.sel $0x180000  }
0x309: {  	[bflag:$0x0] =	sbarrier.arrive $0xFFFF  }
0x30a: {  	_ =	strace $0x90000047  }
0x30b: {  	s0 =	stileid.u32;
	[bflag:$0x2] =	sbarrier.arrive $0xFFFF  }
0x30c: {  	p0 =	sne.s32 s0, $0x0;
	s0 =	rddreg [dreg:$0x2]  }
0x30d: {  	s0 =	sadd.s32 @!p0 $0x100000, s0  }
0x30e: {  	[sflag:s0] =	ssyncadd.tile.s32 @!p0 $0x1;
	_ =	shalt  }
.Lfunc_end2:
_tile_overlayer_lowered:
.L_overlay_start_2:
0x30f: {  	(tag) =	ssettag $0x2  }
0x310: {  	s0 =	rddreg [dreg:$0x0];
	s2 =	stileid.u32  }
0x311: {  	s1 =	rddreg [dreg:$0x1];
	p0 =	sne.s32 s2, $0x0  }
0x312: {  	s3 =	rddreg [dreg:$0x2];
	[bflag:$0x3] =	sbarrier.arrive $0xFFFF;
	s2 =	simm.s32 @!p0 $0x1C03  }
0x313: {  	[timem:s3], [sflag:s2] =	dma.local @!p0 [hbm:s0], s1  }
0x314: {  	s0 =	simm.s32 @!p0 $0x3  }
0x315: {  	_ =	swait.ge @!p0 [sflag:s0], s1  }
0x316: {  	s1 =	ssub.s32 @!p0 $0x0, s1;
	[sflag:s0] =	ssyncset.done @!p0 $0x0  }
0x317: {  	[sflag:s0] =	ssyncadd.s32 @!p0 s1  }
0x318: {  	[bflag:$0x3] =	sbarrier.arrive $0xFFFF  }
0x319: {  	_ =	shalt  }

</sc_bundles>
